<compile_context>
chip_gen: v7x
topology: tpu7x:2x2x1
jax: 0.10.2.dev20260603
libtpu: 0.0.44.dev20260713+nightly
codegen_flags: <defaults>
</compile_context>

<pallas_src>
import functools

import jax
import jax.numpy as jnp
from jax import lax
from jax.experimental import pallas as pl
from jax.experimental.pallas import tpu as pltpu
from jax.experimental.pallas import tpu_sc as plsc

L = 16


def _pack_words(t):
    n, m = t.shape
    t4 = t.reshape(n, m // 32, 2, L)
    a = lax.bitcast_convert_type(
        t4[:, :, 0, :].astype(jnp.bfloat16), jnp.uint16).astype(jnp.uint32)
    b = lax.bitcast_convert_type(
        t4[:, :, 1, :].astype(jnp.bfloat16), jnp.uint16).astype(jnp.uint32)
    w = a | (b << 16)
    return lax.bitcast_convert_type(w, jnp.int32).reshape(n, m // 2)


def _tables_body(x_ref, w_ref, b_ref, ysb_ref, y_ref):
    y = lax.dot_general(
        x_ref[...], w_ref[...], (((1,), (0,)), ((), ())),
        precision=lax.Precision.HIGHEST,
        preferred_element_type=jnp.float32,
    )
    ysb_ref[...] = y + b_ref[...]
    y_ref[...] = y


def _build_tables(x, W1, b1_row):
    n, d = x.shape
    h = W1.shape[1]
    ysb, y = pl.pallas_call(
        _tables_body,
        out_shape=(
            jax.ShapeDtypeStruct((n, h), jnp.float32),
            jax.ShapeDtypeStruct((n, h), jnp.float32),
        ),
    )(x, W1, b1_row)
    ts = _pack_words(ysb)
    td = jnp.concatenate([_pack_words(y), _pack_words(x)], axis=1)
    return ts, td


def _make_edge_kernel(e_pad, n_workers, chunk, d, h):
    epw = e_pad // n_workers
    n_chunks = epw // chunk
    nbuf = 3
    n_quads = n_chunks // nbuf
    n_tail = n_chunks % nbuf
    nbh = h // 32
    nbd = d // 32
    hw = h // 2
    dw = d // 2

    mesh = plsc.VectorSubcoreMesh(core_axis_name="c", subcore_axis_name="s")

    @functools.partial(
        pl.kernel,
        out_type=jax.ShapeDtypeStruct((e_pad, d), jnp.float32),
        mesh=mesh,
        scratch_types=[
            pltpu.VMEM((epw,), jnp.int32),
            pltpu.VMEM((epw,), jnp.int32),
            pltpu.VMEM((nbuf, chunk, hw), jnp.int32),
            pltpu.VMEM((nbuf, chunk, hw + dw), jnp.int32),
            pltpu.VMEM((nbuf, chunk, d), jnp.float32),
            pltpu.VMEM((hw,), jnp.int32),
            pltpu.VMEM((L,), jnp.float32),
            [pltpu.SemaphoreType.DMA] * nbuf,
            [pltpu.SemaphoreType.DMA] * nbuf,
        ],
        compiler_params=pltpu.CompilerParams(
            needs_layout_passes=False, use_tc_tiling_on_sc=False),
    )
    def edge_kernel(ysb_hbm, xy_hbm, src_hbm, dst_hbm, w2_hbm, b2_hbm,
                    out_hbm, src_v, dst_v, ys_v, xy_v, out_v, w2_v,
                    b2_v, gsem, osem):
        n_cores = 2
        wid = lax.axis_index("s") * n_cores + lax.axis_index("c")
        base = wid * epw
        pltpu.sync_copy(src_hbm.at[pl.ds(base, epw)], src_v)
        pltpu.sync_copy(dst_hbm.at[pl.ds(base, epw)], dst_v)
        pltpu.sync_copy(w2_hbm, w2_v)
        pltpu.sync_copy(b2_hbm, b2_v)
        b2 = b2_v[...]
        w2b = [plsc.bitcast(w2_v[pl.ds(j * L, L)], jnp.bfloat16)
               for j in range(nbh)]

        def issue_gathers(slot, ci):
            off = ci * chunk
            pltpu.async_copy(ysb_hbm.at[src_v.at[pl.ds(off, chunk)]],
                             ys_v.at[slot], gsem[slot])
            pltpu.async_copy(xy_hbm.at[dst_v.at[pl.ds(off, chunk)]],
                             xy_v.at[slot], gsem[slot])

        def wait_gathers(slot):
            pltpu.make_async_copy(ysb_hbm.at[pl.ds(0, chunk)],
                                  ys_v.at[slot], gsem[slot]).wait()
            pltpu.make_async_copy(xy_hbm.at[pl.ds(0, chunk)],
                                  xy_v.at[slot], gsem[slot]).wait()

        def issue_store(slot, ci):
            pltpu.async_copy(out_v.at[slot],
                             out_hbm.at[pl.ds(base + ci * chunk, chunk)],
                             osem[slot])

        def wait_store(slot):
            pltpu.make_async_copy(out_v.at[slot],
                                  out_hbm.at[pl.ds(base, chunk)],
                                  osem[slot]).wait()

        def compute(slot):
            bzero = jnp.asarray(0, jnp.bfloat16)

            @plsc.parallel_loop(0, chunk, unroll=2)
            def _(e):
                acc32 = None
                for j in range(nbh):
                    ys32 = plsc.bitcast(ys_v[slot, e, pl.ds(L * j, L)],
                                        jnp.bfloat16)
                    yd32 = plsc.bitcast(xy_v[slot, e, pl.ds(L * j, L)],
                                        jnp.bfloat16)
                    p = jnp.maximum(ys32 - yd32, bzero) * w2b[j]
                    acc32 = p if acc32 is None else acc32 + p
                aa, ab = plsc.unpack(acc32,
                                     format=plsc.PackFormat.INTERLEAVED)
                s = jnp.sum(aa + ab)
                att = jnp.exp(-jnp.maximum(s + b2, 0.0))
                for j in range(nbd):
                    xa, xb = plsc.unpack(
                        plsc.bitcast(xy_v[slot, e, pl.ds(hw + L * j, L)],
                                     jnp.bfloat16),
                        format=plsc.PackFormat.INTERLEAVED)
                    out_v[slot, e, pl.ds(32 * j, L)] = xa * att
                    out_v[slot, e, pl.ds(32 * j + L, L)] = xb * att

        for s in range(min(nbuf, n_chunks)):
            issue_gathers(s, s)

        def quad_body(q, _):
            c = nbuf * q
            for s in range(nbuf):
                wait_gathers(s)

                @pl.when(q > 0)
                def _():
                    wait_store(s)

                compute(s)
                issue_store(s, c + s)
                cn = c + nbuf + s

                @pl.when(cn < n_chunks)
                def _():
                    issue_gathers(s, cn)
            return 0

        lax.fori_loop(0, n_quads, quad_body, 0)
        for s in range(n_tail):
            wait_gathers(s)
            if n_quads > 0:
                wait_store(s)
            compute(s)
            issue_store(s, nbuf * n_quads + s)
        for s in range(min(nbuf, n_chunks)):
            wait_store(s)

    return edge_kernel


def kernel(x, edge_index, W1, b1, W2, b2):
    n, d = x.shape
    h = W1.shape[1]
    e = edge_index.shape[1]

    src = edge_index[0].astype(jnp.int32)
    dst = edge_index[1].astype(jnp.int32)

    n_workers = 32
    chunk = 80
    step = n_workers * chunk
    e_pad = ((e + step - 1) // step) * step
    if e_pad != e:
        src = jnp.pad(src, (0, e_pad - e))
        dst = jnp.pad(dst, (0, e_pad - e))

    ysb, xy = _build_tables(x, W1, b1.reshape(1, h))
    w2_pk = _pack_words(W2[:, 0].reshape(1, h)).reshape(h // 2)
    b2v = jnp.broadcast_to(b2, (L,))

    out = _make_edge_kernel(e_pad, n_workers, chunk, d, h)(
        ysb, xy, src, dst, w2_pk, b2v)
    return out[:e] if e_pad != e else out

# --- scband reference (transcript-rebuilt; emitter-appended) ---
"""Pipeline reference for scband-edge-distances-passing-60533269069904 (READ-ONLY COPY).

The authoritative reference and input builder live on the scoring server;
editing this copy changes nothing except your own understanding.
"""

import jax, jax.numpy as jnp
import numpy as np

N = 10000
E = 320000
D = 128
H = 128

def setup_inputs(seed: int = 0) -> dict:
    key = jax.random.key(seed)
    k1, k2, k3, k4, k5, k6 = jax.random.split(key, 6)
    x = jax.random.normal(k1, (N, D), dtype=jnp.float32)
    edge_index = jax.random.randint(k2, (2, E), 0, N, dtype=jnp.int64)
    # MLP params: Linear(in_dim=D, out_dim=H) -> ReLU -> Linear(H, 1) -> ReLU
    lim1 = 1.0 / np.sqrt(D)
    W1 = jax.random.uniform(k3, (D, H), dtype=jnp.float32, minval=-lim1, maxval=lim1)
    b1 = jax.random.uniform(k4, (H,), dtype=jnp.float32, minval=-lim1, maxval=lim1)
    lim2 = 1.0 / np.sqrt(H)
    W2 = jax.random.uniform(k5, (H, 1), dtype=jnp.float32, minval=-lim2, maxval=lim2)
    b2 = jax.random.uniform(k6, (1,), dtype=jnp.float32, minval=-lim2, maxval=lim2)
    return {"x": x, "edge_index": edge_index, "W1": W1, "b1": b1, "W2": W2, "b2": b2}

def reference(x, edge_index, W1, b1, W2, b2):
    src = jnp.take(x, edge_index[0], axis=0)  # edges.src['features']  [E, D]
    dst = jnp.take(x, edge_index[1], axis=0)  # edges.dst['features']  [E, D]
    dif = src - dst
    h = jax.nn.relu(dif @ W1 + b1)
    att_weight = jax.nn.relu(h @ W2 + b2)      # [E, 1]
    att_weight = jnp.exp(-att_weight)
    feature = att_weight * dst                 # broadcast [E,1]*[E,D] -> [E, D]
    return feature

if __name__ == "__main__":
    import jax
    _d = setup_inputs()
    print(jax.jit(kernel)(*tuple(_d.values())))

</pallas_src>

<mosaic_0001>
#map = affine_map<(d0, d1) -> (0, 0)>
#map1 = affine_map<(d0, d1) -> (0)>
module attributes {stable_mosaic.version = 14 : i64} {
  func.func @edge_kernel(%arg0: i32, %arg1: i32, %arg2: memref<10000x64xi32, #tpu.memory_space<hbm>>, %arg3: memref<10000x128xi32, #tpu.memory_space<hbm>>, %arg4: memref<320000xi32, #tpu.memory_space<hbm>>, %arg5: memref<320000xi32, #tpu.memory_space<hbm>>, %arg6: memref<64xi32, #tpu.memory_space<hbm>>, %arg7: memref<16xf32, #tpu.memory_space<hbm>>, %arg8: memref<320000x128xf32, #tpu.memory_space<hbm>>, %arg9: memref<10000xi32, #tpu.memory_space<vmem>>, %arg10: memref<10000xi32, #tpu.memory_space<vmem>>, %arg11: memref<3x80x64xi32, #tpu.memory_space<vmem>>, %arg12: memref<3x80x128xi32, #tpu.memory_space<vmem>>, %arg13: memref<3x80x128xf32, #tpu.memory_space<vmem>>, %arg14: memref<64xi32, #tpu.memory_space<vmem>>, %arg15: memref<16xf32, #tpu.memory_space<vmem>>, %arg16: memref<!tpu.dma_semaphore, #tpu.memory_space<semaphore_mem>>, %arg17: memref<!tpu.dma_semaphore, #tpu.memory_space<semaphore_mem>>, %arg18: memref<!tpu.dma_semaphore, #tpu.memory_space<semaphore_mem>>, %arg19: memref<!tpu.dma_semaphore, #tpu.memory_space<semaphore_mem>>, %arg20: memref<!tpu.dma_semaphore, #tpu.memory_space<semaphore_mem>>, %arg21: memref<!tpu.dma_semaphore, #tpu.memory_space<semaphore_mem>>) attributes {dimension_semantics = [#tpu.dimension_semantics<core_parallel>, #tpu.dimension_semantics<subcore_parallel>], iteration_bounds = array<i64: 2, 16>, scalar_prefetch = 0 : i64, scratch_operands = 13 : i64, tpu.core_type = #tpu.core_type<sc_vector_subcore>, window_params = [{transform_indices = #map}, {transform_indices = #map}, {transform_indices = #map1}, {transform_indices = #map1}, {transform_indices = #map1}, {transform_indices = #map1}, {transform_indices = #map}]} {
    %mul3A = arith.constant 2 : i32
    %mul3A_0 = arith.muli %arg1, %mul3A : i32
    %add3A = arith.addi %mul3A_0, %arg0 : i32
    %mul3A_1 = arith.constant 10000 : i32
    %mul3A_2 = arith.muli %add3A, %mul3A_1 : i32
    "tpu.region"() ({
      %run_scoped3A = tpu.sem_alloc : memref<!tpu.dma_semaphore, #tpu.memory_space<semaphore_mem>>
      %dma_start3A_241 = tpu.memref_slice %arg4[%mul3A_2] : memref<320000xi32, #tpu.memory_space<hbm>> -> memref<10000xi32, #tpu.memory_space<hbm>>
      %dma_start3A_242 = tpu.memref_slice %arg4[%mul3A_2] : memref<320000xi32, #tpu.memory_space<hbm>> -> memref<10000xi32, #tpu.memory_space<hbm>>
      tpu.enqueue_dma source(%dma_start3A_242 : memref<10000xi32, #tpu.memory_space<hbm>>) target(%arg9 : memref<10000xi32, #tpu.memory_space<vmem>>) target_semaphore(%run_scoped3A : memref<!tpu.dma_semaphore, #tpu.memory_space<semaphore_mem>>)
      %dma_wait3A_243 = tpu.memref_slice %arg4[%mul3A_2] : memref<320000xi32, #tpu.memory_space<hbm>> -> memref<10000xi32, #tpu.memory_space<hbm>>
      %dma_wait3A_244 = tpu.memref_slice %arg4[%mul3A_2] : memref<320000xi32, #tpu.memory_space<hbm>> -> memref<10000xi32, #tpu.memory_space<hbm>>
      tpu.wait_dma2 semaphore(%run_scoped3A : memref<!tpu.dma_semaphore, #tpu.memory_space<semaphore_mem>>) src(%dma_wait3A_244 : memref<10000xi32, #tpu.memory_space<hbm>>) dst(%arg9 : memref<10000xi32, #tpu.memory_space<vmem>>)
      tpu.yield
    }) : () -> ()
    "tpu.region"() ({
      %run_scoped3A = tpu.sem_alloc : memref<!tpu.dma_semaphore, #tpu.memory_space<semaphore_mem>>
      %dma_start3A_241 = tpu.memref_slice %arg5[%mul3A_2] : memref<320000xi32, #tpu.memory_space<hbm>> -> memref<10000xi32, #tpu.memory_space<hbm>>
      %dma_start3A_242 = tpu.memref_slice %arg5[%mul3A_2] : memref<320000xi32, #tpu.memory_space<hbm>> -> memref<10000xi32, #tpu.memory_space<hbm>>
      tpu.enqueue_dma source(%dma_start3A_242 : memref<10000xi32, #tpu.memory_space<hbm>>) target(%arg10 : memref<10000xi32, #tpu.memory_space<vmem>>) target_semaphore(%run_scoped3A : memref<!tpu.dma_semaphore, #tpu.memory_space<semaphore_mem>>)
      %dma_wait3A_243 = tpu.memref_slice %arg5[%mul3A_2] : memref<320000xi32, #tpu.memory_space<hbm>> -> memref<10000xi32, #tpu.memory_space<hbm>>
      %dma_wait3A_244 = tpu.memref_slice %arg5[%mul3A_2] : memref<320000xi32, #tpu.memory_space<hbm>> -> memref<10000xi32, #tpu.memory_space<hbm>>
      tpu.wait_dma2 semaphore(%run_scoped3A : memref<!tpu.dma_semaphore, #tpu.memory_space<semaphore_mem>>) src(%dma_wait3A_244 : memref<10000xi32, #tpu.memory_space<hbm>>) dst(%arg10 : memref<10000xi32, #tpu.memory_space<vmem>>)
      tpu.yield
    }) : () -> ()
    "tpu.region"() ({
      %run_scoped3A = tpu.sem_alloc : memref<!tpu.dma_semaphore, #tpu.memory_space<semaphore_mem>>
      tpu.enqueue_dma source(%arg6 : memref<64xi32, #tpu.memory_space<hbm>>) target(%arg14 : memref<64xi32, #tpu.memory_space<vmem>>) target_semaphore(%run_scoped3A : memref<!tpu.dma_semaphore, #tpu.memory_space<semaphore_mem>>)
      tpu.wait_dma2 semaphore(%run_scoped3A : memref<!tpu.dma_semaphore, #tpu.memory_space<semaphore_mem>>) src(%arg6 : memref<64xi32, #tpu.memory_space<hbm>>) dst(%arg14 : memref<64xi32, #tpu.memory_space<vmem>>)
      tpu.yield
    }) : () -> ()
    "tpu.region"() ({
      %run_scoped3A = tpu.sem_alloc : memref<!tpu.dma_semaphore, #tpu.memory_space<semaphore_mem>>
      tpu.enqueue_dma source(%arg7 : memref<16xf32, #tpu.memory_space<hbm>>) target(%arg15 : memref<16xf32, #tpu.memory_space<vmem>>) target_semaphore(%run_scoped3A : memref<!tpu.dma_semaphore, #tpu.memory_space<semaphore_mem>>)
      tpu.wait_dma2 semaphore(%run_scoped3A : memref<!tpu.dma_semaphore, #tpu.memory_space<semaphore_mem>>) src(%arg7 : memref<16xf32, #tpu.memory_space<hbm>>) dst(%arg15 : memref<16xf32, #tpu.memory_space<vmem>>)
      tpu.yield
    }) : () -> ()
    %get3A = arith.constant 0 : index
    %get3A_3 = tpu.vector_load %arg15[%get3A] {strides = array<i32>} : memref<16xf32, #tpu.memory_space<vmem>>, vector<16xf32>,
    %get3A_4 = arith.constant 0 : index
    %get3A_5 = tpu.vector_load %arg14[%get3A_4] {strides = array<i32>} : memref<64xi32, #tpu.memory_space<vmem>>, vector<16xi32>,
    %bitcast3A = vector.bitcast %get3A_5 : vector<16xi32> to vector<32xbf16>
    %get3A_6 = arith.constant 16 : index
    %get3A_7 = tpu.vector_load %arg14[%get3A_6] {strides = array<i32>} : memref<64xi32, #tpu.memory_space<vmem>>, vector<16xi32>,
    %bitcast3A_8 = vector.bitcast %get3A_7 : vector<16xi32> to vector<32xbf16>
    %get3A_9 = arith.constant 32 : index
    %get3A_10 = tpu.vector_load %arg14[%get3A_9] {strides = array<i32>} : memref<64xi32, #tpu.memory_space<vmem>>, vector<16xi32>,
    %bitcast3A_11 = vector.bitcast %get3A_10 : vector<16xi32> to vector<32xbf16>
    %get3A_12 = arith.constant 48 : index
    %get3A_13 = tpu.vector_load %arg14[%get3A_12] {strides = array<i32>} : memref<64xi32, #tpu.memory_space<vmem>>, vector<16xi32>,
    %bitcast3A_14 = vector.bitcast %get3A_13 : vector<16xi32> to vector<32xbf16>
    %dma_start3A = arith.constant 0 : i32
    %dma_start3A_15 = arith.constant 0 : i32
    %dma_start3A_16 = arith.constant 0 : i32
    %dma_start3A_17 = tpu.memref_slice %arg11[%dma_start3A, %dma_start3A_15, %dma_start3A_16] : memref<3x80x64xi32, #tpu.memory_space<vmem>> -> memref<1x80x64xi32, #tpu.memory_space<vmem>>
    %dma_start3A_18 = tpu.memref_squeeze %dma_start3A_17 : memref<1x80x64xi32, #tpu.memory_space<vmem>> -> memref<80x64xi32, #tpu.memory_space<vmem>>
    %dma_start3A_19 = arith.constant 0 : i32
    %dma_start3A_20 = tpu.memref_slice %arg9[%dma_start3A_19] : memref<10000xi32, #tpu.memory_space<vmem>> -> memref<80xi32, #tpu.memory_space<vmem>>
    %dma_start3A_21 = arith.constant 0 : i32
    %dma_start3A_22 = arith.constant 0 : i32
    %dma_start3A_23 = tpu.memref_slice %arg2[%dma_start3A_21, %dma_start3A_22] : memref<10000x64xi32, #tpu.memory_space<hbm>> -> memref<10000x64xi32, #tpu.memory_space<hbm>>
    tpu.enqueue_indirect_dma source(%dma_start3A_23 : memref<10000x64xi32, #tpu.memory_space<hbm>>) target(%dma_start3A_18 : memref<80x64xi32, #tpu.memory_space<vmem>>) offsets(%dma_start3A_20 : memref<80xi32, #tpu.memory_space<vmem>>) semaphore(%arg16 : memref<!tpu.dma_semaphore, #tpu.memory_space<semaphore_mem>>)
    %dma_start3A_24 = arith.constant 0 : i32
    %dma_start3A_25 = arith.constant 0 : i32
    %dma_start3A_26 = arith.constant 0 : i32
    %dma_start3A_27 = tpu.memref_slice %arg12[%dma_start3A_24, %dma_start3A_25, %dma_start3A_26] : memref<3x80x128xi32, #tpu.memory_space<vmem>> -> memref<1x80x128xi32, #tpu.memory_space<vmem>>
    %dma_start3A_28 = tpu.memref_squeeze %dma_start3A_27 : memref<1x80x128xi32, #tpu.memory_space<vmem>> -> memref<80x128xi32, #tpu.memory_space<vmem>>
    %dma_start3A_29 = arith.constant 0 : i32
    %dma_start3A_30 = tpu.memref_slice %arg10[%dma_start3A_29] : memref<10000xi32, #tpu.memory_space<vmem>> -> memref<80xi32, #tpu.memory_space<vmem>>
    %dma_start3A_31 = arith.constant 0 : i32
    %dma_start3A_32 = arith.constant 0 : i32
    %dma_start3A_33 = tpu.memref_slice %arg3[%dma_start3A_31, %dma_start3A_32] : memref<10000x128xi32, #tpu.memory_space<hbm>> -> memref<10000x128xi32, #tpu.memory_space<hbm>>
    tpu.enqueue_indirect_dma source(%dma_start3A_33 : memref<10000x128xi32, #tpu.memory_space<hbm>>) target(%dma_start3A_28 : memref<80x128xi32, #tpu.memory_space<vmem>>) offsets(%dma_start3A_30 : memref<80xi32, #tpu.memory_space<vmem>>) semaphore(%arg16 : memref<!tpu.dma_semaphore, #tpu.memory_space<semaphore_mem>>)
    %dma_start3A_34 = arith.constant 1 : i32
    %dma_start3A_35 = arith.constant 0 : i32
    %dma_start3A_36 = arith.constant 0 : i32
    %dma_start3A_37 = tpu.memref_slice %arg11[%dma_start3A_34, %dma_start3A_35, %dma_start3A_36] : memref<3x80x64xi32, #tpu.memory_space<vmem>> -> memref<1x80x64xi32, #tpu.memory_space<vmem>>
    %dma_start3A_38 = tpu.memref_squeeze %dma_start3A_37 : memref<1x80x64xi32, #tpu.memory_space<vmem>> -> memref<80x64xi32, #tpu.memory_space<vmem>>
    %dma_start3A_39 = arith.constant 80 : i32
    %dma_start3A_40 = tpu.memref_slice %arg9[%dma_start3A_39] : memref<10000xi32, #tpu.memory_space<vmem>> -> memref<80xi32, #tpu.memory_space<vmem>>
    %dma_start3A_41 = arith.constant 0 : i32
    %dma_start3A_42 = arith.constant 0 : i32
    %dma_start3A_43 = tpu.memref_slice %arg2[%dma_start3A_41, %dma_start3A_42] : memref<10000x64xi32, #tpu.memory_space<hbm>> -> memref<10000x64xi32, #tpu.memory_space<hbm>>
    tpu.enqueue_indirect_dma source(%dma_start3A_43 : memref<10000x64xi32, #tpu.memory_space<hbm>>) target(%dma_start3A_38 : memref<80x64xi32, #tpu.memory_space<vmem>>) offsets(%dma_start3A_40 : memref<80xi32, #tpu.memory_space<vmem>>) semaphore(%arg17 : memref<!tpu.dma_semaphore, #tpu.memory_space<semaphore_mem>>)
    %dma_start3A_44 = arith.constant 1 : i32
    %dma_start3A_45 = arith.constant 0 : i32
    %dma_start3A_46 = arith.constant 0 : i32
    %dma_start3A_47 = tpu.memref_slice %arg12[%dma_start3A_44, %dma_start3A_45, %dma_start3A_46] : memref<3x80x128xi32, #tpu.memory_space<vmem>> -> memref<1x80x128xi32, #tpu.memory_space<vmem>>
    %dma_start3A_48 = tpu.memref_squeeze %dma_start3A_47 : memref<1x80x128xi32, #tpu.memory_space<vmem>> -> memref<80x128xi32, #tpu.memory_space<vmem>>
    %dma_start3A_49 = arith.constant 80 : i32
    %dma_start3A_50 = tpu.memref_slice %arg10[%dma_start3A_49] : memref<10000xi32, #tpu.memory_space<vmem>> -> memref<80xi32, #tpu.memory_space<vmem>>
    %dma_start3A_51 = arith.constant 0 : i32
    %dma_start3A_52 = arith.constant 0 : i32
    %dma_start3A_53 = tpu.memref_slice %arg3[%dma_start3A_51, %dma_start3A_52] : memref<10000x128xi32, #tpu.memory_space<hbm>> -> memref<10000x128xi32, #tpu.memory_space<hbm>>
    tpu.enqueue_indirect_dma source(%dma_start3A_53 : memref<10000x128xi32, #tpu.memory_space<hbm>>) target(%dma_start3A_48 : memref<80x128xi32, #tpu.memory_space<vmem>>) offsets(%dma_start3A_50 : memref<80xi32, #tpu.memory_space<vmem>>) semaphore(%arg17 : memref<!tpu.dma_semaphore, #tpu.memory_space<semaphore_mem>>)
    %dma_start3A_54 = arith.constant 2 : i32
    %dma_start3A_55 = arith.constant 0 : i32
    %dma_start3A_56 = arith.constant 0 : i32
    %dma_start3A_57 = tpu.memref_slice %arg11[%dma_start3A_54, %dma_start3A_55, %dma_start3A_56] : memref<3x80x64xi32, #tpu.memory_space<vmem>> -> memref<1x80x64xi32, #tpu.memory_space<vmem>>
    %dma_start3A_58 = tpu.memref_squeeze %dma_start3A_57 : memref<1x80x64xi32, #tpu.memory_space<vmem>> -> memref<80x64xi32, #tpu.memory_space<vmem>>
    %dma_start3A_59 = arith.constant 160 : i32
    %dma_start3A_60 = tpu.memref_slice %arg9[%dma_start3A_59] : memref<10000xi32, #tpu.memory_space<vmem>> -> memref<80xi32, #tpu.memory_space<vmem>>
    %dma_start3A_61 = arith.constant 0 : i32
    %dma_start3A_62 = arith.constant 0 : i32
    %dma_start3A_63 = tpu.memref_slice %arg2[%dma_start3A_61, %dma_start3A_62] : memref<10000x64xi32, #tpu.memory_space<hbm>> -> memref<10000x64xi32, #tpu.memory_space<hbm>>
    tpu.enqueue_indirect_dma source(%dma_start3A_63 : memref<10000x64xi32, #tpu.memory_space<hbm>>) target(%dma_start3A_58 : memref<80x64xi32, #tpu.memory_space<vmem>>) offsets(%dma_start3A_60 : memref<80xi32, #tpu.memory_space<vmem>>) semaphore(%arg18 : memref<!tpu.dma_semaphore, #tpu.memory_space<semaphore_mem>>)
    %dma_start3A_64 = arith.constant 2 : i32
    %dma_start3A_65 = arith.constant 0 : i32
    %dma_start3A_66 = arith.constant 0 : i32
    %dma_start3A_67 = tpu.memref_slice %arg12[%dma_start3A_64, %dma_start3A_65, %dma_start3A_66] : memref<3x80x128xi32, #tpu.memory_space<vmem>> -> memref<1x80x128xi32, #tpu.memory_space<vmem>>
    %dma_start3A_68 = tpu.memref_squeeze %dma_start3A_67 : memref<1x80x128xi32, #tpu.memory_space<vmem>> -> memref<80x128xi32, #tpu.memory_space<vmem>>
    %dma_start3A_69 = arith.constant 160 : i32
    %dma_start3A_70 = tpu.memref_slice %arg10[%dma_start3A_69] : memref<10000xi32, #tpu.memory_space<vmem>> -> memref<80xi32, #tpu.memory_space<vmem>>
    %dma_start3A_71 = arith.constant 0 : i32
    %dma_start3A_72 = arith.constant 0 : i32
    %dma_start3A_73 = tpu.memref_slice %arg3[%dma_start3A_71, %dma_start3A_72] : memref<10000x128xi32, #tpu.memory_space<hbm>> -> memref<10000x128xi32, #tpu.memory_space<hbm>>
    tpu.enqueue_indirect_dma source(%dma_start3A_73 : memref<10000x128xi32, #tpu.memory_space<hbm>>) target(%dma_start3A_68 : memref<80x128xi32, #tpu.memory_space<vmem>>) offsets(%dma_start3A_70 : memref<80xi32, #tpu.memory_space<vmem>>) semaphore(%arg18 : memref<!tpu.dma_semaphore, #tpu.memory_space<semaphore_mem>>)
    %scan3A = arith.constant 0 : i32
    %scan3A_74 = arith.constant 0 : i32
    %scan3A_75 = arith.constant 41 : i32
    %scan3A_76 = arith.addi %scan3A_74, %scan3A_75 : i32
    %scan3A_77 = arith.constant 1 : i32
    %scan3A_78 = scf.for %scan3A_241 = %scan3A_74 to %scan3A_76 step %scan3A_77 iter_args(%scan3A_242 = %scan3A) -> (i32)  : i32 {
      %mul3A_243 = arith.constant 3 : i32
      %mul3A_244 = arith.muli %mul3A_243, %scan3A_241 : i32
      %dma_wait3A_245 = arith.constant 0 : i32
      %dma_wait3A_246 = arith.constant 0 : i32
      %dma_wait3A_247 = arith.constant 0 : i32
      %dma_wait3A_248 = tpu.memref_slice %arg11[%dma_wait3A_245, %dma_wait3A_246, %dma_wait3A_247] : memref<3x80x64xi32, #tpu.memory_space<vmem>> -> memref<1x80x64xi32, #tpu.memory_space<vmem>>
      %dma_wait3A_249 = tpu.memref_squeeze %dma_wait3A_248 : memref<1x80x64xi32, #tpu.memory_space<vmem>> -> memref<80x64xi32, #tpu.memory_space<vmem>>
      %dma_wait3A_250 = arith.constant 0 : i32
      %dma_wait3A_251 = arith.constant 0 : i32
      %dma_wait3A_252 = tpu.memref_slice %arg2[%dma_wait3A_250, %dma_wait3A_251] : memref<10000x64xi32, #tpu.memory_space<hbm>> -> memref<80x64xi32, #tpu.memory_space<hbm>>
      %dma_wait3A_253 = arith.constant 0 : i32
      %dma_wait3A_254 = arith.constant 0 : i32
      %dma_wait3A_255 = tpu.memref_slice %arg11[%dma_wait3A_245, %dma_wait3A_253, %dma_wait3A_254] : memref<3x80x64xi32, #tpu.memory_space<vmem>> -> memref<1x80x64xi32, #tpu.memory_space<vmem>>
      %dma_wait3A_256 = tpu.memref_squeeze %dma_wait3A_255 : memref<1x80x64xi32, #tpu.memory_space<vmem>> -> memref<80x64xi32, #tpu.memory_space<vmem>>
      %dma_wait3A_257 = arith.constant 0 : i32
      %dma_wait3A_258 = arith.constant 0 : i32
      %dma_wait3A_259 = tpu.memref_slice %arg2[%dma_wait3A_257, %dma_wait3A_258] : memref<10000x64xi32, #tpu.memory_space<hbm>> -> memref<80x64xi32, #tpu.memory_space<hbm>>
      tpu.wait_dma2 semaphore(%arg16 : memref<!tpu.dma_semaphore, #tpu.memory_space<semaphore_mem>>) src(%dma_wait3A_259 : memref<80x64xi32, #tpu.memory_space<hbm>>) dst(%dma_wait3A_256 : memref<80x64xi32, #tpu.memory_space<vmem>>)
      %dma_wait3A_260 = arith.constant 0 : i32
      %dma_wait3A_261 = arith.constant 0 : i32
      %dma_wait3A_262 = arith.constant 0 : i32
      %dma_wait3A_263 = tpu.memref_slice %arg12[%dma_wait3A_260, %dma_wait3A_261, %dma_wait3A_262] : memref<3x80x128xi32, #tpu.memory_space<vmem>> -> memref<1x80x128xi32, #tpu.memory_space<vmem>>
      %dma_wait3A_264 = tpu.memref_squeeze %dma_wait3A_263 : memref<1x80x128xi32, #tpu.memory_space<vmem>> -> memref<80x128xi32, #tpu.memory_space<vmem>>
      %dma_wait3A_265 = arith.constant 0 : i32
      %dma_wait3A_266 = arith.constant 0 : i32
      %dma_wait3A_267 = tpu.memref_slice %arg3[%dma_wait3A_265, %dma_wait3A_266] : memref<10000x128xi32, #tpu.memory_space<hbm>> -> memref<80x128xi32, #tpu.memory_space<hbm>>
      %dma_wait3A_268 = arith.constant 0 : i32
      %dma_wait3A_269 = arith.constant 0 : i32
      %dma_wait3A_270 = tpu.memref_slice %arg12[%dma_wait3A_260, %dma_wait3A_268, %dma_wait3A_269] : memref<3x80x128xi32, #tpu.memory_space<vmem>> -> memref<1x80x128xi32, #tpu.memory_space<vmem>>
      %dma_wait3A_271 = tpu.memref_squeeze %dma_wait3A_270 : memref<1x80x128xi32, #tpu.memory_space<vmem>> -> memref<80x128xi32, #tpu.memory_space<vmem>>
      %dma_wait3A_272 = arith.constant 0 : i32
      %dma_wait3A_273 = arith.constant 0 : i32
      %dma_wait3A_274 = tpu.memref_slice %arg3[%dma_wait3A_272, %dma_wait3A_273] : memref<10000x128xi32, #tpu.memory_space<hbm>> -> memref<80x128xi32, #tpu.memory_space<hbm>>
      tpu.wait_dma2 semaphore(%arg16 : memref<!tpu.dma_semaphore, #tpu.memory_space<semaphore_mem>>) src(%dma_wait3A_274 : memref<80x128xi32, #tpu.memory_space<hbm>>) dst(%dma_wait3A_271 : memref<80x128xi32, #tpu.memory_space<vmem>>)
      %gt3A = arith.constant 0 : i32
      %gt3A_275 = arith.cmpi sgt, %scan3A_241, %gt3A : i32
      %convert_element_type3A = arith.extui %gt3A_275 : i1 to i32
      %cond3A = arith.constant 0 : i32
      %cond3A_276 = arith.cmpi ne, %convert_element_type3A, %cond3A : i32
      scf.if %cond3A_276 {
        %dma_wait3A_440 = arith.constant 0 : i32
        %dma_wait3A_441 = arith.constant 0 : i32
        %dma_wait3A_442 = arith.constant 0 : i32
        %dma_wait3A_443 = tpu.memref_slice %arg13[%dma_wait3A_440, %dma_wait3A_441, %dma_wait3A_442] : memref<3x80x128xf32, #tpu.memory_space<vmem>> -> memref<1x80x128xf32, #tpu.memory_space<vmem>>
        %dma_wait3A_444 = tpu.memref_squeeze %dma_wait3A_443 : memref<1x80x128xf32, #tpu.memory_space<vmem>> -> memref<80x128xf32, #tpu.memory_space<vmem>>
        %dma_wait3A_445 = arith.constant 0 : i32
        %dma_wait3A_446 = tpu.memref_slice %arg8[%mul3A_2, %dma_wait3A_445] : memref<320000x128xf32, #tpu.memory_space<hbm>> -> memref<80x128xf32, #tpu.memory_space<hbm>>
        %dma_wait3A_447 = arith.constant 0 : i32
        %dma_wait3A_448 = tpu.memref_slice %arg8[%mul3A_2, %dma_wait3A_447] : memref<320000x128xf32, #tpu.memory_space<hbm>> -> memref<80x128xf32, #tpu.memory_space<hbm>>
        %dma_wait3A_449 = arith.constant 0 : i32
        %dma_wait3A_450 = arith.constant 0 : i32
        %dma_wait3A_451 = tpu.memref_slice %arg13[%dma_wait3A_440, %dma_wait3A_449, %dma_wait3A_450] : memref<3x80x128xf32, #tpu.memory_space<vmem>> -> memref<1x80x128xf32, #tpu.memory_space<vmem>>
        %dma_wait3A_452 = tpu.memref_squeeze %dma_wait3A_451 : memref<1x80x128xf32, #tpu.memory_space<vmem>> -> memref<80x128xf32, #tpu.memory_space<vmem>>
        tpu.wait_dma2 semaphore(%arg19 : memref<!tpu.dma_semaphore, #tpu.memory_space<semaphore_mem>>) src(%dma_wait3A_452 : memref<80x128xf32, #tpu.memory_space<vmem>>) dst(%dma_wait3A_448 : memref<80x128xf32, #tpu.memory_space<hbm>>)
      } else {
      }
      %parallel_loop3A_277 = arith.constant 0 : i32
      %parallel_loop3A_278 = arith.constant 80 : i32
      %parallel_loop3A_279 = arith.constant 1 : i32
      %parallel_loop3A_280 = arith.constant 0.000000e+00 : bf16
      scf.for %parallel_loop3A_440 = %parallel_loop3A_277 to %parallel_loop3A_278 step %parallel_loop3A_279  : i32 {
        %parallel_loop3A_441 = arith.constant 0 : i32
        %parallel_loop3A_442 = arith.index_cast %parallel_loop3A_441 : i32 to index
        %parallel_loop3A_443 = arith.index_cast %parallel_loop3A_440 : i32 to index
        %parallel_loop3A_444 = arith.constant 0 : index
        %parallel_loop3A_445 = tpu.vector_load %arg11[%parallel_loop3A_442, %parallel_loop3A_443, %parallel_loop3A_444] {strides = array<i32>} : memref<3x80x64xi32, #tpu.memory_space<vmem>>, vector<16xi32>,
        %parallel_loop3A_446 = vector.bitcast %parallel_loop3A_445 : vector<16xi32> to vector<32xbf16>
        %parallel_loop3A_447 = arith.constant 0 : i32
        %parallel_loop3A_448 = arith.index_cast %parallel_loop3A_447 : i32 to index
        %parallel_loop3A_449 = arith.index_cast %parallel_loop3A_440 : i32 to index
        %parallel_loop3A_450 = arith.constant 0 : index
        %parallel_loop3A_451 = tpu.vector_load %arg12[%parallel_loop3A_448, %parallel_loop3A_449, %parallel_loop3A_450] {strides = array<i32>} : memref<3x80x128xi32, #tpu.memory_space<vmem>>, vector<16xi32>,
        %parallel_loop3A_452 = vector.bitcast %parallel_loop3A_451 : vector<16xi32> to vector<32xbf16>
        %parallel_loop3A_453 = arith.subf %parallel_loop3A_446, %parallel_loop3A_452 : vector<32xbf16>
        %parallel_loop3A_454 = vector.broadcast %parallel_loop3A_280 : bf16 to vector<32xbf16>
        %parallel_loop3A_455 = arith.maximumf %parallel_loop3A_453, %parallel_loop3A_454 : vector<32xbf16>
        %parallel_loop3A_456 = arith.mulf %parallel_loop3A_455, %bitcast3A : vector<32xbf16>
        %parallel_loop3A_457 = arith.constant 0 : i32
        %parallel_loop3A_458 = arith.index_cast %parallel_loop3A_457 : i32 to index
        %parallel_loop3A_459 = arith.index_cast %parallel_loop3A_440 : i32 to index
        %parallel_loop3A_460 = arith.constant 16 : index
        %parallel_loop3A_461 = tpu.vector_load %arg11[%parallel_loop3A_458, %parallel_loop3A_459, %parallel_loop3A_460] {strides = array<i32>} : memref<3x80x64xi32, #tpu.memory_space<vmem>>, vector<16xi32>,
        %parallel_loop3A_462 = vector.bitcast %parallel_loop3A_461 : vector<16xi32> to vector<32xbf16>
        %parallel_loop3A_463 = arith.constant 0 : i32
        %parallel_loop3A_464 = arith.index_cast %parallel_loop3A_463 : i32 to index
        %parallel_loop3A_465 = arith.index_cast %parallel_loop3A_440 : i32 to index
        %parallel_loop3A_466 = arith.constant 16 : index
        %parallel_loop3A_467 = tpu.vector_load %arg12[%parallel_loop3A_464, %parallel_loop3A_465, %parallel_loop3A_466] {strides = array<i32>} : memref<3x80x128xi32, #tpu.memory_space<vmem>>, vector<16xi32>,
        %parallel_loop3A_468 = vector.bitcast %parallel_loop3A_467 : vector<16xi32> to vector<32xbf16>
        %parallel_loop3A_469 = arith.subf %parallel_loop3A_462, %parallel_loop3A_468 : vector<32xbf16>
        %parallel_loop3A_470 = vector.broadcast %parallel_loop3A_280 : bf16 to vector<32xbf16>
        %parallel_loop3A_471 = arith.maximumf %parallel_loop3A_469, %parallel_loop3A_470 : vector<32xbf16>
        %parallel_loop3A_472 = arith.mulf %parallel_loop3A_471, %bitcast3A_8 : vector<32xbf16>
        %parallel_loop3A_473 = arith.addf %parallel_loop3A_456, %parallel_loop3A_472 : vector<32xbf16>
        %parallel_loop3A_474 = arith.constant 0 : i32
        %parallel_loop3A_475 = arith.index_cast %parallel_loop3A_474 : i32 to index
        %parallel_loop3A_476 = arith.index_cast %parallel_loop3A_440 : i32 to index
        %parallel_loop3A_477 = arith.constant 32 : index
        %parallel_loop3A_478 = tpu.vector_load %arg11[%parallel_loop3A_475, %parallel_loop3A_476, %parallel_loop3A_477] {strides = array<i32>} : memref<3x80x64xi32, #tpu.memory_space<vmem>>, vector<16xi32>,
        %parallel_loop3A_479 = vector.bitcast %parallel_loop3A_478 : vector<16xi32> to vector<32xbf16>
        %parallel_loop3A_480 = arith.constant 0 : i32
        %parallel_loop3A_481 = arith.index_cast %parallel_loop3A_480 : i32 to index
        %parallel_loop3A_482 = arith.index_cast %parallel_loop3A_440 : i32 to index
        %parallel_loop3A_483 = arith.constant 32 : index
        %parallel_loop3A_484 = tpu.vector_load %arg12[%parallel_loop3A_481, %parallel_loop3A_482, %parallel_loop3A_483] {strides = array<i32>} : memref<3x80x128xi32, #tpu.memory_space<vmem>>, vector<16xi32>,
        %parallel_loop3A_485 = vector.bitcast %parallel_loop3A_484 : vector<16xi32> to vector<32xbf16>
        %parallel_loop3A_486 = arith.subf %parallel_loop3A_479, %parallel_loop3A_485 : vector<32xbf16>
        %parallel_loop3A_487 = vector.broadcast %parallel_loop3A_280 : bf16 to vector<32xbf16>
        %parallel_loop3A_488 = arith.maximumf %parallel_loop3A_486, %parallel_loop3A_487 : vector<32xbf16>
        %parallel_loop3A_489 = arith.mulf %parallel_loop3A_488, %bitcast3A_11 : vector<32xbf16>
        %parallel_loop3A_490 = arith.addf %parallel_loop3A_473, %parallel_loop3A_489 : vector<32xbf16>
        %parallel_loop3A_491 = arith.constant 0 : i32
        %parallel_loop3A_492 = arith.index_cast %parallel_loop3A_491 : i32 to index
        %parallel_loop3A_493 = arith.index_cast %parallel_loop3A_440 : i32 to index
        %parallel_loop3A_494 = arith.constant 48 : index
        %parallel_loop3A_495 = tpu.vector_load %arg11[%parallel_loop3A_492, %parallel_loop3A_493, %parallel_loop3A_494] {strides = array<i32>} : memref<3x80x64xi32, #tpu.memory_space<vmem>>, vector<16xi32>,
        %parallel_loop3A_496 = vector.bitcast %parallel_loop3A_495 : vector<16xi32> to vector<32xbf16>
        %parallel_loop3A_497 = arith.constant 0 : i32
        %parallel_loop3A_498 = arith.index_cast %parallel_loop3A_497 : i32 to index
        %parallel_loop3A_499 = arith.index_cast %parallel_loop3A_440 : i32 to index
        %parallel_loop3A_500 = arith.constant 48 : index
        %parallel_loop3A_501 = tpu.vector_load %arg12[%parallel_loop3A_498, %parallel_loop3A_499, %parallel_loop3A_500] {strides = array<i32>} : memref<3x80x128xi32, #tpu.memory_space<vmem>>, vector<16xi32>,
        %parallel_loop3A_502 = vector.bitcast %parallel_loop3A_501 : vector<16xi32> to vector<32xbf16>
        %parallel_loop3A_503 = arith.subf %parallel_loop3A_496, %parallel_loop3A_502 : vector<32xbf16>
        %parallel_loop3A_504 = vector.broadcast %parallel_loop3A_280 : bf16 to vector<32xbf16>
        %parallel_loop3A_505 = arith.maximumf %parallel_loop3A_503, %parallel_loop3A_504 : vector<32xbf16>
        %parallel_loop3A_506 = arith.mulf %parallel_loop3A_505, %bitcast3A_14 : vector<32xbf16>
        %parallel_loop3A_507 = arith.addf %parallel_loop3A_490, %parallel_loop3A_506 : vector<32xbf16>
        %parallel_loop3A_508 = tpu.unpack_subelements %parallel_loop3A_507, 0 {pack_format = #tpu.pack_format<interleaved>} : vector<32xbf16> -> vector<16xf32>
        %parallel_loop3A_509 = tpu.unpack_subelements %parallel_loop3A_507, 1 {pack_format = #tpu.pack_format<interleaved>} : vector<32xbf16> -> vector<16xf32>
        %parallel_loop3A_510 = arith.addf %parallel_loop3A_508, %parallel_loop3A_509 : vector<16xf32>
        %parallel_loop3A_511 = arith.constant true
        %parallel_loop3A_512 = vector.broadcast %parallel_loop3A_511 : i1 to vector<16xi1>
        %parallel_loop3A_513 = tpu.scan <sum>, %parallel_loop3A_510 masked %parallel_loop3A_512 : vector<16xf32>, vector<16xi1> -> vector<16xf32>
        %parallel_loop3A_514 = vector.extract %parallel_loop3A_513[15] : f32 from vector<16xf32>
        %parallel_loop3A_515 = vector.broadcast %parallel_loop3A_514 : f32 to vector<16xf32>
        %parallel_loop3A_516 = arith.addf %parallel_loop3A_515, %get3A_3 : vector<16xf32>
        %parallel_loop3A_517 = arith.constant 0.000000e+00 : f32
        %parallel_loop3A_518 = vector.broadcast %parallel_loop3A_517 : f32 to vector<16xf32>
        %parallel_loop3A_519 = arith.maximumf %parallel_loop3A_516, %parallel_loop3A_518 : vector<16xf32>
        %parallel_loop3A_520 = arith.constant 0.000000e+00 : f32
        %parallel_loop3A_521 = vector.broadcast %parallel_loop3A_520 : f32 to vector<16xf32>
        %parallel_loop3A_522 = arith.subf %parallel_loop3A_521, %parallel_loop3A_519 : vector<16xf32>
        %parallel_loop3A_523 = math.exp %parallel_loop3A_522 : vector<16xf32>
        %parallel_loop3A_524 = arith.constant 0 : i32
        %parallel_loop3A_525 = arith.index_cast %parallel_loop3A_524 : i32 to index
        %parallel_loop3A_526 = arith.index_cast %parallel_loop3A_440 : i32 to index
        %parallel_loop3A_527 = arith.constant 64 : index
        %parallel_loop3A_528 = tpu.vector_load %arg12[%parallel_loop3A_525, %parallel_loop3A_526, %parallel_loop3A_527] {strides = array<i32>} : memref<3x80x128xi32, #tpu.memory_space<vmem>>, vector<16xi32>,
        %parallel_loop3A_529 = vector.bitcast %parallel_loop3A_528 : vector<16xi32> to vector<32xbf16>
        %parallel_loop3A_530 = tpu.unpack_subelements %parallel_loop3A_529, 0 {pack_format = #tpu.pack_format<interleaved>} : vector<32xbf16> -> vector<16xf32>
        %parallel_loop3A_531 = tpu.unpack_subelements %parallel_loop3A_529, 1 {pack_format = #tpu.pack_format<interleaved>} : vector<32xbf16> -> vector<16xf32>
        %parallel_loop3A_532 = arith.mulf %parallel_loop3A_530, %parallel_loop3A_523 : vector<16xf32>
        %parallel_loop3A_533 = arith.constant 0 : i32
        %parallel_loop3A_534 = arith.index_cast %parallel_loop3A_533 : i32 to index
        %parallel_loop3A_535 = arith.index_cast %parallel_loop3A_440 : i32 to index
        %parallel_loop3A_536 = arith.constant 0 : index
        %parallel_loop3A_537 = tpu.vector_load %arg13[%parallel_loop3A_534, %parallel_loop3A_535, %parallel_loop3A_536] {strides = array<i32>} : memref<3x80x128xf32, #tpu.memory_space<vmem>>, vector<16xf32>,
        tpu.vector_store %arg13[%parallel_loop3A_534, %parallel_loop3A_535, %parallel_loop3A_536], %parallel_loop3A_532 {strides = array<i32>} : memref<3x80x128xf32, #tpu.memory_space<vmem>>, vector<16xf32>,
        %parallel_loop3A_538 = arith.mulf %parallel_loop3A_531, %parallel_loop3A_523 : vector<16xf32>
        %parallel_loop3A_539 = arith.constant 0 : i32
        %parallel_loop3A_540 = arith.index_cast %parallel_loop3A_539 : i32 to index
        %parallel_loop3A_541 = arith.index_cast %parallel_loop3A_440 : i32 to index
        %parallel_loop3A_542 = arith.constant 16 : index
        %parallel_loop3A_543 = tpu.vector_load %arg13[%parallel_loop3A_540, %parallel_loop3A_541, %parallel_loop3A_542] {strides = array<i32>} : memref<3x80x128xf32, #tpu.memory_space<vmem>>, vector<16xf32>,
        tpu.vector_store %arg13[%parallel_loop3A_540, %parallel_loop3A_541, %parallel_loop3A_542], %parallel_loop3A_538 {strides = array<i32>} : memref<3x80x128xf32, #tpu.memory_space<vmem>>, vector<16xf32>,
        %parallel_loop3A_544 = arith.constant 0 : i32
        %parallel_loop3A_545 = arith.index_cast %parallel_loop3A_544 : i32 to index
        %parallel_loop3A_546 = arith.index_cast %parallel_loop3A_440 : i32 to index
        %parallel_loop3A_547 = arith.constant 80 : index
        %parallel_loop3A_548 = tpu.vector_load %arg12[%parallel_loop3A_545, %parallel_loop3A_546, %parallel_loop3A_547] {strides = array<i32>} : memref<3x80x128xi32, #tpu.memory_space<vmem>>, vector<16xi32>,
        %parallel_loop3A_549 = vector.bitcast %parallel_loop3A_548 : vector<16xi32> to vector<32xbf16>
        %parallel_loop3A_550 = tpu.unpack_subelements %parallel_loop3A_549, 0 {pack_format = #tpu.pack_format<interleaved>} : vector<32xbf16> -> vector<16xf32>
        %parallel_loop3A_551 = tpu.unpack_subelements %parallel_loop3A_549, 1 {pack_format = #tpu.pack_format<interleaved>} : vector<32xbf16> -> vector<16xf32>
        %parallel_loop3A_552 = arith.mulf %parallel_loop3A_550, %parallel_loop3A_523 : vector<16xf32>
        %parallel_loop3A_553 = arith.constant 0 : i32
        %parallel_loop3A_554 = arith.index_cast %parallel_loop3A_553 : i32 to index
        %parallel_loop3A_555 = arith.index_cast %parallel_loop3A_440 : i32 to index
        %parallel_loop3A_556 = arith.constant 32 : index
        %parallel_loop3A_557 = tpu.vector_load %arg13[%parallel_loop3A_554, %parallel_loop3A_555, %parallel_loop3A_556] {strides = array<i32>} : memref<3x80x128xf32, #tpu.memory_space<vmem>>, vector<16xf32>,
        tpu.vector_store %arg13[%parallel_loop3A_554, %parallel_loop3A_555, %parallel_loop3A_556], %parallel_loop3A_552 {strides = array<i32>} : memref<3x80x128xf32, #tpu.memory_space<vmem>>, vector<16xf32>,
        %parallel_loop3A_558 = arith.mulf %parallel_loop3A_551, %parallel_loop3A_523 : vector<16xf32>
        %parallel_loop3A_559 = arith.constant 0 : i32
        %parallel_loop3A_560 = arith.index_cast %parallel_loop3A_559 : i32 to index
        %parallel_loop3A_561 = arith.index_cast %parallel_loop3A_440 : i32 to index
        %parallel_loop3A_562 = arith.constant 48 : index
        %parallel_loop3A_563 = tpu.vector_load %arg13[%parallel_loop3A_560, %parallel_loop3A_561, %parallel_loop3A_562] {strides = array<i32>} : memref<3x80x128xf32, #tpu.memory_space<vmem>>, vector<16xf32>,
        tpu.vector_store %arg13[%parallel_loop3A_560, %parallel_loop3A_561, %parallel_loop3A_562], %parallel_loop3A_558 {strides = array<i32>} : memref<3x80x128xf32, #tpu.memory_space<vmem>>, vector<16xf32>,
        %parallel_loop3A_564 = arith.constant 0 : i32
        %parallel_loop3A_565 = arith.index_cast %parallel_loop3A_564 : i32 to index
        %parallel_loop3A_566 = arith.index_cast %parallel_loop3A_440 : i32 to index
        %parallel_loop3A_567 = arith.constant 96 : index
        %parallel_loop3A_568 = tpu.vector_load %arg12[%parallel_loop3A_565, %parallel_loop3A_566, %parallel_loop3A_567] {strides = array<i32>} : memref<3x80x128xi32, #tpu.memory_space<vmem>>, vector<16xi32>,
        %parallel_loop3A_569 = vector.bitcast %parallel_loop3A_568 : vector<16xi32> to vector<32xbf16>
        %parallel_loop3A_570 = tpu.unpack_subelements %parallel_loop3A_569, 0 {pack_format = #tpu.pack_format<interleaved>} : vector<32xbf16> -> vector<16xf32>
        %parallel_loop3A_571 = tpu.unpack_subelements %parallel_loop3A_569, 1 {pack_format = #tpu.pack_format<interleaved>} : vector<32xbf16> -> vector<16xf32>
        %parallel_loop3A_572 = arith.mulf %parallel_loop3A_570, %parallel_loop3A_523 : vector<16xf32>
        %parallel_loop3A_573 = arith.constant 0 : i32
        %parallel_loop3A_574 = arith.index_cast %parallel_loop3A_573 : i32 to index
        %parallel_loop3A_575 = arith.index_cast %parallel_loop3A_440 : i32 to index
        %parallel_loop3A_576 = arith.constant 64 : index
        %parallel_loop3A_577 = tpu.vector_load %arg13[%parallel_loop3A_574, %parallel_loop3A_575, %parallel_loop3A_576] {strides = array<i32>} : memref<3x80x128xf32, #tpu.memory_space<vmem>>, vector<16xf32>,
        tpu.vector_store %arg13[%parallel_loop3A_574, %parallel_loop3A_575, %parallel_loop3A_576], %parallel_loop3A_572 {strides = array<i32>} : memref<3x80x128xf32, #tpu.memory_space<vmem>>, vector<16xf32>,
        %parallel_loop3A_578 = arith.mulf %parallel_loop3A_571, %parallel_loop3A_523 : vector<16xf32>
        %parallel_loop3A_579 = arith.constant 0 : i32
        %parallel_loop3A_580 = arith.index_cast %parallel_loop3A_579 : i32 to index
        %parallel_loop3A_581 = arith.index_cast %parallel_loop3A_440 : i32 to index
        %parallel_loop3A_582 = arith.constant 80 : index
        %parallel_loop3A_583 = tpu.vector_load %arg13[%parallel_loop3A_580, %parallel_loop3A_581, %parallel_loop3A_582] {strides = array<i32>} : memref<3x80x128xf32, #tpu.memory_space<vmem>>, vector<16xf32>,
        tpu.vector_store %arg13[%parallel_loop3A_580, %parallel_loop3A_581, %parallel_loop3A_582], %parallel_loop3A_578 {strides = array<i32>} : memref<3x80x128xf32, #tpu.memory_space<vmem>>, vector<16xf32>,
        %parallel_loop3A_584 = arith.constant 0 : i32
        %parallel_loop3A_585 = arith.index_cast %parallel_loop3A_584 : i32 to index
        %parallel_loop3A_586 = arith.index_cast %parallel_loop3A_440 : i32 to index
        %parallel_loop3A_587 = arith.constant 112 : index
        %parallel_loop3A_588 = tpu.vector_load %arg12[%parallel_loop3A_585, %parallel_loop3A_586, %parallel_loop3A_587] {strides = array<i32>} : memref<3x80x128xi32, #tpu.memory_space<vmem>>, vector<16xi32>,
        %parallel_loop3A_589 = vector.bitcast %parallel_loop3A_588 : vector<16xi32> to vector<32xbf16>
        %parallel_loop3A_590 = tpu.unpack_subelements %parallel_loop3A_589, 0 {pack_format = #tpu.pack_format<interleaved>} : vector<32xbf16> -> vector<16xf32>
        %parallel_loop3A_591 = tpu.unpack_subelements %parallel_loop3A_589, 1 {pack_format = #tpu.pack_format<interleaved>} : vector<32xbf16> -> vector<16xf32>
        %parallel_loop3A_592 = arith.mulf %parallel_loop3A_590, %parallel_loop3A_523 : vector<16xf32>
        %parallel_loop3A_593 = arith.constant 0 : i32
        %parallel_loop3A_594 = arith.index_cast %parallel_loop3A_593 : i32 to index
        %parallel_loop3A_595 = arith.index_cast %parallel_loop3A_440 : i32 to index
        %parallel_loop3A_596 = arith.constant 96 : index
        %parallel_loop3A_597 = tpu.vector_load %arg13[%parallel_loop3A_594, %parallel_loop3A_595, %parallel_loop3A_596] {strides = array<i32>} : memref<3x80x128xf32, #tpu.memory_space<vmem>>, vector<16xf32>,
        tpu.vector_store %arg13[%parallel_loop3A_594, %parallel_loop3A_595, %parallel_loop3A_596], %parallel_loop3A_592 {strides = array<i32>} : memref<3x80x128xf32, #tpu.memory_space<vmem>>, vector<16xf32>,
        %parallel_loop3A_598 = arith.mulf %parallel_loop3A_591, %parallel_loop3A_523 : vector<16xf32>
        %parallel_loop3A_599 = arith.constant 0 : i32
        %parallel_loop3A_600 = arith.index_cast %parallel_loop3A_599 : i32 to index
        %parallel_loop3A_601 = arith.index_cast %parallel_loop3A_440 : i32 to index
        %parallel_loop3A_602 = arith.constant 112 : index
        %parallel_loop3A_603 = tpu.vector_load %arg13[%parallel_loop3A_600, %parallel_loop3A_601, %parallel_loop3A_602] {strides = array<i32>} : memref<3x80x128xf32, #tpu.memory_space<vmem>>, vector<16xf32>,
        tpu.vector_store %arg13[%parallel_loop3A_600, %parallel_loop3A_601, %parallel_loop3A_602], %parallel_loop3A_598 {strides = array<i32>} : memref<3x80x128xf32, #tpu.memory_space<vmem>>, vector<16xf32>,
      } {sc.loop_unroll_factor = 2 : i64, sc.parallel_access}
      %add3A_281 = arith.constant 0 : i32
      %add3A_282 = arith.addi %mul3A_244, %add3A_281 : i32
      %mul3A_283 = arith.constant 80 : i32
      %mul3A_284 = arith.muli %add3A_282, %mul3A_283 : i32
      %add3A_285 = arith.addi %mul3A_2, %mul3A_284 : i32
      %dma_start3A_286 = arith.constant 0 : i32
      %dma_start3A_287 = arith.constant 0 : i32
      %dma_start3A_288 = arith.constant 0 : i32
      %dma_start3A_289 = tpu.memref_slice %arg13[%dma_start3A_286, %dma_start3A_287, %dma_start3A_288] : memref<3x80x128xf32, #tpu.memory_space<vmem>> -> memref<1x80x128xf32, #tpu.memory_space<vmem>>
      %dma_start3A_290 = tpu.memref_squeeze %dma_start3A_289 : memref<1x80x128xf32, #tpu.memory_space<vmem>> -> memref<80x128xf32, #tpu.memory_space<vmem>>
      %dma_start3A_291 = arith.constant 0 : i32
      %dma_start3A_292 = tpu.memref_slice %arg8[%add3A_285, %dma_start3A_291] : memref<320000x128xf32, #tpu.memory_space<hbm>> -> memref<80x128xf32, #tpu.memory_space<hbm>>
      %dma_start3A_293 = arith.constant 0 : i32
      %dma_start3A_294 = tpu.memref_slice %arg8[%add3A_285, %dma_start3A_293] : memref<320000x128xf32, #tpu.memory_space<hbm>> -> memref<80x128xf32, #tpu.memory_space<hbm>>
      %dma_start3A_295 = arith.constant 0 : i32
      %dma_start3A_296 = arith.constant 0 : i32
      %dma_start3A_297 = tpu.memref_slice %arg13[%dma_start3A_286, %dma_start3A_295, %dma_start3A_296] : memref<3x80x128xf32, #tpu.memory_space<vmem>> -> memref<1x80x128xf32, #tpu.memory_space<vmem>>
      %dma_start3A_298 = tpu.memref_squeeze %dma_start3A_297 : memref<1x80x128xf32, #tpu.memory_space<vmem>> -> memref<80x128xf32, #tpu.memory_space<vmem>>
      tpu.enqueue_dma source(%dma_start3A_298 : memref<80x128xf32, #tpu.memory_space<vmem>>) target(%dma_start3A_294 : memref<80x128xf32, #tpu.memory_space<hbm>>) target_semaphore(%arg19 : memref<!tpu.dma_semaphore, #tpu.memory_space<semaphore_mem>>)
      %add3A_299 = arith.constant 3 : i32
      %add3A_300 = arith.addi %mul3A_244, %add3A_299 : i32
      %add3A_301 = arith.constant 0 : i32
      %add3A_302 = arith.addi %add3A_300, %add3A_301 : i32
      %lt3A = arith.constant 125 : i32
      %lt3A_303 = arith.cmpi slt, %add3A_302, %lt3A : i32
      %convert_element_type3A_304 = arith.extui %lt3A_303 : i1 to i32
      %cond3A_305 = arith.constant 0 : i32
      %cond3A_306 = arith.cmpi ne, %convert_element_type3A_304, %cond3A_305 : i32
      scf.if %cond3A_306 {
        %mul3A_440 = arith.constant 80 : i32
        %mul3A_441 = arith.muli %add3A_302, %mul3A_440 : i32
        %dma_start3A_442 = arith.constant 0 : i32
        %dma_start3A_443 = arith.constant 0 : i32
        %dma_start3A_444 = arith.constant 0 : i32
        %dma_start3A_445 = tpu.memref_slice %arg11[%dma_start3A_442, %dma_start3A_443, %dma_start3A_444] : memref<3x80x64xi32, #tpu.memory_space<vmem>> -> memref<1x80x64xi32, #tpu.memory_space<vmem>>
        %dma_start3A_446 = tpu.memref_squeeze %dma_start3A_445 : memref<1x80x64xi32, #tpu.memory_space<vmem>> -> memref<80x64xi32, #tpu.memory_space<vmem>>
        %dma_start3A_447 = tpu.memref_slice %arg9[%mul3A_441] : memref<10000xi32, #tpu.memory_space<vmem>> -> memref<80xi32, #tpu.memory_space<vmem>>
        %dma_start3A_448 = arith.constant 0 : i32
        %dma_start3A_449 = arith.constant 0 : i32
        %dma_start3A_450 = tpu.memref_slice %arg2[%dma_start3A_448, %dma_start3A_449] : memref<10000x64xi32, #tpu.memory_space<hbm>> -> memref<10000x64xi32, #tpu.memory_space<hbm>>
        tpu.enqueue_indirect_dma source(%dma_start3A_450 : memref<10000x64xi32, #tpu.memory_space<hbm>>) target(%dma_start3A_446 : memref<80x64xi32, #tpu.memory_space<vmem>>) offsets(%dma_start3A_447 : memref<80xi32, #tpu.memory_space<vmem>>) semaphore(%arg16 : memref<!tpu.dma_semaphore, #tpu.memory_space<semaphore_mem>>)
        %dma_start3A_451 = arith.constant 0 : i32
        %dma_start3A_452 = arith.constant 0 : i32
        %dma_start3A_453 = arith.constant 0 : i32
        %dma_start3A_454 = tpu.memref_slice %arg12[%dma_start3A_451, %dma_start3A_452, %dma_start3A_453] : memref<3x80x128xi32, #tpu.memory_space<vmem>> -> memref<1x80x128xi32, #tpu.memory_space<vmem>>
        %dma_start3A_455 = tpu.memref_squeeze %dma_start3A_454 : memref<1x80x128xi32, #tpu.memory_space<vmem>> -> memref<80x128xi32, #tpu.memory_space<vmem>>
        %dma_start3A_456 = tpu.memref_slice %arg10[%mul3A_441] : memref<10000xi32, #tpu.memory_space<vmem>> -> memref<80xi32, #tpu.memory_space<vmem>>
        %dma_start3A_457 = arith.constant 0 : i32
        %dma_start3A_458 = arith.constant 0 : i32
        %dma_start3A_459 = tpu.memref_slice %arg3[%dma_start3A_457, %dma_start3A_458] : memref<10000x128xi32, #tpu.memory_space<hbm>> -> memref<10000x128xi32, #tpu.memory_space<hbm>>
        tpu.enqueue_indirect_dma source(%dma_start3A_459 : memref<10000x128xi32, #tpu.memory_space<hbm>>) target(%dma_start3A_455 : memref<80x128xi32, #tpu.memory_space<vmem>>) offsets(%dma_start3A_456 : memref<80xi32, #tpu.memory_space<vmem>>) semaphore(%arg16 : memref<!tpu.dma_semaphore, #tpu.memory_space<semaphore_mem>>)
      } else {
      }
      %dma_wait3A_307 = arith.constant 1 : i32
      %dma_wait3A_308 = arith.constant 0 : i32
      %dma_wait3A_309 = arith.constant 0 : i32
      %dma_wait3A_310 = tpu.memref_slice %arg11[%dma_wait3A_307, %dma_wait3A_308, %dma_wait3A_309] : memref<3x80x64xi32, #tpu.memory_space<vmem>> -> memref<1x80x64xi32, #tpu.memory_space<vmem>>
      %dma_wait3A_311 = tpu.memref_squeeze %dma_wait3A_310 : memref<1x80x64xi32, #tpu.memory_space<vmem>> -> memref<80x64xi32, #tpu.memory_space<vmem>>
      %dma_wait3A_312 = arith.constant 0 : i32
      %dma_wait3A_313 = arith.constant 0 : i32
      %dma_wait3A_314 = tpu.memref_slice %arg2[%dma_wait3A_312, %dma_wait3A_313] : memref<10000x64xi32, #tpu.memory_space<hbm>> -> memref<80x64xi32, #tpu.memory_space<hbm>>
      %dma_wait3A_315 = arith.constant 0 : i32
      %dma_wait3A_316 = arith.constant 0 : i32
      %dma_wait3A_317 = tpu.memref_slice %arg11[%dma_wait3A_307, %dma_wait3A_315, %dma_wait3A_316] : memref<3x80x64xi32, #tpu.memory_space<vmem>> -> memref<1x80x64xi32, #tpu.memory_space<vmem>>
      %dma_wait3A_318 = tpu.memref_squeeze %dma_wait3A_317 : memref<1x80x64xi32, #tpu.memory_space<vmem>> -> memref<80x64xi32, #tpu.memory_space<vmem>>
      %dma_wait3A_319 = arith.constant 0 : i32
      %dma_wait3A_320 = arith.constant 0 : i32
      %dma_wait3A_321 = tpu.memref_slice %arg2[%dma_wait3A_319, %dma_wait3A_320] : memref<10000x64xi32, #tpu.memory_space<hbm>> -> memref<80x64xi32, #tpu.memory_space<hbm>>
      tpu.wait_dma2 semaphore(%arg17 : memref<!tpu.dma_semaphore, #tpu.memory_space<semaphore_mem>>) src(%dma_wait3A_321 : memref<80x64xi32, #tpu.memory_space<hbm>>) dst(%dma_wait3A_318 : memref<80x64xi32, #tpu.memory_space<vmem>>)
      %dma_wait3A_322 = arith.constant 1 : i32
      %dma_wait3A_323 = arith.constant 0 : i32
      %dma_wait3A_324 = arith.constant 0 : i32
      %dma_wait3A_325 = tpu.memref_slice %arg12[%dma_wait3A_322, %dma_wait3A_323, %dma_wait3A_324] : memref<3x80x128xi32, #tpu.memory_space<vmem>> -> memref<1x80x128xi32, #tpu.memory_space<vmem>>
      %dma_wait3A_326 = tpu.memref_squeeze %dma_wait3A_325 : memref<1x80x128xi32, #tpu.memory_space<vmem>> -> memref<80x128xi32, #tpu.memory_space<vmem>>
      %dma_wait3A_327 = arith.constant 0 : i32
      %dma_wait3A_328 = arith.constant 0 : i32
      %dma_wait3A_329 = tpu.memref_slice %arg3[%dma_wait3A_327, %dma_wait3A_328] : memref<10000x128xi32, #tpu.memory_space<hbm>> -> memref<80x128xi32, #tpu.memory_space<hbm>>
      %dma_wait3A_330 = arith.constant 0 : i32
      %dma_wait3A_331 = arith.constant 0 : i32
      %dma_wait3A_332 = tpu.memref_slice %arg12[%dma_wait3A_322, %dma_wait3A_330, %dma_wait3A_331] : memref<3x80x128xi32, #tpu.memory_space<vmem>> -> memref<1x80x128xi32, #tpu.memory_space<vmem>>
      %dma_wait3A_333 = tpu.memref_squeeze %dma_wait3A_332 : memref<1x80x128xi32, #tpu.memory_space<vmem>> -> memref<80x128xi32, #tpu.memory_space<vmem>>
      %dma_wait3A_334 = arith.constant 0 : i32
      %dma_wait3A_335 = arith.constant 0 : i32
      %dma_wait3A_336 = tpu.memref_slice %arg3[%dma_wait3A_334, %dma_wait3A_335] : memref<10000x128xi32, #tpu.memory_space<hbm>> -> memref<80x128xi32, #tpu.memory_space<hbm>>
      tpu.wait_dma2 semaphore(%arg17 : memref<!tpu.dma_semaphore, #tpu.memory_space<semaphore_mem>>) src(%dma_wait3A_336 : memref<80x128xi32, #tpu.memory_space<hbm>>) dst(%dma_wait3A_333 : memref<80x128xi32, #tpu.memory_space<vmem>>)
      %gt3A_337 = arith.constant 0 : i32
      %gt3A_338 = arith.cmpi sgt, %scan3A_241, %gt3A_337 : i32
      %convert_element_type3A_339 = arith.extui %gt3A_338 : i1 to i32
      %cond3A_340 = arith.constant 0 : i32
      %cond3A_341 = arith.cmpi ne, %convert_element_type3A_339, %cond3A_340 : i32
      scf.if %cond3A_341 {
        %dma_wait3A_440 = arith.constant 1 : i32
        %dma_wait3A_441 = arith.constant 0 : i32
        %dma_wait3A_442 = arith.constant 0 : i32
        %dma_wait3A_443 = tpu.memref_slice %arg13[%dma_wait3A_440, %dma_wait3A_441, %dma_wait3A_442] : memref<3x80x128xf32, #tpu.memory_space<vmem>> -> memref<1x80x128xf32, #tpu.memory_space<vmem>>
        %dma_wait3A_444 = tpu.memref_squeeze %dma_wait3A_443 : memref<1x80x128xf32, #tpu.memory_space<vmem>> -> memref<80x128xf32, #tpu.memory_space<vmem>>
        %dma_wait3A_445 = arith.constant 0 : i32
        %dma_wait3A_446 = tpu.memref_slice %arg8[%mul3A_2, %dma_wait3A_445] : memref<320000x128xf32, #tpu.memory_space<hbm>> -> memref<80x128xf32, #tpu.memory_space<hbm>>
        %dma_wait3A_447 = arith.constant 0 : i32
        %dma_wait3A_448 = tpu.memref_slice %arg8[%mul3A_2, %dma_wait3A_447] : memref<320000x128xf32, #tpu.memory_space<hbm>> -> memref<80x128xf32, #tpu.memory_space<hbm>>
        %dma_wait3A_449 = arith.constant 0 : i32
        %dma_wait3A_450 = arith.constant 0 : i32
        %dma_wait3A_451 = tpu.memref_slice %arg13[%dma_wait3A_440, %dma_wait3A_449, %dma_wait3A_450] : memref<3x80x128xf32, #tpu.memory_space<vmem>> -> memref<1x80x128xf32, #tpu.memory_space<vmem>>
        %dma_wait3A_452 = tpu.memref_squeeze %dma_wait3A_451 : memref<1x80x128xf32, #tpu.memory_space<vmem>> -> memref<80x128xf32, #tpu.memory_space<vmem>>
        tpu.wait_dma2 semaphore(%arg20 : memref<!tpu.dma_semaphore, #tpu.memory_space<semaphore_mem>>) src(%dma_wait3A_452 : memref<80x128xf32, #tpu.memory_space<vmem>>) dst(%dma_wait3A_448 : memref<80x128xf32, #tpu.memory_space<hbm>>)
      } else {
      }
      %parallel_loop3A_342 = arith.constant 0 : i32
      %parallel_loop3A_343 = arith.constant 80 : i32
      %parallel_loop3A_344 = arith.constant 1 : i32
      %parallel_loop3A_345 = arith.constant 0.000000e+00 : bf16
      scf.for %parallel_loop3A_440 = %parallel_loop3A_342 to %parallel_loop3A_343 step %parallel_loop3A_344  : i32 {
        %parallel_loop3A_441 = arith.constant 1 : i32
        %parallel_loop3A_442 = arith.index_cast %parallel_loop3A_441 : i32 to index
        %parallel_loop3A_443 = arith.index_cast %parallel_loop3A_440 : i32 to index
        %parallel_loop3A_444 = arith.constant 0 : index
        %parallel_loop3A_445 = tpu.vector_load %arg11[%parallel_loop3A_442, %parallel_loop3A_443, %parallel_loop3A_444] {strides = array<i32>} : memref<3x80x64xi32, #tpu.memory_space<vmem>>, vector<16xi32>,
        %parallel_loop3A_446 = vector.bitcast %parallel_loop3A_445 : vector<16xi32> to vector<32xbf16>
        %parallel_loop3A_447 = arith.constant 1 : i32
        %parallel_loop3A_448 = arith.index_cast %parallel_loop3A_447 : i32 to index
        %parallel_loop3A_449 = arith.index_cast %parallel_loop3A_440 : i32 to index
        %parallel_loop3A_450 = arith.constant 0 : index
        %parallel_loop3A_451 = tpu.vector_load %arg12[%parallel_loop3A_448, %parallel_loop3A_449, %parallel_loop3A_450] {strides = array<i32>} : memref<3x80x128xi32, #tpu.memory_space<vmem>>, vector<16xi32>,
        %parallel_loop3A_452 = vector.bitcast %parallel_loop3A_451 : vector<16xi32> to vector<32xbf16>
        %parallel_loop3A_453 = arith.subf %parallel_loop3A_446, %parallel_loop3A_452 : vector<32xbf16>
        %parallel_loop3A_454 = vector.broadcast %parallel_loop3A_345 : bf16 to vector<32xbf16>
        %parallel_loop3A_455 = arith.maximumf %parallel_loop3A_453, %parallel_loop3A_454 : vector<32xbf16>
        %parallel_loop3A_456 = arith.mulf %parallel_loop3A_455, %bitcast3A : vector<32xbf16>
        %parallel_loop3A_457 = arith.constant 1 : i32
        %parallel_loop3A_458 = arith.index_cast %parallel_loop3A_457 : i32 to index
        %parallel_loop3A_459 = arith.index_cast %parallel_loop3A_440 : i32 to index
        %parallel_loop3A_460 = arith.constant 16 : index
        %parallel_loop3A_461 = tpu.vector_load %arg11[%parallel_loop3A_458, %parallel_loop3A_459, %parallel_loop3A_460] {strides = array<i32>} : memref<3x80x64xi32, #tpu.memory_space<vmem>>, vector<16xi32>,
        %parallel_loop3A_462 = vector.bitcast %parallel_loop3A_461 : vector<16xi32> to vector<32xbf16>
        %parallel_loop3A_463 = arith.constant 1 : i32
        %parallel_loop3A_464 = arith.index_cast %parallel_loop3A_463 : i32 to index
        %parallel_loop3A_465 = arith.index_cast %parallel_loop3A_440 : i32 to index
        %parallel_loop3A_466 = arith.constant 16 : index
        %parallel_loop3A_467 = tpu.vector_load %arg12[%parallel_loop3A_464, %parallel_loop3A_465, %parallel_loop3A_466] {strides = array<i32>} : memref<3x80x128xi32, #tpu.memory_space<vmem>>, vector<16xi32>,
        %parallel_loop3A_468 = vector.bitcast %parallel_loop3A_467 : vector<16xi32> to vector<32xbf16>
        %parallel_loop3A_469 = arith.subf %parallel_loop3A_462, %parallel_loop3A_468 : vector<32xbf16>
        %parallel_loop3A_470 = vector.broadcast %parallel_loop3A_345 : bf16 to vector<32xbf16>
        %parallel_loop3A_471 = arith.maximumf %parallel_loop3A_469, %parallel_loop3A_470 : vector<32xbf16>
        %parallel_loop3A_472 = arith.mulf %parallel_loop3A_471, %bitcast3A_8 : vector<32xbf16>
        %parallel_loop3A_473 = arith.addf %parallel_loop3A_456, %parallel_loop3A_472 : vector<32xbf16>
        %parallel_loop3A_474 = arith.constant 1 : i32
        %parallel_loop3A_475 = arith.index_cast %parallel_loop3A_474 : i32 to index
        %parallel_loop3A_476 = arith.index_cast %parallel_loop3A_440 : i32 to index
        %parallel_loop3A_477 = arith.constant 32 : index
        %parallel_loop3A_478 = tpu.vector_load %arg11[%parallel_loop3A_475, %parallel_loop3A_476, %parallel_loop3A_477] {strides = array<i32>} : memref<3x80x64xi32, #tpu.memory_space<vmem>>, vector<16xi32>,
        %parallel_loop3A_479 = vector.bitcast %parallel_loop3A_478 : vector<16xi32> to vector<32xbf16>
        %parallel_loop3A_480 = arith.constant 1 : i32
        %parallel_loop3A_481 = arith.index_cast %parallel_loop3A_480 : i32 to index
        %parallel_loop3A_482 = arith.index_cast %parallel_loop3A_440 : i32 to index
        %parallel_loop3A_483 = arith.constant 32 : index
        %parallel_loop3A_484 = tpu.vector_load %arg12[%parallel_loop3A_481, %parallel_loop3A_482, %parallel_loop3A_483] {strides = array<i32>} : memref<3x80x128xi32, #tpu.memory_space<vmem>>, vector<16xi32>,
        %parallel_loop3A_485 = vector.bitcast %parallel_loop3A_484 : vector<16xi32> to vector<32xbf16>
        %parallel_loop3A_486 = arith.subf %parallel_loop3A_479, %parallel_loop3A_485 : vector<32xbf16>
        %parallel_loop3A_487 = vector.broadcast %parallel_loop3A_345 : bf16 to vector<32xbf16>
        %parallel_loop3A_488 = arith.maximumf %parallel_loop3A_486, %parallel_loop3A_487 : vector<32xbf16>
        %parallel_loop3A_489 = arith.mulf %parallel_loop3A_488, %bitcast3A_11 : vector<32xbf16>
        %parallel_loop3A_490 = arith.addf %parallel_loop3A_473, %parallel_loop3A_489 : vector<32xbf16>
        %parallel_loop3A_491 = arith.constant 1 : i32
        %parallel_loop3A_492 = arith.index_cast %parallel_loop3A_491 : i32 to index
        %parallel_loop3A_493 = arith.index_cast %parallel_loop3A_440 : i32 to index
        %parallel_loop3A_494 = arith.constant 48 : index
        %parallel_loop3A_495 = tpu.vector_load %arg11[%parallel_loop3A_492, %parallel_loop3A_493, %parallel_loop3A_494] {strides = array<i32>} : memref<3x80x64xi32, #tpu.memory_space<vmem>>, vector<16xi32>,
        %parallel_loop3A_496 = vector.bitcast %parallel_loop3A_495 : vector<16xi32> to vector<32xbf16>
        %parallel_loop3A_497 = arith.constant 1 : i32
        %parallel_loop3A_498 = arith.index_cast %parallel_loop3A_497 : i32 to index
        %parallel_loop3A_499 = arith.index_cast %parallel_loop3A_440 : i32 to index
        %parallel_loop3A_500 = arith.constant 48 : index
        %parallel_loop3A_501 = tpu.vector_load %arg12[%parallel_loop3A_498, %parallel_loop3A_499, %parallel_loop3A_500] {strides = array<i32>} : memref<3x80x128xi32, #tpu.memory_space<vmem>>, vector<16xi32>,
        %parallel_loop3A_502 = vector.bitcast %parallel_loop3A_501 : vector<16xi32> to vector<32xbf16>
        %parallel_loop3A_503 = arith.subf %parallel_loop3A_496, %parallel_loop3A_502 : vector<32xbf16>
        %parallel_loop3A_504 = vector.broadcast %parallel_loop3A_345 : bf16 to vector<32xbf16>
        %parallel_loop3A_505 = arith.maximumf %parallel_loop3A_503, %parallel_loop3A_504 : vector<32xbf16>
        %parallel_loop3A_506 = arith.mulf %parallel_loop3A_505, %bitcast3A_14 : vector<32xbf16>
        %parallel_loop3A_507 = arith.addf %parallel_loop3A_490, %parallel_loop3A_506 : vector<32xbf16>
        %parallel_loop3A_508 = tpu.unpack_subelements %parallel_loop3A_507, 0 {pack_format = #tpu.pack_format<interleaved>} : vector<32xbf16> -> vector<16xf32>
        %parallel_loop3A_509 = tpu.unpack_subelements %parallel_loop3A_507, 1 {pack_format = #tpu.pack_format<interleaved>} : vector<32xbf16> -> vector<16xf32>
        %parallel_loop3A_510 = arith.addf %parallel_loop3A_508, %parallel_loop3A_509 : vector<16xf32>
        %parallel_loop3A_511 = arith.constant true
        %parallel_loop3A_512 = vector.broadcast %parallel_loop3A_511 : i1 to vector<16xi1>
        %parallel_loop3A_513 = tpu.scan <sum>, %parallel_loop3A_510 masked %parallel_loop3A_512 : vector<16xf32>, vector<16xi1> -> vector<16xf32>
        %parallel_loop3A_514 = vector.extract %parallel_loop3A_513[15] : f32 from vector<16xf32>
        %parallel_loop3A_515 = vector.broadcast %parallel_loop3A_514 : f32 to vector<16xf32>
        %parallel_loop3A_516 = arith.addf %parallel_loop3A_515, %get3A_3 : vector<16xf32>
        %parallel_loop3A_517 = arith.constant 0.000000e+00 : f32
        %parallel_loop3A_518 = vector.broadcast %parallel_loop3A_517 : f32 to vector<16xf32>
        %parallel_loop3A_519 = arith.maximumf %parallel_loop3A_516, %parallel_loop3A_518 : vector<16xf32>
        %parallel_loop3A_520 = arith.constant 0.000000e+00 : f32
        %parallel_loop3A_521 = vector.broadcast %parallel_loop3A_520 : f32 to vector<16xf32>
        %parallel_loop3A_522 = arith.subf %parallel_loop3A_521, %parallel_loop3A_519 : vector<16xf32>
        %parallel_loop3A_523 = math.exp %parallel_loop3A_522 : vector<16xf32>
        %parallel_loop3A_524 = arith.constant 1 : i32
        %parallel_loop3A_525 = arith.index_cast %parallel_loop3A_524 : i32 to index
        %parallel_loop3A_526 = arith.index_cast %parallel_loop3A_440 : i32 to index
        %parallel_loop3A_527 = arith.constant 64 : index
        %parallel_loop3A_528 = tpu.vector_load %arg12[%parallel_loop3A_525, %parallel_loop3A_526, %parallel_loop3A_527] {strides = array<i32>} : memref<3x80x128xi32, #tpu.memory_space<vmem>>, vector<16xi32>,
        %parallel_loop3A_529 = vector.bitcast %parallel_loop3A_528 : vector<16xi32> to vector<32xbf16>
        %parallel_loop3A_530 = tpu.unpack_subelements %parallel_loop3A_529, 0 {pack_format = #tpu.pack_format<interleaved>} : vector<32xbf16> -> vector<16xf32>
        %parallel_loop3A_531 = tpu.unpack_subelements %parallel_loop3A_529, 1 {pack_format = #tpu.pack_format<interleaved>} : vector<32xbf16> -> vector<16xf32>
        %parallel_loop3A_532 = arith.mulf %parallel_loop3A_530, %parallel_loop3A_523 : vector<16xf32>
        %parallel_loop3A_533 = arith.constant 1 : i32
        %parallel_loop3A_534 = arith.index_cast %parallel_loop3A_533 : i32 to index
        %parallel_loop3A_535 = arith.index_cast %parallel_loop3A_440 : i32 to index
        %parallel_loop3A_536 = arith.constant 0 : index
        %parallel_loop3A_537 = tpu.vector_load %arg13[%parallel_loop3A_534, %parallel_loop3A_535, %parallel_loop3A_536] {strides = array<i32>} : memref<3x80x128xf32, #tpu.memory_space<vmem>>, vector<16xf32>,
        tpu.vector_store %arg13[%parallel_loop3A_534, %parallel_loop3A_535, %parallel_loop3A_536], %parallel_loop3A_532 {strides = array<i32>} : memref<3x80x128xf32, #tpu.memory_space<vmem>>, vector<16xf32>,
        %parallel_loop3A_538 = arith.mulf %parallel_loop3A_531, %parallel_loop3A_523 : vector<16xf32>
        %parallel_loop3A_539 = arith.constant 1 : i32
        %parallel_loop3A_540 = arith.index_cast %parallel_loop3A_539 : i32 to index
        %parallel_loop3A_541 = arith.index_cast %parallel_loop3A_440 : i32 to index
        %parallel_loop3A_542 = arith.constant 16 : index
        %parallel_loop3A_543 = tpu.vector_load %arg13[%parallel_loop3A_540, %parallel_loop3A_541, %parallel_loop3A_542] {strides = array<i32>} : memref<3x80x128xf32, #tpu.memory_space<vmem>>, vector<16xf32>,
        tpu.vector_store %arg13[%parallel_loop3A_540, %parallel_loop3A_541, %parallel_loop3A_542], %parallel_loop3A_538 {strides = array<i32>} : memref<3x80x128xf32, #tpu.memory_space<vmem>>, vector<16xf32>,
        %parallel_loop3A_544 = arith.constant 1 : i32
        %parallel_loop3A_545 = arith.index_cast %parallel_loop3A_544 : i32 to index
        %parallel_loop3A_546 = arith.index_cast %parallel_loop3A_440 : i32 to index
        %parallel_loop3A_547 = arith.constant 80 : index
        %parallel_loop3A_548 = tpu.vector_load %arg12[%parallel_loop3A_545, %parallel_loop3A_546, %parallel_loop3A_547] {strides = array<i32>} : memref<3x80x128xi32, #tpu.memory_space<vmem>>, vector<16xi32>,
        %parallel_loop3A_549 = vector.bitcast %parallel_loop3A_548 : vector<16xi32> to vector<32xbf16>
        %parallel_loop3A_550 = tpu.unpack_subelements %parallel_loop3A_549, 0 {pack_format = #tpu.pack_format<interleaved>} : vector<32xbf16> -> vector<16xf32>
        %parallel_loop3A_551 = tpu.unpack_subelements %parallel_loop3A_549, 1 {pack_format = #tpu.pack_format<interleaved>} : vector<32xbf16> -> vector<16xf32>
        %parallel_loop3A_552 = arith.mulf %parallel_loop3A_550, %parallel_loop3A_523 : vector<16xf32>
        %parallel_loop3A_553 = arith.constant 1 : i32
        %parallel_loop3A_554 = arith.index_cast %parallel_loop3A_553 : i32 to index
        %parallel_loop3A_555 = arith.index_cast %parallel_loop3A_440 : i32 to index
        %parallel_loop3A_556 = arith.constant 32 : index
        %parallel_loop3A_557 = tpu.vector_load %arg13[%parallel_loop3A_554, %parallel_loop3A_555, %parallel_loop3A_556] {strides = array<i32>} : memref<3x80x128xf32, #tpu.memory_space<vmem>>, vector<16xf32>,
        tpu.vector_store %arg13[%parallel_loop3A_554, %parallel_loop3A_555, %parallel_loop3A_556], %parallel_loop3A_552 {strides = array<i32>} : memref<3x80x128xf32, #tpu.memory_space<vmem>>, vector<16xf32>,
        %parallel_loop3A_558 = arith.mulf %parallel_loop3A_551, %parallel_loop3A_523 : vector<16xf32>
        %parallel_loop3A_559 = arith.constant 1 : i32
        %parallel_loop3A_560 = arith.index_cast %parallel_loop3A_559 : i32 to index
        %parallel_loop3A_561 = arith.index_cast %parallel_loop3A_440 : i32 to index
        %parallel_loop3A_562 = arith.constant 48 : index
        %parallel_loop3A_563 = tpu.vector_load %arg13[%parallel_loop3A_560, %parallel_loop3A_561, %parallel_loop3A_562] {strides = array<i32>} : memref<3x80x128xf32, #tpu.memory_space<vmem>>, vector<16xf32>,
        tpu.vector_store %arg13[%parallel_loop3A_560, %parallel_loop3A_561, %parallel_loop3A_562], %parallel_loop3A_558 {strides = array<i32>} : memref<3x80x128xf32, #tpu.memory_space<vmem>>, vector<16xf32>,
        %parallel_loop3A_564 = arith.constant 1 : i32
        %parallel_loop3A_565 = arith.index_cast %parallel_loop3A_564 : i32 to index
        %parallel_loop3A_566 = arith.index_cast %parallel_loop3A_440 : i32 to index
        %parallel_loop3A_567 = arith.constant 96 : index
        %parallel_loop3A_568 = tpu.vector_load %arg12[%parallel_loop3A_565, %parallel_loop3A_566, %parallel_loop3A_567] {strides = array<i32>} : memref<3x80x128xi32, #tpu.memory_space<vmem>>, vector<16xi32>,
        %parallel_loop3A_569 = vector.bitcast %parallel_loop3A_568 : vector<16xi32> to vector<32xbf16>
        %parallel_loop3A_570 = tpu.unpack_subelements %parallel_loop3A_569, 0 {pack_format = #tpu.pack_format<interleaved>} : vector<32xbf16> -> vector<16xf32>
        %parallel_loop3A_571 = tpu.unpack_subelements %parallel_loop3A_569, 1 {pack_format = #tpu.pack_format<interleaved>} : vector<32xbf16> -> vector<16xf32>
        %parallel_loop3A_572 = arith.mulf %parallel_loop3A_570, %parallel_loop3A_523 : vector<16xf32>
        %parallel_loop3A_573 = arith.constant 1 : i32
        %parallel_loop3A_574 = arith.index_cast %parallel_loop3A_573 : i32 to index
        %parallel_loop3A_575 = arith.index_cast %parallel_loop3A_440 : i32 to index
        %parallel_loop3A_576 = arith.constant 64 : index
        %parallel_loop3A_577 = tpu.vector_load %arg13[%parallel_loop3A_574, %parallel_loop3A_575, %parallel_loop3A_576] {strides = array<i32>} : memref<3x80x128xf32, #tpu.memory_space<vmem>>, vector<16xf32>,
        tpu.vector_store %arg13[%parallel_loop3A_574, %parallel_loop3A_575, %parallel_loop3A_576], %parallel_loop3A_572 {strides = array<i32>} : memref<3x80x128xf32, #tpu.memory_space<vmem>>, vector<16xf32>,
        %parallel_loop3A_578 = arith.mulf %parallel_loop3A_571, %parallel_loop3A_523 : vector<16xf32>
        %parallel_loop3A_579 = arith.constant 1 : i32
        %parallel_loop3A_580 = arith.index_cast %parallel_loop3A_579 : i32 to index
        %parallel_loop3A_581 = arith.index_cast %parallel_loop3A_440 : i32 to index
        %parallel_loop3A_582 = arith.constant 80 : index
        %parallel_loop3A_583 = tpu.vector_load %arg13[%parallel_loop3A_580, %parallel_loop3A_581, %parallel_loop3A_582] {strides = array<i32>} : memref<3x80x128xf32, #tpu.memory_space<vmem>>, vector<16xf32>,
        tpu.vector_store %arg13[%parallel_loop3A_580, %parallel_loop3A_581, %parallel_loop3A_582], %parallel_loop3A_578 {strides = array<i32>} : memref<3x80x128xf32, #tpu.memory_space<vmem>>, vector<16xf32>,
        %parallel_loop3A_584 = arith.constant 1 : i32
        %parallel_loop3A_585 = arith.index_cast %parallel_loop3A_584 : i32 to index
        %parallel_loop3A_586 = arith.index_cast %parallel_loop3A_440 : i32 to index
        %parallel_loop3A_587 = arith.constant 112 : index
        %parallel_loop3A_588 = tpu.vector_load %arg12[%parallel_loop3A_585, %parallel_loop3A_586, %parallel_loop3A_587] {strides = array<i32>} : memref<3x80x128xi32, #tpu.memory_space<vmem>>, vector<16xi32>,
        %parallel_loop3A_589 = vector.bitcast %parallel_loop3A_588 : vector<16xi32> to vector<32xbf16>
        %parallel_loop3A_590 = tpu.unpack_subelements %parallel_loop3A_589, 0 {pack_format = #tpu.pack_format<interleaved>} : vector<32xbf16> -> vector<16xf32>
        %parallel_loop3A_591 = tpu.unpack_subelements %parallel_loop3A_589, 1 {pack_format = #tpu.pack_format<interleaved>} : vector<32xbf16> -> vector<16xf32>
        %parallel_loop3A_592 = arith.mulf %parallel_loop3A_590, %parallel_loop3A_523 : vector<16xf32>
        %parallel_loop3A_593 = arith.constant 1 : i32
        %parallel_loop3A_594 = arith.index_cast %parallel_loop3A_593 : i32 to index
        %parallel_loop3A_595 = arith.index_cast %parallel_loop3A_440 : i32 to index
        %parallel_loop3A_596 = arith.constant 96 : index
        %parallel_loop3A_597 = tpu.vector_load %arg13[%parallel_loop3A_594, %parallel_loop3A_595, %parallel_loop3A_596] {strides = array<i32>} : memref<3x80x128xf32, #tpu.memory_space<vmem>>, vector<16xf32>,
        tpu.vector_store %arg13[%parallel_loop3A_594, %parallel_loop3A_595, %parallel_loop3A_596], %parallel_loop3A_592 {strides = array<i32>} : memref<3x80x128xf32, #tpu.memory_space<vmem>>, vector<16xf32>,
        %parallel_loop3A_598 = arith.mulf %parallel_loop3A_591, %parallel_loop3A_523 : vector<16xf32>
        %parallel_loop3A_599 = arith.constant 1 : i32
        %parallel_loop3A_600 = arith.index_cast %parallel_loop3A_599 : i32 to index
        %parallel_loop3A_601 = arith.index_cast %parallel_loop3A_440 : i32 to index
        %parallel_loop3A_602 = arith.constant 112 : index
        %parallel_loop3A_603 = tpu.vector_load %arg13[%parallel_loop3A_600, %parallel_loop3A_601, %parallel_loop3A_602] {strides = array<i32>} : memref<3x80x128xf32, #tpu.memory_space<vmem>>, vector<16xf32>,
        tpu.vector_store %arg13[%parallel_loop3A_600, %parallel_loop3A_601, %parallel_loop3A_602], %parallel_loop3A_598 {strides = array<i32>} : memref<3x80x128xf32, #tpu.memory_space<vmem>>, vector<16xf32>,
      } {sc.loop_unroll_factor = 2 : i64, sc.parallel_access}
      %add3A_346 = arith.constant 1 : i32
      %add3A_347 = arith.addi %mul3A_244, %add3A_346 : i32
      %mul3A_348 = arith.constant 80 : i32
      %mul3A_349 = arith.muli %add3A_347, %mul3A_348 : i32
      %add3A_350 = arith.addi %mul3A_2, %mul3A_349 : i32
      %dma_start3A_351 = arith.constant 1 : i32
      %dma_start3A_352 = arith.constant 0 : i32
      %dma_start3A_353 = arith.constant 0 : i32
      %dma_start3A_354 = tpu.memref_slice %arg13[%dma_start3A_351, %dma_start3A_352, %dma_start3A_353] : memref<3x80x128xf32, #tpu.memory_space<vmem>> -> memref<1x80x128xf32, #tpu.memory_space<vmem>>
      %dma_start3A_355 = tpu.memref_squeeze %dma_start3A_354 : memref<1x80x128xf32, #tpu.memory_space<vmem>> -> memref<80x128xf32, #tpu.memory_space<vmem>>
      %dma_start3A_356 = arith.constant 0 : i32
      %dma_start3A_357 = tpu.memref_slice %arg8[%add3A_350, %dma_start3A_356] : memref<320000x128xf32, #tpu.memory_space<hbm>> -> memref<80x128xf32, #tpu.memory_space<hbm>>
      %dma_start3A_358 = arith.constant 0 : i32
      %dma_start3A_359 = tpu.memref_slice %arg8[%add3A_350, %dma_start3A_358] : memref<320000x128xf32, #tpu.memory_space<hbm>> -> memref<80x128xf32, #tpu.memory_space<hbm>>
      %dma_start3A_360 = arith.constant 0 : i32
      %dma_start3A_361 = arith.constant 0 : i32
      %dma_start3A_362 = tpu.memref_slice %arg13[%dma_start3A_351, %dma_start3A_360, %dma_start3A_361] : memref<3x80x128xf32, #tpu.memory_space<vmem>> -> memref<1x80x128xf32, #tpu.memory_space<vmem>>
      %dma_start3A_363 = tpu.memref_squeeze %dma_start3A_362 : memref<1x80x128xf32, #tpu.memory_space<vmem>> -> memref<80x128xf32, #tpu.memory_space<vmem>>
      tpu.enqueue_dma source(%dma_start3A_363 : memref<80x128xf32, #tpu.memory_space<vmem>>) target(%dma_start3A_359 : memref<80x128xf32, #tpu.memory_space<hbm>>) target_semaphore(%arg20 : memref<!tpu.dma_semaphore, #tpu.memory_space<semaphore_mem>>)
      %add3A_364 = arith.constant 3 : i32
      %add3A_365 = arith.addi %mul3A_244, %add3A_364 : i32
      %add3A_366 = arith.constant 1 : i32
      %add3A_367 = arith.addi %add3A_365, %add3A_366 : i32
      %lt3A_368 = arith.constant 125 : i32
      %lt3A_369 = arith.cmpi slt, %add3A_367, %lt3A_368 : i32
      %convert_element_type3A_370 = arith.extui %lt3A_369 : i1 to i32
      %cond3A_371 = arith.constant 0 : i32
      %cond3A_372 = arith.cmpi ne, %convert_element_type3A_370, %cond3A_371 : i32
      scf.if %cond3A_372 {
        %mul3A_440 = arith.constant 80 : i32
        %mul3A_441 = arith.muli %add3A_367, %mul3A_440 : i32
        %dma_start3A_442 = arith.constant 1 : i32
        %dma_start3A_443 = arith.constant 0 : i32
        %dma_start3A_444 = arith.constant 0 : i32
        %dma_start3A_445 = tpu.memref_slice %arg11[%dma_start3A_442, %dma_start3A_443, %dma_start3A_444] : memref<3x80x64xi32, #tpu.memory_space<vmem>> -> memref<1x80x64xi32, #tpu.memory_space<vmem>>
        %dma_start3A_446 = tpu.memref_squeeze %dma_start3A_445 : memref<1x80x64xi32, #tpu.memory_space<vmem>> -> memref<80x64xi32, #tpu.memory_space<vmem>>
        %dma_start3A_447 = tpu.memref_slice %arg9[%mul3A_441] : memref<10000xi32, #tpu.memory_space<vmem>> -> memref<80xi32, #tpu.memory_space<vmem>>
        %dma_start3A_448 = arith.constant 0 : i32
        %dma_start3A_449 = arith.constant 0 : i32
        %dma_start3A_450 = tpu.memref_slice %arg2[%dma_start3A_448, %dma_start3A_449] : memref<10000x64xi32, #tpu.memory_space<hbm>> -> memref<10000x64xi32, #tpu.memory_space<hbm>>
        tpu.enqueue_indirect_dma source(%dma_start3A_450 : memref<10000x64xi32, #tpu.memory_space<hbm>>) target(%dma_start3A_446 : memref<80x64xi32, #tpu.memory_space<vmem>>) offsets(%dma_start3A_447 : memref<80xi32, #tpu.memory_space<vmem>>) semaphore(%arg17 : memref<!tpu.dma_semaphore, #tpu.memory_space<semaphore_mem>>)
        %dma_start3A_451 = arith.constant 1 : i32
        %dma_start3A_452 = arith.constant 0 : i32
        %dma_start3A_453 = arith.constant 0 : i32
        %dma_start3A_454 = tpu.memref_slice %arg12[%dma_start3A_451, %dma_start3A_452, %dma_start3A_453] : memref<3x80x128xi32, #tpu.memory_space<vmem>> -> memref<1x80x128xi32, #tpu.memory_space<vmem>>
        %dma_start3A_455 = tpu.memref_squeeze %dma_start3A_454 : memref<1x80x128xi32, #tpu.memory_space<vmem>> -> memref<80x128xi32, #tpu.memory_space<vmem>>
        %dma_start3A_456 = tpu.memref_slice %arg10[%mul3A_441] : memref<10000xi32, #tpu.memory_space<vmem>> -> memref<80xi32, #tpu.memory_space<vmem>>
        %dma_start3A_457 = arith.constant 0 : i32
        %dma_start3A_458 = arith.constant 0 : i32
        %dma_start3A_459 = tpu.memref_slice %arg3[%dma_start3A_457, %dma_start3A_458] : memref<10000x128xi32, #tpu.memory_space<hbm>> -> memref<10000x128xi32, #tpu.memory_space<hbm>>
        tpu.enqueue_indirect_dma source(%dma_start3A_459 : memref<10000x128xi32, #tpu.memory_space<hbm>>) target(%dma_start3A_455 : memref<80x128xi32, #tpu.memory_space<vmem>>) offsets(%dma_start3A_456 : memref<80xi32, #tpu.memory_space<vmem>>) semaphore(%arg17 : memref<!tpu.dma_semaphore, #tpu.memory_space<semaphore_mem>>)
      } else {
      }
      %dma_wait3A_373 = arith.constant 2 : i32
      %dma_wait3A_374 = arith.constant 0 : i32
      %dma_wait3A_375 = arith.constant 0 : i32
      %dma_wait3A_376 = tpu.memref_slice %arg11[%dma_wait3A_373, %dma_wait3A_374, %dma_wait3A_375] : memref<3x80x64xi32, #tpu.memory_space<vmem>> -> memref<1x80x64xi32, #tpu.memory_space<vmem>>
      %dma_wait3A_377 = tpu.memref_squeeze %dma_wait3A_376 : memref<1x80x64xi32, #tpu.memory_space<vmem>> -> memref<80x64xi32, #tpu.memory_space<vmem>>
      %dma_wait3A_378 = arith.constant 0 : i32
      %dma_wait3A_379 = arith.constant 0 : i32
      %dma_wait3A_380 = tpu.memref_slice %arg2[%dma_wait3A_378, %dma_wait3A_379] : memref<10000x64xi32, #tpu.memory_space<hbm>> -> memref<80x64xi32, #tpu.memory_space<hbm>>
      %dma_wait3A_381 = arith.constant 0 : i32
      %dma_wait3A_382 = arith.constant 0 : i32
      %dma_wait3A_383 = tpu.memref_slice %arg11[%dma_wait3A_373, %dma_wait3A_381, %dma_wait3A_382] : memref<3x80x64xi32, #tpu.memory_space<vmem>> -> memref<1x80x64xi32, #tpu.memory_space<vmem>>
      %dma_wait3A_384 = tpu.memref_squeeze %dma_wait3A_383 : memref<1x80x64xi32, #tpu.memory_space<vmem>> -> memref<80x64xi32, #tpu.memory_space<vmem>>
      %dma_wait3A_385 = arith.constant 0 : i32
      %dma_wait3A_386 = arith.constant 0 : i32
      %dma_wait3A_387 = tpu.memref_slice %arg2[%dma_wait3A_385, %dma_wait3A_386] : memref<10000x64xi32, #tpu.memory_space<hbm>> -> memref<80x64xi32, #tpu.memory_space<hbm>>
      tpu.wait_dma2 semaphore(%arg18 : memref<!tpu.dma_semaphore, #tpu.memory_space<semaphore_mem>>) src(%dma_wait3A_387 : memref<80x64xi32, #tpu.memory_space<hbm>>) dst(%dma_wait3A_384 : memref<80x64xi32, #tpu.memory_space<vmem>>)
      %dma_wait3A_388 = arith.constant 2 : i32
      %dma_wait3A_389 = arith.constant 0 : i32
      %dma_wait3A_390 = arith.constant 0 : i32
      %dma_wait3A_391 = tpu.memref_slice %arg12[%dma_wait3A_388, %dma_wait3A_389, %dma_wait3A_390] : memref<3x80x128xi32, #tpu.memory_space<vmem>> -> memref<1x80x128xi32, #tpu.memory_space<vmem>>
      %dma_wait3A_392 = tpu.memref_squeeze %dma_wait3A_391 : memref<1x80x128xi32, #tpu.memory_space<vmem>> -> memref<80x128xi32, #tpu.memory_space<vmem>>
      %dma_wait3A_393 = arith.constant 0 : i32
      %dma_wait3A_394 = arith.constant 0 : i32
      %dma_wait3A_395 = tpu.memref_slice %arg3[%dma_wait3A_393, %dma_wait3A_394] : memref<10000x128xi32, #tpu.memory_space<hbm>> -> memref<80x128xi32, #tpu.memory_space<hbm>>
      %dma_wait3A_396 = arith.constant 0 : i32
      %dma_wait3A_397 = arith.constant 0 : i32
      %dma_wait3A_398 = tpu.memref_slice %arg12[%dma_wait3A_388, %dma_wait3A_396, %dma_wait3A_397] : memref<3x80x128xi32, #tpu.memory_space<vmem>> -> memref<1x80x128xi32, #tpu.memory_space<vmem>>
      %dma_wait3A_399 = tpu.memref_squeeze %dma_wait3A_398 : memref<1x80x128xi32, #tpu.memory_space<vmem>> -> memref<80x128xi32, #tpu.memory_space<vmem>>
      %dma_wait3A_400 = arith.constant 0 : i32
      %dma_wait3A_401 = arith.constant 0 : i32
      %dma_wait3A_402 = tpu.memref_slice %arg3[%dma_wait3A_400, %dma_wait3A_401] : memref<10000x128xi32, #tpu.memory_space<hbm>> -> memref<80x128xi32, #tpu.memory_space<hbm>>
      tpu.wait_dma2 semaphore(%arg18 : memref<!tpu.dma_semaphore, #tpu.memory_space<semaphore_mem>>) src(%dma_wait3A_402 : memref<80x128xi32, #tpu.memory_space<hbm>>) dst(%dma_wait3A_399 : memref<80x128xi32, #tpu.memory_space<vmem>>)
      %gt3A_403 = arith.constant 0 : i32
      %gt3A_404 = arith.cmpi sgt, %scan3A_241, %gt3A_403 : i32
      %convert_element_type3A_405 = arith.extui %gt3A_404 : i1 to i32
      %cond3A_406 = arith.constant 0 : i32
      %cond3A_407 = arith.cmpi ne, %convert_element_type3A_405, %cond3A_406 : i32
      scf.if %cond3A_407 {
        %dma_wait3A_440 = arith.constant 2 : i32
        %dma_wait3A_441 = arith.constant 0 : i32
        %dma_wait3A_442 = arith.constant 0 : i32
        %dma_wait3A_443 = tpu.memref_slice %arg13[%dma_wait3A_440, %dma_wait3A_441, %dma_wait3A_442] : memref<3x80x128xf32, #tpu.memory_space<vmem>> -> memref<1x80x128xf32, #tpu.memory_space<vmem>>
        %dma_wait3A_444 = tpu.memref_squeeze %dma_wait3A_443 : memref<1x80x128xf32, #tpu.memory_space<vmem>> -> memref<80x128xf32, #tpu.memory_space<vmem>>
        %dma_wait3A_445 = arith.constant 0 : i32
        %dma_wait3A_446 = tpu.memref_slice %arg8[%mul3A_2, %dma_wait3A_445] : memref<320000x128xf32, #tpu.memory_space<hbm>> -> memref<80x128xf32, #tpu.memory_space<hbm>>
        %dma_wait3A_447 = arith.constant 0 : i32
        %dma_wait3A_448 = tpu.memref_slice %arg8[%mul3A_2, %dma_wait3A_447] : memref<320000x128xf32, #tpu.memory_space<hbm>> -> memref<80x128xf32, #tpu.memory_space<hbm>>
        %dma_wait3A_449 = arith.constant 0 : i32
        %dma_wait3A_450 = arith.constant 0 : i32
        %dma_wait3A_451 = tpu.memref_slice %arg13[%dma_wait3A_440, %dma_wait3A_449, %dma_wait3A_450] : memref<3x80x128xf32, #tpu.memory_space<vmem>> -> memref<1x80x128xf32, #tpu.memory_space<vmem>>
        %dma_wait3A_452 = tpu.memref_squeeze %dma_wait3A_451 : memref<1x80x128xf32, #tpu.memory_space<vmem>> -> memref<80x128xf32, #tpu.memory_space<vmem>>
        tpu.wait_dma2 semaphore(%arg21 : memref<!tpu.dma_semaphore, #tpu.memory_space<semaphore_mem>>) src(%dma_wait3A_452 : memref<80x128xf32, #tpu.memory_space<vmem>>) dst(%dma_wait3A_448 : memref<80x128xf32, #tpu.memory_space<hbm>>)
      } else {
      }
      %parallel_loop3A_408 = arith.constant 0 : i32
      %parallel_loop3A_409 = arith.constant 80 : i32
      %parallel_loop3A_410 = arith.constant 1 : i32
      %parallel_loop3A_411 = arith.constant 0.000000e+00 : bf16
      scf.for %parallel_loop3A_440 = %parallel_loop3A_408 to %parallel_loop3A_409 step %parallel_loop3A_410  : i32 {
        %parallel_loop3A_441 = arith.constant 2 : i32
        %parallel_loop3A_442 = arith.index_cast %parallel_loop3A_441 : i32 to index
        %parallel_loop3A_443 = arith.index_cast %parallel_loop3A_440 : i32 to index
        %parallel_loop3A_444 = arith.constant 0 : index
        %parallel_loop3A_445 = tpu.vector_load %arg11[%parallel_loop3A_442, %parallel_loop3A_443, %parallel_loop3A_444] {strides = array<i32>} : memref<3x80x64xi32, #tpu.memory_space<vmem>>, vector<16xi32>,
        %parallel_loop3A_446 = vector.bitcast %parallel_loop3A_445 : vector<16xi32> to vector<32xbf16>
        %parallel_loop3A_447 = arith.constant 2 : i32
        %parallel_loop3A_448 = arith.index_cast %parallel_loop3A_447 : i32 to index
        %parallel_loop3A_449 = arith.index_cast %parallel_loop3A_440 : i32 to index
        %parallel_loop3A_450 = arith.constant 0 : index
        %parallel_loop3A_451 = tpu.vector_load %arg12[%parallel_loop3A_448, %parallel_loop3A_449, %parallel_loop3A_450] {strides = array<i32>} : memref<3x80x128xi32, #tpu.memory_space<vmem>>, vector<16xi32>,
        %parallel_loop3A_452 = vector.bitcast %parallel_loop3A_451 : vector<16xi32> to vector<32xbf16>
        %parallel_loop3A_453 = arith.subf %parallel_loop3A_446, %parallel_loop3A_452 : vector<32xbf16>
        %parallel_loop3A_454 = vector.broadcast %parallel_loop3A_411 : bf16 to vector<32xbf16>
        %parallel_loop3A_455 = arith.maximumf %parallel_loop3A_453, %parallel_loop3A_454 : vector<32xbf16>
        %parallel_loop3A_456 = arith.mulf %parallel_loop3A_455, %bitcast3A : vector<32xbf16>
        %parallel_loop3A_457 = arith.constant 2 : i32
        %parallel_loop3A_458 = arith.index_cast %parallel_loop3A_457 : i32 to index
        %parallel_loop3A_459 = arith.index_cast %parallel_loop3A_440 : i32 to index
        %parallel_loop3A_460 = arith.constant 16 : index
        %parallel_loop3A_461 = tpu.vector_load %arg11[%parallel_loop3A_458, %parallel_loop3A_459, %parallel_loop3A_460] {strides = array<i32>} : memref<3x80x64xi32, #tpu.memory_space<vmem>>, vector<16xi32>,
        %parallel_loop3A_462 = vector.bitcast %parallel_loop3A_461 : vector<16xi32> to vector<32xbf16>
        %parallel_loop3A_463 = arith.constant 2 : i32
        %parallel_loop3A_464 = arith.index_cast %parallel_loop3A_463 : i32 to index
        %parallel_loop3A_465 = arith.index_cast %parallel_loop3A_440 : i32 to index
        %parallel_loop3A_466 = arith.constant 16 : index
        %parallel_loop3A_467 = tpu.vector_load %arg12[%parallel_loop3A_464, %parallel_loop3A_465, %parallel_loop3A_466] {strides = array<i32>} : memref<3x80x128xi32, #tpu.memory_space<vmem>>, vector<16xi32>,
        %parallel_loop3A_468 = vector.bitcast %parallel_loop3A_467 : vector<16xi32> to vector<32xbf16>
        %parallel_loop3A_469 = arith.subf %parallel_loop3A_462, %parallel_loop3A_468 : vector<32xbf16>
        %parallel_loop3A_470 = vector.broadcast %parallel_loop3A_411 : bf16 to vector<32xbf16>
        %parallel_loop3A_471 = arith.maximumf %parallel_loop3A_469, %parallel_loop3A_470 : vector<32xbf16>
        %parallel_loop3A_472 = arith.mulf %parallel_loop3A_471, %bitcast3A_8 : vector<32xbf16>
        %parallel_loop3A_473 = arith.addf %parallel_loop3A_456, %parallel_loop3A_472 : vector<32xbf16>
        %parallel_loop3A_474 = arith.constant 2 : i32
        %parallel_loop3A_475 = arith.index_cast %parallel_loop3A_474 : i32 to index
        %parallel_loop3A_476 = arith.index_cast %parallel_loop3A_440 : i32 to index
        %parallel_loop3A_477 = arith.constant 32 : index
        %parallel_loop3A_478 = tpu.vector_load %arg11[%parallel_loop3A_475, %parallel_loop3A_476, %parallel_loop3A_477] {strides = array<i32>} : memref<3x80x64xi32, #tpu.memory_space<vmem>>, vector<16xi32>,
        %parallel_loop3A_479 = vector.bitcast %parallel_loop3A_478 : vector<16xi32> to vector<32xbf16>
        %parallel_loop3A_480 = arith.constant 2 : i32
        %parallel_loop3A_481 = arith.index_cast %parallel_loop3A_480 : i32 to index
        %parallel_loop3A_482 = arith.index_cast %parallel_loop3A_440 : i32 to index
        %parallel_loop3A_483 = arith.constant 32 : index
        %parallel_loop3A_484 = tpu.vector_load %arg12[%parallel_loop3A_481, %parallel_loop3A_482, %parallel_loop3A_483] {strides = array<i32>} : memref<3x80x128xi32, #tpu.memory_space<vmem>>, vector<16xi32>,
        %parallel_loop3A_485 = vector.bitcast %parallel_loop3A_484 : vector<16xi32> to vector<32xbf16>
        %parallel_loop3A_486 = arith.subf %parallel_loop3A_479, %parallel_loop3A_485 : vector<32xbf16>
        %parallel_loop3A_487 = vector.broadcast %parallel_loop3A_411 : bf16 to vector<32xbf16>
        %parallel_loop3A_488 = arith.maximumf %parallel_loop3A_486, %parallel_loop3A_487 : vector<32xbf16>
        %parallel_loop3A_489 = arith.mulf %parallel_loop3A_488, %bitcast3A_11 : vector<32xbf16>
        %parallel_loop3A_490 = arith.addf %parallel_loop3A_473, %parallel_loop3A_489 : vector<32xbf16>
        %parallel_loop3A_491 = arith.constant 2 : i32
        %parallel_loop3A_492 = arith.index_cast %parallel_loop3A_491 : i32 to index
        %parallel_loop3A_493 = arith.index_cast %parallel_loop3A_440 : i32 to index
        %parallel_loop3A_494 = arith.constant 48 : index
        %parallel_loop3A_495 = tpu.vector_load %arg11[%parallel_loop3A_492, %parallel_loop3A_493, %parallel_loop3A_494] {strides = array<i32>} : memref<3x80x64xi32, #tpu.memory_space<vmem>>, vector<16xi32>,
        %parallel_loop3A_496 = vector.bitcast %parallel_loop3A_495 : vector<16xi32> to vector<32xbf16>
        %parallel_loop3A_497 = arith.constant 2 : i32
        %parallel_loop3A_498 = arith.index_cast %parallel_loop3A_497 : i32 to index
        %parallel_loop3A_499 = arith.index_cast %parallel_loop3A_440 : i32 to index
        %parallel_loop3A_500 = arith.constant 48 : index
        %parallel_loop3A_501 = tpu.vector_load %arg12[%parallel_loop3A_498, %parallel_loop3A_499, %parallel_loop3A_500] {strides = array<i32>} : memref<3x80x128xi32, #tpu.memory_space<vmem>>, vector<16xi32>,
        %parallel_loop3A_502 = vector.bitcast %parallel_loop3A_501 : vector<16xi32> to vector<32xbf16>
        %parallel_loop3A_503 = arith.subf %parallel_loop3A_496, %parallel_loop3A_502 : vector<32xbf16>
        %parallel_loop3A_504 = vector.broadcast %parallel_loop3A_411 : bf16 to vector<32xbf16>
        %parallel_loop3A_505 = arith.maximumf %parallel_loop3A_503, %parallel_loop3A_504 : vector<32xbf16>
        %parallel_loop3A_506 = arith.mulf %parallel_loop3A_505, %bitcast3A_14 : vector<32xbf16>
        %parallel_loop3A_507 = arith.addf %parallel_loop3A_490, %parallel_loop3A_506 : vector<32xbf16>
        %parallel_loop3A_508 = tpu.unpack_subelements %parallel_loop3A_507, 0 {pack_format = #tpu.pack_format<interleaved>} : vector<32xbf16> -> vector<16xf32>
        %parallel_loop3A_509 = tpu.unpack_subelements %parallel_loop3A_507, 1 {pack_format = #tpu.pack_format<interleaved>} : vector<32xbf16> -> vector<16xf32>
        %parallel_loop3A_510 = arith.addf %parallel_loop3A_508, %parallel_loop3A_509 : vector<16xf32>
        %parallel_loop3A_511 = arith.constant true
        %parallel_loop3A_512 = vector.broadcast %parallel_loop3A_511 : i1 to vector<16xi1>
        %parallel_loop3A_513 = tpu.scan <sum>, %parallel_loop3A_510 masked %parallel_loop3A_512 : vector<16xf32>, vector<16xi1> -> vector<16xf32>
        %parallel_loop3A_514 = vector.extract %parallel_loop3A_513[15] : f32 from vector<16xf32>
        %parallel_loop3A_515 = vector.broadcast %parallel_loop3A_514 : f32 to vector<16xf32>
        %parallel_loop3A_516 = arith.addf %parallel_loop3A_515, %get3A_3 : vector<16xf32>
        %parallel_loop3A_517 = arith.constant 0.000000e+00 : f32
        %parallel_loop3A_518 = vector.broadcast %parallel_loop3A_517 : f32 to vector<16xf32>
        %parallel_loop3A_519 = arith.maximumf %parallel_loop3A_516, %parallel_loop3A_518 : vector<16xf32>
        %parallel_loop3A_520 = arith.constant 0.000000e+00 : f32
        %parallel_loop3A_521 = vector.broadcast %parallel_loop3A_520 : f32 to vector<16xf32>
        %parallel_loop3A_522 = arith.subf %parallel_loop3A_521, %parallel_loop3A_519 : vector<16xf32>
        %parallel_loop3A_523 = math.exp %parallel_loop3A_522 : vector<16xf32>
        %parallel_loop3A_524 = arith.constant 2 : i32
        %parallel_loop3A_525 = arith.index_cast %parallel_loop3A_524 : i32 to index
        %parallel_loop3A_526 = arith.index_cast %parallel_loop3A_440 : i32 to index
        %parallel_loop3A_527 = arith.constant 64 : index
        %parallel_loop3A_528 = tpu.vector_load %arg12[%parallel_loop3A_525, %parallel_loop3A_526, %parallel_loop3A_527] {strides = array<i32>} : memref<3x80x128xi32, #tpu.memory_space<vmem>>, vector<16xi32>,
        %parallel_loop3A_529 = vector.bitcast %parallel_loop3A_528 : vector<16xi32> to vector<32xbf16>
        %parallel_loop3A_530 = tpu.unpack_subelements %parallel_loop3A_529, 0 {pack_format = #tpu.pack_format<interleaved>} : vector<32xbf16> -> vector<16xf32>
        %parallel_loop3A_531 = tpu.unpack_subelements %parallel_loop3A_529, 1 {pack_format = #tpu.pack_format<interleaved>} : vector<32xbf16> -> vector<16xf32>
        %parallel_loop3A_532 = arith.mulf %parallel_loop3A_530, %parallel_loop3A_523 : vector<16xf32>
        %parallel_loop3A_533 = arith.constant 2 : i32
        %parallel_loop3A_534 = arith.index_cast %parallel_loop3A_533 : i32 to index
        %parallel_loop3A_535 = arith.index_cast %parallel_loop3A_440 : i32 to index
        %parallel_loop3A_536 = arith.constant 0 : index
        %parallel_loop3A_537 = tpu.vector_load %arg13[%parallel_loop3A_534, %parallel_loop3A_535, %parallel_loop3A_536] {strides = array<i32>} : memref<3x80x128xf32, #tpu.memory_space<vmem>>, vector<16xf32>,
        tpu.vector_store %arg13[%parallel_loop3A_534, %parallel_loop3A_535, %parallel_loop3A_536], %parallel_loop3A_532 {strides = array<i32>} : memref<3x80x128xf32, #tpu.memory_space<vmem>>, vector<16xf32>,
        %parallel_loop3A_538 = arith.mulf %parallel_loop3A_531, %parallel_loop3A_523 : vector<16xf32>
        %parallel_loop3A_539 = arith.constant 2 : i32
        %parallel_loop3A_540 = arith.index_cast %parallel_loop3A_539 : i32 to index
        %parallel_loop3A_541 = arith.index_cast %parallel_loop3A_440 : i32 to index
        %parallel_loop3A_542 = arith.constant 16 : index
        %parallel_loop3A_543 = tpu.vector_load %arg13[%parallel_loop3A_540, %parallel_loop3A_541, %parallel_loop3A_542] {strides = array<i32>} : memref<3x80x128xf32, #tpu.memory_space<vmem>>, vector<16xf32>,
        tpu.vector_store %arg13[%parallel_loop3A_540, %parallel_loop3A_541, %parallel_loop3A_542], %parallel_loop3A_538 {strides = array<i32>} : memref<3x80x128xf32, #tpu.memory_space<vmem>>, vector<16xf32>,
        %parallel_loop3A_544 = arith.constant 2 : i32
        %parallel_loop3A_545 = arith.index_cast %parallel_loop3A_544 : i32 to index
        %parallel_loop3A_546 = arith.index_cast %parallel_loop3A_440 : i32 to index
        %parallel_loop3A_547 = arith.constant 80 : index
        %parallel_loop3A_548 = tpu.vector_load %arg12[%parallel_loop3A_545, %parallel_loop3A_546, %parallel_loop3A_547] {strides = array<i32>} : memref<3x80x128xi32, #tpu.memory_space<vmem>>, vector<16xi32>,
        %parallel_loop3A_549 = vector.bitcast %parallel_loop3A_548 : vector<16xi32> to vector<32xbf16>
        %parallel_loop3A_550 = tpu.unpack_subelements %parallel_loop3A_549, 0 {pack_format = #tpu.pack_format<interleaved>} : vector<32xbf16> -> vector<16xf32>
        %parallel_loop3A_551 = tpu.unpack_subelements %parallel_loop3A_549, 1 {pack_format = #tpu.pack_format<interleaved>} : vector<32xbf16> -> vector<16xf32>
        %parallel_loop3A_552 = arith.mulf %parallel_loop3A_550, %parallel_loop3A_523 : vector<16xf32>
        %parallel_loop3A_553 = arith.constant 2 : i32
        %parallel_loop3A_554 = arith.index_cast %parallel_loop3A_553 : i32 to index
        %parallel_loop3A_555 = arith.index_cast %parallel_loop3A_440 : i32 to index
        %parallel_loop3A_556 = arith.constant 32 : index
        %parallel_loop3A_557 = tpu.vector_load %arg13[%parallel_loop3A_554, %parallel_loop3A_555, %parallel_loop3A_556] {strides = array<i32>} : memref<3x80x128xf32, #tpu.memory_space<vmem>>, vector<16xf32>,
        tpu.vector_store %arg13[%parallel_loop3A_554, %parallel_loop3A_555, %parallel_loop3A_556], %parallel_loop3A_552 {strides = array<i32>} : memref<3x80x128xf32, #tpu.memory_space<vmem>>, vector<16xf32>,
        %parallel_loop3A_558 = arith.mulf %parallel_loop3A_551, %parallel_loop3A_523 : vector<16xf32>
        %parallel_loop3A_559 = arith.constant 2 : i32
        %parallel_loop3A_560 = arith.index_cast %parallel_loop3A_559 : i32 to index
        %parallel_loop3A_561 = arith.index_cast %parallel_loop3A_440 : i32 to index
        %parallel_loop3A_562 = arith.constant 48 : index
        %parallel_loop3A_563 = tpu.vector_load %arg13[%parallel_loop3A_560, %parallel_loop3A_561, %parallel_loop3A_562] {strides = array<i32>} : memref<3x80x128xf32, #tpu.memory_space<vmem>>, vector<16xf32>,
        tpu.vector_store %arg13[%parallel_loop3A_560, %parallel_loop3A_561, %parallel_loop3A_562], %parallel_loop3A_558 {strides = array<i32>} : memref<3x80x128xf32, #tpu.memory_space<vmem>>, vector<16xf32>,
        %parallel_loop3A_564 = arith.constant 2 : i32
        %parallel_loop3A_565 = arith.index_cast %parallel_loop3A_564 : i32 to index
        %parallel_loop3A_566 = arith.index_cast %parallel_loop3A_440 : i32 to index
        %parallel_loop3A_567 = arith.constant 96 : index
        %parallel_loop3A_568 = tpu.vector_load %arg12[%parallel_loop3A_565, %parallel_loop3A_566, %parallel_loop3A_567] {strides = array<i32>} : memref<3x80x128xi32, #tpu.memory_space<vmem>>, vector<16xi32>,
        %parallel_loop3A_569 = vector.bitcast %parallel_loop3A_568 : vector<16xi32> to vector<32xbf16>
        %parallel_loop3A_570 = tpu.unpack_subelements %parallel_loop3A_569, 0 {pack_format = #tpu.pack_format<interleaved>} : vector<32xbf16> -> vector<16xf32>
        %parallel_loop3A_571 = tpu.unpack_subelements %parallel_loop3A_569, 1 {pack_format = #tpu.pack_format<interleaved>} : vector<32xbf16> -> vector<16xf32>
        %parallel_loop3A_572 = arith.mulf %parallel_loop3A_570, %parallel_loop3A_523 : vector<16xf32>
        %parallel_loop3A_573 = arith.constant 2 : i32
        %parallel_loop3A_574 = arith.index_cast %parallel_loop3A_573 : i32 to index
        %parallel_loop3A_575 = arith.index_cast %parallel_loop3A_440 : i32 to index
        %parallel_loop3A_576 = arith.constant 64 : index
        %parallel_loop3A_577 = tpu.vector_load %arg13[%parallel_loop3A_574, %parallel_loop3A_575, %parallel_loop3A_576] {strides = array<i32>} : memref<3x80x128xf32, #tpu.memory_space<vmem>>, vector<16xf32>,
        tpu.vector_store %arg13[%parallel_loop3A_574, %parallel_loop3A_575, %parallel_loop3A_576], %parallel_loop3A_572 {strides = array<i32>} : memref<3x80x128xf32, #tpu.memory_space<vmem>>, vector<16xf32>,
        %parallel_loop3A_578 = arith.mulf %parallel_loop3A_571, %parallel_loop3A_523 : vector<16xf32>
        %parallel_loop3A_579 = arith.constant 2 : i32
        %parallel_loop3A_580 = arith.index_cast %parallel_loop3A_579 : i32 to index
        %parallel_loop3A_581 = arith.index_cast %parallel_loop3A_440 : i32 to index
        %parallel_loop3A_582 = arith.constant 80 : index
        %parallel_loop3A_583 = tpu.vector_load %arg13[%parallel_loop3A_580, %parallel_loop3A_581, %parallel_loop3A_582] {strides = array<i32>} : memref<3x80x128xf32, #tpu.memory_space<vmem>>, vector<16xf32>,
        tpu.vector_store %arg13[%parallel_loop3A_580, %parallel_loop3A_581, %parallel_loop3A_582], %parallel_loop3A_578 {strides = array<i32>} : memref<3x80x128xf32, #tpu.memory_space<vmem>>, vector<16xf32>,
        %parallel_loop3A_584 = arith.constant 2 : i32
        %parallel_loop3A_585 = arith.index_cast %parallel_loop3A_584 : i32 to index
        %parallel_loop3A_586 = arith.index_cast %parallel_loop3A_440 : i32 to index
        %parallel_loop3A_587 = arith.constant 112 : index
        %parallel_loop3A_588 = tpu.vector_load %arg12[%parallel_loop3A_585, %parallel_loop3A_586, %parallel_loop3A_587] {strides = array<i32>} : memref<3x80x128xi32, #tpu.memory_space<vmem>>, vector<16xi32>,
        %parallel_loop3A_589 = vector.bitcast %parallel_loop3A_588 : vector<16xi32> to vector<32xbf16>
        %parallel_loop3A_590 = tpu.unpack_subelements %parallel_loop3A_589, 0 {pack_format = #tpu.pack_format<interleaved>} : vector<32xbf16> -> vector<16xf32>
        %parallel_loop3A_591 = tpu.unpack_subelements %parallel_loop3A_589, 1 {pack_format = #tpu.pack_format<interleaved>} : vector<32xbf16> -> vector<16xf32>
        %parallel_loop3A_592 = arith.mulf %parallel_loop3A_590, %parallel_loop3A_523 : vector<16xf32>
        %parallel_loop3A_593 = arith.constant 2 : i32
        %parallel_loop3A_594 = arith.index_cast %parallel_loop3A_593 : i32 to index
        %parallel_loop3A_595 = arith.index_cast %parallel_loop3A_440 : i32 to index
        %parallel_loop3A_596 = arith.constant 96 : index
        %parallel_loop3A_597 = tpu.vector_load %arg13[%parallel_loop3A_594, %parallel_loop3A_595, %parallel_loop3A_596] {strides = array<i32>} : memref<3x80x128xf32, #tpu.memory_space<vmem>>, vector<16xf32>,
        tpu.vector_store %arg13[%parallel_loop3A_594, %parallel_loop3A_595, %parallel_loop3A_596], %parallel_loop3A_592 {strides = array<i32>} : memref<3x80x128xf32, #tpu.memory_space<vmem>>, vector<16xf32>,
        %parallel_loop3A_598 = arith.mulf %parallel_loop3A_591, %parallel_loop3A_523 : vector<16xf32>
        %parallel_loop3A_599 = arith.constant 2 : i32
        %parallel_loop3A_600 = arith.index_cast %parallel_loop3A_599 : i32 to index
        %parallel_loop3A_601 = arith.index_cast %parallel_loop3A_440 : i32 to index
        %parallel_loop3A_602 = arith.constant 112 : index
        %parallel_loop3A_603 = tpu.vector_load %arg13[%parallel_loop3A_600, %parallel_loop3A_601, %parallel_loop3A_602] {strides = array<i32>} : memref<3x80x128xf32, #tpu.memory_space<vmem>>, vector<16xf32>,
        tpu.vector_store %arg13[%parallel_loop3A_600, %parallel_loop3A_601, %parallel_loop3A_602], %parallel_loop3A_598 {strides = array<i32>} : memref<3x80x128xf32, #tpu.memory_space<vmem>>, vector<16xf32>,
      } {sc.loop_unroll_factor = 2 : i64, sc.parallel_access}
      %add3A_412 = arith.constant 2 : i32
      %add3A_413 = arith.addi %mul3A_244, %add3A_412 : i32
      %mul3A_414 = arith.constant 80 : i32
      %mul3A_415 = arith.muli %add3A_413, %mul3A_414 : i32
      %add3A_416 = arith.addi %mul3A_2, %mul3A_415 : i32
      %dma_start3A_417 = arith.constant 2 : i32
      %dma_start3A_418 = arith.constant 0 : i32
      %dma_start3A_419 = arith.constant 0 : i32
      %dma_start3A_420 = tpu.memref_slice %arg13[%dma_start3A_417, %dma_start3A_418, %dma_start3A_419] : memref<3x80x128xf32, #tpu.memory_space<vmem>> -> memref<1x80x128xf32, #tpu.memory_space<vmem>>
      %dma_start3A_421 = tpu.memref_squeeze %dma_start3A_420 : memref<1x80x128xf32, #tpu.memory_space<vmem>> -> memref<80x128xf32, #tpu.memory_space<vmem>>
      %dma_start3A_422 = arith.constant 0 : i32
      %dma_start3A_423 = tpu.memref_slice %arg8[%add3A_416, %dma_start3A_422] : memref<320000x128xf32, #tpu.memory_space<hbm>> -> memref<80x128xf32, #tpu.memory_space<hbm>>
      %dma_start3A_424 = arith.constant 0 : i32
      %dma_start3A_425 = tpu.memref_slice %arg8[%add3A_416, %dma_start3A_424] : memref<320000x128xf32, #tpu.memory_space<hbm>> -> memref<80x128xf32, #tpu.memory_space<hbm>>
      %dma_start3A_426 = arith.constant 0 : i32
      %dma_start3A_427 = arith.constant 0 : i32
      %dma_start3A_428 = tpu.memref_slice %arg13[%dma_start3A_417, %dma_start3A_426, %dma_start3A_427] : memref<3x80x128xf32, #tpu.memory_space<vmem>> -> memref<1x80x128xf32, #tpu.memory_space<vmem>>
      %dma_start3A_429 = tpu.memref_squeeze %dma_start3A_428 : memref<1x80x128xf32, #tpu.memory_space<vmem>> -> memref<80x128xf32, #tpu.memory_space<vmem>>
      tpu.enqueue_dma source(%dma_start3A_429 : memref<80x128xf32, #tpu.memory_space<vmem>>) target(%dma_start3A_425 : memref<80x128xf32, #tpu.memory_space<hbm>>) target_semaphore(%arg21 : memref<!tpu.dma_semaphore, #tpu.memory_space<semaphore_mem>>)
      %add3A_430 = arith.constant 3 : i32
      %add3A_431 = arith.addi %mul3A_244, %add3A_430 : i32
      %add3A_432 = arith.constant 2 : i32
      %add3A_433 = arith.addi %add3A_431, %add3A_432 : i32
      %lt3A_434 = arith.constant 125 : i32
      %lt3A_435 = arith.cmpi slt, %add3A_433, %lt3A_434 : i32
      %convert_element_type3A_436 = arith.extui %lt3A_435 : i1 to i32
      %cond3A_437 = arith.constant 0 : i32
      %cond3A_438 = arith.cmpi ne, %convert_element_type3A_436, %cond3A_437 : i32
      scf.if %cond3A_438 {
        %mul3A_440 = arith.constant 80 : i32
        %mul3A_441 = arith.muli %add3A_433, %mul3A_440 : i32
        %dma_start3A_442 = arith.constant 2 : i32
        %dma_start3A_443 = arith.constant 0 : i32
        %dma_start3A_444 = arith.constant 0 : i32
        %dma_start3A_445 = tpu.memref_slice %arg11[%dma_start3A_442, %dma_start3A_443, %dma_start3A_444] : memref<3x80x64xi32, #tpu.memory_space<vmem>> -> memref<1x80x64xi32, #tpu.memory_space<vmem>>
        %dma_start3A_446 = tpu.memref_squeeze %dma_start3A_445 : memref<1x80x64xi32, #tpu.memory_space<vmem>> -> memref<80x64xi32, #tpu.memory_space<vmem>>
        %dma_start3A_447 = tpu.memref_slice %arg9[%mul3A_441] : memref<10000xi32, #tpu.memory_space<vmem>> -> memref<80xi32, #tpu.memory_space<vmem>>
        %dma_start3A_448 = arith.constant 0 : i32
        %dma_start3A_449 = arith.constant 0 : i32
        %dma_start3A_450 = tpu.memref_slice %arg2[%dma_start3A_448, %dma_start3A_449] : memref<10000x64xi32, #tpu.memory_space<hbm>> -> memref<10000x64xi32, #tpu.memory_space<hbm>>
        tpu.enqueue_indirect_dma source(%dma_start3A_450 : memref<10000x64xi32, #tpu.memory_space<hbm>>) target(%dma_start3A_446 : memref<80x64xi32, #tpu.memory_space<vmem>>) offsets(%dma_start3A_447 : memref<80xi32, #tpu.memory_space<vmem>>) semaphore(%arg18 : memref<!tpu.dma_semaphore, #tpu.memory_space<semaphore_mem>>)
        %dma_start3A_451 = arith.constant 2 : i32
        %dma_start3A_452 = arith.constant 0 : i32
        %dma_start3A_453 = arith.constant 0 : i32
        %dma_start3A_454 = tpu.memref_slice %arg12[%dma_start3A_451, %dma_start3A_452, %dma_start3A_453] : memref<3x80x128xi32, #tpu.memory_space<vmem>> -> memref<1x80x128xi32, #tpu.memory_space<vmem>>
        %dma_start3A_455 = tpu.memref_squeeze %dma_start3A_454 : memref<1x80x128xi32, #tpu.memory_space<vmem>> -> memref<80x128xi32, #tpu.memory_space<vmem>>
        %dma_start3A_456 = tpu.memref_slice %arg10[%mul3A_441] : memref<10000xi32, #tpu.memory_space<vmem>> -> memref<80xi32, #tpu.memory_space<vmem>>
        %dma_start3A_457 = arith.constant 0 : i32
        %dma_start3A_458 = arith.constant 0 : i32
        %dma_start3A_459 = tpu.memref_slice %arg3[%dma_start3A_457, %dma_start3A_458] : memref<10000x128xi32, #tpu.memory_space<hbm>> -> memref<10000x128xi32, #tpu.memory_space<hbm>>
        tpu.enqueue_indirect_dma source(%dma_start3A_459 : memref<10000x128xi32, #tpu.memory_space<hbm>>) target(%dma_start3A_455 : memref<80x128xi32, #tpu.memory_space<vmem>>) offsets(%dma_start3A_456 : memref<80xi32, #tpu.memory_space<vmem>>) semaphore(%arg18 : memref<!tpu.dma_semaphore, #tpu.memory_space<semaphore_mem>>)
      } else {
      }
      %scan3A_439 = arith.constant 0 : i32
      scf.yield %scan3A_439 : i32
    }
    %scan3A_79 = arith.constant 41 : i32
    %dma_wait3A = arith.constant 0 : i32
    %dma_wait3A_80 = arith.constant 0 : i32
    %dma_wait3A_81 = arith.constant 0 : i32
    %dma_wait3A_82 = tpu.memref_slice %arg11[%dma_wait3A, %dma_wait3A_80, %dma_wait3A_81] : memref<3x80x64xi32, #tpu.memory_space<vmem>> -> memref<1x80x64xi32, #tpu.memory_space<vmem>>
    %dma_wait3A_83 = tpu.memref_squeeze %dma_wait3A_82 : memref<1x80x64xi32, #tpu.memory_space<vmem>> -> memref<80x64xi32, #tpu.memory_space<vmem>>
    %dma_wait3A_84 = arith.constant 0 : i32
    %dma_wait3A_85 = arith.constant 0 : i32
    %dma_wait3A_86 = tpu.memref_slice %arg2[%dma_wait3A_84, %dma_wait3A_85] : memref<10000x64xi32, #tpu.memory_space<hbm>> -> memref<80x64xi32, #tpu.memory_space<hbm>>
    %dma_wait3A_87 = arith.constant 0 : i32
    %dma_wait3A_88 = arith.constant 0 : i32
    %dma_wait3A_89 = tpu.memref_slice %arg11[%dma_wait3A, %dma_wait3A_87, %dma_wait3A_88] : memref<3x80x64xi32, #tpu.memory_space<vmem>> -> memref<1x80x64xi32, #tpu.memory_space<vmem>>
    %dma_wait3A_90 = tpu.memref_squeeze %dma_wait3A_89 : memref<1x80x64xi32, #tpu.memory_space<vmem>> -> memref<80x64xi32, #tpu.memory_space<vmem>>
    %dma_wait3A_91 = arith.constant 0 : i32
    %dma_wait3A_92 = arith.constant 0 : i32
    %dma_wait3A_93 = tpu.memref_slice %arg2[%dma_wait3A_91, %dma_wait3A_92] : memref<10000x64xi32, #tpu.memory_space<hbm>> -> memref<80x64xi32, #tpu.memory_space<hbm>>
    tpu.wait_dma2 semaphore(%arg16 : memref<!tpu.dma_semaphore, #tpu.memory_space<semaphore_mem>>) src(%dma_wait3A_93 : memref<80x64xi32, #tpu.memory_space<hbm>>) dst(%dma_wait3A_90 : memref<80x64xi32, #tpu.memory_space<vmem>>)
    %dma_wait3A_94 = arith.constant 0 : i32
    %dma_wait3A_95 = arith.constant 0 : i32
    %dma_wait3A_96 = arith.constant 0 : i32
    %dma_wait3A_97 = tpu.memref_slice %arg12[%dma_wait3A_94, %dma_wait3A_95, %dma_wait3A_96] : memref<3x80x128xi32, #tpu.memory_space<vmem>> -> memref<1x80x128xi32, #tpu.memory_space<vmem>>
    %dma_wait3A_98 = tpu.memref_squeeze %dma_wait3A_97 : memref<1x80x128xi32, #tpu.memory_space<vmem>> -> memref<80x128xi32, #tpu.memory_space<vmem>>
    %dma_wait3A_99 = arith.constant 0 : i32
    %dma_wait3A_100 = arith.constant 0 : i32
    %dma_wait3A_101 = tpu.memref_slice %arg3[%dma_wait3A_99, %dma_wait3A_100] : memref<10000x128xi32, #tpu.memory_space<hbm>> -> memref<80x128xi32, #tpu.memory_space<hbm>>
    %dma_wait3A_102 = arith.constant 0 : i32
    %dma_wait3A_103 = arith.constant 0 : i32
    %dma_wait3A_104 = tpu.memref_slice %arg12[%dma_wait3A_94, %dma_wait3A_102, %dma_wait3A_103] : memref<3x80x128xi32, #tpu.memory_space<vmem>> -> memref<1x80x128xi32, #tpu.memory_space<vmem>>
    %dma_wait3A_105 = tpu.memref_squeeze %dma_wait3A_104 : memref<1x80x128xi32, #tpu.memory_space<vmem>> -> memref<80x128xi32, #tpu.memory_space<vmem>>
    %dma_wait3A_106 = arith.constant 0 : i32
    %dma_wait3A_107 = arith.constant 0 : i32
    %dma_wait3A_108 = tpu.memref_slice %arg3[%dma_wait3A_106, %dma_wait3A_107] : memref<10000x128xi32, #tpu.memory_space<hbm>> -> memref<80x128xi32, #tpu.memory_space<hbm>>
    tpu.wait_dma2 semaphore(%arg16 : memref<!tpu.dma_semaphore, #tpu.memory_space<semaphore_mem>>) src(%dma_wait3A_108 : memref<80x128xi32, #tpu.memory_space<hbm>>) dst(%dma_wait3A_105 : memref<80x128xi32, #tpu.memory_space<vmem>>)
    %dma_wait3A_109 = arith.constant 0 : i32
    %dma_wait3A_110 = arith.constant 0 : i32
    %dma_wait3A_111 = arith.constant 0 : i32
    %dma_wait3A_112 = tpu.memref_slice %arg13[%dma_wait3A_109, %dma_wait3A_110, %dma_wait3A_111] : memref<3x80x128xf32, #tpu.memory_space<vmem>> -> memref<1x80x128xf32, #tpu.memory_space<vmem>>
    %dma_wait3A_113 = tpu.memref_squeeze %dma_wait3A_112 : memref<1x80x128xf32, #tpu.memory_space<vmem>> -> memref<80x128xf32, #tpu.memory_space<vmem>>
    %dma_wait3A_114 = arith.constant 0 : i32
    %dma_wait3A_115 = tpu.memref_slice %arg8[%mul3A_2, %dma_wait3A_114] : memref<320000x128xf32, #tpu.memory_space<hbm>> -> memref<80x128xf32, #tpu.memory_space<hbm>>
    %dma_wait3A_116 = arith.constant 0 : i32
    %dma_wait3A_117 = tpu.memref_slice %arg8[%mul3A_2, %dma_wait3A_116] : memref<320000x128xf32, #tpu.memory_space<hbm>> -> memref<80x128xf32, #tpu.memory_space<hbm>>
    %dma_wait3A_118 = arith.constant 0 : i32
    %dma_wait3A_119 = arith.constant 0 : i32
    %dma_wait3A_120 = tpu.memref_slice %arg13[%dma_wait3A_109, %dma_wait3A_118, %dma_wait3A_119] : memref<3x80x128xf32, #tpu.memory_space<vmem>> -> memref<1x80x128xf32, #tpu.memory_space<vmem>>
    %dma_wait3A_121 = tpu.memref_squeeze %dma_wait3A_120 : memref<1x80x128xf32, #tpu.memory_space<vmem>> -> memref<80x128xf32, #tpu.memory_space<vmem>>
    tpu.wait_dma2 semaphore(%arg19 : memref<!tpu.dma_semaphore, #tpu.memory_space<semaphore_mem>>) src(%dma_wait3A_121 : memref<80x128xf32, #tpu.memory_space<vmem>>) dst(%dma_wait3A_117 : memref<80x128xf32, #tpu.memory_space<hbm>>)
    %parallel_loop3A = arith.constant 0 : i32
    %parallel_loop3A_122 = arith.constant 80 : i32
    %parallel_loop3A_123 = arith.constant 1 : i32
    %parallel_loop3A_124 = arith.constant 0.000000e+00 : bf16
    scf.for %parallel_loop3A_241 = %parallel_loop3A to %parallel_loop3A_122 step %parallel_loop3A_123  : i32 {
      %parallel_loop3A_242 = arith.constant 0 : i32
      %parallel_loop3A_243 = arith.index_cast %parallel_loop3A_242 : i32 to index
      %parallel_loop3A_244 = arith.index_cast %parallel_loop3A_241 : i32 to index
      %parallel_loop3A_245 = arith.constant 0 : index
      %parallel_loop3A_246 = tpu.vector_load %arg11[%parallel_loop3A_243, %parallel_loop3A_244, %parallel_loop3A_245] {strides = array<i32>} : memref<3x80x64xi32, #tpu.memory_space<vmem>>, vector<16xi32>,
      %parallel_loop3A_247 = vector.bitcast %parallel_loop3A_246 : vector<16xi32> to vector<32xbf16>
      %parallel_loop3A_248 = arith.constant 0 : i32
      %parallel_loop3A_249 = arith.index_cast %parallel_loop3A_248 : i32 to index
      %parallel_loop3A_250 = arith.index_cast %parallel_loop3A_241 : i32 to index
      %parallel_loop3A_251 = arith.constant 0 : index
      %parallel_loop3A_252 = tpu.vector_load %arg12[%parallel_loop3A_249, %parallel_loop3A_250, %parallel_loop3A_251] {strides = array<i32>} : memref<3x80x128xi32, #tpu.memory_space<vmem>>, vector<16xi32>,
      %parallel_loop3A_253 = vector.bitcast %parallel_loop3A_252 : vector<16xi32> to vector<32xbf16>
      %parallel_loop3A_254 = arith.subf %parallel_loop3A_247, %parallel_loop3A_253 : vector<32xbf16>
      %parallel_loop3A_255 = vector.broadcast %parallel_loop3A_124 : bf16 to vector<32xbf16>
      %parallel_loop3A_256 = arith.maximumf %parallel_loop3A_254, %parallel_loop3A_255 : vector<32xbf16>
      %parallel_loop3A_257 = arith.mulf %parallel_loop3A_256, %bitcast3A : vector<32xbf16>
      %parallel_loop3A_258 = arith.constant 0 : i32
      %parallel_loop3A_259 = arith.index_cast %parallel_loop3A_258 : i32 to index
      %parallel_loop3A_260 = arith.index_cast %parallel_loop3A_241 : i32 to index
      %parallel_loop3A_261 = arith.constant 16 : index
      %parallel_loop3A_262 = tpu.vector_load %arg11[%parallel_loop3A_259, %parallel_loop3A_260, %parallel_loop3A_261] {strides = array<i32>} : memref<3x80x64xi32, #tpu.memory_space<vmem>>, vector<16xi32>,
      %parallel_loop3A_263 = vector.bitcast %parallel_loop3A_262 : vector<16xi32> to vector<32xbf16>
      %parallel_loop3A_264 = arith.constant 0 : i32
      %parallel_loop3A_265 = arith.index_cast %parallel_loop3A_264 : i32 to index
      %parallel_loop3A_266 = arith.index_cast %parallel_loop3A_241 : i32 to index
      %parallel_loop3A_267 = arith.constant 16 : index
      %parallel_loop3A_268 = tpu.vector_load %arg12[%parallel_loop3A_265, %parallel_loop3A_266, %parallel_loop3A_267] {strides = array<i32>} : memref<3x80x128xi32, #tpu.memory_space<vmem>>, vector<16xi32>,
      %parallel_loop3A_269 = vector.bitcast %parallel_loop3A_268 : vector<16xi32> to vector<32xbf16>
      %parallel_loop3A_270 = arith.subf %parallel_loop3A_263, %parallel_loop3A_269 : vector<32xbf16>
      %parallel_loop3A_271 = vector.broadcast %parallel_loop3A_124 : bf16 to vector<32xbf16>
      %parallel_loop3A_272 = arith.maximumf %parallel_loop3A_270, %parallel_loop3A_271 : vector<32xbf16>
      %parallel_loop3A_273 = arith.mulf %parallel_loop3A_272, %bitcast3A_8 : vector<32xbf16>
      %parallel_loop3A_274 = arith.addf %parallel_loop3A_257, %parallel_loop3A_273 : vector<32xbf16>
      %parallel_loop3A_275 = arith.constant 0 : i32
      %parallel_loop3A_276 = arith.index_cast %parallel_loop3A_275 : i32 to index
      %parallel_loop3A_277 = arith.index_cast %parallel_loop3A_241 : i32 to index
      %parallel_loop3A_278 = arith.constant 32 : index
      %parallel_loop3A_279 = tpu.vector_load %arg11[%parallel_loop3A_276, %parallel_loop3A_277, %parallel_loop3A_278] {strides = array<i32>} : memref<3x80x64xi32, #tpu.memory_space<vmem>>, vector<16xi32>,
      %parallel_loop3A_280 = vector.bitcast %parallel_loop3A_279 : vector<16xi32> to vector<32xbf16>
      %parallel_loop3A_281 = arith.constant 0 : i32
      %parallel_loop3A_282 = arith.index_cast %parallel_loop3A_281 : i32 to index
      %parallel_loop3A_283 = arith.index_cast %parallel_loop3A_241 : i32 to index
      %parallel_loop3A_284 = arith.constant 32 : index
      %parallel_loop3A_285 = tpu.vector_load %arg12[%parallel_loop3A_282, %parallel_loop3A_283, %parallel_loop3A_284] {strides = array<i32>} : memref<3x80x128xi32, #tpu.memory_space<vmem>>, vector<16xi32>,
      %parallel_loop3A_286 = vector.bitcast %parallel_loop3A_285 : vector<16xi32> to vector<32xbf16>
      %parallel_loop3A_287 = arith.subf %parallel_loop3A_280, %parallel_loop3A_286 : vector<32xbf16>
      %parallel_loop3A_288 = vector.broadcast %parallel_loop3A_124 : bf16 to vector<32xbf16>
      %parallel_loop3A_289 = arith.maximumf %parallel_loop3A_287, %parallel_loop3A_288 : vector<32xbf16>
      %parallel_loop3A_290 = arith.mulf %parallel_loop3A_289, %bitcast3A_11 : vector<32xbf16>
      %parallel_loop3A_291 = arith.addf %parallel_loop3A_274, %parallel_loop3A_290 : vector<32xbf16>
      %parallel_loop3A_292 = arith.constant 0 : i32
      %parallel_loop3A_293 = arith.index_cast %parallel_loop3A_292 : i32 to index
      %parallel_loop3A_294 = arith.index_cast %parallel_loop3A_241 : i32 to index
      %parallel_loop3A_295 = arith.constant 48 : index
      %parallel_loop3A_296 = tpu.vector_load %arg11[%parallel_loop3A_293, %parallel_loop3A_294, %parallel_loop3A_295] {strides = array<i32>} : memref<3x80x64xi32, #tpu.memory_space<vmem>>, vector<16xi32>,
      %parallel_loop3A_297 = vector.bitcast %parallel_loop3A_296 : vector<16xi32> to vector<32xbf16>
      %parallel_loop3A_298 = arith.constant 0 : i32
      %parallel_loop3A_299 = arith.index_cast %parallel_loop3A_298 : i32 to index
      %parallel_loop3A_300 = arith.index_cast %parallel_loop3A_241 : i32 to index
      %parallel_loop3A_301 = arith.constant 48 : index
      %parallel_loop3A_302 = tpu.vector_load %arg12[%parallel_loop3A_299, %parallel_loop3A_300, %parallel_loop3A_301] {strides = array<i32>} : memref<3x80x128xi32, #tpu.memory_space<vmem>>, vector<16xi32>,
      %parallel_loop3A_303 = vector.bitcast %parallel_loop3A_302 : vector<16xi32> to vector<32xbf16>
      %parallel_loop3A_304 = arith.subf %parallel_loop3A_297, %parallel_loop3A_303 : vector<32xbf16>
      %parallel_loop3A_305 = vector.broadcast %parallel_loop3A_124 : bf16 to vector<32xbf16>
      %parallel_loop3A_306 = arith.maximumf %parallel_loop3A_304, %parallel_loop3A_305 : vector<32xbf16>
      %parallel_loop3A_307 = arith.mulf %parallel_loop3A_306, %bitcast3A_14 : vector<32xbf16>
      %parallel_loop3A_308 = arith.addf %parallel_loop3A_291, %parallel_loop3A_307 : vector<32xbf16>
      %parallel_loop3A_309 = tpu.unpack_subelements %parallel_loop3A_308, 0 {pack_format = #tpu.pack_format<interleaved>} : vector<32xbf16> -> vector<16xf32>
      %parallel_loop3A_310 = tpu.unpack_subelements %parallel_loop3A_308, 1 {pack_format = #tpu.pack_format<interleaved>} : vector<32xbf16> -> vector<16xf32>
      %parallel_loop3A_311 = arith.addf %parallel_loop3A_309, %parallel_loop3A_310 : vector<16xf32>
      %parallel_loop3A_312 = arith.constant true
      %parallel_loop3A_313 = vector.broadcast %parallel_loop3A_312 : i1 to vector<16xi1>
      %parallel_loop3A_314 = tpu.scan <sum>, %parallel_loop3A_311 masked %parallel_loop3A_313 : vector<16xf32>, vector<16xi1> -> vector<16xf32>
      %parallel_loop3A_315 = vector.extract %parallel_loop3A_314[15] : f32 from vector<16xf32>
      %parallel_loop3A_316 = vector.broadcast %parallel_loop3A_315 : f32 to vector<16xf32>
      %parallel_loop3A_317 = arith.addf %parallel_loop3A_316, %get3A_3 : vector<16xf32>
      %parallel_loop3A_318 = arith.constant 0.000000e+00 : f32
      %parallel_loop3A_319 = vector.broadcast %parallel_loop3A_318 : f32 to vector<16xf32>
      %parallel_loop3A_320 = arith.maximumf %parallel_loop3A_317, %parallel_loop3A_319 : vector<16xf32>
      %parallel_loop3A_321 = arith.constant 0.000000e+00 : f32
      %parallel_loop3A_322 = vector.broadcast %parallel_loop3A_321 : f32 to vector<16xf32>
      %parallel_loop3A_323 = arith.subf %parallel_loop3A_322, %parallel_loop3A_320 : vector<16xf32>
      %parallel_loop3A_324 = math.exp %parallel_loop3A_323 : vector<16xf32>
      %parallel_loop3A_325 = arith.constant 0 : i32
      %parallel_loop3A_326 = arith.index_cast %parallel_loop3A_325 : i32 to index
      %parallel_loop3A_327 = arith.index_cast %parallel_loop3A_241 : i32 to index
      %parallel_loop3A_328 = arith.constant 64 : index
      %parallel_loop3A_329 = tpu.vector_load %arg12[%parallel_loop3A_326, %parallel_loop3A_327, %parallel_loop3A_328] {strides = array<i32>} : memref<3x80x128xi32, #tpu.memory_space<vmem>>, vector<16xi32>,
      %parallel_loop3A_330 = vector.bitcast %parallel_loop3A_329 : vector<16xi32> to vector<32xbf16>
      %parallel_loop3A_331 = tpu.unpack_subelements %parallel_loop3A_330, 0 {pack_format = #tpu.pack_format<interleaved>} : vector<32xbf16> -> vector<16xf32>
      %parallel_loop3A_332 = tpu.unpack_subelements %parallel_loop3A_330, 1 {pack_format = #tpu.pack_format<interleaved>} : vector<32xbf16> -> vector<16xf32>
      %parallel_loop3A_333 = arith.mulf %parallel_loop3A_331, %parallel_loop3A_324 : vector<16xf32>
      %parallel_loop3A_334 = arith.constant 0 : i32
      %parallel_loop3A_335 = arith.index_cast %parallel_loop3A_334 : i32 to index
      %parallel_loop3A_336 = arith.index_cast %parallel_loop3A_241 : i32 to index
      %parallel_loop3A_337 = arith.constant 0 : index
      %parallel_loop3A_338 = tpu.vector_load %arg13[%parallel_loop3A_335, %parallel_loop3A_336, %parallel_loop3A_337] {strides = array<i32>} : memref<3x80x128xf32, #tpu.memory_space<vmem>>, vector<16xf32>,
      tpu.vector_store %arg13[%parallel_loop3A_335, %parallel_loop3A_336, %parallel_loop3A_337], %parallel_loop3A_333 {strides = array<i32>} : memref<3x80x128xf32, #tpu.memory_space<vmem>>, vector<16xf32>,
      %parallel_loop3A_339 = arith.mulf %parallel_loop3A_332, %parallel_loop3A_324 : vector<16xf32>
      %parallel_loop3A_340 = arith.constant 0 : i32
      %parallel_loop3A_341 = arith.index_cast %parallel_loop3A_340 : i32 to index
      %parallel_loop3A_342 = arith.index_cast %parallel_loop3A_241 : i32 to index
      %parallel_loop3A_343 = arith.constant 16 : index
      %parallel_loop3A_344 = tpu.vector_load %arg13[%parallel_loop3A_341, %parallel_loop3A_342, %parallel_loop3A_343] {strides = array<i32>} : memref<3x80x128xf32, #tpu.memory_space<vmem>>, vector<16xf32>,
      tpu.vector_store %arg13[%parallel_loop3A_341, %parallel_loop3A_342, %parallel_loop3A_343], %parallel_loop3A_339 {strides = array<i32>} : memref<3x80x128xf32, #tpu.memory_space<vmem>>, vector<16xf32>,
      %parallel_loop3A_345 = arith.constant 0 : i32
      %parallel_loop3A_346 = arith.index_cast %parallel_loop3A_345 : i32 to index
      %parallel_loop3A_347 = arith.index_cast %parallel_loop3A_241 : i32 to index
      %parallel_loop3A_348 = arith.constant 80 : index
      %parallel_loop3A_349 = tpu.vector_load %arg12[%parallel_loop3A_346, %parallel_loop3A_347, %parallel_loop3A_348] {strides = array<i32>} : memref<3x80x128xi32, #tpu.memory_space<vmem>>, vector<16xi32>,
      %parallel_loop3A_350 = vector.bitcast %parallel_loop3A_349 : vector<16xi32> to vector<32xbf16>
      %parallel_loop3A_351 = tpu.unpack_subelements %parallel_loop3A_350, 0 {pack_format = #tpu.pack_format<interleaved>} : vector<32xbf16> -> vector<16xf32>
      %parallel_loop3A_352 = tpu.unpack_subelements %parallel_loop3A_350, 1 {pack_format = #tpu.pack_format<interleaved>} : vector<32xbf16> -> vector<16xf32>
      %parallel_loop3A_353 = arith.mulf %parallel_loop3A_351, %parallel_loop3A_324 : vector<16xf32>
      %parallel_loop3A_354 = arith.constant 0 : i32
      %parallel_loop3A_355 = arith.index_cast %parallel_loop3A_354 : i32 to index
      %parallel_loop3A_356 = arith.index_cast %parallel_loop3A_241 : i32 to index
      %parallel_loop3A_357 = arith.constant 32 : index
      %parallel_loop3A_358 = tpu.vector_load %arg13[%parallel_loop3A_355, %parallel_loop3A_356, %parallel_loop3A_357] {strides = array<i32>} : memref<3x80x128xf32, #tpu.memory_space<vmem>>, vector<16xf32>,
      tpu.vector_store %arg13[%parallel_loop3A_355, %parallel_loop3A_356, %parallel_loop3A_357], %parallel_loop3A_353 {strides = array<i32>} : memref<3x80x128xf32, #tpu.memory_space<vmem>>, vector<16xf32>,
      %parallel_loop3A_359 = arith.mulf %parallel_loop3A_352, %parallel_loop3A_324 : vector<16xf32>
      %parallel_loop3A_360 = arith.constant 0 : i32
      %parallel_loop3A_361 = arith.index_cast %parallel_loop3A_360 : i32 to index
      %parallel_loop3A_362 = arith.index_cast %parallel_loop3A_241 : i32 to index
      %parallel_loop3A_363 = arith.constant 48 : index
      %parallel_loop3A_364 = tpu.vector_load %arg13[%parallel_loop3A_361, %parallel_loop3A_362, %parallel_loop3A_363] {strides = array<i32>} : memref<3x80x128xf32, #tpu.memory_space<vmem>>, vector<16xf32>,
      tpu.vector_store %arg13[%parallel_loop3A_361, %parallel_loop3A_362, %parallel_loop3A_363], %parallel_loop3A_359 {strides = array<i32>} : memref<3x80x128xf32, #tpu.memory_space<vmem>>, vector<16xf32>,
      %parallel_loop3A_365 = arith.constant 0 : i32
      %parallel_loop3A_366 = arith.index_cast %parallel_loop3A_365 : i32 to index
      %parallel_loop3A_367 = arith.index_cast %parallel_loop3A_241 : i32 to index
      %parallel_loop3A_368 = arith.constant 96 : index
      %parallel_loop3A_369 = tpu.vector_load %arg12[%parallel_loop3A_366, %parallel_loop3A_367, %parallel_loop3A_368] {strides = array<i32>} : memref<3x80x128xi32, #tpu.memory_space<vmem>>, vector<16xi32>,
      %parallel_loop3A_370 = vector.bitcast %parallel_loop3A_369 : vector<16xi32> to vector<32xbf16>
      %parallel_loop3A_371 = tpu.unpack_subelements %parallel_loop3A_370, 0 {pack_format = #tpu.pack_format<interleaved>} : vector<32xbf16> -> vector<16xf32>
      %parallel_loop3A_372 = tpu.unpack_subelements %parallel_loop3A_370, 1 {pack_format = #tpu.pack_format<interleaved>} : vector<32xbf16> -> vector<16xf32>
      %parallel_loop3A_373 = arith.mulf %parallel_loop3A_371, %parallel_loop3A_324 : vector<16xf32>
      %parallel_loop3A_374 = arith.constant 0 : i32
      %parallel_loop3A_375 = arith.index_cast %parallel_loop3A_374 : i32 to index
      %parallel_loop3A_376 = arith.index_cast %parallel_loop3A_241 : i32 to index
      %parallel_loop3A_377 = arith.constant 64 : index
      %parallel_loop3A_378 = tpu.vector_load %arg13[%parallel_loop3A_375, %parallel_loop3A_376, %parallel_loop3A_377] {strides = array<i32>} : memref<3x80x128xf32, #tpu.memory_space<vmem>>, vector<16xf32>,
      tpu.vector_store %arg13[%parallel_loop3A_375, %parallel_loop3A_376, %parallel_loop3A_377], %parallel_loop3A_373 {strides = array<i32>} : memref<3x80x128xf32, #tpu.memory_space<vmem>>, vector<16xf32>,
      %parallel_loop3A_379 = arith.mulf %parallel_loop3A_372, %parallel_loop3A_324 : vector<16xf32>
      %parallel_loop3A_380 = arith.constant 0 : i32
      %parallel_loop3A_381 = arith.index_cast %parallel_loop3A_380 : i32 to index
      %parallel_loop3A_382 = arith.index_cast %parallel_loop3A_241 : i32 to index
      %parallel_loop3A_383 = arith.constant 80 : index
      %parallel_loop3A_384 = tpu.vector_load %arg13[%parallel_loop3A_381, %parallel_loop3A_382, %parallel_loop3A_383] {strides = array<i32>} : memref<3x80x128xf32, #tpu.memory_space<vmem>>, vector<16xf32>,
      tpu.vector_store %arg13[%parallel_loop3A_381, %parallel_loop3A_382, %parallel_loop3A_383], %parallel_loop3A_379 {strides = array<i32>} : memref<3x80x128xf32, #tpu.memory_space<vmem>>, vector<16xf32>,
      %parallel_loop3A_385 = arith.constant 0 : i32
      %parallel_loop3A_386 = arith.index_cast %parallel_loop3A_385 : i32 to index
      %parallel_loop3A_387 = arith.index_cast %parallel_loop3A_241 : i32 to index
      %parallel_loop3A_388 = arith.constant 112 : index
      %parallel_loop3A_389 = tpu.vector_load %arg12[%parallel_loop3A_386, %parallel_loop3A_387, %parallel_loop3A_388] {strides = array<i32>} : memref<3x80x128xi32, #tpu.memory_space<vmem>>, vector<16xi32>,
      %parallel_loop3A_390 = vector.bitcast %parallel_loop3A_389 : vector<16xi32> to vector<32xbf16>
      %parallel_loop3A_391 = tpu.unpack_subelements %parallel_loop3A_390, 0 {pack_format = #tpu.pack_format<interleaved>} : vector<32xbf16> -> vector<16xf32>
      %parallel_loop3A_392 = tpu.unpack_subelements %parallel_loop3A_390, 1 {pack_format = #tpu.pack_format<interleaved>} : vector<32xbf16> -> vector<16xf32>
      %parallel_loop3A_393 = arith.mulf %parallel_loop3A_391, %parallel_loop3A_324 : vector<16xf32>
      %parallel_loop3A_394 = arith.constant 0 : i32
      %parallel_loop3A_395 = arith.index_cast %parallel_loop3A_394 : i32 to index
      %parallel_loop3A_396 = arith.index_cast %parallel_loop3A_241 : i32 to index
      %parallel_loop3A_397 = arith.constant 96 : index
      %parallel_loop3A_398 = tpu.vector_load %arg13[%parallel_loop3A_395, %parallel_loop3A_396, %parallel_loop3A_397] {strides = array<i32>} : memref<3x80x128xf32, #tpu.memory_space<vmem>>, vector<16xf32>,
      tpu.vector_store %arg13[%parallel_loop3A_395, %parallel_loop3A_396, %parallel_loop3A_397], %parallel_loop3A_393 {strides = array<i32>} : memref<3x80x128xf32, #tpu.memory_space<vmem>>, vector<16xf32>,
      %parallel_loop3A_399 = arith.mulf %parallel_loop3A_392, %parallel_loop3A_324 : vector<16xf32>
      %parallel_loop3A_400 = arith.constant 0 : i32
      %parallel_loop3A_401 = arith.index_cast %parallel_loop3A_400 : i32 to index
      %parallel_loop3A_402 = arith.index_cast %parallel_loop3A_241 : i32 to index
      %parallel_loop3A_403 = arith.constant 112 : index
      %parallel_loop3A_404 = tpu.vector_load %arg13[%parallel_loop3A_401, %parallel_loop3A_402, %parallel_loop3A_403] {strides = array<i32>} : memref<3x80x128xf32, #tpu.memory_space<vmem>>, vector<16xf32>,
      tpu.vector_store %arg13[%parallel_loop3A_401, %parallel_loop3A_402, %parallel_loop3A_403], %parallel_loop3A_399 {strides = array<i32>} : memref<3x80x128xf32, #tpu.memory_space<vmem>>, vector<16xf32>,
    } {sc.loop_unroll_factor = 2 : i64, sc.parallel_access}
    %add3A_125 = arith.constant 9840 : i32
    %add3A_126 = arith.addi %mul3A_2, %add3A_125 : i32
    %dma_start3A_127 = arith.constant 0 : i32
    %dma_start3A_128 = arith.constant 0 : i32
    %dma_start3A_129 = arith.constant 0 : i32
    %dma_start3A_130 = tpu.memref_slice %arg13[%dma_start3A_127, %dma_start3A_128, %dma_start3A_129] : memref<3x80x128xf32, #tpu.memory_space<vmem>> -> memref<1x80x128xf32, #tpu.memory_space<vmem>>
    %dma_start3A_131 = tpu.memref_squeeze %dma_start3A_130 : memref<1x80x128xf32, #tpu.memory_space<vmem>> -> memref<80x128xf32, #tpu.memory_space<vmem>>
    %dma_start3A_132 = arith.constant 0 : i32
    %dma_start3A_133 = tpu.memref_slice %arg8[%add3A_126, %dma_start3A_132] : memref<320000x128xf32, #tpu.memory_space<hbm>> -> memref<80x128xf32, #tpu.memory_space<hbm>>
    %dma_start3A_134 = arith.constant 0 : i32
    %dma_start3A_135 = tpu.memref_slice %arg8[%add3A_126, %dma_start3A_134] : memref<320000x128xf32, #tpu.memory_space<hbm>> -> memref<80x128xf32, #tpu.memory_space<hbm>>
    %dma_start3A_136 = arith.constant 0 : i32
    %dma_start3A_137 = arith.constant 0 : i32
    %dma_start3A_138 = tpu.memref_slice %arg13[%dma_start3A_127, %dma_start3A_136, %dma_start3A_137] : memref<3x80x128xf32, #tpu.memory_space<vmem>> -> memref<1x80x128xf32, #tpu.memory_space<vmem>>
    %dma_start3A_139 = tpu.memref_squeeze %dma_start3A_138 : memref<1x80x128xf32, #tpu.memory_space<vmem>> -> memref<80x128xf32, #tpu.memory_space<vmem>>
    tpu.enqueue_dma source(%dma_start3A_139 : memref<80x128xf32, #tpu.memory_space<vmem>>) target(%dma_start3A_135 : memref<80x128xf32, #tpu.memory_space<hbm>>) target_semaphore(%arg19 : memref<!tpu.dma_semaphore, #tpu.memory_space<semaphore_mem>>)
    %dma_wait3A_140 = arith.constant 1 : i32
    %dma_wait3A_141 = arith.constant 0 : i32
    %dma_wait3A_142 = arith.constant 0 : i32
    %dma_wait3A_143 = tpu.memref_slice %arg11[%dma_wait3A_140, %dma_wait3A_141, %dma_wait3A_142] : memref<3x80x64xi32, #tpu.memory_space<vmem>> -> memref<1x80x64xi32, #tpu.memory_space<vmem>>
    %dma_wait3A_144 = tpu.memref_squeeze %dma_wait3A_143 : memref<1x80x64xi32, #tpu.memory_space<vmem>> -> memref<80x64xi32, #tpu.memory_space<vmem>>
    %dma_wait3A_145 = arith.constant 0 : i32
    %dma_wait3A_146 = arith.constant 0 : i32
    %dma_wait3A_147 = tpu.memref_slice %arg2[%dma_wait3A_145, %dma_wait3A_146] : memref<10000x64xi32, #tpu.memory_space<hbm>> -> memref<80x64xi32, #tpu.memory_space<hbm>>
    %dma_wait3A_148 = arith.constant 0 : i32
    %dma_wait3A_149 = arith.constant 0 : i32
    %dma_wait3A_150 = tpu.memref_slice %arg11[%dma_wait3A_140, %dma_wait3A_148, %dma_wait3A_149] : memref<3x80x64xi32, #tpu.memory_space<vmem>> -> memref<1x80x64xi32, #tpu.memory_space<vmem>>
    %dma_wait3A_151 = tpu.memref_squeeze %dma_wait3A_150 : memref<1x80x64xi32, #tpu.memory_space<vmem>> -> memref<80x64xi32, #tpu.memory_space<vmem>>
    %dma_wait3A_152 = arith.constant 0 : i32
    %dma_wait3A_153 = arith.constant 0 : i32
    %dma_wait3A_154 = tpu.memref_slice %arg2[%dma_wait3A_152, %dma_wait3A_153] : memref<10000x64xi32, #tpu.memory_space<hbm>> -> memref<80x64xi32, #tpu.memory_space<hbm>>
    tpu.wait_dma2 semaphore(%arg17 : memref<!tpu.dma_semaphore, #tpu.memory_space<semaphore_mem>>) src(%dma_wait3A_154 : memref<80x64xi32, #tpu.memory_space<hbm>>) dst(%dma_wait3A_151 : memref<80x64xi32, #tpu.memory_space<vmem>>)
    %dma_wait3A_155 = arith.constant 1 : i32
    %dma_wait3A_156 = arith.constant 0 : i32
    %dma_wait3A_157 = arith.constant 0 : i32
    %dma_wait3A_158 = tpu.memref_slice %arg12[%dma_wait3A_155, %dma_wait3A_156, %dma_wait3A_157] : memref<3x80x128xi32, #tpu.memory_space<vmem>> -> memref<1x80x128xi32, #tpu.memory_space<vmem>>
    %dma_wait3A_159 = tpu.memref_squeeze %dma_wait3A_158 : memref<1x80x128xi32, #tpu.memory_space<vmem>> -> memref<80x128xi32, #tpu.memory_space<vmem>>
    %dma_wait3A_160 = arith.constant 0 : i32
    %dma_wait3A_161 = arith.constant 0 : i32
    %dma_wait3A_162 = tpu.memref_slice %arg3[%dma_wait3A_160, %dma_wait3A_161] : memref<10000x128xi32, #tpu.memory_space<hbm>> -> memref<80x128xi32, #tpu.memory_space<hbm>>
    %dma_wait3A_163 = arith.constant 0 : i32
    %dma_wait3A_164 = arith.constant 0 : i32
    %dma_wait3A_165 = tpu.memref_slice %arg12[%dma_wait3A_155, %dma_wait3A_163, %dma_wait3A_164] : memref<3x80x128xi32, #tpu.memory_space<vmem>> -> memref<1x80x128xi32, #tpu.memory_space<vmem>>
    %dma_wait3A_166 = tpu.memref_squeeze %dma_wait3A_165 : memref<1x80x128xi32, #tpu.memory_space<vmem>> -> memref<80x128xi32, #tpu.memory_space<vmem>>
    %dma_wait3A_167 = arith.constant 0 : i32
    %dma_wait3A_168 = arith.constant 0 : i32
    %dma_wait3A_169 = tpu.memref_slice %arg3[%dma_wait3A_167, %dma_wait3A_168] : memref<10000x128xi32, #tpu.memory_space<hbm>> -> memref<80x128xi32, #tpu.memory_space<hbm>>
    tpu.wait_dma2 semaphore(%arg17 : memref<!tpu.dma_semaphore, #tpu.memory_space<semaphore_mem>>) src(%dma_wait3A_169 : memref<80x128xi32, #tpu.memory_space<hbm>>) dst(%dma_wait3A_166 : memref<80x128xi32, #tpu.memory_space<vmem>>)
    %dma_wait3A_170 = arith.constant 1 : i32
    %dma_wait3A_171 = arith.constant 0 : i32
    %dma_wait3A_172 = arith.constant 0 : i32
    %dma_wait3A_173 = tpu.memref_slice %arg13[%dma_wait3A_170, %dma_wait3A_171, %dma_wait3A_172] : memref<3x80x128xf32, #tpu.memory_space<vmem>> -> memref<1x80x128xf32, #tpu.memory_space<vmem>>
    %dma_wait3A_174 = tpu.memref_squeeze %dma_wait3A_173 : memref<1x80x128xf32, #tpu.memory_space<vmem>> -> memref<80x128xf32, #tpu.memory_space<vmem>>
    %dma_wait3A_175 = arith.constant 0 : i32
    %dma_wait3A_176 = tpu.memref_slice %arg8[%mul3A_2, %dma_wait3A_175] : memref<320000x128xf32, #tpu.memory_space<hbm>> -> memref<80x128xf32, #tpu.memory_space<hbm>>
    %dma_wait3A_177 = arith.constant 0 : i32
    %dma_wait3A_178 = tpu.memref_slice %arg8[%mul3A_2, %dma_wait3A_177] : memref<320000x128xf32, #tpu.memory_space<hbm>> -> memref<80x128xf32, #tpu.memory_space<hbm>>
    %dma_wait3A_179 = arith.constant 0 : i32
    %dma_wait3A_180 = arith.constant 0 : i32
    %dma_wait3A_181 = tpu.memref_slice %arg13[%dma_wait3A_170, %dma_wait3A_179, %dma_wait3A_180] : memref<3x80x128xf32, #tpu.memory_space<vmem>> -> memref<1x80x128xf32, #tpu.memory_space<vmem>>
    %dma_wait3A_182 = tpu.memref_squeeze %dma_wait3A_181 : memref<1x80x128xf32, #tpu.memory_space<vmem>> -> memref<80x128xf32, #tpu.memory_space<vmem>>
    tpu.wait_dma2 semaphore(%arg20 : memref<!tpu.dma_semaphore, #tpu.memory_space<semaphore_mem>>) src(%dma_wait3A_182 : memref<80x128xf32, #tpu.memory_space<vmem>>) dst(%dma_wait3A_178 : memref<80x128xf32, #tpu.memory_space<hbm>>)
    %parallel_loop3A_183 = arith.constant 0 : i32
    %parallel_loop3A_184 = arith.constant 80 : i32
    %parallel_loop3A_185 = arith.constant 1 : i32
    %parallel_loop3A_186 = arith.constant 0.000000e+00 : bf16
    scf.for %parallel_loop3A_241 = %parallel_loop3A_183 to %parallel_loop3A_184 step %parallel_loop3A_185  : i32 {
      %parallel_loop3A_242 = arith.constant 1 : i32
      %parallel_loop3A_243 = arith.index_cast %parallel_loop3A_242 : i32 to index
      %parallel_loop3A_244 = arith.index_cast %parallel_loop3A_241 : i32 to index
      %parallel_loop3A_245 = arith.constant 0 : index
      %parallel_loop3A_246 = tpu.vector_load %arg11[%parallel_loop3A_243, %parallel_loop3A_244, %parallel_loop3A_245] {strides = array<i32>} : memref<3x80x64xi32, #tpu.memory_space<vmem>>, vector<16xi32>,
      %parallel_loop3A_247 = vector.bitcast %parallel_loop3A_246 : vector<16xi32> to vector<32xbf16>
      %parallel_loop3A_248 = arith.constant 1 : i32
      %parallel_loop3A_249 = arith.index_cast %parallel_loop3A_248 : i32 to index
      %parallel_loop3A_250 = arith.index_cast %parallel_loop3A_241 : i32 to index
      %parallel_loop3A_251 = arith.constant 0 : index
      %parallel_loop3A_252 = tpu.vector_load %arg12[%parallel_loop3A_249, %parallel_loop3A_250, %parallel_loop3A_251] {strides = array<i32>} : memref<3x80x128xi32, #tpu.memory_space<vmem>>, vector<16xi32>,
      %parallel_loop3A_253 = vector.bitcast %parallel_loop3A_252 : vector<16xi32> to vector<32xbf16>
      %parallel_loop3A_254 = arith.subf %parallel_loop3A_247, %parallel_loop3A_253 : vector<32xbf16>
      %parallel_loop3A_255 = vector.broadcast %parallel_loop3A_186 : bf16 to vector<32xbf16>
      %parallel_loop3A_256 = arith.maximumf %parallel_loop3A_254, %parallel_loop3A_255 : vector<32xbf16>
      %parallel_loop3A_257 = arith.mulf %parallel_loop3A_256, %bitcast3A : vector<32xbf16>
      %parallel_loop3A_258 = arith.constant 1 : i32
      %parallel_loop3A_259 = arith.index_cast %parallel_loop3A_258 : i32 to index
      %parallel_loop3A_260 = arith.index_cast %parallel_loop3A_241 : i32 to index
      %parallel_loop3A_261 = arith.constant 16 : index
      %parallel_loop3A_262 = tpu.vector_load %arg11[%parallel_loop3A_259, %parallel_loop3A_260, %parallel_loop3A_261] {strides = array<i32>} : memref<3x80x64xi32, #tpu.memory_space<vmem>>, vector<16xi32>,
      %parallel_loop3A_263 = vector.bitcast %parallel_loop3A_262 : vector<16xi32> to vector<32xbf16>
      %parallel_loop3A_264 = arith.constant 1 : i32
      %parallel_loop3A_265 = arith.index_cast %parallel_loop3A_264 : i32 to index
      %parallel_loop3A_266 = arith.index_cast %parallel_loop3A_241 : i32 to index
      %parallel_loop3A_267 = arith.constant 16 : index
      %parallel_loop3A_268 = tpu.vector_load %arg12[%parallel_loop3A_265, %parallel_loop3A_266, %parallel_loop3A_267] {strides = array<i32>} : memref<3x80x128xi32, #tpu.memory_space<vmem>>, vector<16xi32>,
      %parallel_loop3A_269 = vector.bitcast %parallel_loop3A_268 : vector<16xi32> to vector<32xbf16>
      %parallel_loop3A_270 = arith.subf %parallel_loop3A_263, %parallel_loop3A_269 : vector<32xbf16>
      %parallel_loop3A_271 = vector.broadcast %parallel_loop3A_186 : bf16 to vector<32xbf16>
      %parallel_loop3A_272 = arith.maximumf %parallel_loop3A_270, %parallel_loop3A_271 : vector<32xbf16>
      %parallel_loop3A_273 = arith.mulf %parallel_loop3A_272, %bitcast3A_8 : vector<32xbf16>
      %parallel_loop3A_274 = arith.addf %parallel_loop3A_257, %parallel_loop3A_273 : vector<32xbf16>
      %parallel_loop3A_275 = arith.constant 1 : i32
      %parallel_loop3A_276 = arith.index_cast %parallel_loop3A_275 : i32 to index
      %parallel_loop3A_277 = arith.index_cast %parallel_loop3A_241 : i32 to index
      %parallel_loop3A_278 = arith.constant 32 : index
      %parallel_loop3A_279 = tpu.vector_load %arg11[%parallel_loop3A_276, %parallel_loop3A_277, %parallel_loop3A_278] {strides = array<i32>} : memref<3x80x64xi32, #tpu.memory_space<vmem>>, vector<16xi32>,
      %parallel_loop3A_280 = vector.bitcast %parallel_loop3A_279 : vector<16xi32> to vector<32xbf16>
      %parallel_loop3A_281 = arith.constant 1 : i32
      %parallel_loop3A_282 = arith.index_cast %parallel_loop3A_281 : i32 to index
      %parallel_loop3A_283 = arith.index_cast %parallel_loop3A_241 : i32 to index
      %parallel_loop3A_284 = arith.constant 32 : index
      %parallel_loop3A_285 = tpu.vector_load %arg12[%parallel_loop3A_282, %parallel_loop3A_283, %parallel_loop3A_284] {strides = array<i32>} : memref<3x80x128xi32, #tpu.memory_space<vmem>>, vector<16xi32>,
      %parallel_loop3A_286 = vector.bitcast %parallel_loop3A_285 : vector<16xi32> to vector<32xbf16>
      %parallel_loop3A_287 = arith.subf %parallel_loop3A_280, %parallel_loop3A_286 : vector<32xbf16>
      %parallel_loop3A_288 = vector.broadcast %parallel_loop3A_186 : bf16 to vector<32xbf16>
      %parallel_loop3A_289 = arith.maximumf %parallel_loop3A_287, %parallel_loop3A_288 : vector<32xbf16>
      %parallel_loop3A_290 = arith.mulf %parallel_loop3A_289, %bitcast3A_11 : vector<32xbf16>
      %parallel_loop3A_291 = arith.addf %parallel_loop3A_274, %parallel_loop3A_290 : vector<32xbf16>
      %parallel_loop3A_292 = arith.constant 1 : i32
      %parallel_loop3A_293 = arith.index_cast %parallel_loop3A_292 : i32 to index
      %parallel_loop3A_294 = arith.index_cast %parallel_loop3A_241 : i32 to index
      %parallel_loop3A_295 = arith.constant 48 : index
      %parallel_loop3A_296 = tpu.vector_load %arg11[%parallel_loop3A_293, %parallel_loop3A_294, %parallel_loop3A_295] {strides = array<i32>} : memref<3x80x64xi32, #tpu.memory_space<vmem>>, vector<16xi32>,
      %parallel_loop3A_297 = vector.bitcast %parallel_loop3A_296 : vector<16xi32> to vector<32xbf16>
      %parallel_loop3A_298 = arith.constant 1 : i32
      %parallel_loop3A_299 = arith.index_cast %parallel_loop3A_298 : i32 to index
      %parallel_loop3A_300 = arith.index_cast %parallel_loop3A_241 : i32 to index
      %parallel_loop3A_301 = arith.constant 48 : index
      %parallel_loop3A_302 = tpu.vector_load %arg12[%parallel_loop3A_299, %parallel_loop3A_300, %parallel_loop3A_301] {strides = array<i32>} : memref<3x80x128xi32, #tpu.memory_space<vmem>>, vector<16xi32>,
      %parallel_loop3A_303 = vector.bitcast %parallel_loop3A_302 : vector<16xi32> to vector<32xbf16>
      %parallel_loop3A_304 = arith.subf %parallel_loop3A_297, %parallel_loop3A_303 : vector<32xbf16>
      %parallel_loop3A_305 = vector.broadcast %parallel_loop3A_186 : bf16 to vector<32xbf16>
      %parallel_loop3A_306 = arith.maximumf %parallel_loop3A_304, %parallel_loop3A_305 : vector<32xbf16>
      %parallel_loop3A_307 = arith.mulf %parallel_loop3A_306, %bitcast3A_14 : vector<32xbf16>
      %parallel_loop3A_308 = arith.addf %parallel_loop3A_291, %parallel_loop3A_307 : vector<32xbf16>
      %parallel_loop3A_309 = tpu.unpack_subelements %parallel_loop3A_308, 0 {pack_format = #tpu.pack_format<interleaved>} : vector<32xbf16> -> vector<16xf32>
      %parallel_loop3A_310 = tpu.unpack_subelements %parallel_loop3A_308, 1 {pack_format = #tpu.pack_format<interleaved>} : vector<32xbf16> -> vector<16xf32>
      %parallel_loop3A_311 = arith.addf %parallel_loop3A_309, %parallel_loop3A_310 : vector<16xf32>
      %parallel_loop3A_312 = arith.constant true
      %parallel_loop3A_313 = vector.broadcast %parallel_loop3A_312 : i1 to vector<16xi1>
      %parallel_loop3A_314 = tpu.scan <sum>, %parallel_loop3A_311 masked %parallel_loop3A_313 : vector<16xf32>, vector<16xi1> -> vector<16xf32>
      %parallel_loop3A_315 = vector.extract %parallel_loop3A_314[15] : f32 from vector<16xf32>
      %parallel_loop3A_316 = vector.broadcast %parallel_loop3A_315 : f32 to vector<16xf32>
      %parallel_loop3A_317 = arith.addf %parallel_loop3A_316, %get3A_3 : vector<16xf32>
      %parallel_loop3A_318 = arith.constant 0.000000e+00 : f32
      %parallel_loop3A_319 = vector.broadcast %parallel_loop3A_318 : f32 to vector<16xf32>
      %parallel_loop3A_320 = arith.maximumf %parallel_loop3A_317, %parallel_loop3A_319 : vector<16xf32>
      %parallel_loop3A_321 = arith.constant 0.000000e+00 : f32
      %parallel_loop3A_322 = vector.broadcast %parallel_loop3A_321 : f32 to vector<16xf32>
      %parallel_loop3A_323 = arith.subf %parallel_loop3A_322, %parallel_loop3A_320 : vector<16xf32>
      %parallel_loop3A_324 = math.exp %parallel_loop3A_323 : vector<16xf32>
      %parallel_loop3A_325 = arith.constant 1 : i32
      %parallel_loop3A_326 = arith.index_cast %parallel_loop3A_325 : i32 to index
      %parallel_loop3A_327 = arith.index_cast %parallel_loop3A_241 : i32 to index
      %parallel_loop3A_328 = arith.constant 64 : index
      %parallel_loop3A_329 = tpu.vector_load %arg12[%parallel_loop3A_326, %parallel_loop3A_327, %parallel_loop3A_328] {strides = array<i32>} : memref<3x80x128xi32, #tpu.memory_space<vmem>>, vector<16xi32>,
      %parallel_loop3A_330 = vector.bitcast %parallel_loop3A_329 : vector<16xi32> to vector<32xbf16>
      %parallel_loop3A_331 = tpu.unpack_subelements %parallel_loop3A_330, 0 {pack_format = #tpu.pack_format<interleaved>} : vector<32xbf16> -> vector<16xf32>
      %parallel_loop3A_332 = tpu.unpack_subelements %parallel_loop3A_330, 1 {pack_format = #tpu.pack_format<interleaved>} : vector<32xbf16> -> vector<16xf32>
      %parallel_loop3A_333 = arith.mulf %parallel_loop3A_331, %parallel_loop3A_324 : vector<16xf32>
      %parallel_loop3A_334 = arith.constant 1 : i32
      %parallel_loop3A_335 = arith.index_cast %parallel_loop3A_334 : i32 to index
      %parallel_loop3A_336 = arith.index_cast %parallel_loop3A_241 : i32 to index
      %parallel_loop3A_337 = arith.constant 0 : index
      %parallel_loop3A_338 = tpu.vector_load %arg13[%parallel_loop3A_335, %parallel_loop3A_336, %parallel_loop3A_337] {strides = array<i32>} : memref<3x80x128xf32, #tpu.memory_space<vmem>>, vector<16xf32>,
      tpu.vector_store %arg13[%parallel_loop3A_335, %parallel_loop3A_336, %parallel_loop3A_337], %parallel_loop3A_333 {strides = array<i32>} : memref<3x80x128xf32, #tpu.memory_space<vmem>>, vector<16xf32>,
      %parallel_loop3A_339 = arith.mulf %parallel_loop3A_332, %parallel_loop3A_324 : vector<16xf32>
      %parallel_loop3A_340 = arith.constant 1 : i32
      %parallel_loop3A_341 = arith.index_cast %parallel_loop3A_340 : i32 to index
      %parallel_loop3A_342 = arith.index_cast %parallel_loop3A_241 : i32 to index
      %parallel_loop3A_343 = arith.constant 16 : index
      %parallel_loop3A_344 = tpu.vector_load %arg13[%parallel_loop3A_341, %parallel_loop3A_342, %parallel_loop3A_343] {strides = array<i32>} : memref<3x80x128xf32, #tpu.memory_space<vmem>>, vector<16xf32>,
      tpu.vector_store %arg13[%parallel_loop3A_341, %parallel_loop3A_342, %parallel_loop3A_343], %parallel_loop3A_339 {strides = array<i32>} : memref<3x80x128xf32, #tpu.memory_space<vmem>>, vector<16xf32>,
      %parallel_loop3A_345 = arith.constant 1 : i32
      %parallel_loop3A_346 = arith.index_cast %parallel_loop3A_345 : i32 to index
      %parallel_loop3A_347 = arith.index_cast %parallel_loop3A_241 : i32 to index
      %parallel_loop3A_348 = arith.constant 80 : index
      %parallel_loop3A_349 = tpu.vector_load %arg12[%parallel_loop3A_346, %parallel_loop3A_347, %parallel_loop3A_348] {strides = array<i32>} : memref<3x80x128xi32, #tpu.memory_space<vmem>>, vector<16xi32>,
      %parallel_loop3A_350 = vector.bitcast %parallel_loop3A_349 : vector<16xi32> to vector<32xbf16>
      %parallel_loop3A_351 = tpu.unpack_subelements %parallel_loop3A_350, 0 {pack_format = #tpu.pack_format<interleaved>} : vector<32xbf16> -> vector<16xf32>
      %parallel_loop3A_352 = tpu.unpack_subelements %parallel_loop3A_350, 1 {pack_format = #tpu.pack_format<interleaved>} : vector<32xbf16> -> vector<16xf32>
      %parallel_loop3A_353 = arith.mulf %parallel_loop3A_351, %parallel_loop3A_324 : vector<16xf32>
      %parallel_loop3A_354 = arith.constant 1 : i32
      %parallel_loop3A_355 = arith.index_cast %parallel_loop3A_354 : i32 to index
      %parallel_loop3A_356 = arith.index_cast %parallel_loop3A_241 : i32 to index
      %parallel_loop3A_357 = arith.constant 32 : index
      %parallel_loop3A_358 = tpu.vector_load %arg13[%parallel_loop3A_355, %parallel_loop3A_356, %parallel_loop3A_357] {strides = array<i32>} : memref<3x80x128xf32, #tpu.memory_space<vmem>>, vector<16xf32>,
      tpu.vector_store %arg13[%parallel_loop3A_355, %parallel_loop3A_356, %parallel_loop3A_357], %parallel_loop3A_353 {strides = array<i32>} : memref<3x80x128xf32, #tpu.memory_space<vmem>>, vector<16xf32>,
      %parallel_loop3A_359 = arith.mulf %parallel_loop3A_352, %parallel_loop3A_324 : vector<16xf32>
      %parallel_loop3A_360 = arith.constant 1 : i32
      %parallel_loop3A_361 = arith.index_cast %parallel_loop3A_360 : i32 to index
      %parallel_loop3A_362 = arith.index_cast %parallel_loop3A_241 : i32 to index
      %parallel_loop3A_363 = arith.constant 48 : index
      %parallel_loop3A_364 = tpu.vector_load %arg13[%parallel_loop3A_361, %parallel_loop3A_362, %parallel_loop3A_363] {strides = array<i32>} : memref<3x80x128xf32, #tpu.memory_space<vmem>>, vector<16xf32>,
      tpu.vector_store %arg13[%parallel_loop3A_361, %parallel_loop3A_362, %parallel_loop3A_363], %parallel_loop3A_359 {strides = array<i32>} : memref<3x80x128xf32, #tpu.memory_space<vmem>>, vector<16xf32>,
      %parallel_loop3A_365 = arith.constant 1 : i32
      %parallel_loop3A_366 = arith.index_cast %parallel_loop3A_365 : i32 to index
      %parallel_loop3A_367 = arith.index_cast %parallel_loop3A_241 : i32 to index
      %parallel_loop3A_368 = arith.constant 96 : index
      %parallel_loop3A_369 = tpu.vector_load %arg12[%parallel_loop3A_366, %parallel_loop3A_367, %parallel_loop3A_368] {strides = array<i32>} : memref<3x80x128xi32, #tpu.memory_space<vmem>>, vector<16xi32>,
      %parallel_loop3A_370 = vector.bitcast %parallel_loop3A_369 : vector<16xi32> to vector<32xbf16>
      %parallel_loop3A_371 = tpu.unpack_subelements %parallel_loop3A_370, 0 {pack_format = #tpu.pack_format<interleaved>} : vector<32xbf16> -> vector<16xf32>
      %parallel_loop3A_372 = tpu.unpack_subelements %parallel_loop3A_370, 1 {pack_format = #tpu.pack_format<interleaved>} : vector<32xbf16> -> vector<16xf32>
      %parallel_loop3A_373 = arith.mulf %parallel_loop3A_371, %parallel_loop3A_324 : vector<16xf32>
      %parallel_loop3A_374 = arith.constant 1 : i32
      %parallel_loop3A_375 = arith.index_cast %parallel_loop3A_374 : i32 to index
      %parallel_loop3A_376 = arith.index_cast %parallel_loop3A_241 : i32 to index
      %parallel_loop3A_377 = arith.constant 64 : index
      %parallel_loop3A_378 = tpu.vector_load %arg13[%parallel_loop3A_375, %parallel_loop3A_376, %parallel_loop3A_377] {strides = array<i32>} : memref<3x80x128xf32, #tpu.memory_space<vmem>>, vector<16xf32>,
      tpu.vector_store %arg13[%parallel_loop3A_375, %parallel_loop3A_376, %parallel_loop3A_377], %parallel_loop3A_373 {strides = array<i32>} : memref<3x80x128xf32, #tpu.memory_space<vmem>>, vector<16xf32>,
      %parallel_loop3A_379 = arith.mulf %parallel_loop3A_372, %parallel_loop3A_324 : vector<16xf32>
      %parallel_loop3A_380 = arith.constant 1 : i32
      %parallel_loop3A_381 = arith.index_cast %parallel_loop3A_380 : i32 to index
      %parallel_loop3A_382 = arith.index_cast %parallel_loop3A_241 : i32 to index
      %parallel_loop3A_383 = arith.constant 80 : index
      %parallel_loop3A_384 = tpu.vector_load %arg13[%parallel_loop3A_381, %parallel_loop3A_382, %parallel_loop3A_383] {strides = array<i32>} : memref<3x80x128xf32, #tpu.memory_space<vmem>>, vector<16xf32>,
      tpu.vector_store %arg13[%parallel_loop3A_381, %parallel_loop3A_382, %parallel_loop3A_383], %parallel_loop3A_379 {strides = array<i32>} : memref<3x80x128xf32, #tpu.memory_space<vmem>>, vector<16xf32>,
      %parallel_loop3A_385 = arith.constant 1 : i32
      %parallel_loop3A_386 = arith.index_cast %parallel_loop3A_385 : i32 to index
      %parallel_loop3A_387 = arith.index_cast %parallel_loop3A_241 : i32 to index
      %parallel_loop3A_388 = arith.constant 112 : index
      %parallel_loop3A_389 = tpu.vector_load %arg12[%parallel_loop3A_386, %parallel_loop3A_387, %parallel_loop3A_388] {strides = array<i32>} : memref<3x80x128xi32, #tpu.memory_space<vmem>>, vector<16xi32>,
      %parallel_loop3A_390 = vector.bitcast %parallel_loop3A_389 : vector<16xi32> to vector<32xbf16>
      %parallel_loop3A_391 = tpu.unpack_subelements %parallel_loop3A_390, 0 {pack_format = #tpu.pack_format<interleaved>} : vector<32xbf16> -> vector<16xf32>
      %parallel_loop3A_392 = tpu.unpack_subelements %parallel_loop3A_390, 1 {pack_format = #tpu.pack_format<interleaved>} : vector<32xbf16> -> vector<16xf32>
      %parallel_loop3A_393 = arith.mulf %parallel_loop3A_391, %parallel_loop3A_324 : vector<16xf32>
      %parallel_loop3A_394 = arith.constant 1 : i32
      %parallel_loop3A_395 = arith.index_cast %parallel_loop3A_394 : i32 to index
      %parallel_loop3A_396 = arith.index_cast %parallel_loop3A_241 : i32 to index
      %parallel_loop3A_397 = arith.constant 96 : index
      %parallel_loop3A_398 = tpu.vector_load %arg13[%parallel_loop3A_395, %parallel_loop3A_396, %parallel_loop3A_397] {strides = array<i32>} : memref<3x80x128xf32, #tpu.memory_space<vmem>>, vector<16xf32>,
      tpu.vector_store %arg13[%parallel_loop3A_395, %parallel_loop3A_396, %parallel_loop3A_397], %parallel_loop3A_393 {strides = array<i32>} : memref<3x80x128xf32, #tpu.memory_space<vmem>>, vector<16xf32>,
      %parallel_loop3A_399 = arith.mulf %parallel_loop3A_392, %parallel_loop3A_324 : vector<16xf32>
      %parallel_loop3A_400 = arith.constant 1 : i32
      %parallel_loop3A_401 = arith.index_cast %parallel_loop3A_400 : i32 to index
      %parallel_loop3A_402 = arith.index_cast %parallel_loop3A_241 : i32 to index
      %parallel_loop3A_403 = arith.constant 112 : index
      %parallel_loop3A_404 = tpu.vector_load %arg13[%parallel_loop3A_401, %parallel_loop3A_402, %parallel_loop3A_403] {strides = array<i32>} : memref<3x80x128xf32, #tpu.memory_space<vmem>>, vector<16xf32>,
      tpu.vector_store %arg13[%parallel_loop3A_401, %parallel_loop3A_402, %parallel_loop3A_403], %parallel_loop3A_399 {strides = array<i32>} : memref<3x80x128xf32, #tpu.memory_space<vmem>>, vector<16xf32>,
    } {sc.loop_unroll_factor = 2 : i64, sc.parallel_access}
    %add3A_187 = arith.constant 9920 : i32
    %add3A_188 = arith.addi %mul3A_2, %add3A_187 : i32
    %dma_start3A_189 = arith.constant 1 : i32
    %dma_start3A_190 = arith.constant 0 : i32
    %dma_start3A_191 = arith.constant 0 : i32
    %dma_start3A_192 = tpu.memref_slice %arg13[%dma_start3A_189, %dma_start3A_190, %dma_start3A_191] : memref<3x80x128xf32, #tpu.memory_space<vmem>> -> memref<1x80x128xf32, #tpu.memory_space<vmem>>
    %dma_start3A_193 = tpu.memref_squeeze %dma_start3A_192 : memref<1x80x128xf32, #tpu.memory_space<vmem>> -> memref<80x128xf32, #tpu.memory_space<vmem>>
    %dma_start3A_194 = arith.constant 0 : i32
    %dma_start3A_195 = tpu.memref_slice %arg8[%add3A_188, %dma_start3A_194] : memref<320000x128xf32, #tpu.memory_space<hbm>> -> memref<80x128xf32, #tpu.memory_space<hbm>>
    %dma_start3A_196 = arith.constant 0 : i32
    %dma_start3A_197 = tpu.memref_slice %arg8[%add3A_188, %dma_start3A_196] : memref<320000x128xf32, #tpu.memory_space<hbm>> -> memref<80x128xf32, #tpu.memory_space<hbm>>
    %dma_start3A_198 = arith.constant 0 : i32
    %dma_start3A_199 = arith.constant 0 : i32
    %dma_start3A_200 = tpu.memref_slice %arg13[%dma_start3A_189, %dma_start3A_198, %dma_start3A_199] : memref<3x80x128xf32, #tpu.memory_space<vmem>> -> memref<1x80x128xf32, #tpu.memory_space<vmem>>
    %dma_start3A_201 = tpu.memref_squeeze %dma_start3A_200 : memref<1x80x128xf32, #tpu.memory_space<vmem>> -> memref<80x128xf32, #tpu.memory_space<vmem>>
    tpu.enqueue_dma source(%dma_start3A_201 : memref<80x128xf32, #tpu.memory_space<vmem>>) target(%dma_start3A_197 : memref<80x128xf32, #tpu.memory_space<hbm>>) target_semaphore(%arg20 : memref<!tpu.dma_semaphore, #tpu.memory_space<semaphore_mem>>)
    %dma_wait3A_202 = arith.constant 0 : i32
    %dma_wait3A_203 = arith.constant 0 : i32
    %dma_wait3A_204 = arith.constant 0 : i32
    %dma_wait3A_205 = tpu.memref_slice %arg13[%dma_wait3A_202, %dma_wait3A_203, %dma_wait3A_204] : memref<3x80x128xf32, #tpu.memory_space<vmem>> -> memref<1x80x128xf32, #tpu.memory_space<vmem>>
    %dma_wait3A_206 = tpu.memref_squeeze %dma_wait3A_205 : memref<1x80x128xf32, #tpu.memory_space<vmem>> -> memref<80x128xf32, #tpu.memory_space<vmem>>
    %dma_wait3A_207 = arith.constant 0 : i32
    %dma_wait3A_208 = tpu.memref_slice %arg8[%mul3A_2, %dma_wait3A_207] : memref<320000x128xf32, #tpu.memory_space<hbm>> -> memref<80x128xf32, #tpu.memory_space<hbm>>
    %dma_wait3A_209 = arith.constant 0 : i32
    %dma_wait3A_210 = tpu.memref_slice %arg8[%mul3A_2, %dma_wait3A_209] : memref<320000x128xf32, #tpu.memory_space<hbm>> -> memref<80x128xf32, #tpu.memory_space<hbm>>
    %dma_wait3A_211 = arith.constant 0 : i32
    %dma_wait3A_212 = arith.constant 0 : i32
    %dma_wait3A_213 = tpu.memref_slice %arg13[%dma_wait3A_202, %dma_wait3A_211, %dma_wait3A_212] : memref<3x80x128xf32, #tpu.memory_space<vmem>> -> memref<1x80x128xf32, #tpu.memory_space<vmem>>
    %dma_wait3A_214 = tpu.memref_squeeze %dma_wait3A_213 : memref<1x80x128xf32, #tpu.memory_space<vmem>> -> memref<80x128xf32, #tpu.memory_space<vmem>>
    tpu.wait_dma2 semaphore(%arg19 : memref<!tpu.dma_semaphore, #tpu.memory_space<semaphore_mem>>) src(%dma_wait3A_214 : memref<80x128xf32, #tpu.memory_space<vmem>>) dst(%dma_wait3A_210 : memref<80x128xf32, #tpu.memory_space<hbm>>)
    %dma_wait3A_215 = arith.constant 1 : i32
    %dma_wait3A_216 = arith.constant 0 : i32
    %dma_wait3A_217 = arith.constant 0 : i32
    %dma_wait3A_218 = tpu.memref_slice %arg13[%dma_wait3A_215, %dma_wait3A_216, %dma_wait3A_217] : memref<3x80x128xf32, #tpu.memory_space<vmem>> -> memref<1x80x128xf32, #tpu.memory_space<vmem>>
    %dma_wait3A_219 = tpu.memref_squeeze %dma_wait3A_218 : memref<1x80x128xf32, #tpu.memory_space<vmem>> -> memref<80x128xf32, #tpu.memory_space<vmem>>
    %dma_wait3A_220 = arith.constant 0 : i32
    %dma_wait3A_221 = tpu.memref_slice %arg8[%mul3A_2, %dma_wait3A_220] : memref<320000x128xf32, #tpu.memory_space<hbm>> -> memref<80x128xf32, #tpu.memory_space<hbm>>
    %dma_wait3A_222 = arith.constant 0 : i32
    %dma_wait3A_223 = tpu.memref_slice %arg8[%mul3A_2, %dma_wait3A_222] : memref<320000x128xf32, #tpu.memory_space<hbm>> -> memref<80x128xf32, #tpu.memory_space<hbm>>
    %dma_wait3A_224 = arith.constant 0 : i32
    %dma_wait3A_225 = arith.constant 0 : i32
    %dma_wait3A_226 = tpu.memref_slice %arg13[%dma_wait3A_215, %dma_wait3A_224, %dma_wait3A_225] : memref<3x80x128xf32, #tpu.memory_space<vmem>> -> memref<1x80x128xf32, #tpu.memory_space<vmem>>
    %dma_wait3A_227 = tpu.memref_squeeze %dma_wait3A_226 : memref<1x80x128xf32, #tpu.memory_space<vmem>> -> memref<80x128xf32, #tpu.memory_space<vmem>>
    tpu.wait_dma2 semaphore(%arg20 : memref<!tpu.dma_semaphore, #tpu.memory_space<semaphore_mem>>) src(%dma_wait3A_227 : memref<80x128xf32, #tpu.memory_space<vmem>>) dst(%dma_wait3A_223 : memref<80x128xf32, #tpu.memory_space<hbm>>)
    %dma_wait3A_228 = arith.constant 2 : i32
    %dma_wait3A_229 = arith.constant 0 : i32
    %dma_wait3A_230 = arith.constant 0 : i32
    %dma_wait3A_231 = tpu.memref_slice %arg13[%dma_wait3A_228, %dma_wait3A_229, %dma_wait3A_230] : memref<3x80x128xf32, #tpu.memory_space<vmem>> -> memref<1x80x128xf32, #tpu.memory_space<vmem>>
    %dma_wait3A_232 = tpu.memref_squeeze %dma_wait3A_231 : memref<1x80x128xf32, #tpu.memory_space<vmem>> -> memref<80x128xf32, #tpu.memory_space<vmem>>
    %dma_wait3A_233 = arith.constant 0 : i32
    %dma_wait3A_234 = tpu.memref_slice %arg8[%mul3A_2, %dma_wait3A_233] : memref<320000x128xf32, #tpu.memory_space<hbm>> -> memref<80x128xf32, #tpu.memory_space<hbm>>
    %dma_wait3A_235 = arith.constant 0 : i32
    %dma_wait3A_236 = tpu.memref_slice %arg8[%mul3A_2, %dma_wait3A_235] : memref<320000x128xf32, #tpu.memory_space<hbm>> -> memref<80x128xf32, #tpu.memory_space<hbm>>
    %dma_wait3A_237 = arith.constant 0 : i32
    %dma_wait3A_238 = arith.constant 0 : i32
    %dma_wait3A_239 = tpu.memref_slice %arg13[%dma_wait3A_228, %dma_wait3A_237, %dma_wait3A_238] : memref<3x80x128xf32, #tpu.memory_space<vmem>> -> memref<1x80x128xf32, #tpu.memory_space<vmem>>
    %dma_wait3A_240 = tpu.memref_squeeze %dma_wait3A_239 : memref<1x80x128xf32, #tpu.memory_space<vmem>> -> memref<80x128xf32, #tpu.memory_space<vmem>>
    tpu.wait_dma2 semaphore(%arg21 : memref<!tpu.dma_semaphore, #tpu.memory_space<semaphore_mem>>) src(%dma_wait3A_240 : memref<80x128xf32, #tpu.memory_space<vmem>>) dst(%dma_wait3A_236 : memref<80x128xf32, #tpu.memory_space<hbm>>)
    return
  }
}

module attributes {stable_mosaic.version = 14 : i64} {
  func.func @_tables_body(%arg0: memref<10000x128xf32, #tpu.memory_space<vmem>>, %arg1: memref<128x128xf32, #tpu.memory_space<vmem>>, %arg2: memref<1x128xf32, #tpu.memory_space<vmem>>, %arg3: memref<10000x128xf32, #tpu.memory_space<vmem>>, %arg4: memref<10000x128xf32, #tpu.memory_space<vmem>>) attributes {dimension_semantics = [], scalar_prefetch = 0 : i64, scratch_operands = 0 : i64, tpu.core_type = #tpu.core_type<tc>} {
    %get3A = arith.constant 0 : index
    %get3A_0 = arith.constant 0 : index
    %get3A_1 = vector.load %arg0[%get3A, %get3A_0] : memref<10000x128xf32, #tpu.memory_space<vmem>>, vector<10000x128xf32>
    %get3A_2 = arith.constant 0 : index
    %get3A_3 = arith.constant 0 : index
    %get3A_4 = vector.load %arg1[%get3A_2, %get3A_3] : memref<128x128xf32, #tpu.memory_space<vmem>>, vector<128x128xf32>
    %dot_general3A = arith.constant dense<0.000000e+00> : vector<10000x128xf32>
    %dot_general3A_5 = tpu.matmul %get3A_1, %get3A_4, %dot_general3A {dimension_numbers = #tpu.dot_dimension_numbers<[1], [0], [0], [1], [0, 0, 1, 1], [], []>, precision = #tpu.contract_precision<fp32>, transpose_lhs_hint = false} : vector<10000x128xf32>, vector<128x128xf32>, vector<10000x128xf32> -> vector<10000x128xf32>
    %get3A_6 = arith.constant 0 : index
    %get3A_7 = arith.constant 0 : index
    %get3A_8 = vector.load %arg2[%get3A_6, %get3A_7] : memref<1x128xf32, #tpu.memory_space<vmem>>, vector<1x128xf32>
    %add3A = vector.broadcast %get3A_8 : vector<1x128xf32> to vector<10000x128xf32>
    %add3A_9 = arith.addf %dot_general3A_5, %add3A : vector<10000x128xf32>
    %swap3A = arith.constant 0 : index
    %swap3A_10 = arith.constant 0 : index
    %swap3A_11 = vector.load %arg3[%swap3A, %swap3A_10] : memref<10000x128xf32, #tpu.memory_space<vmem>>, vector<10000x128xf32>
    tpu.vector_store %arg3[%swap3A, %swap3A_10], %add3A_9 {strides = array<i32>} : memref<10000x128xf32, #tpu.memory_space<vmem>>, vector<10000x128xf32>,
    %swap3A_12 = arith.constant 0 : index
    %swap3A_13 = arith.constant 0 : index
    %swap3A_14 = vector.load %arg4[%swap3A_12, %swap3A_13] : memref<10000x128xf32, #tpu.memory_space<vmem>>, vector<10000x128xf32>
    tpu.vector_store %arg4[%swap3A_12, %swap3A_13], %dot_general3A_5 {strides = array<i32>} : memref<10000x128xf32, #tpu.memory_space<vmem>>, vector<10000x128xf32>,
    return
  }
}

</mosaic_0001>

<sc_bundles>
// kernel: kernel.4.cloned.1.call-start
scs
__scs_entry_jumppad:
0x0: {  	(pc) =	sbr.rel $0x88, $3  }
0x1: {  	(tag) =	ssettag $0x0;
	lr =	simm.s32 $0x1  }
0x2: {  	[smem:$0x3F9B] =	sst lr;
	_ =	strace $0xD0000000  }
0x3: {  	_ = 	snop  }
0x4: {  	_ = 	snop  }
0x5: {  	_ = 	snop  }
0x6: {  	_ = 	snop  }
0x7: {  	_ = 	snop  }
__scs_overlays_trampoline_lowered:
0x8: {  	[smem:$0x3FAA] =	sst s0  }
0x9: {  	[smem:$0x3FAB] =	sst s1  }
0xa: {  	[smem:$0x3FAC] =	sst s2  }
0xb: {  	[smem:$0x3FAD] =	sst s3  }
0xc: {  	[smem:$0x3FAE] =	sst s4  }
0xd: {  	[smem:$0x3FAF] =	sst s5  }
0xe: {  	[smem:$0x3FB0] =	sst s6  }
0xf: {  	[smem:$0x3FB1] =	sst s7  }
0x10: {  	[smem:$0x3FB2] =	sst s8  }
0x11: {  	[smem:$0x3FB3] =	sst s9;
	s0 =	simm.s32 @!p0 $0x0  }
0x12: {  	s1 =	sld [smem:$0x3F99];
	s0 =	simm.s32 @p0 $0x1  }
0x13: {  	[smem:$0x3FB4] =	sst s0;
	s0 =	simm.s32 @!p1 $0x0  }
0x14: {  	s2 =	sld [smem:$0x3F98];
	s0 =	simm.s32 @p1 $0x1  }
0x15: {  	[smem:$0x3FB5] =	sst s0;
	s0 =	simm.s32 @!p2 $0x0  }
0x16: {  	s3 =	sld [smem:$0x3FDB];
	s0 =	simm.s32 @p2 $0x1  }
0x17: {  	s4 =	simm.s32 $0x1BF5;
	[smem:$0x3FB7] =	sst s0  }
0x18: {  	s0 =	sld [smem:$0x3F9A];
	_ =	swait.ge [sflag:s4], $0x0  }
0x19: {  	s7 =	sld [smem:$0x3F9B]  }
0x1a: {  	s8 =	sadd.s32 $0xFFFFE003, lr  }
0x1b: {  	s9 =	sadd.s32 $0xFFFFFEF7, lr;
	s5 =	simm.s32 $0xFFFFFFFF;
	p2 =	slt.u32 s8, $0xFFFFF086  }
0x1c: {  	p1 =	slt.u32 s9, $0xF7A;
	s5 =	simm.s32 @!p2 $0x0  }
0x1d: {  	s5 =	simm.s32 @p1 $0x1;
	p0 =	seq.s32 s7, s2  }
0x1e: {  	s7 =	smul.u32 @!p0 $0xF7A, s2;
	p2 =	seq.s32 @!p0 s5, $0x0  }
0x1f: {  	s9 =	smul.u32 $0xF7A, s1;
	s8 =	simm.s32 @!p0 $0x1BF5;
	p2 =	por !p2, p0  }
0x20: {  	[sflag:s8] =	ssyncset.s32 @!p0 $0xFFFFF086;
	s6 =	sadd.s32 @!p0 s3, s7;
	s7 =	simm.s32 @!p0 $0x108  }
0x21: {  	s3 =	sadd.s32 s3, s9;
	s6 =	sadd.s32 @!p0 $0x88, s6;
	s7 =	simm.s32 @p2 $0x1082  }
0x22: {  	[simem:s7], [sflag:s8] =	dma.local @!p0 [hbm:s6], $0xF7A  }
0x23: {  	s9 =	sor.u32 $0xD0000000, s2;
	s6 =	simm.s32 $0x108;
	_ =	swait.ge @!p0 [sflag:s8], $0x0  }
0x24: {  	s3 =	sadd.s32 $0x88, s3;
	s6 =	simm.s32 @!p1 $0x1082;
	[sflag:s4] =	ssyncset.s32 $0xFFFFF086  }
0x25: {  	[simem:s6], [sflag:s4] =	dma.local [hbm:s3], $0xF7A  }
0x26: {  	[smem:$0x3F9B] =	sst s1;
	(tag) =	ssettag s2;
	_ =	strace s9  }
0x27: {  	s1 =	sld [smem:$0x3FAB]  }
0x28: {  	s2 =	sld [smem:$0x3FAC]  }
0x29: {  	s4 =	sld [smem:$0x3FAE]  }
0x2a: {  	p0 =	seq.s32 s5, $0x0;
	s5 =	sld [smem:$0x3FAF]  }
0x2b: {  	s6 =	sld [smem:$0x3FB0]  }
0x2c: {  	s7 =	sld [smem:$0x3FB1]  }
0x2d: {  	s3 =	simm.s32 $0x108;
	s8 =	sld [smem:$0x3FB2]  }
0x2e: {  	s3 =	simm.s32 @!p0 $0x1082;
	s9 =	sld [smem:$0x3FB3]  }
0x2f: {  	lr =	sadd.s32 s0, s3;
	s0 =	sld [smem:$0x3FAA]  }
0x30: {  	s3 =	sld [smem:$0x3FAD]  }
0x31: {  	[smem:$0x3FB6] =	sst s10  }
0x32: {  	s10 =	sld [smem:$0x3FB4];
	_ =	sdelay $0x3  }
0x33: {  	p0 =	seq.s32 s10, $0x1;
	s10 =	sld [smem:$0x3FB6];
	_ =	sdelay $0x3  }
0x34: {  	[smem:$0x3FB6] =	sst s10  }
0x35: {  	s10 =	sld [smem:$0x3FB5];
	_ =	sdelay $0x3  }
0x36: {  	p1 =	seq.s32 s10, $0x1;
	s10 =	sld [smem:$0x3FB6];
	_ =	sdelay $0x3  }
0x37: {  	[smem:$0x3FB6] =	sst s10  }
0x38: {  	s10 =	sld [smem:$0x3FB7]  }
0x39: {  	_ = 	snop;
	(pc) =	sbr.ind lr, $3  }
0x3a: {  	_ = 	snop  }
0x3b: {  	_ = 	snop  }
0x3c: {  	p2 =	seq.s32 s10, $0x1;
	s10 =	sld [smem:$0x3FB6]  }
0x3d: {  	_ =	shalt  }
0x3e: {  	_ =	shalt  }
0x3f: {  	_ =	shalt  }
0x40: {  	_ =	shalt  }
0x41: {  	_ =	shalt  }
0x42: {  	_ =	shalt  }
0x43: {  	_ =	shalt  }
0x44: {  	_ =	shalt  }
0x45: {  	_ =	shalt  }
0x46: {  	_ =	shalt  }
0x47: {  	_ =	shalt  }
0x48: {  	_ =	shalt  }
0x49: {  	_ =	shalt  }
0x4a: {  	_ =	shalt  }
0x4b: {  	_ =	shalt  }
0x4c: {  	_ =	shalt  }
0x4d: {  	_ =	shalt  }
0x4e: {  	_ =	shalt  }
0x4f: {  	_ =	shalt  }
0x50: {  	_ =	shalt  }
0x51: {  	_ =	shalt  }
0x52: {  	_ =	shalt  }
0x53: {  	_ =	shalt  }
0x54: {  	_ =	shalt  }
0x55: {  	_ =	shalt  }
0x56: {  	_ =	shalt  }
0x57: {  	_ =	shalt  }
0x58: {  	_ =	shalt  }
0x59: {  	_ =	shalt  }
0x5a: {  	_ =	shalt  }
0x5b: {  	_ =	shalt  }
0x5c: {  	_ =	shalt  }
0x5d: {  	_ =	shalt  }
0x5e: {  	_ =	shalt  }
0x5f: {  	_ =	shalt  }
0x60: {  	_ =	shalt  }
0x61: {  	_ =	shalt  }
0x62: {  	_ =	shalt  }
0x63: {  	_ =	shalt  }
0x64: {  	_ =	shalt  }
0x65: {  	_ =	shalt  }
0x66: {  	_ =	shalt  }
0x67: {  	_ =	shalt  }
0x68: {  	_ =	shalt  }
0x69: {  	_ =	shalt  }
0x6a: {  	_ =	shalt  }
0x6b: {  	_ =	shalt  }
0x6c: {  	_ =	shalt  }
0x6d: {  	_ =	shalt  }
0x6e: {  	_ =	shalt  }
0x6f: {  	_ =	shalt  }
0x70: {  	_ =	shalt  }
0x71: {  	_ =	shalt  }
0x72: {  	_ =	shalt  }
0x73: {  	_ =	shalt  }
0x74: {  	_ =	shalt  }
0x75: {  	_ =	shalt  }
0x76: {  	_ =	shalt  }
0x77: {  	_ =	shalt  }
0x78: {  	_ =	shalt  }
0x79: {  	_ =	shalt  }
0x7a: {  	_ =	shalt  }
0x7b: {  	_ =	shalt  }
0x7c: {  	_ =	shalt  }
0x7d: {  	_ =	shalt  }
0x7e: {  	_ =	shalt  }
0x7f: {  	_ =	shalt  }
0x80: {  	_ =	shalt  }
0x81: {  	_ =	shalt  }
0x82: {  	_ =	shalt  }
0x83: {  	_ =	shalt  }
0x84: {  	_ =	shalt  }
0x85: {  	_ =	shalt  }
0x86: {  	_ =	shalt  }
0x87: {  	_ =	shalt  }
.Lfunc_end0:
.L_simem_size_0:
called_computation_lowered:
.L_overlay_start_0:
0x88: {  	s2 =	sld [smem:$0x3FD9]  }
0x89: {  	s3 =	sld [smem:$0x3FFE];
	_ =	sdelay $0x1  }
0x8a: {  	s1 =	srdreg.scid  }
0x8b: {  	s0 =	sand.u32 $0x1, s1  }
0x8c: {  	s17 =	sshll.u32 s0, $0xA;
	s2 =	sadd.s32 s3, s2  }
0x8d: {  	s2 =	sadd.s32 s2, s17  }
0x8e: {  	[smem:$0x3FC2] =	sst s2  }
0x8f: {  	_ = 	snop  }
0x90: {  	s2 =	sld [smem:$0x3FD0];
	(tm) =	ssettm $0x1  }
0x91: {  	s18 =	sld [smem:$0x3FFB];
	_ =	sdelay $0x3  }
0x92: {  	_ =	strace s18  }
0x93: {  	s3 =	sld [smem:$0x3FFC];
	_ =	sdelay $0x3  }
0x94: {  	_ =	strace s3  }
0x95: {  	s3 =	sld [smem:$0x3FFD];
	_ =	sdelay $0x3  }
0x96: {  	_ =	strace s3  }
0x97: {  	_ =	strace $0x8FFFFFFF  }
0x98: {  	s19 =	sld [smem:$0x3FDB];
	_ =	sdelay $0x1  }
0x99: {  	s4 =	simm.s32 $_scs_section_size  }
0x9a: {  	s5 =	simm.s32 $_size__tile_overlayer_lowered;
	s6 =	simm.s32 $_tile_overlayer_lowered  }
0x9b: {  	s22 =	simm.s32 $0x1BFF;
	s21 =	sshll.u32 s6, $0x1;
	s3 =	sadd.s32 s4, s19  }
0x9c: {  	s7 =	simm.s32 $0x0;
	s20 =	sshll.u32 s5, $0x1;
	s5 =	sadd.s32 s21, s3  }
0x9d: {  	[timem:s7], [sflag:s22] =	dma.local [hbm:s5], s20  }
0x9e: {  	_ =	swait.ge [sflag:s22], s20  }
0x9f: {  	s4 =	ssub.s32 $0x0, s20;
	[sflag:s22] =	ssyncset.done $0x0  }
0xa0: {  	[sflag:s22] =	ssyncadd.s32 s4;
	_ =	sdelay $0x1  }
0xa1: {  	s23 =	simm.s32 $0x1B8B  }
0xa2: {  	_ =	swait.ge [sflag:s23], $0x1  }
0xa3: {  	[sflag:s23] =	ssyncset.done $0x0  }
0xa4: {  	s25 =	simm.s32 $0x1B8E;
	s24 =	sld [smem:$0x3FFE];
	[sflag:s23] =	ssyncadd.s32 $0xFFFFFFFF  }
0xa5: {  	s26 =	simm.s32 $execute0_lowered;
	[smem:$0x3FD2] =	sst s25  }
0xa6: {  	s5 =	sshll.u32 s26, $0x1;
	_ =	strace $0x80000046;
	[dreg:$0x1] =	wrdreg $0xFFFFFFFF  }
0xa7: {  	s28 =	simm.s32 $_size_execute0_lowered;
	s3 =	sadd.s32 s3, s5;
	[dreg:$0x0] =	wrdreg $0x0  }
0xa8: {  	s5 =	sshll.u32 s28, $0x1;
	[dreg:$0x2] =	wrdreg s3  }
0xa9: {  	[dreg:$0x3] =	wrdreg s5  }
0xaa: {  	[dreg:$0x4] =	wrdreg $0xC0  }
0xab: {  	_ =	task [dreg:s7], $0x5FFFF  }
0xac: {  	[dreg:$0x1] =	wrdreg $0xFFFFFFFF  }
0xad: {  	[dreg:$0x0] =	wrdreg $0x60  }
0xae: {  	[dreg:$0x2] =	wrdreg s24  }
0xaf: {  	[dreg:$0x3] =	wrdreg s2  }
0xb0: {  	[dreg:$0x4] =	wrdreg $0x9  }
0xb1: {  	_ =	task.clear_ibuf [dreg:s7], $0x5FFFF;
	_ =	strace $0x90000046  }
0xb2: {  	s29 =	simm.s32 $0x9;
	_ =	strace $0x80000048  }
0xb3: {  	_ =	swait.ge [sflag:s29], $0x1  }
0xb4: {  	[sflag:s29] =	ssyncadd.s32 $0xFFFFFFFF  }
0xb5: {  	_ =	strace $0x90000048  }
0xb6: {  	_ =	sfence  }
0xb7: {  	s30 =	sld [smem:$0x0];
	_ =	sdelay $0x2  }
0xb8: {  	s31 =	sshll.u32 s1, $0xD;
	s1 =	sshrl.u32 s1, $0x2  }
0xb9: {  	s3 =	sand.u32 $0x4000, s31;
	s1 =	sadd.s32 s1, s30  }
0xba: {  	s0 =	sor.u32 s3, s0;
	s1 =	sshll.u32 s1, $0x11  }
0xbb: {  	s0 =	sor.u32 s1, s0  }
0xbc: {  	s0 =	sadd.s32 $0x8F2B, s0  }
0xbd: {  	[sflag:s0] =	ssyncadd.remote.s32 $0x1  }
0xbe: {  	_ =	sfence.sel $0xFFFF  }
0xbf: {  	[dreg:$0x0] =	wrdreg $0xFFFFFFFF;
	(pc) =	sbr.abs _section_cstart, $3  }
0xc0: {  	[dreg:$0x1] =	wrdreg $0xFFFFFFFF  }
0xc1: {  	_ =	task.clear_ibuf [dreg:s7], $0x2FFFF;
	_ =	strace $0x9FFFFFFF  }
0xc2: {  	(tm) =	ssettm $0x7FFFFFFF  }
0xc3: {  	_ =	shalt  }
tec
execute0_lowered:
.L_overlay_start_1:
0x0: {  	(tag) =	ssettag $0x1  }
0x1: {  	s9 =	rddreg [dreg:$0x0]  }
0x2: {  	s3 =	rddreg [dreg:$0x1]  }
0x3: {  	s0 =	srdreg.scid;
	s1 =	stileid.u32  }
0x4: {  	s4 =	simm.s32 $0x0;
	s20 =	simm.s32 $0x50;
	s25 =	simm.s32 $0xB220  }
0x5: {  	s31 =	simm.s32 $0x1;
	s0 =	sand.u32 $0x1, s0;
	s1 =	sshll.u32 s1, $0x1  }
0x6: {  	s18 =	simm.s32 $0x12A20;
	s19 =	simm.s32 $0x3;
	s1 =	sor.u32 s0, s1  }
0x7: {  	[smem:$0x7FF] =	sst s4;
	s0 =	ssub.s32 $0x2, s0;
	s5 =	smul.u32 $0x2710, s1  }
0x8: {  	s6 =	sadd.s32 $0x13E00, s9;
	s8 =	sshrl.u32 s0, $0x1;
	s1 =	smul.u32 $0x138800, s1  }
0x9: {  	s7 =	sadd.s32 $0x27800, s9;
	_ =	strace $0x80000047;
	s0 =	ssub.s32 s0, s8  }
0xa: {  	s2 =	sshrl.u32 s5, $0x3;
	s1 =	sshrl.u32 s1, $0x3;
	s0 =	smax.u32 s0, $0x1  }
0xb: {  	s2 =	sadd.s32 s2, s9;
	s9 =	sadd.s32 $0x4EA00, s9;
	[dreg:$0x8] =	wrdreg s0  }
0xc: {  	s11 =	sadd.s32 $0x50, s5;
	[dreg:$0x3] =	wrdreg s9;
	s29 =	sadd.s32 $0xA000, s2  }
0xd: {  	s1 =	sadd.s32 s3, s1;
	s2 =	sadd.s32 $0x200, s2;
	[dreg:$0x4] =	wrdreg s29  }
0xe: {  	s12 =	sadd.s32 $0xA0, s5;
	s30 =	sadd.s32 $0x26700, s1;
	[dreg:$0x5] =	wrdreg s2  }
0xf: {  	s0 =	simm.s32 $0x10220;
	s1 =	sadd.s32 $0x26C00, s1;
	[dreg:$0x6] =	wrdreg s30  }
0x10: {  	v0 =	vimm.bf16 $0.0e+00;
	s9 =	simm.s32 $0x0;
	[dreg:$0x7] =	wrdreg s1;
	s1 =	simm.s32 $0x2  }
.LBB2_1:
0x11: {  	[dreg:$0x9] =	wrdreg s9  }
0x12: {  	s2 =	rddreg [dreg:$0x4];
	s8 =	simm.s32 $0x7  }
0x13: {  	[tilespmem:s4], [sflag:$0x7] =	stream.linear.gather [hbm4b:s2+s4], $0x2710, $0x38;
	[tilespmem:$0x17A70] =	vst v63  }
0x14: {  	_ =	swait.ge [sflag:s8], $0x2710  }
0x15: {  	[sflag:s8] =	ssyncset.done $0x0  }
0x16: {  	s14 =	simm.s32 $0x2710;
	s13 =	rddreg [dreg:$0x5];
	[sflag:s8] =	ssyncadd.s32 $0xFFFFD8F0  }
0x17: {  	[tilespmem:s14], [sflag:$0x7] =	stream.linear.gather [hbm4b:s13+s4], $0x2710, $0x38;
	[tilespmem:$0x17A70] =	vst v63  }
0x18: {  	_ =	swait.ge [sflag:s8], $0x2710  }
0x19: {  	[sflag:s8] =	ssyncset.done $0x0  }
0x1a: {  	[sflag:s8] =	ssyncadd.s32 $0xFFFFD8F0  }
0x1b: {  	s10 =	simm.s32 $0x17A20;
	s15 =	rddreg [dreg:$0x0]  }
0x1c: {  	[tilespmem:s10], [sflag:$0x7] =	stream.linear.gather [hbm4b:s15+s4], $0x40, $0x38;
	[tilespmem:$0x17A70] =	vst v63  }
0x1d: {  	_ =	swait.ge [sflag:s8], $0x40  }
0x1e: {  	[sflag:s8] =	ssyncset.done $0x0  }
0x1f: {  	s17 =	simm.s32 $0x17A60;
	s16 =	rddreg [dreg:$0x3];
	[sflag:s8] =	ssyncadd.s32 $0xFFFFFFC0  }
0x20: {  	[tilespmem:s17], [sflag:$0x7] =	stream.linear.gather [hbm4b:s16+s4], $0x10, $0x38;
	[tilespmem:$0x17A70] =	vst v63  }
0x21: {  	_ =	swait.ge [sflag:s8], $0x10  }
0x22: {  	[sflag:s8] =	ssyncset.done $0x0  }
0x23: {  	[sflag:s8] =	ssyncadd.s32 $0xFFFFFFF0  }
0x24: {  	v1 =	vld [tilespmem:$0x17A60]  }
0x25: {  	v4 =	vld [tilespmem:$0x17A20]  }
0x26: {  	v5 =	vld [tilespmem:$0x17A30]  }
0x27: {  	s21 =	simm.s32 $0x4E20;
	v3 =	vld [tilespmem:$0x17A40]  }
0x28: {  	v2 =	vld [tilespmem:$0x17A50];
	[tilespmem:s21], [sflag:$0x1] =	stream.indirect.gather [hbm4b:s6+s20], $0x40, s4, s20, $0xb8  }
0x29: {  	s22 =	simm.s32 $0x8A20  }
0x2a: {  	[tilespmem:s22], [sflag:$0x1] =	stream.indirect.gather [hbm4b:s7+s20], $0x80, s14, s20, $0xb8;
	[tilespmem:$0x17A70] =	vst v63  }
0x2b: {  	s23 =	simm.s32 $0x6220  }
0x2c: {  	[tilespmem:s23], [sflag:$0x2] =	stream.indirect.gather [hbm4b:s6+s20], $0x40, s20, s20, $0xb8;
	[tilespmem:$0x17A70] =	vst v63  }
0x2d: {  	s24 =	simm.s32 $0x2760  }
0x2e: {  	[tilespmem:s25], [sflag:$0x2] =	stream.indirect.gather [hbm4b:s7+s20], $0x80, s24, s20, $0xb8;
	[tilespmem:$0x17A70] =	vst v63  }
0x2f: {  	s26 =	simm.s32 $0xA0;
	s28 =	simm.s32 $0x7620  }
0x30: {  	[tilespmem:s28], [sflag:$0x3] =	stream.indirect.gather [hbm4b:s6+s20], $0x40, s26, s20, $0xb8;
	[tilespmem:$0x17A70] =	vst v63  }
0x31: {  	s29 =	simm.s32 $0x27B0;
	s30 =	simm.s32 $0xDA20;
	s8 =	simm.s32 $0x0  }
0x32: {  	[tilespmem:s30], [sflag:$0x3] =	stream.indirect.gather [hbm4b:s7+s20], $0x80, s29, s20, $0xb8;
	[tilespmem:$0x17A70] =	vst v63  }
.LBB2_2:
0x33: {  	_ =	swait.ge [sflag:s31], $0x1400  }
0x34: {  	[sflag:s31] =	ssyncset.done $0x0  }
0x35: {  	[sflag:s31] =	ssyncadd.s32 $0xFFFFEC00  }
0x36: {  	_ =	swait.ge [sflag:s31], $0x2800  }
0x37: {  	p0 =	seq.s32 s8, $0x0;
	[sflag:s31] =	ssyncset.done $0x0  }
0x38: {  	s2 =	simm.s32 @!p0 $0x4;
	[sflag:s31] =	ssyncadd.s32 $0xFFFFD800  }
0x39: {  	_ =	swait.ge @!p0 [sflag:s2], $0x2800  }
0x3a: {  	[sflag:s2] =	ssyncset.done @!p0 $0x0  }
0x3b: {  	s24 =	simm.s32 $0x4E60;
	[sflag:s2] =	ssyncadd.s32 @!p0 $0xFFFFD800  }
0x3c: {  	s29 =	simm.s32 $0x8AA0;
	v6 =	vld [tilespmem:s24+$0x0]  }
0x3d: {  	v7 =	vld [tilespmem:s29+$0x0]  }
0x3e: {  	v8 =	vld [tilespmem:s24+$0x10]  }
0x3f: {  	v9 =	vld [tilespmem:s29+$0x10]  }
0x40: {  	v10 =	vld [tilespmem:s24+$0x20]  }
0x41: {  	v11 =	vld [tilespmem:s29+$0x20]  }
0x42: {  	v12 =	vld [tilespmem:s24+$0x30]  }
0x43: {  	v13 =	vld [tilespmem:s29+$0x30]  }
0x44: {  	v6 =	vsub.bf16 v6, v7;
	v7 =	vsub.bf16 v8, v9;
	_ =	sdelay $0x1  }
0x45: {  	v8 =	vsub.bf16 v10, v11;
	v6 =	vmax.bf16 v6, v0;
	v7 =	vmax.bf16 v7, v0  }
0x46: {  	v6 =	vmul.bf16 v6, v4;
	v7 =	vmul.bf16 v7, v5  }
0x47: {  	v9 =	vsub.bf16 v12, v13;
	v8 =	vmax.bf16 v8, v0  }
0x48: {  	v6 =	vadd.bf16 v7, v6;
	v7 =	vmul.bf16 v8, v3  }
0x49: {  	v10 =	vld [tilespmem:s24+$0xFFFFFFD0];
	v9 =	vmax.bf16 v9, v0  }
0x4a: {  	v11 =	vld [tilespmem:s24+$0xFFFFFFC0];
	v6 =	vadd.bf16 v7, v6;
	v7 =	vmul.bf16 v9, v2  }
0x4b: {  	v8 =	vld [tilespmem:s29+$0xFFFFFF80]  }
0x4c: {  	v9 =	vld [tilespmem:s29+$0xFFFFFF90];
	v6 =	vadd.bf16 v7, v6  }
0x4d: {  	v12 =	vld [tilespmem:s29+$0xFFFFFFA0]  }
0x4e: {  	v7 =	vld [tilespmem:s24+$0xFFFFFFE0];
	v13 =	vunpack.i.u.bf16.f32 v6;
	v6 =	vunpack.i.l.bf16.f32 v6  }
0x4f: {  	v14 =	vld [tilespmem:s24+$0xFFFFFFF0];
	v6 =	vadd.f32 v6, v13  }
0x50: {  	v13 =	vld [tilespmem:s29+$0xFFFFFFB0]  }
0x51: {  	v8 =	vsub.bf16 v11, v8;
	v9 =	vsub.bf16 v10, v9;
	(xrf2) =	vadd.scan.msk.f32 $0xffff, v6  }
0x52: {  	s9 =	simm.s32 $0x8BA0  }
0x53: {  	s26 =	simm.s32 $0x4EE0;
	v8 =	vmax.bf16 v8, v0;
	v10 =	vld [tilespmem:s9+$0x0];
	v6 =	vmax.bf16 v9, v0;
	v7 =	vsub.bf16 v7, v12  }
0x54: {  	v8 =	vmul.bf16 v8, v4;
	v9 =	vld [tilespmem:s26+$0x0];
	v6 =	vmul.bf16 v6, v5  }
0x55: {  	v12 =	vld [tilespmem:s26+$0x10];
	v7 =	vmax.bf16 v7, v0;
	v11 =	vsub.bf16 v14, v13  }
0x56: {  	v6 =	vadd.bf16 v6, v8;
	v7 =	vmul.bf16 v7, v3;
	v8 =	vld [tilespmem:s9+$0x10]  }
0x57: {  	v13 =	vld [tilespmem:s26+$0x20];
	v11 =	vmax.bf16 v11, v0  }
0x58: {  	v6 =	vadd.bf16 v7, v6;
	v7 =	vmul.bf16 v11, v2;
	v11 =	vld [tilespmem:s9+$0x20]  }
0x59: {  	v14 =	vld [tilespmem:s26+$0x30];
	v9 =	vsub.bf16 v9, v10  }
0x5a: {  	v6 =	vadd.bf16 v7, v6;
	v7 =	vld [tilespmem:s9+$0x30]  }
0x5b: {  	v9 =	vmax.bf16 v9, v0;
	v8 =	vsub.bf16 v12, v8;
	v15, _, _ =	vpop (xrf2)  }
0x5c: {  	s30 =	simm.s32 $0x4F60;
	v9 =	vmul.bf16 v9, v4;
	v12 =	vbroadcast v15, $0xF  }
0x5d: {  	v17 =	vld [tilespmem:s30+$0x30];
	v10 =	vunpack.i.u.bf16.f32 v6;
	v8 =	vmax.bf16 v8, v0;
	v11 =	vsub.bf16 v13, v11  }
0x5e: {  	v6 =	vunpack.i.l.bf16.f32 v6;
	v13 =	vld [tilespmem:s9+$0xFFFFFF80];
	v8 =	vmul.bf16 v8, v5;
	v12 =	vadd.f32 v12, v1  }
0x5f: {  	v15 =	vld [tilespmem:s26+$0xFFFFFFD0];
	v6 =	vadd.f32 v6, v10;
	v11 =	vmax.bf16 v11, v0;
	v7 =	vsub.bf16 v14, v7  }
0x60: {  	v10 =	vld [tilespmem:s9+$0xFFFFFF90];
	v8 =	vadd.bf16 v8, v9;
	v9 =	vmul.bf16 v11, v3;
	v11 =	vmax.f32 v12, $0.0e+00  }
0x61: {  	(xrf2) =	vadd.scan.msk.f32 $0xffff, v6;
	v12 =	vld [tilespmem:s26+$0xFFFFFFC0];
	v7 =	vmax.bf16 v7, v0;
	v6 =	vsub.f32 $0.0e+00, v11  }
0x62: {  	v14 =	vld [tilespmem:s26+$0xFFFFFFF0];
	v8 =	vadd.bf16 v9, v8;
	v7 =	vmul.bf16 v7, v2  }
0x63: {  	v11 =	vld [tilespmem:s26+$0xFFFFFFE0];
	v6 =	vmul.f32 $1.442695020e+00, v6  }
0x64: {  	v9 =	vld [tilespmem:s9+$0xFFFFFFA0];
	v7 =	vadd.bf16 v7, v8  }
0x65: {  	v8 =	vsub.bf16 v15, v10;
	v10 =	vld [tilespmem:s9+$0xFFFFFFB0];
	(erf) = vpow2.f32 v6  }
0x66: {  	v6 =	vld [tilespmem:s29+$0x40];
	v15 =	vunpack.i.u.bf16.f32 v7;
	v7 =	vunpack.i.l.bf16.f32 v7;
	v12 =	vsub.bf16 v12, v13  }
0x67: {  	s10 =	simm.s32 $0x8CA0;
	v13 =	vld [tilespmem:s30+$0x0];
	v7 =	vadd.f32 v7, v15  }
0x68: {  	v8 =	vmax.bf16 v8, v0;
	v15 =	vld [tilespmem:s10+$0x0];
	v12 =	vmax.bf16 v12, v0  }
0x69: {  	v9 =	vsub.bf16 v11, v9;
	v8 =	vmul.bf16 v8, v5;
	(xrf2) =	vadd.scan.msk.f32 $0xffff, v7;
	v7 =	vld [tilespmem:s30+$0x10];
	v11 =	vmul.bf16 v12, v4  }
0x6a: {  	v12 =	vld [tilespmem:s10+$0x10]  }
0x6b: {  	v9 =	vmax.bf16 v9, v0;
	v10 =	vsub.bf16 v14, v10;
	v14 =	vld [tilespmem:s30+$0x20];
	v8 =	vadd.bf16 v8, v11  }
0x6c: {  	v16, _, _ =	vpop (xrf2);
	v9 =	vmul.bf16 v9, v3;
	v11 =	vld [tilespmem:s10+$0x20]  }
0x6d: {  	v19 =	vld [tilespmem:s10+$0x30];
	v16 =	vbroadcast v16, $0xF;
	v10 =	vmax.bf16 v10, v0  }
0x6e: {  	v18 =	vunpack.i.l.bf16.f32 v6;
	v10 =	vmul.bf16 v10, v2;
	v9 =	vadd.bf16 v9, v8  }
0x6f: {  	v6 =	vunpack.i.u.bf16.f32 v6;
	v13 =	vsub.bf16 v13, v15;
	v7 =	vsub.bf16 v7, v12;
	v8 =	vpop (erf)  }
0x70: {  	v9 =	vadd.bf16 v10, v9;
	v12 =	vmul.f32 v8, v18;
	v6 =	vmul.f32 v8, v6  }
0x71: {  	v10 =	vsub.bf16 v14, v11;
	v11 =	vmax.bf16 v13, v0;
	v7 =	vmax.bf16 v7, v0  }
0x72: {  	v15 =	vsub.bf16 v17, v19;
	v11 =	vmul.bf16 v11, v4;
	v7 =	vmul.bf16 v7, v5  }
0x73: {  	s13 =	simm.s32 $0x102A0;
	v13 =	vunpack.i.u.bf16.f32 v9;
	v9 =	vunpack.i.l.bf16.f32 v9;
	v10 =	vmax.bf16 v10, v0;
	v14, _, _ =	vpop (xrf2)  }
0x74: {  	[tilespmem:s13+$0x0] =	vst v12;
	v7 =	vadd.bf16 v7, v11;
	v10 =	vmul.bf16 v10, v3;
	v12 =	vbroadcast v14, $0xF  }
0x75: {  	[tilespmem:s13+$0x10] =	vst v6;
	v6 =	vadd.f32 v9, v13;
	v9 =	vmax.bf16 v15, v0;
	v11 =	vadd.f32 v16, v1  }
0x76: {  	v13 =	vld [tilespmem:s29+$0x50];
	v9 =	vmul.bf16 v9, v2;
	v7 =	vadd.bf16 v10, v7;
	v12 =	vadd.f32 v12, v1  }
0x77: {  	(xrf2) =	vadd.scan.msk.f32 $0xffff, v6;
	v6 =	vld [tilespmem:s30+$0xFFFFFFD0];
	v10 =	vmax.f32 v11, $0.0e+00  }
0x78: {  	v14 =	vld [tilespmem:s30+$0xFFFFFFC0];
	v10 =	vsub.f32 $0.0e+00, v10;
	v7 =	vadd.bf16 v9, v7;
	v12 =	vmax.f32 v12, $0.0e+00  }
0x79: {  	v9 =	vld [tilespmem:s10+$0xFFFFFF90];
	v12 =	vsub.f32 $0.0e+00, v12  }
0x7a: {  	v11 =	vld [tilespmem:s10+$0xFFFFFF80];
	v10 =	vmul.f32 $1.442695020e+00, v10;
	v15 =	vunpack.i.u.bf16.f32 v7;
	v7 =	vunpack.i.l.bf16.f32 v7  }
0x7b: {  	v16 =	vld [tilespmem:s30+$0xFFFFFFE0];
	v7 =	vadd.f32 v7, v15;
	v12 =	vmul.f32 $1.442695020e+00, v12  }
0x7c: {  	(erf) = vpow2.f32 v10;
	v10 =	vld [tilespmem:s10+$0xFFFFFFA0]  }
0x7d: {  	v15 =	vld [tilespmem:s30+$0xFFFFFFF0];
	(xrf2) =	vadd.scan.msk.f32 $0xffff, v7;
	(erf) = vpow2.f32 v12  }
0x7e: {  	v7 =	vld [tilespmem:s10+$0xFFFFFFB0];
	v6 =	vsub.bf16 v6, v9  }
0x7f: {  	s15 =	simm.s32 $0x4FE0;
	v9 =	vsub.bf16 v14, v11  }
0x80: {  	s2 =	simm.s32 $0x8DA0;
	v20 =	vld [tilespmem:s15+$0x20];
	v6 =	vmax.bf16 v6, v0  }
0x81: {  	v17 =	vld [tilespmem:s2+$0x0];
	v9 =	vmax.bf16 v9, v0;
	v10 =	vsub.bf16 v16, v10;
	v16, _, _ =	vpop (xrf2);
	v6 =	vmul.bf16 v6, v5  }
0x82: {  	v11 =	vld [tilespmem:s9+$0x40];
	v12 =	vunpack.i.l.bf16.f32 v13;
	v9 =	vmul.bf16 v9, v4;
	v16 =	vbroadcast v16, $0xF  }
0x83: {  	v18 =	vld [tilespmem:s2+$0x10];
	v13 =	vunpack.i.u.bf16.f32 v13;
	v10 =	vmax.bf16 v10, v0;
	v7 =	vsub.bf16 v15, v7  }
0x84: {  	v14 =	vld [tilespmem:s15+$0x0];
	v9 =	vadd.bf16 v6, v9;
	v10 =	vmul.bf16 v10, v3;
	v16 =	vadd.f32 v16, v1  }
0x85: {  	v19 =	vmul.f32 v8, v12;
	v13 =	vmul.f32 v8, v13;
	v15 =	vld [tilespmem:s15+$0x10];
	v6 =	vpop (erf);
	v7 =	vmax.bf16 v7, v0  }
0x86: {  	v9 =	vadd.bf16 v10, v9;
	v7 =	vmul.bf16 v7, v2;
	v10 =	vld [tilespmem:s2+$0x20];
	v16 =	vmax.f32 v16, $0.0e+00;
	v12 =	vpop (erf)  }
0x87: {  	v21 =	vunpack.i.l.bf16.f32 v11;
	v11 =	vunpack.i.u.bf16.f32 v11;
	v16 =	vsub.f32 $0.0e+00, v16;
	v22, _, _ =	vpop (xrf2)  }
0x88: {  	v23 =	vld [tilespmem:s15+$0x30];
	[tilespmem:s13+$0x20] =	vst v19;
	v7 =	vadd.bf16 v7, v9;
	v19 =	vmul.f32 v12, v21;
	v9 =	vbroadcast v22, $0xF  }
0x89: {  	s14 =	simm.s32 $0x103A0;
	[tilespmem:s13+$0x30] =	vst v13;
	v13 =	vsub.bf16 v14, v17;
	v21 =	vld [tilespmem:s2+$0x30];
	v11 =	vmul.f32 v12, v11  }
0x8a: {  	v14 =	vsub.bf16 v15, v18;
	v18 =	vld [tilespmem:s29+$0x60];
	v16 =	vmul.f32 $1.442695020e+00, v16;
	[tilespmem:s14+$0x0] =	vst v19;
	v9 =	vadd.f32 v9, v1  }
0x8b: {  	v17 =	vunpack.i.u.bf16.f32 v7;
	[tilespmem:s14+$0x10] =	vst v11;
	v10 =	vsub.bf16 v20, v10;
	v11 =	vmax.bf16 v13, v0;
	v19 =	vld [tilespmem:s2+$0xFFFFFF80]  }
0x8c: {  	v13 =	vmax.bf16 v14, v0;
	(erf) = vpow2.f32 v16;
	v16 =	vld [tilespmem:s15+$0xFFFFFFC0];
	v9 =	vmax.f32 v9, $0.0e+00  }
0x8d: {  	v14 =	vld [tilespmem:s9+$0x50];
	v11 =	vmul.bf16 v11, v4;
	v13 =	vmul.bf16 v13, v5;
	v9 =	vsub.f32 $0.0e+00, v9  }
0x8e: {  	v7 =	vunpack.i.l.bf16.f32 v7;
	v10 =	vmax.bf16 v10, v0;
	v20 =	vsub.bf16 v23, v21  }
0x8f: {  	v21 =	vld [tilespmem:s15+$0xFFFFFFD0];
	v11 =	vadd.bf16 v13, v11;
	v10 =	vmul.bf16 v10, v3;
	v9 =	vmul.f32 $1.442695020e+00, v9  }
0x90: {  	v7 =	vadd.f32 v7, v17;
	v13 =	vld [tilespmem:s2+$0xFFFFFF90];
	v20 =	vmax.bf16 v20, v0  }
0x91: {  	v17 =	vld [tilespmem:s15+$0xFFFFFFE0];
	v10 =	vadd.bf16 v10, v11;
	v11 =	vmul.bf16 v20, v2;
	(erf) = vpow2.f32 v9  }
0x92: {  	(xrf2) =	vadd.scan.msk.f32 $0xffff, v7;
	v16 =	vsub.bf16 v16, v19;
	v20 =	vld [tilespmem:s2+$0xFFFFFFA0];
	v7 =	vunpack.i.l.bf16.f32 v14;
	v9 =	vunpack.i.l.bf16.f32 v18  }
0x93: {  	v19 =	vld [tilespmem:s10+$0x40];
	v18 =	vunpack.i.u.bf16.f32 v18;
	v7 =	vmul.f32 v12, v7;
	v10 =	vadd.bf16 v11, v10  }
0x94: {  	v14 =	vunpack.i.u.bf16.f32 v14;
	v9 =	vmul.f32 v9, v8;
	v11 =	vmul.f32 v18, v8;
	v18 =	vld [tilespmem:s15+$0xFFFFFFF0]  }
0x95: {  	v13 =	vsub.bf16 v21, v13;
	v21 =	vld [tilespmem:s2+$0xFFFFFFB0];
	v22 =	vunpack.i.u.bf16.f32 v10;
	v10 =	vunpack.i.l.bf16.f32 v10  }
0x96: {  	[tilespmem:s13+$0x40] =	vst v9;
	v9 =	vmul.f32 v12, v14;
	v10 =	vadd.f32 v10, v22  }
0x97: {  	s16 =	simm.s32 $0x5060;
	v15 =	vld [tilespmem:s29+$0xFFFFFFC0];
	v13 =	vmax.bf16 v13, v0;
	v14 =	vmax.bf16 v16, v0;
	v16 =	vsub.bf16 v17, v20  }
0x98: {  	v26 =	vld [tilespmem:s16+$0x20];
	[tilespmem:s13+$0x50] =	vst v11;
	v11 =	vmul.bf16 v14, v4;
	(xrf2) =	vadd.scan.msk.f32 $0xffff, v10;
	v10 =	vmul.bf16 v13, v5  }
0x99: {  	[tilespmem:s14+$0x20] =	vst v7;
	v7 =	vpop (erf);
	v23 =	vld [tilespmem:s29+$0x70];
	v16 =	vmax.bf16 v16, v0  }
0x9a: {  	v29 =	vld [tilespmem:s16+$0x10];
	[tilespmem:s14+$0x30] =	vst v9;
	v9 =	vsub.bf16 v18, v21;
	v10 =	vadd.bf16 v10, v11;
	v11 =	vunpack.i.l.bf16.f32 v19;
	v14 =	vpop (erf)  }
0x9b: {  	v22 =	vld [tilespmem:s9+$0xFFFFFFC0];
	v17 =	vunpack.i.u.bf16.f32 v19;
	v16 =	vmul.bf16 v16, v3;
	v11 =	vmul.f32 v14, v11  }
0x9c: {  	s15 =	simm.s32 $0x104A0;
	v20 =	vunpack.i.u.bf16.f32 v15;
	v18 =	vld [tilespmem:s9+$0x60];
	v9 =	vmax.bf16 v9, v0;
	v24 =	vmul.f32 v14, v17  }
0x9d: {  	v32 =	vld [tilespmem:s2+$0x40];
	v15 =	vunpack.i.l.bf16.f32 v15;
	v25, _, _ =	vpop (xrf2);
	v9 =	vmul.bf16 v9, v2;
	v10 =	vadd.bf16 v16, v10;
	[tilespmem:s15+$0x0] =	vst v11  }
0x9e: {  	s26 =	simm.s32 $0x8EA0;
	v16 =	vunpack.i.u.bf16.f32 v23;
	v11 =	vbroadcast v25, $0xF;
	v25 =	vld [tilespmem:s16+$0x0];
	[tilespmem:s15+$0x10] =	vst v24;
	v24 =	vmul.f32 v6, v15  }
0x9f: {  	v9 =	vadd.bf16 v9, v10;
	v15 =	vmul.f32 v16, v8;
	v16 =	vmul.f32 v6, v20;
	v20 =	vld [tilespmem:s26+$0x0]  }
0xa0: {  	v19 =	vunpack.i.u.bf16.f32 v22;
	v22 =	vunpack.i.l.bf16.f32 v22;
	v23 =	vunpack.i.l.bf16.f32 v23;
	v10 =	vld [tilespmem:s10+$0x50]  }
0xa1: {  	v27 =	vunpack.i.l.bf16.f32 v18;
	v11 =	vadd.f32 v11, v1;
	v28 =	vunpack.i.u.bf16.f32 v9;
	[tilespmem:s13+$0xFFFFFF80] =	vst v24;
	v24 =	vld [tilespmem:s26+$0x10]  }
0xa2: {  	v9 =	vunpack.i.l.bf16.f32 v9;
	[tilespmem:s13+$0xFFFFFF90] =	vst v16;
	v16 =	vunpack.i.u.bf16.f32 v18;
	v18 =	vmul.f32 v27, v12;
	v27 =	vld [tilespmem:s26+$0x20]  }
0xa3: {  	v41 =	vmul.f32 v16, v12;
	v16 =	vmul.f32 v23, v8;
	v23 =	vld [tilespmem:s26+$0x30];
	v30, _, _ =	vpop (xrf2);
	v11 =	vmax.f32 v11, $0.0e+00  }
0xa4: {  	s17 =	simm.s32 $0x50E0;
	v9 =	vadd.f32 v9, v28;
	[tilespmem:s14+$0x40] =	vst v18;
	v18 =	vld [tilespmem:s16+$0x30];
	v40 =	vbroadcast v30, $0xF;
	v11 =	vsub.f32 $0.0e+00, v11  }
0xa5: {  	s28 =	simm.s32 $0x8FA0;
	v55 =	vld [tilespmem:s17+$0x20];
	v22 =	vmul.f32 v7, v22  }
0xa6: {  	v35 =	vld [tilespmem:s28+$0x20];
	(xrf2) =	vadd.scan.msk.f32 $0xffff, v9;
	v20 =	vsub.bf16 v25, v20;
	v9 =	vadd.f32 v40, v1;
	v8 =	vmul.f32 $1.442695020e+00, v11  }
0xa7: {  	v21 =	vld [tilespmem:s2+$0xFFFFFFC0];
	v11 =	vunpack.i.l.bf16.f32 v10;
	v10 =	vunpack.i.u.bf16.f32 v10;
	v24 =	vsub.bf16 v29, v24  }
0xa8: {  	v42 =	vld [tilespmem:s26+$0xFFFFFF90];
	v26 =	vsub.bf16 v26, v27;
	v11 =	vmul.f32 v14, v11;
	v10 =	vmul.f32 v14, v10  }
0xa9: {  	v44 =	vld [tilespmem:s26+$0xFFFFFFA0];
	v9 =	vmax.f32 v9, $0.0e+00;
	(erf) = vpow2.f32 v8;
	v18 =	vsub.bf16 v18, v23  }
0xaa: {  	v27 =	vld [tilespmem:s16+$0xFFFFFFD0];
	v9 =	vsub.f32 $0.0e+00, v9;
	[tilespmem:s15+$0x20] =	vst v11;
	v11 =	vmax.bf16 v20, v0;
	v20 =	vmax.bf16 v24, v0  }
0xab: {  	v13 =	vld [tilespmem:s10+$0xFFFFFFC0];
	v26 =	vmax.bf16 v26, v0;
	v11 =	vmul.bf16 v11, v4;
	v20 =	vmul.bf16 v20, v5  }
0xac: {  	v8 =	vld [tilespmem:s26+$0xFFFFFF80];
	[tilespmem:s15+$0x30] =	vst v10;
	v10 =	vunpack.i.l.bf16.f32 v21;
	v18 =	vmax.bf16 v18, v0;
	v24 =	vmul.f32 $1.442695020e+00, v9  }
0xad: {  	v9 =	vunpack.i.u.bf16.f32 v21;
	v21 =	vld [tilespmem:s16+$0xFFFFFFC0];
	v11 =	vadd.bf16 v20, v11;
	v20 =	vmul.bf16 v26, v3  }
0xae: {  	v19 =	vmul.f32 v7, v19;
	v43 =	vld [tilespmem:s10+$0x60];
	v18 =	vmul.bf16 v18, v2  }
0xaf: {  	v27 =	vsub.bf16 v27, v42;
	(erf) = vpow2.f32 v24;
	v24 =	vld [tilespmem:s16+$0xFFFFFFE0];
	v11 =	vadd.bf16 v20, v11  }
0xb0: {  	v48 =	vunpack.i.u.bf16.f32 v32;
	v59 =	vsub.bf16 v55, v35;
	[tilespmem:s14+$0xFFFFFF80] =	vst v22  }
0xb1: {  	v33 =	vld [tilespmem:s26+$0xFFFFFFB0];
	v17 =	vunpack.i.u.bf16.f32 v13;
	[tilespmem:s14+$0xFFFFFF90] =	vst v19;
	v27 =	vmax.bf16 v27, v0;
	v26, _, _ =	vpop (xrf2);
	v11 =	vadd.bf16 v18, v11  }
0xb2: {  	v50 =	vld [tilespmem:s9+$0xFFFFFFD0];
	v19 =	vmul.bf16 v27, v5;
	v26 =	vbroadcast v26, $0xF;
	v21 =	vsub.bf16 v21, v8  }
0xb3: {  	v45 =	vunpack.i.l.bf16.f32 v43;
	v18 =	vld [tilespmem:s16+$0xFFFFFFF0];
	v34 =	vunpack.i.u.bf16.f32 v11;
	v11 =	vunpack.i.l.bf16.f32 v11  }
0xb4: {  	v21 =	vmax.bf16 v21, v0;
	v24 =	vsub.bf16 v24, v44;
	v46 =	vadd.f32 v11, v34  }
0xb5: {  	v29 =	vunpack.i.u.bf16.f32 v43;
	v28 =	vmul.f32 v45, v14;
	v21 =	vmul.bf16 v21, v4  }
0xb6: {  	v52 =	vld [tilespmem:s17+$0x10];
	[tilespmem:s14+$0x50] =	vst v41;
	v22 =	vmul.f32 v29, v14;
	v24 =	vmax.bf16 v24, v0;
	(xrf2) =	vadd.scan.msk.f32 $0xffff, v46  }
0xb7: {  	v31 =	vld [tilespmem:s29+$0xFFFFFFD0];
	v8 =	vpop (erf);
	[tilespmem:s15+$0x40] =	vst v28;
	v19 =	vadd.bf16 v19, v21;
	v21 =	vmul.bf16 v24, v3;
	v24 =	vadd.f32 v26, v1  }
0xb8: {  	v25 =	vld [tilespmem:s9+$0x70];
	v60 =	vunpack.i.u.bf16.f32 v50;
	v27 =	vunpack.i.l.bf16.f32 v32;
	[tilespmem:s15+$0x50] =	vst v22;
	v18 =	vsub.bf16 v18, v33;
	v11 =	vpop (erf)  }
0xb9: {  	v51 =	vld [tilespmem:s10+$0x70];
	v27 =	vmul.f32 v11, v27;
	v19 =	vadd.bf16 v21, v19;
	v21 =	vmax.f32 v24, $0.0e+00  }
0xba: {  	v54 =	vld [tilespmem:s28+$0x10];
	[tilespmem:s13+$0x70] =	vst v15;
	v15 =	vunpack.i.l.bf16.f32 v50;
	s16 =	simm.s32 $0x105A0;
	v22 =	vmul.f32 v11, v48;
	v21 =	vsub.f32 $0.0e+00, v21  }
0xbb: {  	v30 =	vmul.f32 v7, v60;
	v15 =	vmul.f32 v7, v15;
	v26 =	vld [tilespmem:s17+$0x0];
	v18 =	vmax.bf16 v18, v0;
	[tilespmem:s16+$0x0] =	vst v27  }
0xbc: {  	v13 =	vunpack.i.l.bf16.f32 v13;
	v24 =	vld [tilespmem:s28+$0x0];
	v18 =	vmul.bf16 v18, v2;
	[tilespmem:s16+$0x10] =	vst v22;
	v21 =	vmul.f32 $1.442695020e+00, v21  }
0xbd: {  	v49 =	vunpack.i.l.bf16.f32 v31;
	v23 =	vunpack.i.u.bf16.f32 v25;
	v20 =	vunpack.i.u.bf16.f32 v31;
	v27 =	vld [tilespmem:s2+$0x50]  }
0xbe: {  	v20 =	vmul.f32 v6, v20;
	v18 =	vadd.bf16 v18, v19;
	v19 =	vunpack.i.u.bf16.f32 v51  }
0xbf: {  	v28 =	vunpack.i.l.bf16.f32 v51;
	v22 =	vmul.f32 v6, v49;
	v19 =	vmul.f32 v19, v14  }
0xc0: {  	v57 =	vld [tilespmem:s17+$0x30];
	v56 =	vunpack.i.u.bf16.f32 v18;
	v18 =	vunpack.i.l.bf16.f32 v18;
	(erf) = vpow2.f32 v21;
	v21, _, _ =	vpop (xrf2)  }
0xc1: {  	[tilespmem:s13+$0xFFFFFFB0] =	vst v20;
	v24 =	vsub.bf16 v26, v24;
	v26 =	vld [tilespmem:s28+$0x30];
	v18 =	vadd.f32 v18, v56;
	v20 =	vbroadcast v21, $0xF  }
0xc2: {  	v58 =	vld [tilespmem:s17+$0xFFFFFFD0];
	[tilespmem:s13+$0xFFFFFFA0] =	vst v22;
	v22 =	vunpack.i.u.bf16.f32 v27;
	v21 =	vunpack.i.l.bf16.f32 v27;
	v27 =	vsub.bf16 v52, v54  }
0xc3: {  	v47 =	vld [tilespmem:s26+$0xFFFFFFC0];
	v24 =	vmax.bf16 v24, v0;
	(xrf2) =	vadd.scan.msk.f32 $0xffff, v18;
	v21 =	vmul.f32 v11, v21;
	v18 =	vadd.f32 v20, v1  }
0xc4: {  	v20 =	vmul.f32 v11, v22;
	v22 =	vmul.f32 v28, v14;
	v14 =	vld [tilespmem:s28+$0xFFFFFF90];
	v27 =	vmax.bf16 v27, v0  }
0xc5: {  	v25 =	vunpack.i.l.bf16.f32 v25;
	v24 =	vmul.bf16 v24, v4;
	[tilespmem:s16+$0x20] =	vst v21;
	v21 =	vld [tilespmem:s29+$0xFFFFFFE0];
	v27 =	vmul.bf16 v27, v5  }
0xc6: {  	v23 =	vmul.f32 v23, v12;
	v25 =	vmul.f32 v25, v12;
	v26 =	vsub.bf16 v57, v26;
	[tilespmem:s16+$0x30] =	vst v20;
	v20 =	vld [tilespmem:s28+$0xFFFFFF80]  }
0xc7: {  	v28 =	vmax.bf16 v59, v0;
	v18 =	vmax.f32 v18, $0.0e+00;
	v24 =	vadd.bf16 v27, v24;
	v27 =	vld [tilespmem:s17+$0xFFFFFFC0]  }
0xc8: {  	v12 =	vunpack.i.u.bf16.f32 v47;
	v28 =	vmul.bf16 v28, v3;
	v61 =	vld [tilespmem:s2+$0x60];
	v18 =	vsub.f32 $0.0e+00, v18  }
0xc9: {  	[tilespmem:s13+$0x60] =	vst v16;
	v53 =	vmul.f32 v8, v13;
	v13 =	vunpack.i.l.bf16.f32 v47;
	v26 =	vmax.bf16 v26, v0  }
0xca: {  	v62 =	vld [tilespmem:s17+$0xFFFFFFE0];
	[tilespmem:s14+$0xFFFFFFB0] =	vst v30;
	v26 =	vmul.bf16 v26, v2;
	v16 =	vmul.f32 $1.442695020e+00, v18;
	v18 =	vadd.bf16 v28, v24  }
0xcb: {  	[tilespmem:s14+$0x70] =	vst v23;
	v17 =	vmul.f32 v8, v17;
	v14 =	vsub.bf16 v58, v14;
	v24 =	vld [tilespmem:s28+$0xFFFFFFA0];
	v23 =	vunpack.i.u.bf16.f32 v21  }
0xcc: {  	[tilespmem:s15+$0x70] =	vst v19;
	(erf) = vpow2.f32 v16;
	v16 =	vld [tilespmem:s17+$0xFFFFFFF0];
	v18 =	vadd.bf16 v26, v18;
	v19 =	vsub.bf16 v27, v20  }
0xcd: {  	[tilespmem:s14+$0x60] =	vst v25;
	v14 =	vmax.bf16 v14, v0;
	v20 =	vld [tilespmem:s28+$0xFFFFFFB0];
	v25 =	vunpack.i.l.bf16.f32 v61;
	v26 =	vunpack.i.u.bf16.f32 v61  }
0xce: {  	[tilespmem:s14+$0xFFFFFFA0] =	vst v15;
	v14 =	vmul.bf16 v14, v5;
	v25 =	vmul.f32 v25, v11;
	v19 =	vmax.bf16 v19, v0  }
0xcf: {  	[tilespmem:s15+$0xFFFFFF90] =	vst v17;
	v21 =	vunpack.i.l.bf16.f32 v21;
	v17, _, _ =	vpop (xrf2);
	v27 =	vld [tilespmem:s28+$0xFFFFFFC0];
	v26 =	vmul.f32 v26, v11;
	v19 =	vmul.bf16 v19, v4  }
0xd0: {  	v23 =	vmul.f32 v23, v6;
	v17 =	vbroadcast v17, $0xF;
	v24 =	vsub.bf16 v62, v24;
	[tilespmem:s16+$0x40] =	vst v25;
	v25 =	vld [tilespmem:s26+$0x40]  }
0xd1: {  	[tilespmem:s16+$0x50] =	vst v26;
	v26 =	vunpack.i.u.bf16.f32 v18;
	v18 =	vunpack.i.l.bf16.f32 v18;
	v15 =	vadd.bf16 v14, v19  }
0xd2: {  	[tilespmem:s15+$0xFFFFFF80] =	vst v53;
	v24 =	vmax.bf16 v24, v0;
	v63 =	vadd.f32 v18, v26;
	v20 =	vsub.bf16 v16, v20;
	v16 =	vld [tilespmem:s2+$0x70]  }
0xd3: {  	v21 =	vmul.f32 v21, v6;
	[tilespmem:s13+$0xFFFFFFD0] =	vst v23;
	v19 =	vmul.bf16 v24, v3;
	v24 =	vadd.f32 v17, v1  }
0xd4: {  	v14 =	vpop (erf);
	v18 =	vunpack.i.u.bf16.f32 v27;
	v17 =	vunpack.i.l.bf16.f32 v27;
	(xrf2) =	vadd.scan.msk.f32 $0xffff, v63;
	v23 =	vmax.bf16 v20, v0  }
0xd5: {  	[tilespmem:s15+$0x60] =	vst v22;
	v20 =	vld [tilespmem:s10+$0xFFFFFFD0];
	v27 =	vadd.bf16 v19, v15;
	v23 =	vmul.bf16 v23, v2;
	v19 =	vunpack.i.l.bf16.f32 v25;
	v15 =	vpop (erf)  }
0xd6: {  	s21 =	simm.s32 $0xA;
	[tilespmem:s13+$0xFFFFFFC0] =	vst v21;
	v21 =	vld [tilespmem:s9+$0xFFFFFFE0];
	v22 =	vmax.f32 v24, $0.0e+00;
	v25 =	vunpack.i.u.bf16.f32 v25;
	v26 =	vmul.f32 v15, v19  }
0xd7: {  	s22 =	simm.s32 $0x5160;
	s24 =	simm.s32 $0x8FA0;
	s17 =	simm.s32 $0x106A0;
	v19 =	vld [tilespmem:s29+$0xFFFFFFF0];
	v24 =	vadd.bf16 v23, v27;
	v25 =	vmul.f32 v15, v25;
	v23 =	vunpack.i.u.bf16.f32 v16  }
.LBB2_3:
0xd8: {  	v27 =	vld [tilespmem:s22+$0x20];
	v22 =	vsub.f32 $0.0e+00, v22;
	[tilespmem:s17+$0x0] =	vst v26;
	v26 =	vmul.f32 v14, v10;
	v23 =	vmul.f32 v23, v11;
	v10 =	vmovc v13  }
0xd9: {  	v28 =	vld [tilespmem:s22+$0x0];
	v29 =	vunpack.i.u.bf16.f32 v24;
	v24 =	vunpack.i.l.bf16.f32 v24;
	[tilespmem:s17+$0x10] =	vst v25;
	v25 =	vmul.f32 v14, v9;
	v9 =	vmovc v12;
	v12 =	vmovc v18  }
0xda: {  	s28 =	sadd.s32 $0x100, s28;
	v13 =	vmovc v17;
	v18 =	vadd.f32 v24, v29;
	v22 =	vmul.f32 $1.442695020e+00, v22;
	v24 =	vld [tilespmem:s26+$0x50];
	[tilespmem:s16+$0x70] =	vst v23;
	v23 =	vunpack.i.u.bf16.f32 v20  }
0xdb: {  	v20 =	vunpack.i.l.bf16.f32 v20;
	v17 =	vld [tilespmem:s28+$0x0];
	[tilespmem:s16+$0xFFFFFF80] =	vst v26;
	v23 =	vmul.f32 v8, v23;
	v26 =	vunpack.i.u.bf16.f32 v21  }
0xdc: {  	v29 =	vld [tilespmem:s22+$0x10];
	(xrf2) =	vadd.scan.msk.f32 $0xffff, v18;
	(erf) = vpow2.f32 v22;
	[tilespmem:s16+$0xFFFFFF90] =	vst v25;
	v18 =	vmul.f32 v8, v20  }
0xdd: {  	v21 =	vunpack.i.l.bf16.f32 v21;
	v22 =	vmul.f32 v26, v7;
	v20 =	vld [tilespmem:s28+$0x10];
	[tilespmem:s15+$0xFFFFFFB0] =	vst v23;
	v23 =	vunpack.i.u.bf16.f32 v19  }
0xde: {  	v16 =	vunpack.i.l.bf16.f32 v16;
	v19 =	vunpack.i.l.bf16.f32 v19;
	v25 =	vld [tilespmem:s28+$0x20];
	v26, _, _ =	vpop (xrf2);
	[tilespmem:s15+$0xFFFFFFA0] =	vst v18;
	v18 =	vmul.f32 v21, v7  }
0xdf: {  	v19 =	vmul.f32 v19, v6;
	v21 =	vld [tilespmem:s28+$0xFFFFFF80];
	v26 =	vbroadcast v26, $0xF;
	v30 =	vunpack.i.l.bf16.f32 v24;
	[tilespmem:s14+$0xFFFFFFD0] =	vst v22  }
0xe0: {  	s21 =	sadd.s32 $0x2, s21;
	v24 =	vunpack.i.u.bf16.f32 v24;
	v22 =	vld [tilespmem:s22+$0x30];
	v30 =	vmul.f32 v15, v30;
	[tilespmem:s14+$0xFFFFFFC0] =	vst v18;
	v18 =	vmul.f32 v23, v6;
	v6 =	vmovc v7  }
0xe1: {  	p1 =	slt.u32 s21, $0x4E;
	v16 =	vmul.f32 v16, v11;
	v24 =	vmul.f32 v15, v24;
	v23 =	vld [tilespmem:s28+$0x30];
	v26 =	vadd.f32 v26, v1;
	[tilespmem:s13+$0xFFFFFFE0] =	vst v19  }
0xe2: {  	v17 =	vsub.bf16 v28, v17;
	v7 =	vmovc v8;
	v8 =	vmov v14;
	v19 =	vld [tilespmem:s22+$0xFFFFFFD0];
	v20 =	vsub.bf16 v29, v20;
	[tilespmem:s17+$0x20] =	vst v30  }
0xe3: {  	v11 =	vmov v15;
	v28 =	vld [tilespmem:s28+$0xFFFFFF90];
	v25 =	vsub.bf16 v27, v25;
	v26 =	vmax.f32 v26, $0.0e+00;
	[tilespmem:s17+$0x30] =	vst v24  }
0xe4: {  	v15 =	vmax.bf16 v17, v0;
	v17 =	vmax.bf16 v20, v0;
	v20 =	vsub.f32 $0.0e+00, v26;
	v24 =	vld [tilespmem:s26+$0x60];
	[tilespmem:s13+$0xFFFFFFF0] =	vst v18;
	s13 =	smov.u32 s14;
	s14 =	smov.u32 s15;
	s15 =	smov.u32 s16  }
0xe5: {  	v15 =	vmul.bf16 v15, v4;
	s16 =	smov.u32 s17;
	v18 =	vld [tilespmem:s22+$0xFFFFFFC0];
	v17 =	vmul.bf16 v17, v5;
	v14 =	vpop (erf);
	[tilespmem:s15+$0x60] =	vst v16  }
0xe6: {  	v25 =	vmax.bf16 v25, v0;
	v16 =	vld [tilespmem:s22+$0xFFFFFFE0];
	v22 =	vsub.bf16 v22, v23;
	v20 =	vmul.f32 $1.442695020e+00, v20;
	v23, _, _ =	vpop (xrf2)  }
0xe7: {  	v26 =	vld [tilespmem:s28+$0xFFFFFFA0];
	v15 =	vadd.bf16 v17, v15;
	v17 =	vmul.bf16 v25, v3;
	v23 =	vbroadcast v23, $0xF  }
0xe8: {  	v19 =	vsub.bf16 v19, v28;
	v25 =	vld [tilespmem:s22+$0xFFFFFFF0];
	v22 =	vmax.bf16 v22, v0;
	(erf) = vpow2.f32 v20  }
0xe9: {  	v27 =	vld [tilespmem:s28+$0xFFFFFFB0];
	v15 =	vadd.bf16 v17, v15;
	v17 =	vmul.bf16 v22, v2;
	v20 =	vunpack.i.l.bf16.f32 v24  }
0xea: {  	v18 =	vsub.bf16 v18, v21;
	v22 =	vld [tilespmem:s28+$0xFFFFFFC0];
	v21 =	vunpack.i.u.bf16.f32 v24;
	v24 =	vmul.f32 v20, v11  }
0xeb: {  	v19 =	vmax.bf16 v19, v0;
	v15 =	vadd.bf16 v17, v15;
	v17 =	vmul.f32 v21, v11;
	v20 =	vld [tilespmem:s2+$0xFFFFFFD0]  }
0xec: {  	v19 =	vmul.bf16 v19, v5;
	v18 =	vmax.bf16 v18, v0;
	v16 =	vsub.bf16 v16, v26;
	v26 =	vld [tilespmem:s24+$0x40];
	[tilespmem:s17+$0x40] =	vst v24  }
0xed: {  	v18 =	vmul.bf16 v18, v4;
	v24 =	vunpack.i.u.bf16.f32 v15;
	v15 =	vunpack.i.l.bf16.f32 v15;
	[tilespmem:s17+$0x50] =	vst v17;
	v21 =	vld [tilespmem:s10+$0xFFFFFFE0]  }
0xee: {  	v17 =	vmax.bf16 v16, v0;
	v25 =	vsub.bf16 v25, v27;
	v28 =	vadd.f32 v15, v24;
	v16 =	vld [tilespmem:s26+$0x70]  }
.Ltmp0:
0xef: {  	v23 =	vadd.f32 v23, v1;
	v24 =	vadd.bf16 v19, v18;
	v27 =	vmul.bf16 v17, v3;
	v19 =	vld [tilespmem:s9+$0xFFFFFFF0];
	s9 =	smov.u32 s10;
	s10 =	smov.u32 s2;
	(pc) =	sbr.rel @p1 .LBB2_3-.Ltmp0, $4  }
0xf0: {  	v18 =	vunpack.i.u.bf16.f32 v22;
	v17 =	vunpack.i.l.bf16.f32 v22;
	s2 =	smov.u32 s26;
	s26 =	smov.u32 s24;
	s24 =	smov.u32 s28;
	v25 =	vmax.bf16 v25, v0;
	(xrf2) =	vadd.scan.msk.f32 $0xffff, v28  }
0xf1: {  	v24 =	vadd.bf16 v27, v24;
	v25 =	vmul.bf16 v25, v2;
	v27 =	vunpack.i.l.bf16.f32 v26;
	v15 =	vpop (erf)  }
0xf2: {  	v22 =	vmax.f32 v23, $0.0e+00;
	v23 =	vunpack.i.u.bf16.f32 v26;
	v26 =	vmul.f32 v15, v27  }
0xf3: {  	s22 =	sadd.s32 $0x80, s22;
	s17 =	sadd.s32 $0x100, s17;
	v24 =	vadd.bf16 v25, v24;
	v25 =	vmul.f32 v15, v23;
	v23 =	vunpack.i.u.bf16.f32 v16  }
0xf4: {  	_ = 	snop  }
0xf5: {  	v27 =	vunpack.i.u.bf16.f32 v24;
	v24 =	vunpack.i.l.bf16.f32 v24  }
0xf6: {  	[tilespmem:s17+$0x0] =	vst v26;
	v24 =	vadd.f32 v24, v27  }
0xf7: {  	[tilespmem:s17+$0x10] =	vst v25  }
0xf8: {  	v25 =	vld [tilespmem:s26+$0x50];
	(xrf2) =	vadd.scan.msk.f32 $0xffff, v24;
	_ =	sdelay $0x2  }
0xf9: {  	v24, _, _ =	vpop (xrf2)  }
0xfa: {  	v24 =	vbroadcast v24, $0xF  }
0xfb: {  	v26 =	vunpack.i.l.bf16.f32 v25  }
0xfc: {  	v22 =	vsub.f32 $0.0e+00, v22;
	v26 =	vmul.f32 v15, v26;
	v24 =	vadd.f32 v24, v1  }
0xfd: {  	v25 =	vunpack.i.u.bf16.f32 v25  }
0xfe: {  	v22 =	vmul.f32 $1.442695020e+00, v22;
	v25 =	vmul.f32 v15, v25;
	v24 =	vmax.f32 v24, $0.0e+00  }
0xff: {  	[tilespmem:s17+$0x20] =	vst v26;
	v24 =	vsub.f32 $0.0e+00, v24  }
0x100: {  	(erf) = vpow2.f32 v22;
	[tilespmem:s17+$0x30] =	vst v25;
	v26, _, _ =	vpop (xrf2)  }
0x101: {  	v25 =	vld [tilespmem:s26+$0x60];
	v24 =	vmul.f32 $1.442695020e+00, v24;
	v22 =	vbroadcast v26, $0xF  }
0x102: {  	v23 =	vmul.f32 v23, v11  }
0x103: {  	v10 =	vmul.f32 v14, v10;
	(erf) = vpow2.f32 v24;
	v22 =	vadd.f32 v22, v1  }
0x104: {  	v9 =	vmul.f32 v14, v9;
	v16 =	vunpack.i.l.bf16.f32 v16;
	[tilespmem:s16+$0x70] =	vst v23;
	v23 =	vunpack.i.u.bf16.f32 v20  }
0x105: {  	v11 =	vmul.f32 v16, v11;
	[tilespmem:s16+$0xFFFFFF80] =	vst v10;
	v10 =	vmul.f32 v8, v23;
	v22 =	vmax.f32 v22, $0.0e+00  }
0x106: {  	[tilespmem:s16+$0xFFFFFF90] =	vst v9;
	v23 =	vunpack.i.l.bf16.f32 v25;
	v9 =	vunpack.i.u.bf16.f32 v25;
	v22 =	vsub.f32 $0.0e+00, v22  }
0x107: {  	[tilespmem:s16+$0x60] =	vst v11;
	v24 =	vld [tilespmem:s24+$0x40];
	v23 =	vmul.f32 v23, v15;
	v9 =	vmul.f32 v9, v15  }
0x108: {  	v20 =	vunpack.i.l.bf16.f32 v20;
	[tilespmem:s15+$0xFFFFFFB0] =	vst v10;
	v22 =	vmul.f32 $1.442695020e+00, v22  }
0x109: {  	v20 =	vmul.f32 v8, v20;
	v10 =	vunpack.i.u.bf16.f32 v21;
	[tilespmem:s17+$0x40] =	vst v23  }
0x10a: {  	v21 =	vunpack.i.l.bf16.f32 v21;
	v10 =	vmul.f32 v10, v7;
	[tilespmem:s17+$0x50] =	vst v9  }
0x10b: {  	[tilespmem:s15+$0xFFFFFFA0] =	vst v20;
	v20 =	vmul.f32 v21, v7;
	v21 =	vunpack.i.l.bf16.f32 v19;
	v23 =	vld [tilespmem:s26+$0x70];
	v9 =	vpop (erf);
	(erf) = vpow2.f32 v22  }
0x10c: {  	[tilespmem:s14+$0xFFFFFFD0] =	vst v10;
	v10 =	vmul.f32 v21, v6;
	v21 =	vunpack.i.l.bf16.f32 v24;
	v22 =	vpop (erf)  }
0x10d: {  	[tilespmem:s14+$0xFFFFFFC0] =	vst v20;
	v20 =	vunpack.i.u.bf16.f32 v24;
	v21 =	vmul.f32 v22, v21  }
0x10e: {  	s21 =	sadd.s32 $0x100, s17;
	v19 =	vunpack.i.u.bf16.f32 v19;
	[tilespmem:s13+$0xFFFFFFE0] =	vst v10;
	v10 =	vld [tilespmem:s2+$0xFFFFFFD0];
	v20 =	vmul.f32 v22, v20  }
0x10f: {  	v6 =	vmul.f32 v19, v6;
	[tilespmem:s21+$0x0] =	vst v21  }
0x110: {  	v11 =	vmul.f32 v9, v13;
	v16 =	vunpack.i.u.bf16.f32 v23;
	[tilespmem:s21+$0x10] =	vst v20  }
0x111: {  	[tilespmem:s13+$0xFFFFFFF0] =	vst v6;
	v6 =	vmul.f32 v16, v15;
	v16 =	vld [tilespmem:s24+$0x50];
	_ =	sdelay $0x1  }
0x112: {  	v12 =	vmul.f32 v9, v12;
	[tilespmem:s17+$0x70] =	vst v6;
	v6 =	vunpack.i.u.bf16.f32 v10  }
0x113: {  	v13 =	vld [tilespmem:s10+$0xFFFFFFE0];
	[tilespmem:s17+$0xFFFFFF80] =	vst v11;
	v6 =	vmul.f32 v14, v6;
	v11 =	vpop (erf)  }
0x114: {  	[tilespmem:s17+$0xFFFFFF90] =	vst v12;
	v12 =	vmul.f32 v11, v17  }
0x115: {  	[tilespmem:s16+$0xFFFFFFB0] =	vst v6;
	v17 =	vld [tilespmem:s9+$0xFFFFFFF0];
	v18 =	vmul.f32 v11, v18;
	v6 =	vunpack.i.l.bf16.f32 v16  }
0x116: {  	v19 =	vld [tilespmem:s26+$0xFFFFFFD0];
	v16 =	vunpack.i.u.bf16.f32 v16;
	v6 =	vmul.f32 v22, v6;
	[tilespmem:s21+$0xFFFFFF80] =	vst v12  }
0x117: {  	v10 =	vunpack.i.l.bf16.f32 v10;
	v12 =	vmul.f32 v22, v16;
	[tilespmem:s21+$0xFFFFFF90] =	vst v18  }
0x118: {  	v10 =	vmul.f32 v14, v10;
	v16 =	vunpack.i.u.bf16.f32 v13;
	[tilespmem:s21+$0x20] =	vst v6;
	v6 =	vld [tilespmem:s24+$0xFFFFFFD0]  }
0x119: {  	v13 =	vunpack.i.l.bf16.f32 v13;
	v16 =	vmul.f32 v16, v8;
	[tilespmem:s21+$0x30] =	vst v12  }
0x11a: {  	[tilespmem:s16+$0xFFFFFFA0] =	vst v10;
	v10 =	vmul.f32 v13, v8;
	v12 =	vunpack.i.l.bf16.f32 v17;
	v13 =	vld [tilespmem:s24+$0x60]  }
0x11b: {  	[tilespmem:s15+$0xFFFFFFD0] =	vst v16;
	v16 =	vunpack.i.u.bf16.f32 v19;
	v12 =	vmul.f32 v12, v7  }
0x11c: {  	[tilespmem:s15+$0xFFFFFFC0] =	vst v10;
	v10 =	vunpack.i.l.bf16.f32 v19;
	v16 =	vmul.f32 v9, v16  }
0x11d: {  	v10 =	vmul.f32 v9, v10;
	[tilespmem:s14+$0xFFFFFFE0] =	vst v12;
	v12 =	vunpack.i.u.bf16.f32 v6  }
0x11e: {  	v18 =	vld [tilespmem:s2+$0xFFFFFFE0];
	[tilespmem:s17+$0xFFFFFFB0] =	vst v16;
	v6 =	vunpack.i.l.bf16.f32 v6;
	v12 =	vmul.f32 v11, v12  }
0x11f: {  	[tilespmem:s17+$0xFFFFFFA0] =	vst v10;
	v16 =	vunpack.i.l.bf16.f32 v13;
	v6 =	vmul.f32 v11, v6  }
0x120: {  	v10 =	vunpack.i.u.bf16.f32 v13;
	v13 =	vmul.f32 v16, v22;
	v16 =	vld [tilespmem:s26+$0xFFFFFFE0];
	[tilespmem:s21+$0xFFFFFFB0] =	vst v12  }
0x121: {  	v10 =	vmul.f32 v10, v22;
	v12 =	vunpack.i.u.bf16.f32 v17;
	[tilespmem:s21+$0xFFFFFFA0] =	vst v6  }
0x122: {  	v6 =	vunpack.i.l.bf16.f32 v23;
	v7 =	vmul.f32 v12, v7;
	[tilespmem:s21+$0x40] =	vst v13;
	v12 =	vld [tilespmem:s24+$0xFFFFFFE0]  }
0x123: {  	v6 =	vmul.f32 v6, v15;
	[tilespmem:s21+$0x50] =	vst v10;
	v10 =	vunpack.i.u.bf16.f32 v18  }
0x124: {  	v13 =	vunpack.i.l.bf16.f32 v18;
	v10 =	vmul.f32 v10, v14;
	[tilespmem:s14+$0xFFFFFFF0] =	vst v7;
	v7 =	vld [tilespmem:s24+$0x70]  }
0x125: {  	v13 =	vmul.f32 v13, v14;
	[tilespmem:s17+$0x60] =	vst v6;
	v15 =	vunpack.i.u.bf16.f32 v16  }
0x126: {  	v6 =	vld [tilespmem:s10+$0xFFFFFFF0];
	[tilespmem:s16+$0xFFFFFFD0] =	vst v10;
	v10 =	vunpack.i.l.bf16.f32 v16;
	v15 =	vmul.f32 v15, v9  }
0x127: {  	[tilespmem:s16+$0xFFFFFFC0] =	vst v13;
	v10 =	vmul.f32 v10, v9;
	v13 =	vunpack.i.u.bf16.f32 v12  }
0x128: {  	v16 =	vld [tilespmem:s2+$0xFFFFFFF0];
	v12 =	vunpack.i.l.bf16.f32 v12;
	[tilespmem:s17+$0xFFFFFFD0] =	vst v15;
	v13 =	vmul.f32 v13, v11  }
0x129: {  	[tilespmem:s17+$0xFFFFFFC0] =	vst v10;
	v10 =	vmul.f32 v12, v11;
	v15 =	vunpack.i.u.bf16.f32 v7  }
0x12a: {  	v17 =	vld [tilespmem:s26+$0xFFFFFFF0];
	v7 =	vunpack.i.l.bf16.f32 v7;
	v12 =	vmul.f32 v15, v22;
	[tilespmem:s21+$0xFFFFFFD0] =	vst v13  }
0x12b: {  	v15 =	vunpack.i.l.bf16.f32 v6;
	v6 =	vunpack.i.u.bf16.f32 v6;
	[tilespmem:s21+$0xFFFFFFC0] =	vst v10;
	v7 =	vmul.f32 v7, v22  }
0x12c: {  	v13 =	vmul.f32 v15, v8;
	v6 =	vmul.f32 v6, v8;
	v8 =	vld [tilespmem:s24+$0xFFFFFFF0];
	[tilespmem:s21+$0x70] =	vst v12  }
0x12d: {  	v10 =	vunpack.i.l.bf16.f32 v16;
	[tilespmem:s21+$0x60] =	vst v7  }
0x12e: {  	v10 =	vmul.f32 v10, v14;
	[tilespmem:s15+$0xFFFFFFF0] =	vst v6;
	v6 =	vunpack.i.u.bf16.f32 v16  }
0x12f: {  	[tilespmem:s15+$0xFFFFFFE0] =	vst v13;
	v6 =	vmul.f32 v6, v14;
	v7 =	vunpack.i.l.bf16.f32 v17  }
0x130: {  	[tilespmem:s16+$0xFFFFFFE0] =	vst v10;
	v10 =	vunpack.i.u.bf16.f32 v17;
	v7 =	vmul.f32 v7, v9  }
0x131: {  	s9 =	smul.u32 $0xF0, s8;
	[tilespmem:s16+$0xFFFFFFF0] =	vst v6;
	v6 =	vmul.f32 v10, v9;
	v9 =	vunpack.i.l.bf16.f32 v8  }
0x132: {  	[tilespmem:s17+$0xFFFFFFE0] =	vst v7;
	v7 =	vunpack.i.u.bf16.f32 v8;
	v8 =	vmul.f32 v9, v11  }
0x133: {  	[tilespmem:s17+$0xFFFFFFF0] =	vst v6;
	v6 =	vmul.f32 v7, v11;
	s17 =	sadd.s32 s5, s9  }
0x134: {  	[tilespmem:s21+$0xFFFFFFE0] =	vst v8;
	s2 =	sshll.u32 s17, $0x4  }
0x135: {  	[tilespmem:s21+$0xFFFFFFF0] =	vst v6;
	s2 =	sadd.s32 s3, s2  }
0x136: {  	[hbm4b:s2+s4] =	stream.linear.scatter [tilespmem:s0], [sflag:$0x4], $0x2800, $0x38;
	[tilespmem:$0x17A70] =	vst v63  }
0x137: {  	s23 =	simm.s32 $0x4E20;
	s22 =	sadd.s32 $0xF0, s9  }
0x138: {  	[tilespmem:s23], [sflag:$0x1] =	stream.indirect.gather [hbm4b:s6+s20], $0x40, s22, s20, $0xb8;
	[tilespmem:$0x17A70] =	vst v63  }
0x139: {  	s26 =	simm.s32 $0x8A20;
	s24 =	sadd.s32 $0x2800, s9  }
0x13a: {  	[tilespmem:s26], [sflag:$0x1] =	stream.indirect.gather [hbm4b:s7+s20], $0x80, s24, s20, $0xb8;
	[tilespmem:$0x17A70] =	vst v63  }
0x13b: {  	_ =	swait.ge [sflag:s1], $0x1400  }
0x13c: {  	[sflag:s1] =	ssyncset.done $0x0  }
0x13d: {  	[sflag:s1] =	ssyncadd.s32 $0xFFFFEC00  }
0x13e: {  	_ =	swait.ge [sflag:s1], $0x2800  }
0x13f: {  	[sflag:s1] =	ssyncset.done $0x0  }
0x140: {  	s2 =	simm.s32 @!p0 $0x5;
	[sflag:s1] =	ssyncadd.s32 $0xFFFFD800  }
0x141: {  	_ =	swait.ge @!p0 [sflag:s2], $0x2800  }
0x142: {  	[sflag:s2] =	ssyncset.done @!p0 $0x0  }
0x143: {  	s16 =	simm.s32 $0xB310;
	[sflag:s2] =	ssyncadd.s32 @!p0 $0xFFFFD800  }
0x144: {  	v6 =	vld [tilespmem:s16+$0xFFFFFF90]  }
0x145: {  	s13 =	simm.s32 $0x6290;
	v7 =	vld [tilespmem:s16+$0xFFFFFF40]  }
0x146: {  	v8 =	vld [tilespmem:s13+$0xFFFFFFA0]  }
0x147: {  	v9 =	vld [tilespmem:s13+$0xFFFFFFB0]  }
0x148: {  	v10 =	vld [tilespmem:s16+$0xFFFFFF10]  }
0x149: {  	v11 =	vld [tilespmem:s16+$0xFFFFFFB0]  }
0x14a: {  	v12 =	vld [tilespmem:s16+$0xFFFFFF20]  }
0x14b: {  	v13 =	vld [tilespmem:s13+$0xFFFFFFF0]  }
0x14c: {  	v14 =	vld [tilespmem:s16+$0xFFFFFF30]  }
0x14d: {  	v15 =	vld [tilespmem:s13+$0xFFFFFFC0]  }
0x14e: {  	v16 =	vld [tilespmem:s13+$0xFFFFFFD0]  }
0x14f: {  	v17 =	vld [tilespmem:s16+$0xFFFFFFA0]  }
0x150: {  	v18 =	vld [tilespmem:s13+$0xFFFFFFE0]  }
0x151: {  	v19 =	vld [tilespmem:s13+$0xFFFFFF90]  }
0x152: {  	v20 =	vld [tilespmem:s13+$0x0]  }
0x153: {  	s15 =	simm.s32 $0xB410;
	v21 =	vld [tilespmem:s16+$0xFFFFFFC0]  }
0x154: {  	v22 =	vld [tilespmem:s15+$0xFFFFFF90]  }
0x155: {  	s14 =	simm.s32 $0x6310;
	v23 =	vld [tilespmem:s15+$0xFFFFFF40];
	v8 =	vsub.bf16 v8, v12  }
0x156: {  	v12 =	vld [tilespmem:s14+$0xFFFFFFD0];
	v6 =	vsub.bf16 v16, v6;
	v16 =	vsub.bf16 v18, v17  }
0x157: {  	v17 =	vld [tilespmem:s15+$0xFFFFFFA0];
	v11 =	vsub.bf16 v13, v11;
	v9 =	vsub.bf16 v9, v14  }
0x158: {  	v13 =	vld [tilespmem:s14+$0xFFFFFFE0];
	v7 =	vsub.bf16 v15, v7;
	v10 =	vsub.bf16 v19, v10  }
0x159: {  	v27 =	vld [tilespmem:s15+$0xFFFFFFB0];
	v19 =	vsub.bf16 v20, v21;
	v6 =	vmax.bf16 v6, v0;
	v16 =	vmax.bf16 v16, v0  }
0x15a: {  	v18 =	vld [tilespmem:s14+$0xFFFFFFF0];
	v8 =	vmax.bf16 v8, v0;
	v6 =	vmul.bf16 v6, v4;
	v14 =	vmul.bf16 v16, v5  }
0x15b: {  	v15 =	vld [tilespmem:s14+$0x0];
	v11 =	vmax.bf16 v11, v0;
	v9 =	vmax.bf16 v9, v0;
	v10 =	vmax.bf16 v10, v0  }
0x15c: {  	v7 =	vmax.bf16 v7, v0;
	v11 =	vmul.bf16 v11, v3;
	v6 =	vadd.bf16 v14, v6;
	v14 =	vld [tilespmem:s15+$0xFFFFFFC0]  }
0x15d: {  	v24 =	vld [tilespmem:s14+$0xFFFFFFA0];
	v10 =	vmul.bf16 v10, v4;
	v12 =	vsub.bf16 v12, v22;
	v13 =	vsub.bf16 v13, v17  }
0x15e: {  	v25 =	vld [tilespmem:s14+$0xFFFFFFB0];
	v8 =	vmul.bf16 v8, v5;
	v9 =	vmul.bf16 v9, v3;
	v17 =	vmax.bf16 v19, v0  }
0x15f: {  	v26 =	vld [tilespmem:s15+$0xFFFFFF10];
	v18 =	vsub.bf16 v18, v27;
	v12 =	vmax.bf16 v12, v0;
	v13 =	vmax.bf16 v13, v0  }
0x160: {  	v20 =	vld [tilespmem:s15+$0xFFFFFF30];
	v8 =	vadd.bf16 v8, v10;
	v12 =	vmul.bf16 v12, v4;
	v13 =	vmul.bf16 v13, v5  }
0x161: {  	v16 =	vld [tilespmem:s15+$0xFFFFFF20];
	v17 =	vmul.bf16 v17, v2;
	v18 =	vmax.bf16 v18, v0;
	v14 =	vsub.bf16 v15, v14  }
0x162: {  	v19 =	vld [tilespmem:s14+$0xFFFFFFC0];
	v6 =	vadd.bf16 v11, v6;
	v12 =	vadd.bf16 v13, v12;
	v13 =	vmul.bf16 v18, v3  }
0x163: {  	v7 =	vmul.bf16 v7, v2;
	v11 =	vld [tilespmem:s14+$0xFFFFFF90];
	s14 =	simm.s32 $0xB510;
	v8 =	vadd.bf16 v9, v8;
	v14 =	vmax.bf16 v14, v0  }
0x164: {  	v21 =	vld [tilespmem:s14+$0xFFFFFF90];
	v6 =	vadd.bf16 v17, v6;
	v10 =	vadd.bf16 v13, v12;
	v12 =	vmul.bf16 v14, v2  }
0x165: {  	s17 =	simm.s32 $0x6390;
	v7 =	vadd.bf16 v7, v8;
	v8 =	vld [tilespmem:s14+$0xFFFFFFA0]  }
0x166: {  	v17 =	vld [tilespmem:s17+$0xFFFFFFE0];
	v9 =	vadd.bf16 v12, v10;
	v12 =	vunpack.i.u.bf16.f32 v6;
	v6 =	vunpack.i.l.bf16.f32 v6  }
0x167: {  	v10 =	vld [tilespmem:s17+$0xFFFFFFD0];
	v6 =	vadd.f32 v6, v12  }
0x168: {  	v11 =	vsub.bf16 v11, v26;
	v14 =	vld [tilespmem:s14+$0xFFFFFFB0];
	v12 =	vunpack.i.u.bf16.f32 v9;
	v9 =	vunpack.i.l.bf16.f32 v9  }
0x169: {  	v9 =	vadd.f32 v9, v12;
	v12 =	vunpack.i.u.bf16.f32 v7;
	v7 =	vunpack.i.l.bf16.f32 v7;
	(xrf2) =	vadd.scan.msk.f32 $0xffff, v6;
	v6 =	vld [tilespmem:s17+$0xFFFFFFF0]  }
0x16a: {  	v7 =	vadd.f32 v7, v12;
	v12 =	vsub.bf16 v24, v16;
	v16 =	vld [tilespmem:s14+$0xFFFFFFC0]  }
0x16b: {  	s13 =	simm.s32 $0xB610;
	(xrf2) =	vadd.scan.msk.f32 $0xffff, v9;
	v9 =	vld [tilespmem:s17+$0x0]  }
0x16c: {  	v28 =	vld [tilespmem:s13+$0xFFFFFF20];
	v8 =	vsub.bf16 v17, v8;
	v11 =	vmax.bf16 v11, v0;
	v10 =	vsub.bf16 v10, v21  }
0x16d: {  	v22 =	vld [tilespmem:s17+$0xFFFFFFB0];
	v20 =	vsub.bf16 v25, v20;
	v17 =	vsub.bf16 v19, v23;
	v11 =	vmul.bf16 v11, v4;
	(xrf2) =	vadd.scan.msk.f32 $0xffff, v7  }
0x16e: {  	v15 =	vld [tilespmem:s14+$0xFFFFFF40];
	v8 =	vmax.bf16 v8, v0;
	v10 =	vmax.bf16 v10, v0;
	v6 =	vsub.bf16 v6, v14  }
0x16f: {  	v19 =	vld [tilespmem:s17+$0xFFFFFFC0];
	v8 =	vmul.bf16 v8, v5;
	v12 =	vmax.bf16 v12, v0;
	v10 =	vmul.bf16 v10, v4  }
0x170: {  	v27 =	vld [tilespmem:s14+$0xFFFFFF20];
	v12 =	vmul.bf16 v12, v5;
	v6 =	vmax.bf16 v6, v0;
	v9 =	vsub.bf16 v9, v16  }
0x171: {  	v18 =	vld [tilespmem:s17+$0xFFFFFFA0];
	v8 =	vadd.bf16 v8, v10;
	v6 =	vmul.bf16 v6, v3  }
0x172: {  	s21 =	simm.s32 $0x6410;
	v20 =	vmax.bf16 v20, v0;
	v13 =	vld [tilespmem:s14+$0xFFFFFF10];
	v11 =	vadd.bf16 v12, v11;
	v9 =	vmax.bf16 v9, v0  }
0x173: {  	v23 =	vld [tilespmem:s21+$0xFFFFFFA0];
	v12 =	vmul.bf16 v20, v3;
	v6 =	vadd.bf16 v6, v8;
	v8 =	vmul.bf16 v9, v2  }
0x174: {  	v17 =	vmax.bf16 v17, v0;
	v15 =	vsub.bf16 v19, v15;
	v19 =	vld [tilespmem:s21+$0xFFFFFFF0]  }
0x175: {  	v17 =	vmul.bf16 v17, v2;
	v7 =	vld [tilespmem:s14+$0xFFFFFF30];
	v11 =	vadd.bf16 v12, v11;
	v24, _, _ =	vpop (xrf2)  }
0x176: {  	v16 =	vld [tilespmem:s13+$0xFFFFFF90];
	v25, _, _ =	vpop (xrf2);
	v6 =	vadd.bf16 v8, v6  }
0x177: {  	v12 =	vsub.bf16 v18, v27;
	v27 =	vld [tilespmem:s21+$0xFFFFFFD0];
	v11 =	vadd.bf16 v17, v11;
	v8, _, _ =	vpop (xrf2)  }
0x178: {  	v17 =	vld [tilespmem:s13+$0xFFFFFFA0];
	v18 =	vunpack.i.u.bf16.f32 v6;
	v6 =	vunpack.i.l.bf16.f32 v6;
	v8 =	vbroadcast v8, $0xF  }
0x179: {  	v6 =	vadd.f32 v6, v18;
	v18 =	vld [tilespmem:s21+$0xFFFFFFE0]  }
0x17a: {  	v14 =	vld [tilespmem:s17+$0xFFFFFF90];
	v8 =	vadd.f32 v8, v1  }
0x17b: {  	v20 =	vld [tilespmem:s13+$0xFFFFFFB0];
	v29 =	vunpack.i.u.bf16.f32 v11;
	v11 =	vunpack.i.l.bf16.f32 v11  }
0x17c: {  	v30 =	vld [tilespmem:s13+$0xFFFFFF30];
	v23 =	vsub.bf16 v23, v28;
	v11 =	vadd.f32 v11, v29;
	v8 =	vmax.f32 v8, $0.0e+00  }
0x17d: {  	v26 =	vld [tilespmem:s13+$0xFFFFFF10];
	v16 =	vsub.bf16 v27, v16;
	v8 =	vsub.f32 $0.0e+00, v8  }
0x17e: {  	v7 =	vsub.bf16 v22, v7;
	v29 =	vld [tilespmem:s13+$0xFFFFFFC0];
	(xrf2) =	vadd.scan.msk.f32 $0xffff, v6;
	v17 =	vsub.bf16 v18, v17  }
0x17f: {  	v13 =	vsub.bf16 v14, v13;
	v16 =	vmax.bf16 v16, v0;
	v6 =	vld [tilespmem:s21+$0x0];
	(xrf2) =	vadd.scan.msk.f32 $0xffff, v11;
	v22 =	vmul.f32 $1.442695020e+00, v8  }
0x180: {  	v10 =	vld [tilespmem:s13+$0xFFFFFF40];
	v16 =	vmul.bf16 v16, v4;
	v18 =	vsub.bf16 v19, v20;
	v17 =	vmax.bf16 v17, v0  }
0x181: {  	v9 =	vld [tilespmem:s21+$0xFFFFFFB0];
	v12 =	vmax.bf16 v12, v0;
	v17 =	vmul.bf16 v17, v5;
	(erf) = vpow2.f32 v22  }
0x182: {  	v14 =	vld [tilespmem:s21+$0xFFFFFF90];
	v12 =	vmul.bf16 v12, v5;
	v13 =	vmax.bf16 v13, v0;
	v18 =	vmax.bf16 v18, v0  }
0x183: {  	s10 =	simm.s32 $0xB710;
	v13 =	vmul.bf16 v13, v4;
	v11 =	vld [tilespmem:s21+$0xFFFFFFC0];
	v16 =	vadd.bf16 v17, v16;
	v17 =	vmul.bf16 v18, v3  }
0x184: {  	v31 =	vld [tilespmem:s10+$0xFFFFFF30];
	v15 =	vmax.bf16 v15, v0;
	v7 =	vmax.bf16 v7, v0;
	v6 =	vsub.bf16 v6, v29  }
0x185: {  	s22 =	simm.s32 $0x6490;
	v21 =	vld [tilespmem:s16+$0xFFFFFF50];
	v12 =	vadd.bf16 v12, v13;
	v13 =	vmul.bf16 v7, v3;
	v16 =	vadd.bf16 v17, v16  }
0x186: {  	v32 =	vld [tilespmem:s22+$0xFFFFFFC0];
	v23 =	vmax.bf16 v23, v0;
	v15 =	vmul.bf16 v15, v2;
	v6 =	vmax.bf16 v6, v0  }
0x187: {  	v34 =	vld [tilespmem:s22+$0x0];
	v14 =	vsub.bf16 v14, v26;
	v12 =	vadd.bf16 v13, v12;
	v6 =	vmul.bf16 v6, v2  }
0x188: {  	v28 =	vld [tilespmem:s10+$0xFFFFFFB0];
	v23 =	vmul.bf16 v23, v5;
	v9 =	vsub.bf16 v9, v30;
	v10 =	vsub.bf16 v11, v10;
	v11, _, _ =	vpop (xrf2)  }
0x189: {  	v30 =	vld [tilespmem:s22+$0xFFFFFFF0];
	v14 =	vmax.bf16 v14, v0;
	v12 =	vadd.bf16 v15, v12;
	v6 =	vadd.bf16 v6, v16;
	v16, _, _ =	vpop (xrf2)  }
0x18a: {  	v26 =	vld [tilespmem:s10+$0xFFFFFFA0];
	v20 =	vunpack.i.u.bf16.f32 v21;
	v21 =	vunpack.i.l.bf16.f32 v21;
	v16 =	vbroadcast v16, $0xF;
	v7 =	vpop (erf)  }
0x18b: {  	v8 =	vbroadcast v25, $0xF;
	v25 =	vld [tilespmem:s10+$0xFFFFFF40];
	v13 =	vmax.bf16 v10, v0;
	v10 =	vmul.f32 v7, v21  }
0x18c: {  	v29 =	vld [tilespmem:s10+$0xFFFFFF20];
	v21 =	vunpack.i.u.bf16.f32 v6;
	v6 =	vunpack.i.l.bf16.f32 v6;
	v16 =	vadd.f32 v16, v1  }
0x18d: {  	s28 =	simm.s32 $0x12B10;
	v24 =	vbroadcast v24, $0xF;
	v14 =	vmul.bf16 v14, v4;
	v22 =	vld [tilespmem:s10+$0xFFFFFF90];
	v6 =	vadd.f32 v6, v21  }
0x18e: {  	v18 =	vld [tilespmem:s22+$0xFFFFFFA0];
	[tilespmem:s28+$0xFFFFFF10] =	vst v10;
	v10 =	vmax.f32 v16, $0.0e+00;
	v16 =	vunpack.i.u.bf16.f32 v12;
	v12 =	vunpack.i.l.bf16.f32 v12  }
0x18f: {  	v24 =	vadd.f32 v24, v1;
	v9 =	vmax.bf16 v9, v0;
	v21 =	vld [tilespmem:s22+$0xFFFFFFD0];
	v12 =	vadd.f32 v12, v16  }
0x190: {  	v9 =	vmul.bf16 v9, v3;
	v14 =	vadd.bf16 v23, v14;
	(xrf2) =	vadd.scan.msk.f32 $0xffff, v6;
	v6 =	vsub.f32 $0.0e+00, v10;
	v10 =	vld [tilespmem:s22+$0xFFFFFFE0]  }
0x191: {  	s2 =	simm.s32 $0xB810;
	v24 =	vmax.f32 v24, $0.0e+00;
	v19 =	vld [tilespmem:s15+$0xFFFFFF50];
	v15 =	vmul.f32 v7, v20;
	(xrf2) =	vadd.scan.msk.f32 $0xffff, v12  }
0x192: {  	s23 =	simm.s32 $0x6510;
	v58 =	vld [tilespmem:s2+$0xFFFFFFB0];
	v24 =	vsub.f32 $0.0e+00, v24;
	v9 =	vadd.bf16 v9, v14  }
0x193: {  	v23 =	vld [tilespmem:s23+$0xFFFFFFF0];
	v8 =	vadd.f32 v8, v1;
	[tilespmem:s28+$0xFFFFFF20] =	vst v15;
	v15 =	vsub.bf16 v18, v29;
	v6 =	vmul.f32 $1.442695020e+00, v6  }
0x194: {  	v24 =	vmul.f32 $1.442695020e+00, v24;
	v18 =	vsub.bf16 v30, v28;
	v28 =	vld [tilespmem:s10+$0xFFFFFFC0];
	v21 =	vsub.bf16 v21, v22  }
0x195: {  	v60 =	vld [tilespmem:s2+$0xFFFFFF30];
	(erf) = vpow2.f32 v6;
	v6 =	vsub.bf16 v32, v25;
	v10 =	vsub.bf16 v10, v26  }
0x196: {  	v27 =	vld [tilespmem:s22+$0xFFFFFFB0];
	v33 =	vunpack.i.u.bf16.f32 v19;
	v13 =	vmul.bf16 v13, v2;
	v20 =	vmax.bf16 v15, v0  }
0x197: {  	v17 =	vld [tilespmem:s10+$0xFFFFFF10];
	v15 =	vmax.bf16 v6, v0;
	v6 =	vmax.bf16 v21, v0;
	v10 =	vmax.bf16 v10, v0  }
0x198: {  	v23 =	vsub.bf16 v23, v58;
	v25 =	vld [tilespmem:s22+$0xFFFFFF90];
	v6 =	vmul.bf16 v6, v4;
	v10 =	vmul.bf16 v10, v5  }
0x199: {  	v61 =	vld [tilespmem:s23+$0xFFFFFFC0];
	v11 =	vbroadcast v11, $0xF;
	v22 =	vmax.bf16 v18, v0;
	v26 =	vsub.bf16 v34, v28  }
0x19a: {  	v9 =	vadd.bf16 v13, v9;
	v29 =	vld [tilespmem:s2+$0xFFFFFF40];
	v22 =	vmul.bf16 v22, v3;
	v28, _, _ =	vpop (xrf2);
	v6 =	vadd.bf16 v10, v6  }
0x19b: {  	v16 =	vld [tilespmem:s16+$0xFFFFFF60];
	v12 =	vunpack.i.l.bf16.f32 v19;
	v19 =	vsub.bf16 v27, v31;
	v26 =	vmax.bf16 v26, v0;
	v31, _, _ =	vpop (xrf2)  }
0x19c: {  	v27 =	vld [tilespmem:s14+$0xFFFFFF50];
	v26 =	vmul.bf16 v26, v2;
	v22 =	vadd.bf16 v22, v6;
	v31 =	vbroadcast v31, $0xF  }
0x19d: {  	v23 =	vmax.bf16 v23, v0;
	v11 =	vadd.f32 v11, v1;
	v21 =	vld [tilespmem:s16+$0xFFFFFFD0];
	v17 =	vsub.bf16 v25, v17  }
0x19e: {  	(erf) = vpow2.f32 v24;
	v25 =	vld [tilespmem:s2+$0xFFFFFF90];
	v6 =	vpop (erf);
	v22 =	vadd.bf16 v26, v22;
	v31 =	vadd.f32 v31, v1  }
0x19f: {  	v10 =	vbroadcast v28, $0xF;
	v28 =	vld [tilespmem:s23+$0xFFFFFFA0];
	v35 =	vmax.bf16 v17, v0;
	v12 =	vmul.f32 v6, v12  }
0x1a0: {  	s17 =	simm.s32 $0x12C10;
	v17 =	vld [tilespmem:s2+$0xFFFFFFA0];
	v59 =	vunpack.i.u.bf16.f32 v22;
	v22 =	vunpack.i.l.bf16.f32 v22;
	v14 =	vmax.f32 v31, $0.0e+00  }
0x1a1: {  	v26 =	vld [tilespmem:s2+$0xFFFFFF20];
	v24 =	vmul.f32 v6, v33;
	[tilespmem:s17+$0xFFFFFF10] =	vst v12;
	v12 =	vadd.f32 v22, v59;
	v14 =	vsub.f32 $0.0e+00, v14  }
0x1a2: {  	v20 =	vmul.bf16 v20, v5;
	v19 =	vmax.bf16 v19, v0;
	v18 =	vunpack.i.u.bf16.f32 v16;
	v31 =	vld [tilespmem:s23+$0xFFFFFFD0]  }
0x1a3: {  	v16 =	vunpack.i.l.bf16.f32 v16;
	[tilespmem:s17+$0xFFFFFF20] =	vst v24;
	v24 =	vld [tilespmem:s23+$0xFFFFFFE0];
	(xrf2) =	vadd.scan.msk.f32 $0xffff, v12;
	v12 =	vmul.f32 $1.442695020e+00, v14  }
0x1a4: {  	v30 =	vld [tilespmem:s23+$0xFFFFFFB0];
	v19 =	vmul.bf16 v19, v3;
	v18 =	vmul.f32 v7, v18;
	v36 =	vunpack.i.u.bf16.f32 v27  }
0x1a5: {  	v27 =	vunpack.i.l.bf16.f32 v27;
	v37 =	vld [tilespmem:s15+$0xFFFFFF60];
	v14 =	vunpack.i.u.bf16.f32 v9;
	v9 =	vunpack.i.l.bf16.f32 v9  }
0x1a6: {  	v13 =	vsub.bf16 v28, v26;
	v26 =	vld [tilespmem:s23+$0x0];
	v9 =	vadd.f32 v9, v14;
	(erf) = vpow2.f32 v12  }
0x1a7: {  	v22 =	vmul.f32 v7, v16;
	v16 =	vunpack.i.u.bf16.f32 v21;
	v21 =	vunpack.i.l.bf16.f32 v21;
	v28 =	vld [tilespmem:s2+$0xFFFFFFC0];
	v12 =	vpop (erf)  }
0x1a8: {  	v62 =	vld [tilespmem:s2+$0xFFFFFF10];
	v14 =	vsub.bf16 v31, v25;
	v17 =	vsub.bf16 v24, v17;
	(xrf2) =	vadd.scan.msk.f32 $0xffff, v9;
	v21 =	vmul.f32 v12, v21  }
0x1a9: {  	s24 =	simm.s32 $0x6590;
	v35 =	vmul.bf16 v35, v4;
	v24 =	vld [tilespmem:s23+$0xFFFFFF90];
	v9 =	vsub.bf16 v61, v29;
	v29 =	vmul.f32 v12, v16  }
0x1aa: {  	v45 =	vld [tilespmem:s24+$0xFFFFFFA0];
	v25 =	vsub.bf16 v30, v60;
	v14 =	vmax.bf16 v14, v0;
	v16 =	vmax.bf16 v17, v0;
	[tilespmem:s28+$0xFFFFFF90] =	vst v21  }
0x1ab: {  	v46 =	vld [tilespmem:s24+$0xFFFFFFB0];
	v17 =	vunpack.i.u.bf16.f32 v37;
	v30 =	vmul.bf16 v14, v4;
	v21 =	vmul.bf16 v16, v5;
	[tilespmem:s28+$0xFFFFFFA0] =	vst v29  }
0x1ac: {  	s26 =	simm.s32 $0xB910;
	v14 =	vmax.bf16 v9, v0;
	v9 =	vsub.bf16 v26, v28;
	v26 =	vmul.f32 v6, v17;
	v28 =	vld [tilespmem:s16+$0xFFFFFFE0]  }
0x1ad: {  	v48 =	vld [tilespmem:s26+$0xFFFFFF20];
	v16 =	vmax.bf16 v25, v0;
	v17 =	vadd.bf16 v21, v30;
	v21 =	vmul.bf16 v23, v3  }
0x1ae: {  	v49 =	vld [tilespmem:s24+$0xFFFFFFF0];
	v24 =	vsub.bf16 v24, v62;
	v29 =	vmax.f32 v8, $0.0e+00;
	v31 =	vmax.bf16 v9, v0;
	v23, _, _ =	vpop (xrf2)  }
0x1af: {  	[tilespmem:s28+$0xFFFFFF40] =	vst v18;
	v18 =	vld [tilespmem:s26+$0xFFFFFF30];
	v9 =	vbroadcast v23, $0xF;
	v23 =	vmul.bf16 v31, v2;
	v8 =	vpop (erf);
	v21 =	vadd.bf16 v21, v17  }
0x1b0: {  	[tilespmem:s28+$0xFFFFFF30] =	vst v22;
	v22 =	vld [tilespmem:s24+$0xFFFFFFC0];
	v17 =	vmax.bf16 v24, v0;
	v24 =	vmul.f32 v8, v27;
	v44 =	vmul.f32 v8, v36  }
0x1b1: {  	s30 =	simm.s32 $0x12D10;
	v25 =	vld [tilespmem:s15+$0xFFFFFFD0];
	v21 =	vadd.bf16 v23, v21;
	v23 =	vunpack.i.u.bf16.f32 v28;
	v28 =	vunpack.i.l.bf16.f32 v28  }
0x1b2: {  	v15 =	vmul.bf16 v15, v2;
	v20 =	vadd.bf16 v20, v35;
	v30 =	vld [tilespmem:s13+$0xFFFFFF50];
	v47, _, _ =	vpop (xrf2);
	[tilespmem:s30+$0xFFFFFF10] =	vst v24;
	v28 =	vmul.f32 v12, v28  }
0x1b3: {  	v31 =	vunpack.i.l.bf16.f32 v37;
	v27 =	vld [tilespmem:s26+$0xFFFFFF40];
	v37 =	vbroadcast v47, $0xF;
	[tilespmem:s30+$0xFFFFFF20] =	vst v44;
	v23 =	vmul.f32 v12, v23  }
0x1b4: {  	v19 =	vadd.bf16 v19, v20;
	v29 =	vsub.f32 $0.0e+00, v29;
	v24 =	vld [tilespmem:s26+$0xFFFFFFB0];
	v38 =	vunpack.i.u.bf16.f32 v21;
	[tilespmem:s28+$0xFFFFFFB0] =	vst v28  }
0x1b5: {  	v21 =	vunpack.i.l.bf16.f32 v21;
	v37 =	vadd.f32 v37, v1;
	v28 =	vmul.f32 v6, v31;
	v31 =	vld [tilespmem:s14+$0xFFFFFF60];
	[tilespmem:s28+$0xFFFFFFC0] =	vst v23  }
0x1b6: {  	v56 =	vsub.bf16 v46, v18;
	v29 =	vmul.f32 $1.442695020e+00, v29;
	v21 =	vadd.f32 v21, v38;
	v50 =	vld [tilespmem:s16+$0xFFFFFFF0]  }
0x1b7: {  	v63 =	vld [tilespmem:s26+$0xFFFFFF90];
	v15 =	vadd.bf16 v15, v19;
	v51 =	vunpack.i.u.bf16.f32 v25;
	v20 =	vmax.f32 v37, $0.0e+00  }
0x1b8: {  	(erf) = vpow2.f32 v29;
	v29 =	vld [tilespmem:s16+$0xFFFFFF70];
	v22 =	vsub.bf16 v22, v27;
	(xrf2) =	vadd.scan.msk.f32 $0xffff, v21;
	v20 =	vsub.f32 $0.0e+00, v20  }
0x1b9: {  	v39 =	vunpack.i.l.bf16.f32 v30;
	v23 =	vunpack.i.u.bf16.f32 v30;
	v21 =	vld [tilespmem:s24+$0xFFFFFFD0];
	v24 =	vsub.bf16 v49, v24  }
0x1ba: {  	v18 =	vmax.bf16 v22, v0;
	v19 =	vmul.f32 $1.442695020e+00, v20;
	v20 =	vsub.bf16 v45, v48  }
0x1bb: {  	v52 =	vld [tilespmem:s26+$0xFFFFFF10];
	v40 =	vmax.bf16 v24, v0;
	v27 =	vunpack.i.u.bf16.f32 v31;
	v54 =	vunpack.i.l.bf16.f32 v50  }
0x1bc: {  	v55 =	vld [tilespmem:s26+$0xFFFFFFA0];
	(erf) = vpow2.f32 v19;
	v19 =	vmax.bf16 v20, v0;
	v20 =	vmul.f32 v54, v12  }
0x1bd: {  	[tilespmem:s17+$0xFFFFFF40] =	vst v26;
	v24 =	vld [tilespmem:s24+$0xFFFFFFE0];
	v53 =	vunpack.i.u.bf16.f32 v50;
	v59 =	vmul.f32 v8, v27;
	v27 =	vunpack.i.u.bf16.f32 v29  }
0x1be: {  	v57 =	vld [tilespmem:s24+$0xFFFFFF90];
	v34 =	vmul.f32 v53, v12;
	v22 =	vsub.bf16 v21, v63;
	[tilespmem:s28+$0xFFFFFFD0] =	vst v20;
	v20 =	vunpack.i.l.bf16.f32 v29  }
0x1bf: {  	v58 =	vld [tilespmem:s24+$0x0];
	v30 =	vunpack.i.u.bf16.f32 v15;
	v15 =	vunpack.i.l.bf16.f32 v15;
	[tilespmem:s17+$0xFFFFFF30] =	vst v28;
	v27 =	vmul.f32 v27, v7  }
0x1c0: {  	v25 =	vunpack.i.l.bf16.f32 v25;
	v26 =	vadd.f32 v15, v30;
	[tilespmem:s28+$0xFFFFFFE0] =	vst v34;
	v15 =	vmax.bf16 v22, v0;
	v22 =	vld [tilespmem:s26+$0xFFFFFFC0]  }
0x1c1: {  	v28 =	vmax.f32 v11, $0.0e+00;
	[tilespmem:s28+$0xFFFFFF60] =	vst v27;
	v41 =	vmul.f32 v20, v7;
	v60 =	vld [tilespmem:s16+$0x0];
	v61 =	vmul.bf16 v15, v4;
	v20 =	vpop (erf)  }
0x1c2: {  	v15 =	vsub.bf16 v24, v55;
	v24, _, _ =	vpop (xrf2);
	(xrf2) =	vadd.scan.msk.f32 $0xffff, v26;
	v25 =	vmul.f32 v20, v25;
	v11 =	vmul.f32 v20, v51  }
0x1c3: {  	v13 =	vmax.bf16 v13, v0;
	v30 =	vsub.bf16 v57, v52;
	v35 =	vmul.bf16 v40, v3;
	[tilespmem:s28+$0xFFFFFF50] =	vst v41  }
0x1c4: {  	v21 =	vmax.bf16 v56, v0;
	v62 =	vmax.bf16 v15, v0;
	v15 =	vbroadcast v24, $0xF;
	v24 =	vld [tilespmem:s14+$0xFFFFFFD0];
	[tilespmem:s17+$0xFFFFFF90] =	vst v25  }
0x1c5: {  	v29 =	vunpack.i.l.bf16.f32 v31;
	v31 =	vmul.bf16 v62, v5;
	v27 =	vld [tilespmem:s16+$0xFFFFFF80];
	v33 =	vsub.bf16 v58, v22;
	[tilespmem:s17+$0xFFFFFFA0] =	vst v11  }
0x1c6: {  	s29 =	simm.s32 $0x13010;
	s21 =	simm.s32 $0xC;
	s22 =	simm.s32 $0xBA10;
	v25 =	vmax.bf16 v30, v0;
	v63 =	vunpack.i.u.bf16.f32 v60;
	v32 =	vunpack.i.l.bf16.f32 v60;
	v30 =	vld [tilespmem:s15+$0xFFFFFFE0];
	v11 =	vpop (erf)  }
0x1c7: {  	s23 =	simm.s32 $0x6610;
	s24 =	simm.s32 $0x12E10;
	[tilespmem:s30+$0xFFFFFF40] =	vst v59;
	s16 =	simm.s32 $0x12F10;
	v22 =	vld [tilespmem:s10+$0xFFFFFF50];
	v34 =	vadd.bf16 v31, v61;
	v26 =	vmul.f32 v63, v12;
	v31 =	vmul.f32 v11, v39  }
.LBB2_5:
0x1c8: {  	v36 =	vld [tilespmem:s22+$0xFFFFFF90];
	s21 =	sadd.s32 $0x2, s21;
	v33 =	vmax.bf16 v33, v0;
	v23 =	vmul.f32 v11, v23;
	v32 =	vmul.f32 v32, v12;
	v12 =	vmovc v20  }
0x1c9: {  	v29 =	vmul.f32 v8, v29;
	v20 =	vld [tilespmem:s22+$0xFFFFFF40];
	p1 =	slt.u32 s21, $0x4E;
	v34 =	vadd.bf16 v35, v34;
	v33 =	vmul.bf16 v33, v2;
	[tilespmem:s24+$0xFFFFFF10] =	vst v31  }
0x1ca: {  	v35 =	vmul.bf16 v17, v4;
	v17 =	vmovc v25;
	v31 =	vld [tilespmem:s23+$0xFFFFFFA0];
	v37 =	vunpack.i.u.bf16.f32 v27;
	v27 =	vunpack.i.l.bf16.f32 v27;
	[tilespmem:s28+$0xFFFFFFF0] =	vst v32  }
0x1cb: {  	v25 =	vld [tilespmem:s23+$0xFFFFFFB0];
	v32 =	vadd.bf16 v33, v34;
	[tilespmem:s24+$0xFFFFFF20] =	vst v23;
	v23 =	vunpack.i.u.bf16.f32 v30;
	v33 =	vmul.f32 v37, v7  }
0x1cc: {  	v37 =	vmul.bf16 v13, v5;
	v30 =	vunpack.i.l.bf16.f32 v30;
	v27 =	vmul.f32 v27, v7;
	v34 =	vld [tilespmem:s22+$0xFFFFFF10];
	v13, _, _ =	vpop (xrf2);
	[tilespmem:s28+$0x0] =	vst v26  }
0x1cd: {  	v28 =	vsub.f32 $0.0e+00, v28;
	v7 =	vmovc v6;
	v30 =	vmul.f32 v12, v30;
	v26 =	vld [tilespmem:s22+$0xFFFFFFB0];
	v38 =	vbroadcast v13, $0xF;
	[tilespmem:s28+$0xFFFFFF80] =	vst v33;
	v13 =	vmovc v19  }
0x1ce: {  	v23 =	vmul.f32 v12, v23;
	v33 =	vadd.bf16 v37, v35;
	v35 =	vmul.bf16 v16, v3;
	v19 =	vld [tilespmem:s22+$0xFFFFFF20];
	[tilespmem:s28+$0xFFFFFF70] =	vst v27;
	s28 =	smov.u32 s17;
	s17 =	smov.u32 s30;
	s30 =	smov.u32 s24  }
0x1cf: {  	v6 =	vmovc v8;
	v37 =	vunpack.i.u.bf16.f32 v32;
	v32 =	vunpack.i.l.bf16.f32 v32;
	v16 =	vmovc v21;
	s24 =	smov.u32 s16;
	s16 =	smov.u32 s29;
	v27 =	vld [tilespmem:s23+$0xFFFFFFF0];
	v38 =	vadd.f32 v38, v1;
	[tilespmem:s28+$0xFFFFFFB0] =	vst v30  }
0x1d0: {  	v28 =	vmul.f32 $1.442695020e+00, v28;
	v21 =	vadd.f32 v32, v37;
	v30 =	vmul.bf16 v14, v2;
	v14 =	vmovc v18;
	v32 =	vld [tilespmem:s13+$0xFFFFFF60];
	[tilespmem:s28+$0xFFFFFFC0] =	vst v23  }
0x1d1: {  	v8 =	vmov v11;
	v18 =	vadd.bf16 v35, v33;
	v23 =	vmax.f32 v38, $0.0e+00;
	[tilespmem:s17+$0xFFFFFF30] =	vst v29;
	v29 =	vld [tilespmem:s15+$0xFFFFFFF0]  }
0x1d2: {  	v33 =	vunpack.i.u.bf16.f32 v24;
	v11 =	vld [tilespmem:s22+$0xFFFFFF30];
	(xrf2) =	vadd.scan.msk.f32 $0xffff, v21;
	v21 =	vsub.f32 $0.0e+00, v23;
	(erf) = vpow2.f32 v28  }
0x1d3: {  	v24 =	vunpack.i.l.bf16.f32 v24;
	v18 =	vadd.bf16 v30, v18;
	v23 =	vunpack.i.u.bf16.f32 v22;
	v28 =	vld [tilespmem:s23+$0xFFFFFFC0]  }
0x1d4: {  	v37 =	vunpack.i.l.bf16.f32 v22;
	v22 =	vadd.f32 v10, v1;
	v10 =	vmovc v9;
	v9 =	vmovc v15;
	v21 =	vmul.f32 $1.442695020e+00, v21;
	v30 =	vld [tilespmem:s15+$0xFFFFFF70]  }
0x1d5: {  	v15 =	vsub.bf16 v31, v19;
	v26 =	vsub.bf16 v27, v26;
	v27 =	vunpack.i.u.bf16.f32 v18;
	v31 =	vld [tilespmem:s23+$0xFFFFFFD0]  }
0x1d6: {  	(erf) = vpow2.f32 v21;
	v21 =	vunpack.i.u.bf16.f32 v29;
	v29 =	vunpack.i.l.bf16.f32 v29  }
0x1d7: {  	v19 =	vmax.bf16 v15, v0;
	v35 =	vmax.bf16 v26, v0;
	v15 =	vld [tilespmem:s22+$0xFFFFFFA0];
	v26 =	vmul.f32 v29, v12  }
0x1d8: {  	v29 =	vunpack.i.u.bf16.f32 v32;
	v21 =	vmul.f32 v21, v12;
	v40 =	vsub.bf16 v28, v20;
	v28 =	vld [tilespmem:s23+$0xFFFFFFE0]  }
0x1d9: {  	v11 =	vsub.bf16 v25, v11;
	v25 =	vunpack.i.l.bf16.f32 v18;
	v38 =	vld [tilespmem:s23+$0xFFFFFF90];
	v39 =	vunpack.i.l.bf16.f32 v30;
	[tilespmem:s28+$0xFFFFFFD0] =	vst v26  }
0x1da: {  	v18 =	vmax.bf16 v40, v0;
	v26 =	vsub.bf16 v31, v36;
	v31 =	vld [tilespmem:s23+$0x0];
	v36 =	vmul.f32 v39, v7;
	[tilespmem:s28+$0xFFFFFFE0] =	vst v21  }
0x1db: {  	v21 =	vmax.bf16 v11, v0;
	v11 =	vadd.f32 v25, v27;
	v39 =	vmul.f32 v8, v29;
	v20 =	vpop (erf);
	v40 =	vld [tilespmem:s15+$0x0]  }
0x1dc: {  	v29 =	vunpack.i.u.bf16.f32 v30;
	v25 =	vmax.bf16 v26, v0;
	v26 =	vld [tilespmem:s22+$0xFFFFFFC0];
	v27, _, _ =	vpop (xrf2);
	v24 =	vmul.f32 v20, v24;
	[tilespmem:s28+$0xFFFFFF50] =	vst v36  }
0x1dd: {  	v36 =	vmul.bf16 v25, v4;
	v15 =	vsub.bf16 v28, v15;
	(xrf2) =	vadd.scan.msk.f32 $0xffff, v11;
	v25 =	vmul.f32 v29, v7  }
.Ltmp1:
0x1de: {  	v28 =	vmax.f32 v22, $0.0e+00;
	v22 =	vmul.f32 v20, v33;
	v30 =	vsub.bf16 v38, v34;
	[tilespmem:s17+$0xFFFFFF90] =	vst v24;
	(pc) =	sbr.rel @p1 .LBB2_5-.Ltmp1, $4  }
0x1df: {  	v29 =	vunpack.i.l.bf16.f32 v32;
	v33 =	vmax.bf16 v15, v0;
	v15 =	vbroadcast v27, $0xF;
	v11 =	vpop (erf);
	v24 =	vld [tilespmem:s13+$0xFFFFFFD0];
	[tilespmem:s28+$0xFFFFFF60] =	vst v25  }
0x1e0: {  	v25 =	vmax.bf16 v30, v0;
	v34 =	vmul.bf16 v33, v5;
	[tilespmem:s17+$0xFFFFFFA0] =	vst v22;
	v27 =	vld [tilespmem:s15+$0xFFFFFF80];
	v22 =	vunpack.i.u.bf16.f32 v40;
	s15 =	smov.u32 s14;
	s14 =	smov.u32 s13;
	s13 =	smov.u32 s10  }
0x1e1: {  	s29 =	sadd.s32 $0x100, s29;
	v32 =	vunpack.i.l.bf16.f32 v40;
	s10 =	smov.u32 s2;
	s2 =	smov.u32 s26;
	v33 =	vsub.bf16 v31, v26;
	[tilespmem:s30+$0xFFFFFF40] =	vst v39;
	v30 =	vld [tilespmem:s15+$0xFFFFFFE0];
	v26 =	vmul.f32 v22, v12  }
0x1e2: {  	v35 =	vmul.bf16 v35, v3;
	s23 =	sadd.s32 $0x80, s23;
	s26 =	smov.u32 s22;
	s22 =	sadd.s32 $0x100, s22;
	v31 =	vmul.f32 v11, v37;
	v34 =	vadd.bf16 v34, v36;
	v22 =	vld [tilespmem:s10+$0xFFFFFF50]  }
0x1e3: {  	v28 =	vsub.f32 $0.0e+00, v28  }
0x1e4: {  	v17 =	vmul.bf16 v17, v4  }
0x1e5: {  	v13 =	vmul.bf16 v13, v5;
	v28 =	vmul.f32 $1.442695020e+00, v28  }
0x1e6: {  	v33 =	vmax.bf16 v33, v0;
	v16 =	vmul.bf16 v16, v3  }
0x1e7: {  	v13 =	vadd.bf16 v13, v17;
	(erf) = vpow2.f32 v28;
	v28 =	vmul.bf16 v33, v2  }
0x1e8: {  	v34 =	vadd.bf16 v35, v34  }
0x1e9: {  	v14 =	vmul.bf16 v14, v2;
	v10 =	vadd.f32 v10, v1;
	v13 =	vadd.bf16 v16, v13  }
0x1ea: {  	v23 =	vmul.f32 v11, v23;
	v17 =	vmul.f32 v32, v12;
	v12 =	vadd.bf16 v28, v34  }
0x1eb: {  	v19 =	vmul.bf16 v19, v5;
	v10 =	vmax.f32 v10, $0.0e+00;
	v13 =	vadd.bf16 v14, v13;
	v28, _, _ =	vpop (xrf2)  }
0x1ec: {  	v14 =	vunpack.i.u.bf16.f32 v12;
	v12 =	vunpack.i.l.bf16.f32 v12;
	v28 =	vbroadcast v28, $0xF  }
0x1ed: {  	v16 =	vunpack.i.u.bf16.f32 v30;
	v30 =	vunpack.i.l.bf16.f32 v30;
	v12 =	vadd.f32 v12, v14  }
0x1ee: {  	[tilespmem:s28+$0xFFFFFFF0] =	vst v17;
	v17 =	vunpack.i.u.bf16.f32 v27;
	v30 =	vmul.f32 v20, v30;
	v28 =	vadd.f32 v28, v1  }
0x1ef: {  	v16 =	vmul.f32 v20, v16;
	v14 =	vunpack.i.u.bf16.f32 v13;
	v13 =	vunpack.i.l.bf16.f32 v13  }
0x1f0: {  	v17 =	vmul.f32 v17, v7;
	[tilespmem:s17+$0xFFFFFFB0] =	vst v30;
	v13 =	vadd.f32 v13, v14;
	v28 =	vmax.f32 v28, $0.0e+00  }
0x1f1: {  	[tilespmem:s17+$0xFFFFFFC0] =	vst v16;
	v16 =	vunpack.i.l.bf16.f32 v24;
	(xrf2) =	vadd.scan.msk.f32 $0xffff, v12;
	v12 =	vpop (erf);
	v14 =	vsub.f32 $0.0e+00, v28  }
0x1f2: {  	v10 =	vsub.f32 $0.0e+00, v10;
	v24 =	vunpack.i.u.bf16.f32 v24;
	(xrf2) =	vadd.scan.msk.f32 $0xffff, v13;
	v28 =	vld [tilespmem:s15+$0xFFFFFFF0];
	v16 =	vmul.f32 v12, v16  }
0x1f3: {  	[tilespmem:s28+$0xFFFFFF80] =	vst v17;
	v13 =	vmul.f32 $1.442695020e+00, v14;
	v14 =	vmul.f32 v12, v24  }
0x1f4: {  	v10 =	vmul.f32 $1.442695020e+00, v10;
	[tilespmem:s30+$0xFFFFFF90] =	vst v16;
	v16 =	vmul.bf16 v25, v4;
	v24 =	vunpack.i.l.bf16.f32 v27  }
0x1f5: {  	v17 =	vmul.bf16 v18, v2;
	v25 =	vld [tilespmem:s15+$0xFFFFFF70];
	v7 =	vmul.f32 v24, v7;
	[tilespmem:s30+$0xFFFFFFA0] =	vst v14  }
0x1f6: {  	[tilespmem:s24+$0xFFFFFF10] =	vst v31;
	(erf) = vpow2.f32 v13;
	v14 =	vadd.bf16 v19, v16;
	v16 =	vmul.bf16 v21, v3;
	v13 =	vld [tilespmem:s14+$0xFFFFFFE0]  }
0x1f7: {  	[tilespmem:s24+$0xFFFFFF20] =	vst v23;
	v19 =	vunpack.i.u.bf16.f32 v28;
	(erf) = vpow2.f32 v10;
	v10 =	vunpack.i.l.bf16.f32 v28  }
0x1f8: {  	[tilespmem:s28+$0xFFFFFF70] =	vst v7;
	v14 =	vadd.bf16 v16, v14;
	v16 =	vld [tilespmem:s13+$0xFFFFFF60];
	v7 =	vmul.f32 v10, v20;
	v10 =	vmul.f32 v19, v20  }
0x1f9: {  	v9 =	vadd.f32 v9, v1  }
0x1fa: {  	[tilespmem:s28+$0x0] =	vst v26;
	v18 =	vunpack.i.l.bf16.f32 v25;
	v19 =	vunpack.i.u.bf16.f32 v25;
	v14 =	vadd.bf16 v17, v14  }
0x1fb: {  	[tilespmem:s17+$0xFFFFFFD0] =	vst v7;
	v7 =	vmul.f32 v18, v6;
	v17, _, _ =	vpop (xrf2);
	v18 =	vmul.f32 v19, v6;
	v21 =	vunpack.i.u.bf16.f32 v13  }
0x1fc: {  	v19 =	vld [tilespmem:s13+$0xFFFFFFD0];
	[tilespmem:s17+$0xFFFFFFE0] =	vst v10;
	v10, _, _ =	vpop (xrf2);
	v13 =	vunpack.i.l.bf16.f32 v13;
	v23 =	vunpack.i.u.bf16.f32 v14;
	v14 =	vunpack.i.l.bf16.f32 v14  }
0x1fd: {  	v24 =	vld [tilespmem:s15+$0x0];
	[tilespmem:s17+$0xFFFFFF50] =	vst v7;
	v10 =	vbroadcast v10, $0xF;
	v13 =	vmul.f32 v12, v13;
	v7 =	vunpack.i.u.bf16.f32 v16  }
0x1fe: {  	[tilespmem:s17+$0xFFFFFF60] =	vst v18;
	v14 =	vadd.f32 v14, v23;
	v18 =	vmul.f32 v12, v21  }
0x1ff: {  	v29 =	vmul.f32 v8, v29;
	v9 =	vmax.f32 v9, $0.0e+00;
	v21 =	vmul.f32 v11, v7;
	[tilespmem:s30+$0xFFFFFFB0] =	vst v13  }
0x200: {  	v23 =	vunpack.i.l.bf16.f32 v22;
	v25 =	vld [tilespmem:s15+$0xFFFFFF80];
	v26 =	vadd.f32 v10, v1;
	(xrf2) =	vadd.scan.msk.f32 $0xffff, v14;
	[tilespmem:s30+$0xFFFFFFC0] =	vst v18;
	v7 =	vpop (erf)  }
0x201: {  	v14 =	vunpack.i.l.bf16.f32 v19;
	v19 =	vunpack.i.u.bf16.f32 v19;
	[tilespmem:s24+$0xFFFFFF40] =	vst v21;
	v21 =	vld [tilespmem:s14+$0xFFFFFFF0];
	v13 =	vmul.f32 v7, v23;
	v10 =	vpop (erf)  }
0x202: {  	[tilespmem:s30+$0xFFFFFF30] =	vst v29;
	v18 =	vmax.f32 v26, $0.0e+00;
	v23 =	vunpack.i.l.bf16.f32 v24;
	v14 =	vmul.f32 v10, v14  }
0x203: {  	[tilespmem:s16+$0xFFFFFF10] =	vst v13;
	v13 =	vsub.f32 $0.0e+00, v18;
	v18 =	vmul.f32 v10, v19;
	v19 =	vunpack.i.u.bf16.f32 v22  }
0x204: {  	v23 =	vmul.f32 v23, v20;
	v22 =	vunpack.i.u.bf16.f32 v24;
	v24 =	vld [tilespmem:s14+$0xFFFFFF70];
	[tilespmem:s24+$0xFFFFFF90] =	vst v14;
	v14 =	vmul.f32 v7, v19  }
0x205: {  	v19 =	vunpack.i.u.bf16.f32 v25;
	v13 =	vmul.f32 $1.442695020e+00, v13;
	[tilespmem:s24+$0xFFFFFFA0] =	vst v18;
	v18 =	vmul.f32 v22, v20  }
0x206: {  	v19 =	vmul.f32 v19, v6;
	v20 =	vld [tilespmem:s13+$0xFFFFFFE0];
	[tilespmem:s16+$0xFFFFFF20] =	vst v14;
	v14 =	vbroadcast v17, $0xF;
	v17 =	vunpack.i.u.bf16.f32 v21  }
0x207: {  	(erf) = vpow2.f32 v13;
	v13 =	vunpack.i.l.bf16.f32 v21;
	[tilespmem:s17+$0x0] =	vst v18;
	v17 =	vmul.f32 v17, v12  }
0x208: {  	v9 =	vsub.f32 $0.0e+00, v9;
	[tilespmem:s17+$0xFFFFFF80] =	vst v19;
	v13 =	vmul.f32 v13, v12  }
0x209: {  	v18 =	vld [tilespmem:s2+$0xFFFFFF50];
	v19 =	vunpack.i.l.bf16.f32 v24;
	[tilespmem:s30+$0xFFFFFFE0] =	vst v17  }
0x20a: {  	v9 =	vmul.f32 $1.442695020e+00, v9;
	v21 =	vld [tilespmem:s10+$0xFFFFFF60];
	v22, _, _ =	vpop (xrf2);
	[tilespmem:s30+$0xFFFFFFD0] =	vst v13;
	v13 =	vmul.f32 v19, v8;
	v19 =	vunpack.i.u.bf16.f32 v24  }
0x20b: {  	[tilespmem:s17+$0xFFFFFFF0] =	vst v23;
	v22 =	vbroadcast v22, $0xF;
	v17 =	vmul.f32 v19, v8;
	v19 =	vunpack.i.l.bf16.f32 v20;
	v23 =	vld [tilespmem:s14+$0x0]  }
0x20c: {  	[tilespmem:s30+$0xFFFFFF50] =	vst v13;
	v13 =	vunpack.i.u.bf16.f32 v20;
	v19 =	vmul.f32 v10, v19;
	v20 =	vunpack.i.l.bf16.f32 v25  }
0x20d: {  	v16 =	vunpack.i.l.bf16.f32 v16;
	[tilespmem:s30+$0xFFFFFF60] =	vst v17;
	v13 =	vmul.f32 v10, v13;
	v6 =	vmul.f32 v20, v6  }
0x20e: {  	(erf) = vpow2.f32 v9;
	v9 =	vmul.f32 v11, v16;
	v20 =	vadd.f32 v22, v1;
	[tilespmem:s24+$0xFFFFFFB0] =	vst v19  }
0x20f: {  	v16 =	vunpack.i.u.bf16.f32 v18;
	v17 =	vld [tilespmem:s14+$0xFFFFFF80];
	v19 =	vunpack.i.u.bf16.f32 v21;
	[tilespmem:s24+$0xFFFFFFC0] =	vst v13;
	v13 =	vunpack.i.l.bf16.f32 v18  }
0x210: {  	[tilespmem:s24+$0xFFFFFF30] =	vst v9;
	v18 =	vmul.f32 v7, v19;
	v19 =	vmax.f32 v20, $0.0e+00;
	v20 =	vld [tilespmem:s13+$0xFFFFFFF0];
	v9 =	vunpack.i.l.bf16.f32 v23  }
0x211: {  	v15 =	vadd.f32 v15, v1;
	[tilespmem:s17+$0xFFFFFF70] =	vst v6;
	v19 =	vsub.f32 $0.0e+00, v19;
	v6 =	vpop (erf);
	v9 =	vmul.f32 v9, v12  }
0x212: {  	v22 =	vld [tilespmem:s10+$0xFFFFFFD0];
	v23 =	vunpack.i.u.bf16.f32 v23;
	[tilespmem:s16+$0xFFFFFF40] =	vst v18;
	v13 =	vmul.f32 v6, v13  }
0x213: {  	v15 =	vmax.f32 v15, $0.0e+00;
	v12 =	vmul.f32 v23, v12;
	v18 =	vmul.f32 $1.442695020e+00, v19;
	[tilespmem:s30+$0xFFFFFFF0] =	vst v9  }
0x214: {  	v15 =	vsub.f32 $0.0e+00, v15;
	v16 =	vmul.f32 v6, v16;
	[tilespmem:s29+$0xFFFFFF10] =	vst v13;
	v13 =	vunpack.i.u.bf16.f32 v17  }
0x215: {  	v14 =	vadd.f32 v14, v1;
	[tilespmem:s30+$0x0] =	vst v12;
	v12 =	vld [tilespmem:s13+$0xFFFFFF70];
	v9 =	vmul.f32 v13, v8;
	v13 =	vunpack.i.l.bf16.f32 v20  }
0x216: {  	[tilespmem:s29+$0xFFFFFF20] =	vst v16;
	(erf) = vpow2.f32 v18;
	v16 =	vunpack.i.u.bf16.f32 v20;
	v13 =	vmul.f32 v13, v10  }
0x217: {  	v14 =	vmax.f32 v14, $0.0e+00;
	v16 =	vmul.f32 v16, v10;
	v18 =	vpop (erf);
	[tilespmem:s30+$0xFFFFFF80] =	vst v9;
	v9 =	vunpack.i.l.bf16.f32 v22  }
0x218: {  	v19 =	vunpack.i.l.bf16.f32 v21;
	v17 =	vunpack.i.l.bf16.f32 v17;
	[tilespmem:s24+$0xFFFFFFD0] =	vst v13;
	v9 =	vmul.f32 v18, v9  }
0x219: {  	v21 =	vunpack.i.u.bf16.f32 v22;
	v20 =	vld [tilespmem:s2+$0xFFFFFF60];
	v8 =	vmul.f32 v17, v8;
	v13 =	vmul.f32 $1.442695020e+00, v15;
	[tilespmem:s24+$0xFFFFFFE0] =	vst v16  }
0x21a: {  	v15 =	vld [tilespmem:s26+$0xFFFFFF50];
	v16 =	vmul.f32 v18, v21;
	[tilespmem:s16+$0xFFFFFF90] =	vst v9;
	v9 =	vsub.f32 $0.0e+00, v14;
	v14 =	vunpack.i.l.bf16.f32 v12  }
0x21b: {  	[tilespmem:s30+$0xFFFFFF70] =	vst v8;
	v17 =	vld [tilespmem:s13+$0x0];
	(erf) = vpow2.f32 v13;
	v8 =	vmul.f32 v14, v11  }
0x21c: {  	v13 =	vmul.f32 v7, v19  }
0x21d: {  	[tilespmem:s16+$0xFFFFFFA0] =	vst v16;
	v12 =	vunpack.i.u.bf16.f32 v12  }
0x21e: {  	v14 =	vld [tilespmem:s10+$0xFFFFFFE0];
	v12 =	vmul.f32 v12, v11;
	v9 =	vmul.f32 $1.442695020e+00, v9;
	[tilespmem:s16+$0xFFFFFF30] =	vst v13;
	v13 =	vunpack.i.u.bf16.f32 v20  }
0x21f: {  	v19 =	vld [tilespmem:s2+$0xFFFFFFD0];
	v16 =	vunpack.i.l.bf16.f32 v15;
	v13 =	vmul.f32 v6, v13;
	[tilespmem:s24+$0xFFFFFF50] =	vst v8;
	v8 =	vpop (erf)  }
0x220: {  	[tilespmem:s24+$0xFFFFFF60] =	vst v12;
	(erf) = vpow2.f32 v9;
	v9 =	vunpack.i.l.bf16.f32 v17;
	v12 =	vmul.f32 v8, v16  }
0x221: {  	s15 =	sadd.s32 $0x100, s29;
	v15 =	vunpack.i.u.bf16.f32 v15;
	[tilespmem:s29+$0xFFFFFF40] =	vst v13;
	v9 =	vmul.f32 v9, v10  }
0x222: {  	v15 =	vmul.f32 v8, v15;
	[tilespmem:s15+$0xFFFFFF10] =	vst v12  }
0x223: {  	v13 =	vld [tilespmem:s13+$0xFFFFFF80];
	v12 =	vunpack.i.l.bf16.f32 v14;
	[tilespmem:s24+$0xFFFFFFF0] =	vst v9  }
0x224: {  	v9 =	vunpack.i.u.bf16.f32 v14;
	v14 =	vld [tilespmem:s26+$0xFFFFFFD0];
	[tilespmem:s15+$0xFFFFFF20] =	vst v15;
	v15 =	vunpack.i.l.bf16.f32 v19;
	v12 =	vmul.f32 v18, v12;
	v16 =	vpop (erf)  }
0x225: {  	v9 =	vmul.f32 v18, v9;
	v15 =	vmul.f32 v16, v15  }
0x226: {  	[tilespmem:s16+$0xFFFFFFB0] =	vst v12;
	v12 =	vunpack.i.u.bf16.f32 v19  }
0x227: {  	v17 =	vunpack.i.u.bf16.f32 v17;
	[tilespmem:s16+$0xFFFFFFC0] =	vst v9;
	v9 =	vmul.f32 v16, v12  }
0x228: {  	v10 =	vmul.f32 v17, v10;
	v12 =	vunpack.i.u.bf16.f32 v13;
	v17 =	vld [tilespmem:s10+$0xFFFFFFF0];
	[tilespmem:s29+$0xFFFFFF90] =	vst v15  }
0x229: {  	v12 =	vmul.f32 v12, v11;
	[tilespmem:s29+$0xFFFFFFA0] =	vst v9;
	v9 =	vunpack.i.l.bf16.f32 v14;
	v15 =	vpop (erf)  }
0x22a: {  	[tilespmem:s24+$0x0] =	vst v10;
	v14 =	vunpack.i.u.bf16.f32 v14;
	v10 =	vld [tilespmem:s2+$0xFFFFFFE0];
	v9 =	vmul.f32 v15, v9  }
0x22b: {  	v13 =	vunpack.i.l.bf16.f32 v13;
	[tilespmem:s24+$0xFFFFFF80] =	vst v12;
	v12 =	vmul.f32 v15, v14  }
0x22c: {  	v11 =	vmul.f32 v13, v11;
	v13 =	vld [tilespmem:s10+$0xFFFFFF70];
	v14 =	vunpack.i.l.bf16.f32 v20;
	[tilespmem:s15+$0xFFFFFF90] =	vst v9  }
0x22d: {  	v9 =	vmul.f32 v6, v14;
	v14 =	vunpack.i.l.bf16.f32 v17;
	[tilespmem:s15+$0xFFFFFFA0] =	vst v12  }
0x22e: {  	[tilespmem:s24+$0xFFFFFF70] =	vst v11;
	v11 =	vunpack.i.u.bf16.f32 v17;
	v12 =	vmul.f32 v14, v18;
	v14 =	vld [tilespmem:s26+$0xFFFFFFE0]  }
0x22f: {  	[tilespmem:s29+$0xFFFFFF30] =	vst v9;
	v9 =	vmul.f32 v11, v18;
	v11 =	vunpack.i.l.bf16.f32 v10  }
0x230: {  	v17 =	vld [tilespmem:s26+$0xFFFFFF60];
	[tilespmem:s16+$0xFFFFFFD0] =	vst v12;
	v10 =	vunpack.i.u.bf16.f32 v10;
	v11 =	vmul.f32 v16, v11  }
0x231: {  	v12 =	vunpack.i.l.bf16.f32 v13;
	[tilespmem:s16+$0xFFFFFFE0] =	vst v9;
	v9 =	vmul.f32 v16, v10  }
0x232: {  	v13 =	vunpack.i.u.bf16.f32 v13;
	v10 =	vmul.f32 v12, v7;
	v12 =	vld [tilespmem:s10+$0x0];
	[tilespmem:s29+$0xFFFFFFB0] =	vst v11  }
0x233: {  	v11 =	vmul.f32 v13, v7;
	[tilespmem:s29+$0xFFFFFFC0] =	vst v9;
	v9 =	vunpack.i.l.bf16.f32 v14  }
0x234: {  	[tilespmem:s16+$0xFFFFFF50] =	vst v10;
	v13 =	vunpack.i.u.bf16.f32 v14;
	v10 =	vld [tilespmem:s2+$0xFFFFFFF0];
	v9 =	vmul.f32 v15, v9  }
0x235: {  	v14 =	vunpack.i.u.bf16.f32 v17;
	[tilespmem:s16+$0xFFFFFF60] =	vst v11;
	v11 =	vmul.f32 v15, v13  }
0x236: {  	v13 =	vmul.f32 v8, v14;
	v14 =	vunpack.i.l.bf16.f32 v17;
	v17 =	vld [tilespmem:s2+$0xFFFFFF70];
	[tilespmem:s15+$0xFFFFFFB0] =	vst v9  }
0x237: {  	v14 =	vmul.f32 v8, v14;
	v9 =	vunpack.i.l.bf16.f32 v12;
	[tilespmem:s15+$0xFFFFFFC0] =	vst v11  }
0x238: {  	v11 =	vunpack.i.u.bf16.f32 v12;
	[tilespmem:s15+$0xFFFFFF40] =	vst v13;
	v9 =	vmul.f32 v9, v18;
	v12 =	vld [tilespmem:s26+$0xFFFFFFF0]  }
0x239: {  	v11 =	vmul.f32 v11, v18;
	[tilespmem:s15+$0xFFFFFF30] =	vst v14;
	v13 =	vunpack.i.l.bf16.f32 v10  }
0x23a: {  	[tilespmem:s16+$0xFFFFFFF0] =	vst v9;
	v9 =	vunpack.i.u.bf16.f32 v10;
	v10 =	vmul.f32 v13, v16;
	v13 =	vld [tilespmem:s26+$0xFFFFFF70]  }
0x23b: {  	[tilespmem:s16+$0x0] =	vst v11;
	v11 =	vunpack.i.l.bf16.f32 v17;
	v9 =	vmul.f32 v9, v16  }
0x23c: {  	v14 =	vld [tilespmem:s10+$0xFFFFFF80];
	[tilespmem:s29+$0xFFFFFFD0] =	vst v10;
	v10 =	vmul.f32 v11, v6;
	v11 =	vunpack.i.u.bf16.f32 v17  }
0x23d: {  	[tilespmem:s29+$0xFFFFFFE0] =	vst v9;
	v9 =	vmul.f32 v11, v6;
	v11 =	vunpack.i.l.bf16.f32 v12  }
0x23e: {  	v17 =	vld [tilespmem:s2+$0x0];
	[tilespmem:s29+$0xFFFFFF50] =	vst v10;
	v10 =	vunpack.i.u.bf16.f32 v12;
	v11 =	vmul.f32 v11, v15  }
0x23f: {  	[tilespmem:s29+$0xFFFFFF60] =	vst v9;
	v9 =	vmul.f32 v10, v15;
	v10 =	vunpack.i.l.bf16.f32 v13  }
0x240: {  	v12 =	vld [tilespmem:s2+$0xFFFFFF80];
	[tilespmem:s15+$0xFFFFFFD0] =	vst v11;
	v10 =	vmul.f32 v10, v8;
	v11 =	vunpack.i.u.bf16.f32 v13  }
0x241: {  	v13 =	vunpack.i.u.bf16.f32 v14;
	[tilespmem:s15+$0xFFFFFFE0] =	vst v9;
	v9 =	vmul.f32 v11, v8  }
0x242: {  	v11 =	vunpack.i.l.bf16.f32 v14;
	v13 =	vmul.f32 v13, v7;
	v14 =	vld [tilespmem:s26+$0x0];
	[tilespmem:s15+$0xFFFFFF50] =	vst v10  }
0x243: {  	v7 =	vmul.f32 v11, v7;
	v10 =	vunpack.i.l.bf16.f32 v17;
	[tilespmem:s15+$0xFFFFFF60] =	vst v9  }
0x244: {  	[tilespmem:s16+$0xFFFFFF80] =	vst v13;
	v9 =	vunpack.i.u.bf16.f32 v17;
	v10 =	vmul.f32 v10, v16;
	v11 =	vld [tilespmem:s26+$0xFFFFFF80]  }
0x245: {  	[tilespmem:s16+$0xFFFFFF70] =	vst v7;
	v7 =	vmul.f32 v9, v16;
	v9 =	vunpack.i.u.bf16.f32 v12  }
0x246: {  	v12 =	vunpack.i.l.bf16.f32 v12;
	[tilespmem:s29+$0xFFFFFFF0] =	vst v10;
	v9 =	vmul.f32 v9, v6  }
0x247: {  	v6 =	vmul.f32 v12, v6;
	[tilespmem:s29+$0x0] =	vst v7;
	v7 =	vunpack.i.l.bf16.f32 v14  }
0x248: {  	[tilespmem:s29+$0xFFFFFF80] =	vst v9;
	v9 =	vunpack.i.u.bf16.f32 v14;
	v7 =	vmul.f32 v7, v15  }
0x249: {  	[tilespmem:s29+$0xFFFFFF70] =	vst v6;
	v6 =	vmul.f32 v9, v15;
	v9 =	vunpack.i.u.bf16.f32 v11  }
0x24a: {  	s17 =	sadd.s32 s9, s11;
	v10 =	vunpack.i.l.bf16.f32 v11;
	[tilespmem:s15+$0xFFFFFFF0] =	vst v7;
	v7 =	vmul.f32 v9, v8  }
0x24b: {  	s2 =	sshll.u32 s17, $0x4;
	v8 =	vmul.f32 v10, v8;
	[tilespmem:s15+$0x0] =	vst v6  }
0x24c: {  	s2 =	sand.u32 $0x1FFFFF00, s2;
	[tilespmem:s15+$0xFFFFFF80] =	vst v7  }
0x24d: {  	s2 =	sadd.s32 s3, s2;
	[tilespmem:s15+$0xFFFFFF70] =	vst v8  }
0x24e: {  	[hbm4b:s2+s4] =	stream.linear.scatter [tilespmem:s18], [sflag:$0x5], $0x2800, $0x38;
	[tilespmem:$0x17A70] =	vst v63  }
0x24f: {  	s21 =	sadd.s32 $0x140, s9;
	s22 =	simm.s32 $0x6220  }
0x250: {  	[tilespmem:s22], [sflag:$0x2] =	stream.indirect.gather [hbm4b:s6+s20], $0x40, s21, s20, $0xb8;
	[tilespmem:$0x17A70] =	vst v63  }
0x251: {  	s23 =	sadd.s32 $0x2850, s9  }
0x252: {  	[tilespmem:s25], [sflag:$0x2] =	stream.indirect.gather [hbm4b:s7+s20], $0x80, s23, s20, $0xb8;
	[tilespmem:$0x17A70] =	vst v63  }
0x253: {  	_ =	swait.ge [sflag:s19], $0x1400  }
0x254: {  	[sflag:s19] =	ssyncset.done $0x0  }
0x255: {  	[sflag:s19] =	ssyncadd.s32 $0xFFFFEC00  }
0x256: {  	_ =	swait.ge [sflag:s19], $0x2800  }
0x257: {  	[sflag:s19] =	ssyncset.done $0x0  }
0x258: {  	s2 =	simm.s32 @!p0 $0x6;
	[sflag:s19] =	ssyncadd.s32 $0xFFFFD800  }
0x259: {  	_ =	swait.ge @!p0 [sflag:s2], $0x2800  }
0x25a: {  	[sflag:s2] =	ssyncset.done @!p0 $0x0  }
0x25b: {  	s24 =	simm.s32 $0x7690;
	[sflag:s2] =	ssyncadd.s32 @!p0 $0xFFFFD800  }
0x25c: {  	v6 =	vld [tilespmem:s24+$0xFFFFFFA0]  }
0x25d: {  	v7 =	vld [tilespmem:s24+$0xFFFFFFD0]  }
0x25e: {  	v8 =	vld [tilespmem:s24+$0x0]  }
0x25f: {  	v11 =	vld [tilespmem:s24+$0xFFFFFF90]  }
0x260: {  	s15 =	simm.s32 $0x0;
	v12 =	vld [tilespmem:s24+$0xFFFFFFF0]  }
0x261: {  	v13 =	vld [tilespmem:s15+$0xDAD0]  }
0x262: {  	v14 =	vld [tilespmem:s24+$0xFFFFFFB0]  }
0x263: {  	v15 =	vld [tilespmem:s15+$0xDA50]  }
0x264: {  	v16 =	vld [tilespmem:s24+$0xFFFFFFC0]  }
0x265: {  	v17 =	vld [tilespmem:s24+$0xFFFFFFE0]  }
0x266: {  	v18 =	vld [tilespmem:s15+$0xDAC0]  }
0x267: {  	v19 =	vld [tilespmem:s15+$0xDA40]  }
0x268: {  	v20 =	vld [tilespmem:s15+$0xDAB0]  }
0x269: {  	v21 =	vld [tilespmem:s15+$0xDA20]  }
0x26a: {  	v22 =	vld [tilespmem:s15+$0xDAA0]  }
0x26b: {  	v23 =	vld [tilespmem:s15+$0xDA30]  }
0x26c: {  	v9 =	vld [tilespmem:s15+$0xDA80]  }
0x26d: {  	s26 =	simm.s32 $0x7710;
	v10 =	vld [tilespmem:s15+$0xDA90]  }
0x26e: {  	v24 =	vld [tilespmem:s26+$0xFFFFFFA0]  }
0x26f: {  	v25 =	vld [tilespmem:s26+$0xFFFFFFD0]  }
0x270: {  	v26 =	vld [tilespmem:s26+$0x0]  }
0x271: {  	v27 =	vld [tilespmem:s26+$0xFFFFFF90]  }
0x272: {  	s13 =	simm.s32 $0x100;
	v28 =	vld [tilespmem:s26+$0xFFFFFFF0]  }
0x273: {  	v29 =	vld [tilespmem:s13+$0xDAD0]  }
0x274: {  	v30 =	vld [tilespmem:s26+$0xFFFFFFB0]  }
0x275: {  	v31 =	vld [tilespmem:s13+$0xDA50]  }
0x276: {  	v62 =	vld [tilespmem:s26+$0xFFFFFFC0]  }
0x277: {  	v63 =	vld [tilespmem:s13+$0xDAB0]  }
0x278: {  	s28 =	simm.s32 $0x7790;
	v40 =	vld [tilespmem:s13+$0xDA30]  }
0x279: {  	v42 =	vld [tilespmem:s28+$0xFFFFFFA0]  }
0x27a: {  	v36 =	vld [tilespmem:s28+$0xFFFFFFD0]  }
0x27b: {  	v38 =	vld [tilespmem:s28+$0x0]  }
0x27c: {  	v43 =	vld [tilespmem:s28+$0xFFFFFFF0]  }
0x27d: {  	s29 =	simm.s32 $0x7810;
	v44 =	vld [tilespmem:s28+$0xFFFFFFB0]  }
0x27e: {  	v45 =	vld [tilespmem:s29+$0xFFFFFF90];
	v17 =	vsub.bf16 v17, v20;
	v7 =	vsub.bf16 v7, v22  }
0x27f: {  	v46 =	vld [tilespmem:s29+$0xFFFFFFF0]  }
0x280: {  	s10 =	simm.s32 $0x300;
	v47 =	vld [tilespmem:s29+$0xFFFFFFB0];
	v12 =	vsub.bf16 v12, v18;
	v17 =	vmax.bf16 v17, v0;
	v7 =	vmax.bf16 v7, v0  }
0x281: {  	v49 =	vld [tilespmem:s10+$0xDAA0];
	v17 =	vmul.bf16 v17, v5;
	v7 =	vmul.bf16 v7, v4  }
0x282: {  	v20 =	vld [tilespmem:s26+$0xFFFFFFE0];
	v8 =	vsub.bf16 v8, v13;
	v12 =	vmax.bf16 v12, v0  }
0x283: {  	v12 =	vmul.bf16 v12, v3;
	v7 =	vadd.bf16 v17, v7;
	v17 =	vld [tilespmem:s13+$0xDAA0]  }
0x284: {  	s30 =	simm.s32 $0x7890;
	v22 =	vld [tilespmem:s13+$0xDAC0];
	v11 =	vsub.bf16 v11, v21;
	v6 =	vsub.bf16 v6, v23;
	v8 =	vmax.bf16 v8, v0  }
0x285: {  	v53 =	vld [tilespmem:s30+$0xFFFFFF90];
	v14 =	vsub.bf16 v14, v19;
	v41 =	vmul.bf16 v8, v2;
	v12 =	vadd.bf16 v12, v7  }
0x286: {  	v54 =	vld [tilespmem:s30+$0xFFFFFFB0];
	v15 =	vsub.bf16 v16, v15;
	v11 =	vmax.bf16 v11, v0  }
0x287: {  	s14 =	simm.s32 $0x400;
	v55 =	vld [tilespmem:s30+$0xFFFFFFC0];
	v6 =	vmax.bf16 v6, v0;
	v14 =	vmax.bf16 v14, v0;
	v12 =	vadd.bf16 v41, v12  }
0x288: {  	v56 =	vld [tilespmem:s14+$0xDA40];
	v6 =	vmul.bf16 v6, v5;
	v20 =	vsub.bf16 v20, v63;
	v17 =	vsub.bf16 v25, v17  }
0x289: {  	v18 =	vld [tilespmem:s13+$0xDA40];
	v22 =	vsub.bf16 v28, v22;
	v37 =	vunpack.i.u.bf16.f32 v12;
	v12 =	vunpack.i.l.bf16.f32 v12  }
0x28a: {  	s2 =	simm.s32 $0x200;
	v13 =	vld [tilespmem:s13+$0xDA20];
	v20 =	vmax.bf16 v20, v0;
	v12 =	vadd.f32 v12, v37;
	v17 =	vmax.bf16 v17, v0  }
0x28b: {  	v16 =	vld [tilespmem:s2+$0xDA40];
	v15 =	vmax.bf16 v15, v0;
	v20 =	vmul.bf16 v20, v5;
	v17 =	vmul.bf16 v17, v4  }
0x28c: {  	v21 =	vld [tilespmem:s28+$0xFFFFFFE0];
	v11 =	vmul.bf16 v11, v4;
	v22 =	vmax.bf16 v22, v0;
	(xrf2) =	vadd.scan.msk.f32 $0xffff, v12;
	v12 =	vsub.bf16 v26, v29  }
0x28d: {  	v23 =	vld [tilespmem:s2+$0xDAB0];
	v14 =	vmul.bf16 v14, v3;
	v22 =	vmul.bf16 v22, v3;
	v17 =	vadd.bf16 v20, v17  }
0x28e: {  	v28 =	vld [tilespmem:s2+$0xDAD0];
	v11 =	vadd.bf16 v6, v11;
	v18 =	vsub.bf16 v30, v18;
	v12 =	vmax.bf16 v12, v0  }
0x28f: {  	v19 =	vld [tilespmem:s2+$0xDA20];
	v13 =	vsub.bf16 v27, v13;
	v12 =	vmul.bf16 v12, v2;
	v17 =	vadd.bf16 v22, v17  }
0x290: {  	v15 =	vmul.bf16 v15, v2;
	v16 =	vsub.bf16 v44, v16;
	v11 =	vadd.bf16 v14, v11;
	v25 =	vld [tilespmem:s28+$0xFFFFFF90]  }
0x291: {  	v13 =	vmax.bf16 v13, v0;
	v18 =	vmax.bf16 v18, v0;
	v12 =	vadd.bf16 v12, v17;
	v17 =	vld [tilespmem:s2+$0xDAA0]  }
0x292: {  	v57 =	vld [tilespmem:s14+$0xDAA0];
	v50 =	vmax.bf16 v16, v0;
	v13 =	vmul.bf16 v13, v4;
	v11 =	vadd.bf16 v15, v11  }
0x293: {  	v28 =	vsub.bf16 v38, v28;
	v22 =	vld [tilespmem:s2+$0xDAC0];
	v6 =	vunpack.i.u.bf16.f32 v12;
	v12 =	vunpack.i.l.bf16.f32 v12  }
0x294: {  	v35 =	vmul.bf16 v50, v3;
	v29 =	vsub.bf16 v62, v31;
	v31 =	vld [tilespmem:s2+$0xDA30];
	v12 =	vadd.f32 v12, v6  }
0x295: {  	v33 =	vld [tilespmem:s15+$0xDA70];
	v16 =	vunpack.i.u.bf16.f32 v11;
	v11 =	vunpack.i.l.bf16.f32 v11;
	v19 =	vsub.bf16 v25, v19  }
0x296: {  	v28 =	vmax.bf16 v28, v0;
	v26 =	vld [tilespmem:s2+$0xDA50];
	v27, _, _ =	vpop (xrf2);
	(xrf2) =	vadd.scan.msk.f32 $0xffff, v12;
	v12 =	vsub.bf16 v21, v23;
	v17 =	vsub.bf16 v36, v17  }
0x297: {  	v11 =	vadd.f32 v11, v16;
	v28 =	vmul.bf16 v28, v2;
	v20 =	vld [tilespmem:s28+$0xFFFFFFC0];
	v19 =	vmax.bf16 v19, v0  }
0x298: {  	v34 =	vld [tilespmem:s15+$0xDA60];
	v22 =	vsub.bf16 v43, v22;
	v12 =	vmax.bf16 v12, v0;
	v17 =	vmax.bf16 v17, v0  }
0x299: {  	v15 =	vld [tilespmem:s10+$0xDAC0];
	v14 =	vsub.bf16 v42, v31;
	v12 =	vmul.bf16 v12, v5;
	v17 =	vmul.bf16 v17, v4  }
0x29a: {  	v25 =	vld [tilespmem:s29+$0xFFFFFFE0];
	v19 =	vmul.bf16 v19, v4;
	v23 =	vsub.bf16 v24, v40;
	v22 =	vmax.bf16 v22, v0  }
0x29b: {  	v31 =	vld [tilespmem:s10+$0xDAB0];
	v14 =	vmax.bf16 v14, v0;
	v22 =	vmul.bf16 v22, v3;
	v12 =	vadd.bf16 v12, v17  }
0x29c: {  	v30 =	vld [tilespmem:s29+$0x0];
	v20 =	vsub.bf16 v20, v26;
	v14 =	vmul.bf16 v14, v5;
	v23 =	vmax.bf16 v23, v0  }
0x29d: {  	v24 =	vbroadcast v27, $0xF;
	v27 =	vld [tilespmem:s29+$0xFFFFFFD0];
	v23 =	vmul.bf16 v23, v5;
	v12 =	vadd.bf16 v22, v12  }
0x29e: {  	v15 =	vsub.bf16 v46, v15;
	v29 =	vmax.bf16 v29, v0;
	v14 =	vadd.bf16 v14, v19;
	v17 =	vld [tilespmem:s10+$0xDAD0]  }
0x29f: {  	v52 =	vmax.bf16 v20, v0;
	v13 =	vadd.bf16 v23, v13;
	v23 =	vld [tilespmem:s29+$0xFFFFFFC0];
	v12 =	vadd.bf16 v28, v12  }
0x2a0: {  	v15 =	vmax.bf16 v15, v0;
	v44 =	vmul.bf16 v52, v2;
	v20 =	vsub.bf16 v25, v31;
	v22 =	vld [tilespmem:s10+$0xDA50]  }
0x2a1: {  	v42 =	vld [tilespmem:s14+$0xDAB0];
	v35 =	vadd.bf16 v35, v14;
	v48 =	vunpack.i.u.bf16.f32 v12;
	v12 =	vunpack.i.l.bf16.f32 v12  }
0x2a2: {  	v31 =	vld [tilespmem:s30+$0xFFFFFFD0];
	v20 =	vmax.bf16 v20, v0;
	v24 =	vadd.f32 v24, v1;
	v12 =	vadd.f32 v12, v48  }
0x2a3: {  	v15 =	vmul.bf16 v15, v3;
	v26 =	vld [tilespmem:s10+$0xDA40];
	v20 =	vmul.bf16 v20, v5;
	v25 =	vsub.bf16 v27, v49  }
0x2a4: {  	v21 =	vld [tilespmem:s29+$0xFFFFFFA0];
	v35 =	vadd.bf16 v44, v35;
	v16 =	vmax.f32 v24, $0.0e+00;
	v28, _, _ =	vpop (xrf2);
	v19 =	vsub.bf16 v30, v17;
	(xrf2) =	vadd.scan.msk.f32 $0xffff, v12  }
0x2a5: {  	v17 =	vld [tilespmem:s15+$0xDAE0];
	v28 =	vbroadcast v28, $0xF;
	v22 =	vsub.bf16 v23, v22;
	v23 =	vmax.bf16 v25, v0  }
0x2a6: {  	v24 =	vmul.bf16 v29, v2;
	v16 =	vsub.f32 $0.0e+00, v16;
	v23 =	vmul.bf16 v23, v4;
	v12 =	vld [tilespmem:s10+$0xDA20]  }
0x2a7: {  	v31 =	vsub.bf16 v31, v57;
	v51 =	vadd.f32 v28, v1;
	v28 =	vld [tilespmem:s10+$0xDA30];
	(xrf2) =	vadd.scan.msk.f32 $0xffff, v11;
	v11 =	vmul.bf16 v18, v3  }
0x2a8: {  	v16 =	vmul.f32 $1.442695020e+00, v16;
	v30 =	vld [tilespmem:s15+$0xDB00];
	v19 =	vmax.bf16 v19, v0;
	v18 =	vadd.bf16 v20, v23  }
0x2a9: {  	v29 =	vld [tilespmem:s30+$0xFFFFFFA0];
	v20 =	vsub.bf16 v47, v26;
	v46 =	vmax.f32 v51, $0.0e+00;
	v11 =	vadd.bf16 v11, v13  }
0x2aa: {  	v27 =	vld [tilespmem:s15+$0xDAF0];
	v19 =	vmul.bf16 v19, v2;
	v38 =	vsub.f32 $0.0e+00, v46;
	v15 =	vadd.bf16 v15, v18  }
0x2ab: {  	(erf) = vpow2.f32 v16;
	v12 =	vsub.bf16 v45, v12;
	v11 =	vadd.bf16 v24, v11;
	v45 =	vld [tilespmem:s14+$0xDA30]  }
0x2ac: {  	v25 =	vld [tilespmem:s15+$0xDB10];
	v39 =	vunpack.i.l.bf16.f32 v17;
	v21 =	vsub.bf16 v21, v28;
	v15 =	vadd.bf16 v19, v15  }
0x2ad: {  	v24 =	vunpack.i.u.bf16.f32 v30;
	v40 =	vunpack.i.u.bf16.f32 v11;
	v41 =	vunpack.i.l.bf16.f32 v11;
	v11 =	vld [tilespmem:s30+$0xFFFFFFE0]  }
0x2ae: {  	v26 =	vld [tilespmem:s30+$0x0];
	v12 =	vmax.bf16 v12, v0;
	v19 =	vunpack.i.u.bf16.f32 v15;
	v15 =	vunpack.i.l.bf16.f32 v15;
	v18, _, _ =	vpop (xrf2)  }
0x2af: {  	v12 =	vmul.bf16 v12, v4;
	v16 =	vbroadcast v18, $0xF;
	v18 =	vmax.bf16 v21, v0;
	v21 =	vld [tilespmem:s14+$0xDAD0]  }
0x2b0: {  	v32 =	vld [tilespmem:s13+$0xDAE0];
	v15 =	vadd.f32 v15, v19;
	v19 =	vmax.bf16 v22, v0;
	v29 =	vsub.bf16 v29, v45  }
0x2b1: {  	v28 =	vld [tilespmem:s14+$0xDA50];
	v22 =	vunpack.i.u.bf16.f32 v27;
	v41 =	vadd.f32 v41, v40;
	v23 =	vmul.bf16 v18, v5  }
0x2b2: {  	v8 =	vld [tilespmem:s13+$0xDA80];
	(xrf2) =	vadd.scan.msk.f32 $0xffff, v15;
	v18 =	vmax.bf16 v20, v0;
	v11 =	vsub.bf16 v11, v42;
	v29 =	vmax.bf16 v29, v0  }
0x2b3: {  	v13 =	vld [tilespmem:s30+$0xFFFFFFF0];
	v37 =	vmul.bf16 v29, v5;
	v20 =	vadd.bf16 v23, v12;
	v23 =	vunpack.i.l.bf16.f32 v25  }
0x2b4: {  	v12 =	vld [tilespmem:s14+$0xDAC0];
	v25 =	vunpack.i.u.bf16.f32 v25;
	v61 =	vmax.bf16 v11, v0;
	v15 =	vsub.bf16 v26, v21;
	v21, _, _ =	vpop (xrf2)  }
0x2b5: {  	v7 =	vld [tilespmem:s13+$0xDA90];
	v63 =	vmul.bf16 v61, v5;
	v26 =	vunpack.i.l.bf16.f32 v30;
	v21 =	vbroadcast v21, $0xF  }
0x2b6: {  	v30 =	vsub.bf16 v55, v28;
	v28 =	vpop (erf);
	v43 =	vmax.bf16 v15, v0;
	v15 =	vunpack.i.l.bf16.f32 v27;
	v27 =	vld [tilespmem:s14+$0xDA20]  }
0x2b7: {  	v6 =	vld [tilespmem:s2+$0xDA80];
	v25 =	vmul.f32 v25, v28;
	v39 =	vmul.f32 v28, v39;
	v21 =	vadd.f32 v21, v1  }
0x2b8: {  	v14 =	vld [tilespmem:s10+$0xDA90];
	v16 =	vadd.f32 v16, v1;
	v26 =	vmul.f32 v26, v28;
	v47 =	vmul.f32 v28, v22  }
0x2b9: {  	v29 =	vld [tilespmem:s13+$0xDAF0];
	v22 =	vmax.bf16 v31, v0;
	v12 =	vsub.bf16 v13, v12;
	v13 =	vmax.f32 v21, $0.0e+00  }
0x2ba: {  	v11 =	vld [tilespmem:s14+$0xDA90];
	v22 =	vmul.bf16 v22, v4;
	v58 =	vmul.f32 v28, v15;
	v59 =	vsub.f32 $0.0e+00, v13  }
0x2bb: {  	v15 =	vld [tilespmem:s2+$0xDA90];
	[tilespmem:s15+$0x152E0] =	vst v26;
	v26 =	vunpack.i.l.bf16.f32 v35;
	v12 =	vmax.bf16 v12, v0;
	v27 =	vsub.bf16 v53, v27  }
0x2bc: {  	[tilespmem:s15+$0x15310] =	vst v25;
	v62, _, _ =	vpop (xrf2);
	v25 =	vadd.bf16 v63, v22;
	v13 =	vld [tilespmem:s10+$0xDA80];
	v60 =	vmul.bf16 v12, v3;
	v31 =	vmul.f32 $1.442695020e+00, v59  }
0x2bd: {  	[tilespmem:s15+$0x152A0] =	vst v39;
	v21 =	vsub.bf16 v54, v56;
	v12 =	vld [tilespmem:s14+$0xDA80];
	v36 =	vmax.bf16 v27, v0;
	v27 =	vbroadcast v62, $0xF  }
0x2be: {  	[tilespmem:s15+$0x152D0] =	vst v47;
	v40 =	vadd.bf16 v60, v25;
	v25 =	vunpack.i.u.bf16.f32 v35;
	v35 =	vld [tilespmem:s13+$0xDB00];
	(erf) = vpow2.f32 v31  }
0x2bf: {  	s17 =	simm.s32 $0x1400;
	s16 =	simm.s32 $0x8;
	s21 =	simm.s32 $0x7910;
	v39 =	vmul.bf16 v43, v2;
	[tilespmem:s15+$0x152C0] =	vst v58;
	v21 =	vmax.bf16 v21, v0;
	v22 =	vadd.f32 v27, v1;
	v27 =	vld [tilespmem:s13+$0xDB10]  }
.LBB2_7:
0x2c0: {  	s22 =	sshra.s32 s17, $0x2;
	v31 =	vld [tilespmem:s21+$0xFFFFFFA0];
	s16 =	sadd.s32 $0x2, s16;
	v42 =	vmax.bf16 v30, v0;
	(xrf2) =	vadd.scan.msk.f32 $0xffff, v41;
	v24 =	vmul.f32 v24, v28;
	v23 =	vmul.f32 v23, v28  }
0x2c1: {  	v30 =	vmul.bf16 v36, v4;
	v41 =	vld [tilespmem:s21+$0xFFFFFFD0];
	p0 =	slt.u32 s16, $0x4E;
	v36 =	vadd.bf16 v39, v40;
	v39 =	vunpack.i.u.bf16.f32 v17;
	v17 =	vmovc v32  }
0x2c2: {  	v38 =	vmul.f32 $1.442695020e+00, v38;
	v32 =	vld [tilespmem:s21+$0x0];
	v28 =	vmul.f32 v28, v39;
	[tilespmem:s15+$0x152F0] =	vst v24  }
0x2c3: {  	v37 =	vadd.bf16 v37, v30;
	v39 =	vld [tilespmem:s21+$0xFFFFFF90];
	v24 =	vunpack.i.u.bf16.f32 v36;
	v30 =	vunpack.i.l.bf16.f32 v36;
	[tilespmem:s15+$0x15300] =	vst v23  }
0x2c4: {  	v36 =	vld [tilespmem:s21+$0xFFFFFFF0];
	v23 =	vadd.f32 v30, v24;
	(erf) = vpow2.f32 v38;
	v30 =	vunpack.i.u.bf16.f32 v34;
	[tilespmem:s15+$0x152B0] =	vst v28  }
0x2c5: {  	v43 =	vunpack.i.l.bf16.f32 v10;
	v40 =	vunpack.i.u.bf16.f32 v10;
	v10 =	vmovc v7;
	v7 =	vmovc v15;
	v38 =	vunpack.i.l.bf16.f32 v9;
	v28 =	vld [tilespmem:s22+$0xDAD0]  }
0x2c6: {  	v45 =	vunpack.i.u.bf16.f32 v9;
	v15 =	vunpack.i.u.bf16.f32 v33;
	v33 =	vunpack.i.l.bf16.f32 v33;
	v9 =	vmovc v8;
	v44 =	vld [tilespmem:s21+$0xFFFFFFB0];
	(xrf2) =	vadd.scan.msk.f32 $0xffff, v23  }
0x2c7: {  	v50 =	vunpack.i.l.bf16.f32 v34;
	v24 =	vunpack.i.u.bf16.f32 v35;
	v23 =	vunpack.i.l.bf16.f32 v27;
	v46 =	vld [tilespmem:s22+$0xDA50];
	v34 =	vpop (erf)  }
0x2c8: {  	v48 =	vunpack.i.u.bf16.f32 v29;
	v8 =	vmovc v6;
	v6 =	vmovc v13;
	v47 =	vld [tilespmem:s21+$0xFFFFFFC0];
	v49 =	vmul.f32 v34, v50;
	v45 =	vmul.f32 v45, v34  }
0x2c9: {  	v35 =	vunpack.i.l.bf16.f32 v35;
	v13 =	vmovc v12;
	v33 =	vmul.f32 v34, v33;
	v51 =	vmul.f32 v34, v15;
	v15 =	vmovc v14;
	v50 =	vld [tilespmem:s21+$0xFFFFFFE0]  }
0x2ca: {  	v12 =	vld [tilespmem:s22+$0xDAC0];
	v54 =	vsub.bf16 v32, v28;
	v14, _, _ =	vpop (xrf2);
	[tilespmem:s15+$0x15220] =	vst v49;
	v32 =	vmul.f32 v38, v34;
	v38 =	vmul.f32 v40, v34  }
0x2cb: {  	v52 =	vunpack.i.l.bf16.f32 v17;
	v40 =	vld [tilespmem:s22+$0xDA40];
	v49 =	vbroadcast v14, $0xF;
	[tilespmem:s15+$0x15240] =	vst v33;
	v33 =	vmul.f32 v43, v34;
	v14 =	vmovc v11  }
0x2cc: {  	v11 =	vunpack.i.l.bf16.f32 v29;
	v29 =	vmul.f32 v34, v30;
	v43 =	vld [tilespmem:s22+$0xDAB0];
	v53 =	vmax.bf16 v54, v0;
	[tilespmem:s15+$0x15250] =	vst v51  }
0x2cd: {  	v34 =	vld [tilespmem:s22+$0xDA20];
	v30 =	vsub.bf16 v47, v46;
	v46 =	vmul.bf16 v19, v2;
	v47 =	vadd.f32 v49, v1;
	v28 =	vpop (erf);
	[tilespmem:s15+$0x15280] =	vst v33  }
0x2ce: {  	v49 =	vmul.bf16 v18, v3;
	v19 =	vmovc v42;
	v33 =	vld [tilespmem:s22+$0xDAA0];
	v51 =	vmul.f32 v28, v11;
	v11 =	vunpack.i.u.bf16.f32 v27;
	[tilespmem:s15+$0x15270] =	vst v45  }
0x2cf: {  	v42 =	vmax.f32 v16, $0.0e+00;
	v18 =	vmovc v21;
	v16 =	vmovc v22;
	v27 =	vld [tilespmem:s22+$0xDA30];
	v36 =	vsub.bf16 v36, v12;
	v45 =	vmax.f32 v47, $0.0e+00;
	[tilespmem:s15+$0x15290] =	vst v38  }
0x2d0: {  	v21 =	vsub.bf16 v44, v40;
	v12 =	vld [tilespmem:s22+$0xDA80];
	v22, _, _ =	vpop (xrf2);
	v38 =	vsub.f32 $0.0e+00, v45;
	v40 =	vmul.f32 v11, v28;
	[tilespmem:s15+$0x15260] =	vst v32  }
0x2d1: {  	v11 =	vld [tilespmem:s22+$0xDA90];
	v32 =	vsub.bf16 v50, v43;
	v36 =	vmax.bf16 v36, v0;
	v43 =	vadd.bf16 v49, v20;
	[tilespmem:s15+$0x15230] =	vst v29;
	s15 =	smov.u32 s13;
	s13 =	smov.u32 s2;
	s2 =	smov.u32 s10  }
0x2d2: {  	v29 =	vmul.f32 v28, v52;
	s10 =	smov.u32 s14;
	s14 =	smov.u32 s22;
	v39 =	vsub.bf16 v39, v34;
	v44 =	vmul.bf16 v36, v3;
	[tilespmem:s15+$0x152C0] =	vst v51  }
0x2d3: {  	v34 =	vmul.f32 v35, v28;
	v33 =	vsub.bf16 v41, v33;
	v32 =	vmax.bf16 v32, v0;
	[tilespmem:s15+$0x15310] =	vst v40  }
0x2d4: {  	v27 =	vsub.bf16 v31, v27;
	v31 =	vmul.bf16 v32, v5;
	[tilespmem:s15+$0x152A0] =	vst v29;
	v29 =	vmul.f32 v28, v48  }
0x2d5: {  	v22 =	vbroadcast v22, $0xF;
	v20 =	vmovc v37;
	v36 =	vmax.bf16 v39, v0;
	v32 =	vmax.bf16 v33, v0;
	v33 =	vld [tilespmem:s15+$0xDA70];
	[tilespmem:s15+$0x152E0] =	vst v34  }
.Ltmp2:
0x2d6: {  	v40 =	vmul.f32 $1.442695020e+00, v38;
	v27 =	vmax.bf16 v27, v0;
	v35 =	vmul.bf16 v32, v4;
	v34 =	vld [tilespmem:s15+$0xDA60];
	[tilespmem:s15+$0x152D0] =	vst v29;
	(pc) =	sbr.rel @p0 .LBB2_7-.Ltmp2, $4  }
0x2d7: {  	v21 =	vmax.bf16 v21, v0;
	v38 =	vsub.f32 $0.0e+00, v42;
	v37 =	vmul.bf16 v27, v5;
	v32 =	vld [tilespmem:s13+$0xDAE0]  }
0x2d8: {  	v39 =	vmul.bf16 v53, v2;
	v31 =	vadd.bf16 v31, v35;
	v35 =	vadd.bf16 v46, v43;
	v29 =	vld [tilespmem:s13+$0xDAF0]  }
0x2d9: {  	v22 =	vadd.f32 v22, v1;
	v41 =	vadd.f32 v26, v25;
	v27 =	vld [tilespmem:s13+$0xDB10];
	(erf) = vpow2.f32 v40  }
0x2da: {  	s17 =	sadd.s32 $0x400, s17;
	s21 =	sadd.s32 $0x80, s21;
	v40 =	vadd.bf16 v44, v31;
	v25 =	vunpack.i.u.bf16.f32 v35;
	v26 =	vunpack.i.l.bf16.f32 v35;
	v35 =	vld [tilespmem:s13+$0xDB00]  }
0x2db: {  	(xrf2) =	vadd.scan.msk.f32 $0xffff, v41;
	_ =	sdelay $0x5  }
0x2dc: {  	v24 =	vmul.f32 v24, v28  }
0x2dd: {  	v30 =	vmax.bf16 v30, v0;
	v23 =	vmul.f32 v23, v28;
	v36 =	vmul.bf16 v36, v4  }
0x2de: {  	v17 =	vunpack.i.u.bf16.f32 v17;
	v38 =	vmul.f32 $1.442695020e+00, v38;
	v43 =	vunpack.i.u.bf16.f32 v34  }
0x2df: {  	v44 =	vunpack.i.l.bf16.f32 v9;
	v45 =	vunpack.i.u.bf16.f32 v10;
	v46 =	vunpack.i.l.bf16.f32 v10  }
0x2e0: {  	v47 =	vunpack.i.u.bf16.f32 v33;
	v31 =	vadd.bf16 v39, v40;
	v17 =	vmul.f32 v28, v17;
	v42, _, _ =	vpop (xrf2)  }
0x2e1: {  	v28 =	vadd.bf16 v37, v36;
	(erf) = vpow2.f32 v38;
	v36 =	vbroadcast v42, $0xF  }
0x2e2: {  	v48 =	vunpack.i.l.bf16.f32 v34;
	v39 =	vunpack.i.u.bf16.f32 v31;
	v31 =	vunpack.i.l.bf16.f32 v31  }
0x2e3: {  	v50 =	vunpack.i.l.bf16.f32 v33;
	[tilespmem:s15+$0x152F0] =	vst v24;
	v31 =	vadd.f32 v31, v39;
	v49 =	vpop (erf);
	v36 =	vadd.f32 v36, v1  }
0x2e4: {  	v25 =	vadd.f32 v26, v25;
	v60 =	vmul.bf16 v18, v3;
	[tilespmem:s15+$0x15300] =	vst v23;
	v51 =	vmul.f32 v49, v48  }
0x2e5: {  	[tilespmem:s15+$0x152B0] =	vst v17;
	v17 =	vmul.f32 v49, v50;
	(xrf2) =	vadd.scan.msk.f32 $0xffff, v31;
	v53 =	vmax.f32 v36, $0.0e+00  }
0x2e6: {  	v23 =	vmul.f32 v49, v47;
	[tilespmem:s15+$0x15220] =	vst v51;
	(xrf2) =	vadd.scan.msk.f32 $0xffff, v25;
	v26 =	vsub.f32 $0.0e+00, v53  }
0x2e7: {  	v52 =	vunpack.i.u.bf16.f32 v9;
	v19 =	vmul.bf16 v19, v2;
	v10 =	vmul.f32 v46, v49;
	[tilespmem:s15+$0x15240] =	vst v17  }
0x2e8: {  	v16 =	vmax.f32 v16, $0.0e+00;
	v9 =	vmul.f32 v52, v49;
	[tilespmem:s15+$0x15250] =	vst v23;
	v57 =	vmul.f32 $1.442695020e+00, v26  }
0x2e9: {  	v21 =	vmul.bf16 v21, v3;
	v22 =	vmax.f32 v22, $0.0e+00;
	v59 =	vmul.f32 v45, v49;
	[tilespmem:s15+$0x15280] =	vst v10  }
0x2ea: {  	v41 =	vld [tilespmem:s13+$0xDA70];
	v62 =	vunpack.i.l.bf16.f32 v29;
	v61 =	vmul.f32 v44, v49;
	[tilespmem:s15+$0x15270] =	vst v9;
	v34 =	vpop (erf);
	(erf) = vpow2.f32 v57  }
0x2eb: {  	v16 =	vsub.f32 $0.0e+00, v16;
	v63 =	vmul.f32 v49, v43;
	[tilespmem:s15+$0x15290] =	vst v59;
	v24 =	vmul.f32 v34, v62  }
0x2ec: {  	v38 =	vld [tilespmem:s13+$0xDA60];
	v54 =	vunpack.i.u.bf16.f32 v35;
	v58 =	vunpack.i.l.bf16.f32 v35;
	v35 =	vunpack.i.l.bf16.f32 v32;
	[tilespmem:s15+$0x15260] =	vst v61  }
0x2ed: {  	v56 =	vunpack.i.u.bf16.f32 v29;
	v55 =	vunpack.i.l.bf16.f32 v27;
	[tilespmem:s15+$0x15230] =	vst v63;
	v39 =	vmul.f32 v34, v35  }
0x2ee: {  	v16 =	vmul.f32 $1.442695020e+00, v16;
	v10 =	vadd.bf16 v60, v20;
	v40 =	vmul.f32 v58, v34;
	[tilespmem:s13+$0x152C0] =	vst v24  }
0x2ef: {  	v18 =	vunpack.i.u.bf16.f32 v41;
	v44 =	vunpack.i.u.bf16.f32 v32;
	v17 =	vmul.f32 v34, v56;
	[tilespmem:s13+$0x152A0] =	vst v39;
	v24, _, _ =	vpop (xrf2)  }
0x2f0: {  	v10 =	vadd.bf16 v19, v10;
	v25 =	vmul.f32 v54, v34;
	v43 =	vmul.f32 v55, v34;
	[tilespmem:s13+$0x152E0] =	vst v40;
	v45, _, _ =	vpop (xrf2)  }
0x2f1: {  	v9 =	vunpack.i.l.bf16.f32 v38;
	v46 =	vmul.f32 v34, v44;
	[tilespmem:s13+$0x152D0] =	vst v17;
	v47 =	vbroadcast v45, $0xF  }
0x2f2: {  	v42 =	vunpack.i.u.bf16.f32 v10;
	[tilespmem:s13+$0x152F0] =	vst v25;
	v36 =	vunpack.i.u.bf16.f32 v27;
	(erf) = vpow2.f32 v16  }
0x2f3: {  	v10 =	vunpack.i.l.bf16.f32 v10;
	[tilespmem:s13+$0x15300] =	vst v43;
	v37 =	vmul.f32 v36, v34;
	v23 =	vadd.f32 v47, v1;
	v52 =	vpop (erf)  }
0x2f4: {  	v54 =	vunpack.i.l.bf16.f32 v41;
	[tilespmem:s13+$0x152B0] =	vst v46;
	v10 =	vadd.f32 v10, v42;
	v9 =	vmul.f32 v52, v9  }
0x2f5: {  	v50 =	vld [tilespmem:s2+$0xDB00];
	v51 =	vunpack.i.l.bf16.f32 v7;
	[tilespmem:s13+$0x15310] =	vst v37;
	v55 =	vmax.f32 v23, $0.0e+00;
	v19 =	vmul.f32 v52, v54  }
0x2f6: {  	v53 =	vld [tilespmem:s2+$0xDAF0];
	(xrf2) =	vadd.scan.msk.f32 $0xffff, v10;
	v56 =	vsub.f32 $0.0e+00, v55;
	v18 =	vmul.f32 v52, v18;
	[tilespmem:s13+$0x15220] =	vst v9  }
0x2f7: {  	v49 =	vunpack.i.l.bf16.f32 v8;
	v60 =	vld [tilespmem:s2+$0xDAE0];
	v58 =	vunpack.i.u.bf16.f32 v8;
	v59 =	vmul.f32 v51, v52;
	[tilespmem:s13+$0x15240] =	vst v19  }
0x2f8: {  	v7 =	vunpack.i.u.bf16.f32 v7;
	v8 =	vmul.f32 v58, v52;
	[tilespmem:s13+$0x15250] =	vst v18;
	v9 =	vmul.f32 $1.442695020e+00, v56  }
0x2f9: {  	v33 =	vmul.bf16 v30, v2;
	v48 =	vunpack.i.u.bf16.f32 v38;
	v7 =	vmul.f32 v7, v52;
	[tilespmem:s13+$0x15280] =	vst v59  }
0x2fa: {  	v61 =	vunpack.i.u.bf16.f32 v50;
	v17 =	vmul.f32 v49, v52;
	[tilespmem:s13+$0x15270] =	vst v8;
	(erf) = vpow2.f32 v9  }
0x2fb: {  	v63 =	vunpack.i.l.bf16.f32 v50;
	v57 =	vld [tilespmem:s2+$0xDB10];
	v31 =	vunpack.i.l.bf16.f32 v53;
	v32 =	vmul.f32 v52, v48;
	v34 =	vpop (erf);
	[tilespmem:s13+$0x15290] =	vst v7  }
0x2fc: {  	v36 =	vadd.bf16 v21, v28;
	v37 =	vunpack.i.l.bf16.f32 v60;
	v7 =	vmul.f32 v34, v31;
	[tilespmem:s13+$0x15260] =	vst v17  }
0x2fd: {  	v50 =	vunpack.i.l.bf16.f32 v15;
	v39 =	vsub.f32 $0.0e+00, v22;
	v38 =	vmul.f32 v34, v37;
	[tilespmem:s13+$0x15230] =	vst v32  }
0x2fe: {  	v62 =	vunpack.i.u.bf16.f32 v53;
	v16 =	vadd.bf16 v33, v36;
	v40 =	vmul.f32 v63, v34;
	[tilespmem:s2+$0x152C0] =	vst v7;
	v7 =	vld [tilespmem:s2+$0xDA60]  }
0x2ff: {  	v42 =	vld [tilespmem:s2+$0xDA70];
	v46 =	vunpack.i.u.bf16.f32 v60;
	v21 =	vmul.f32 $1.442695020e+00, v39;
	v41 =	vmul.f32 v34, v62;
	[tilespmem:s2+$0x152A0] =	vst v38  }
0x300: {  	v43 =	vunpack.i.u.bf16.f32 v16;
	v10 =	vunpack.i.l.bf16.f32 v57;
	v45, _, _ =	vpop (xrf2);
	v44 =	vmul.f32 v61, v34;
	[tilespmem:s2+$0x152E0] =	vst v40  }
0x301: {  	v35 =	vunpack.i.u.bf16.f32 v57;
	v10 =	vmul.f32 v10, v34;
	v47 =	vbroadcast v45, $0xF;
	[tilespmem:s2+$0x152D0] =	vst v41  }
0x302: {  	v48 =	vunpack.i.l.bf16.f32 v16;
	v8 =	vmul.f32 v35, v34;
	[tilespmem:s2+$0x152F0] =	vst v44;
	(erf) = vpow2.f32 v21  }
0x303: {  	v49 =	vmul.f32 v34, v46;
	v20 =	vadd.f32 v47, v1;
	[tilespmem:s2+$0x15300] =	vst v10;
	v51 =	vunpack.i.l.bf16.f32 v7;
	v52 =	vpop (erf)  }
0x304: {  	v53 =	vunpack.i.l.bf16.f32 v42;
	[tilespmem:s2+$0x15310] =	vst v8;
	v8 =	vadd.f32 v48, v43;
	v19 =	vmul.f32 v52, v51  }
0x305: {  	v54 =	vunpack.i.u.bf16.f32 v42;
	[tilespmem:s2+$0x152B0] =	vst v49;
	v55 =	vmax.f32 v20, $0.0e+00;
	v10 =	vmul.f32 v52, v53  }
0x306: {  	v56 =	vld [tilespmem:s10+$0xDAF0];
	v16 =	vsub.f32 $0.0e+00, v55;
	(xrf2) =	vadd.scan.msk.f32 $0xffff, v8;
	v9 =	vmul.f32 v52, v54;
	[tilespmem:s2+$0x15220] =	vst v19  }
0x307: {  	v57 =	vld [tilespmem:s10+$0xDB10];
	v58 =	vunpack.i.u.bf16.f32 v6;
	v61 =	vunpack.i.u.bf16.f32 v15;
	v59 =	vmul.f32 v50, v52;
	[tilespmem:s2+$0x15240] =	vst v10  }
0x308: {  	v60 =	vld [tilespmem:s10+$0xDAE0];
	v6 =	vunpack.i.l.bf16.f32 v6;
	v62 =	vmul.f32 $1.442695020e+00, v16;
	v15 =	vmul.f32 v61, v52;
	[tilespmem:s2+$0x15250] =	vst v9  }
0x309: {  	v63 =	vbroadcast v24, $0xF;
	v24 =	vld [tilespmem:s10+$0xDB00];
	v7 =	vunpack.i.u.bf16.f32 v7;
	v6 =	vmul.f32 v6, v52;
	[tilespmem:s2+$0x15280] =	vst v59  }
0x30a: {  	(erf) = vpow2.f32 v62;
	v7 =	vmul.f32 v52, v7;
	[tilespmem:s2+$0x15290] =	vst v15  }
0x30b: {  	v25 =	vadd.f32 v63, v1;
	v26 =	vunpack.i.l.bf16.f32 v56;
	v27 =	vpop (erf);
	v19 =	vmul.f32 v58, v52;
	[tilespmem:s2+$0x15260] =	vst v6  }
0x30c: {  	v28 =	vunpack.i.u.bf16.f32 v57;
	v10 =	vmul.f32 v27, v26;
	[tilespmem:s2+$0x15230] =	vst v7  }
0x30d: {  	v6 =	vunpack.i.l.bf16.f32 v60;
	v9 =	vmax.f32 v25, $0.0e+00;
	v15 =	vmul.f32 v28, v27;
	[tilespmem:s2+$0x15270] =	vst v19  }
0x30e: {  	v29 =	vld [tilespmem:s10+$0xDA60];
	v7 =	vunpack.i.l.bf16.f32 v24;
	v6 =	vmul.f32 v27, v6;
	v9 =	vsub.f32 $0.0e+00, v9;
	[tilespmem:s10+$0x152C0] =	vst v10  }
0x30f: {  	v30 =	vld [tilespmem:s10+$0xDA70];
	v18 =	vunpack.i.u.bf16.f32 v56;
	v7 =	vmul.f32 v7, v27;
	[tilespmem:s10+$0x15310] =	vst v15  }
0x310: {  	v31 =	vunpack.i.u.bf16.f32 v24;
	v32, _, _ =	vpop (xrf2);
	[tilespmem:s10+$0x152A0] =	vst v6;
	v6 =	vmul.f32 v27, v18;
	v9 =	vmul.f32 $1.442695020e+00, v9  }
0x311: {  	v8 =	vunpack.i.l.bf16.f32 v57;
	[tilespmem:s10+$0x152E0] =	vst v7;
	v7 =	vmul.f32 v31, v27;
	v18 =	vbroadcast v32, $0xF  }
0x312: {  	v33 =	vunpack.i.u.bf16.f32 v60;
	[tilespmem:s10+$0x152D0] =	vst v6;
	v6 =	vmul.f32 v8, v27;
	(erf) = vpow2.f32 v9  }
0x313: {  	v8 =	vmul.f32 v27, v33;
	[tilespmem:s10+$0x152F0] =	vst v7;
	v7 =	vunpack.i.l.bf16.f32 v29;
	v35 =	vadd.f32 v18, v1;
	v34 =	vpop (erf)  }
0x314: {  	v36 =	vunpack.i.u.bf16.f32 v30;
	[tilespmem:s10+$0x15300] =	vst v6;
	v7 =	vmul.f32 v34, v7  }
0x315: {  	v6 =	vunpack.i.l.bf16.f32 v30;
	[tilespmem:s10+$0x152B0] =	vst v8;
	v37 =	vmax.f32 v35, $0.0e+00;
	v8 =	vmul.f32 v34, v36  }
0x316: {  	v38 =	vld [tilespmem:s14+$0xDAF0];
	v41 =	vunpack.i.u.bf16.f32 v13;
	v6 =	vmul.f32 v34, v6;
	[tilespmem:s10+$0x15220] =	vst v7;
	v7 =	vsub.f32 $0.0e+00, v37  }
0x317: {  	v39 =	vunpack.i.l.bf16.f32 v14;
	v40 =	vld [tilespmem:s14+$0xDB10];
	v18 =	vmul.f32 v41, v34;
	[tilespmem:s10+$0x15250] =	vst v8  }
0x318: {  	v42 =	vld [tilespmem:s14+$0xDAE0];
	v43 =	vunpack.i.u.bf16.f32 v14;
	[tilespmem:s10+$0x15240] =	vst v6;
	v6 =	vmul.f32 v39, v34;
	v7 =	vmul.f32 $1.442695020e+00, v7  }
0x319: {  	v45 =	vunpack.i.l.bf16.f32 v13;
	v44 =	vld [tilespmem:s14+$0xDB00];
	v14 =	vmul.f32 v43, v34;
	[tilespmem:s10+$0x15270] =	vst v18  }
0x31a: {  	v46 =	vmul.f32 v45, v34;
	[tilespmem:s10+$0x15280] =	vst v6;
	v6 =	vunpack.i.u.bf16.f32 v29;
	(erf) = vpow2.f32 v7  }
0x31b: {  	[tilespmem:s10+$0x15290] =	vst v14;
	v7 =	vunpack.i.l.bf16.f32 v38;
	v6 =	vmul.f32 v34, v6;
	v47 =	vpop (erf)  }
0x31c: {  	v48 =	vunpack.i.u.bf16.f32 v40;
	[tilespmem:s10+$0x15260] =	vst v46;
	v7 =	vmul.f32 v47, v7  }
0x31d: {  	v49 =	vunpack.i.l.bf16.f32 v42;
	v13 =	vmul.f32 v48, v47;
	[tilespmem:s10+$0x15230] =	vst v6  }
0x31e: {  	v6 =	vunpack.i.l.bf16.f32 v44;
	v10 =	vmul.f32 v47, v49;
	[tilespmem:s14+$0x152C0] =	vst v7;
	v7 =	vld [tilespmem:s14+$0xDA60]  }
0x31f: {  	v50 =	vunpack.i.u.bf16.f32 v38;
	v51 =	vld [tilespmem:s14+$0xDA70];
	v6 =	vmul.f32 v6, v47;
	[tilespmem:s14+$0x15310] =	vst v13  }
0x320: {  	v8 =	vunpack.i.u.bf16.f32 v44;
	v52 =	vmul.f32 v47, v50;
	[tilespmem:s14+$0x152A0] =	vst v10  }
0x321: {  	v53 =	vunpack.i.l.bf16.f32 v40;
	[tilespmem:s14+$0x152E0] =	vst v6;
	v6 =	vmul.f32 v8, v47  }
0x322: {  	v55 =	vunpack.i.u.bf16.f32 v42;
	v54 =	vmul.f32 v53, v47;
	[tilespmem:s14+$0x152D0] =	vst v52  }
0x323: {  	v9 =	vmul.f32 v47, v55;
	[tilespmem:s14+$0x152F0] =	vst v6;
	v6 =	vunpack.i.l.bf16.f32 v7;
	v56 =	vpop (erf)  }
0x324: {  	v57 =	vunpack.i.l.bf16.f32 v51;
	[tilespmem:s14+$0x15300] =	vst v54;
	v6 =	vmul.f32 v56, v6  }
0x325: {  	v58 =	vunpack.i.u.bf16.f32 v51;
	[tilespmem:s14+$0x152B0] =	vst v9;
	v8 =	vmul.f32 v56, v57  }
0x326: {  	v59 =	vunpack.i.l.bf16.f32 v11;
	v9 =	vmul.f32 v56, v58;
	[tilespmem:s14+$0x15220] =	vst v6  }
0x327: {  	v61 =	vunpack.i.u.bf16.f32 v11;
	v60 =	vmul.f32 v59, v56;
	[tilespmem:s14+$0x15240] =	vst v8  }
0x328: {  	v11 =	vmul.f32 v61, v56;
	v6 =	vunpack.i.u.bf16.f32 v12;
	[tilespmem:s14+$0x15250] =	vst v9  }
0x329: {  	p0 =	seq.s32 s8, $0x28;
	v62 =	vunpack.i.l.bf16.f32 v12;
	[tilespmem:s14+$0x15280] =	vst v60;
	v6 =	vmul.f32 v6, v56  }
.Ltmp3:
0x32a: {  	s29 =	sadd.s32 s9, s12;
	v7 =	vunpack.i.u.bf16.f32 v7;
	v63 =	vmul.f32 v62, v56;
	[tilespmem:s14+$0x15290] =	vst v11;
	(pc) =	sbr.rel @p0 .LBB2_10-.Ltmp3, $4  }
0x32b: {  	s2 =	sshll.u32 s29, $0x4;
	[tilespmem:s14+$0x15270] =	vst v6;
	v6 =	vmul.f32 v56, v7  }
0x32c: {  	s2 =	sand.u32 $0x1FFFFF00, s2;
	[tilespmem:s14+$0x15260] =	vst v63  }
0x32d: {  	s30 =	simm.s32 $0x15220;
	s2 =	sadd.s32 s3, s2;
	[tilespmem:s14+$0x15230] =	vst v6  }
0x32e: {  	[hbm4b:s2+s4] =	stream.linear.scatter [tilespmem:s30], [sflag:$0x6], $0x2800, $0x38;
	[tilespmem:$0x17A70] =	vst v63  }
.Ltmp4:
0x32f: {  	(pc) =	sbr.rel .LBB2_2-.Ltmp4, $4  }
0x330: {  	s2 =	sadd.s32 $0x190, s9;
	s10 =	simm.s32 $0x7620  }
0x331: {  	[tilespmem:s10], [sflag:$0x3] =	stream.indirect.gather [hbm4b:s6+s20], $0x40, s2, s20, $0xb8;
	[tilespmem:$0x17A70] =	vst v63  }
0x332: {  	s29 =	sadd.s32 $0x28A0, s9;
	s30 =	simm.s32 $0xDA20;
	s8 =	sadd.s32 $0x1, s8  }
0x333: {  	[tilespmem:s30], [sflag:$0x3] =	stream.indirect.gather [hbm4b:s7+s20], $0x80, s29, s20, $0xb8;
	[tilespmem:$0x17A70] =	vst v63  }
.LBB2_10:
0x334: {  	_ =	swait.ge [sflag:s31], $0x1400  }
0x335: {  	[sflag:s31] =	ssyncset.done $0x0  }
0x336: {  	[sflag:s31] =	ssyncadd.s32 $0xFFFFEC00  }
0x337: {  	_ =	swait.ge [sflag:s31], $0x2800  }
0x338: {  	[sflag:s31] =	ssyncset.done $0x0  }
0x339: {  	s2 =	simm.s32 $0x4;
	[sflag:s31] =	ssyncadd.s32 $0xFFFFD800  }
0x33a: {  	_ =	swait.ge [sflag:s2], $0x2800  }
0x33b: {  	[sflag:s2] =	ssyncset.done $0x0  }
0x33c: {  	s24 =	simm.s32 $0x4E60;
	[sflag:s2] =	ssyncadd.s32 $0xFFFFD800  }
0x33d: {  	s26 =	simm.s32 $0x8AA0;
	v6 =	vld [tilespmem:s24+$0x0]  }
0x33e: {  	v7 =	vld [tilespmem:s26+$0x0]  }
0x33f: {  	v8 =	vld [tilespmem:s24+$0x10]  }
0x340: {  	v9 =	vld [tilespmem:s26+$0x10]  }
0x341: {  	v10 =	vld [tilespmem:s24+$0x20]  }
0x342: {  	v11 =	vld [tilespmem:s26+$0x20]  }
0x343: {  	v12 =	vld [tilespmem:s24+$0x30]  }
0x344: {  	v13 =	vld [tilespmem:s26+$0x30]  }
0x345: {  	v6 =	vsub.bf16 v6, v7;
	v7 =	vsub.bf16 v8, v9;
	_ =	sdelay $0x1  }
0x346: {  	v8 =	vsub.bf16 v10, v11;
	v6 =	vmax.bf16 v6, v0;
	v7 =	vmax.bf16 v7, v0  }
0x347: {  	v6 =	vmul.bf16 v6, v4;
	v7 =	vmul.bf16 v7, v5  }
0x348: {  	v9 =	vsub.bf16 v12, v13;
	v8 =	vmax.bf16 v8, v0  }
0x349: {  	v6 =	vadd.bf16 v7, v6;
	v7 =	vmul.bf16 v8, v3  }
0x34a: {  	v10 =	vld [tilespmem:s24+$0xFFFFFFD0];
	v9 =	vmax.bf16 v9, v0  }
0x34b: {  	v11 =	vld [tilespmem:s24+$0xFFFFFFC0];
	v6 =	vadd.bf16 v7, v6;
	v7 =	vmul.bf16 v9, v2  }
0x34c: {  	v8 =	vld [tilespmem:s26+$0xFFFFFF80]  }
0x34d: {  	v9 =	vld [tilespmem:s26+$0xFFFFFF90];
	v6 =	vadd.bf16 v7, v6  }
0x34e: {  	v12 =	vld [tilespmem:s26+$0xFFFFFFA0]  }
0x34f: {  	v7 =	vld [tilespmem:s24+$0xFFFFFFE0];
	v13 =	vunpack.i.u.bf16.f32 v6;
	v6 =	vunpack.i.l.bf16.f32 v6  }
0x350: {  	v14 =	vld [tilespmem:s24+$0xFFFFFFF0];
	v6 =	vadd.f32 v6, v13  }
0x351: {  	v13 =	vld [tilespmem:s26+$0xFFFFFFB0]  }
0x352: {  	v8 =	vsub.bf16 v11, v8;
	v9 =	vsub.bf16 v10, v9;
	(xrf2) =	vadd.scan.msk.f32 $0xffff, v6  }
0x353: {  	s8 =	simm.s32 $0x8BA0  }
0x354: {  	s29 =	simm.s32 $0x4EE0;
	v8 =	vmax.bf16 v8, v0;
	v10 =	vld [tilespmem:s8+$0x0];
	v6 =	vmax.bf16 v9, v0;
	v7 =	vsub.bf16 v7, v12  }
0x355: {  	v8 =	vmul.bf16 v8, v4;
	v9 =	vld [tilespmem:s29+$0x0];
	v6 =	vmul.bf16 v6, v5  }
0x356: {  	v12 =	vld [tilespmem:s29+$0x10];
	v7 =	vmax.bf16 v7, v0;
	v11 =	vsub.bf16 v14, v13  }
0x357: {  	v6 =	vadd.bf16 v6, v8;
	v7 =	vmul.bf16 v7, v3;
	v8 =	vld [tilespmem:s8+$0x10]  }
0x358: {  	v13 =	vld [tilespmem:s29+$0x20];
	v11 =	vmax.bf16 v11, v0  }
0x359: {  	v6 =	vadd.bf16 v7, v6;
	v7 =	vmul.bf16 v11, v2;
	v11 =	vld [tilespmem:s8+$0x20]  }
0x35a: {  	v14 =	vld [tilespmem:s29+$0x30];
	v9 =	vsub.bf16 v9, v10  }
0x35b: {  	v6 =	vadd.bf16 v7, v6;
	v7 =	vld [tilespmem:s8+$0x30]  }
0x35c: {  	v9 =	vmax.bf16 v9, v0;
	v8 =	vsub.bf16 v12, v8;
	v15, _, _ =	vpop (xrf2)  }
0x35d: {  	s30 =	simm.s32 $0x4F60;
	v9 =	vmul.bf16 v9, v4;
	v12 =	vbroadcast v15, $0xF  }
0x35e: {  	v17 =	vld [tilespmem:s30+$0x30];
	v10 =	vunpack.i.u.bf16.f32 v6;
	v8 =	vmax.bf16 v8, v0;
	v11 =	vsub.bf16 v13, v11  }
0x35f: {  	v6 =	vunpack.i.l.bf16.f32 v6;
	v13 =	vld [tilespmem:s8+$0xFFFFFF80];
	v8 =	vmul.bf16 v8, v5;
	v12 =	vadd.f32 v12, v1  }
0x360: {  	v15 =	vld [tilespmem:s29+$0xFFFFFFD0];
	v6 =	vadd.f32 v6, v10;
	v11 =	vmax.bf16 v11, v0;
	v7 =	vsub.bf16 v14, v7  }
0x361: {  	v10 =	vld [tilespmem:s8+$0xFFFFFF90];
	v8 =	vadd.bf16 v8, v9;
	v9 =	vmul.bf16 v11, v3;
	v11 =	vmax.f32 v12, $0.0e+00  }
0x362: {  	(xrf2) =	vadd.scan.msk.f32 $0xffff, v6;
	v12 =	vld [tilespmem:s29+$0xFFFFFFC0];
	v7 =	vmax.bf16 v7, v0;
	v6 =	vsub.f32 $0.0e+00, v11  }
0x363: {  	v14 =	vld [tilespmem:s29+$0xFFFFFFF0];
	v8 =	vadd.bf16 v9, v8;
	v7 =	vmul.bf16 v7, v2  }
0x364: {  	v11 =	vld [tilespmem:s29+$0xFFFFFFE0];
	v6 =	vmul.f32 $1.442695020e+00, v6  }
0x365: {  	v9 =	vld [tilespmem:s8+$0xFFFFFFA0];
	v7 =	vadd.bf16 v7, v8  }
0x366: {  	v8 =	vsub.bf16 v15, v10;
	v10 =	vld [tilespmem:s8+$0xFFFFFFB0];
	(erf) = vpow2.f32 v6  }
0x367: {  	v6 =	vld [tilespmem:s26+$0x40];
	v15 =	vunpack.i.u.bf16.f32 v7;
	v7 =	vunpack.i.l.bf16.f32 v7;
	v12 =	vsub.bf16 v12, v13  }
0x368: {  	s9 =	simm.s32 $0x8CA0;
	v13 =	vld [tilespmem:s30+$0x0];
	v7 =	vadd.f32 v7, v15  }
0x369: {  	v8 =	vmax.bf16 v8, v0;
	v15 =	vld [tilespmem:s9+$0x0];
	v12 =	vmax.bf16 v12, v0  }
0x36a: {  	v9 =	vsub.bf16 v11, v9;
	v8 =	vmul.bf16 v8, v5;
	(xrf2) =	vadd.scan.msk.f32 $0xffff, v7;
	v7 =	vld [tilespmem:s30+$0x10];
	v11 =	vmul.bf16 v12, v4  }
0x36b: {  	v12 =	vld [tilespmem:s9+$0x10]  }
0x36c: {  	v9 =	vmax.bf16 v9, v0;
	v10 =	vsub.bf16 v14, v10;
	v14 =	vld [tilespmem:s30+$0x20];
	v8 =	vadd.bf16 v8, v11  }
0x36d: {  	v16, _, _ =	vpop (xrf2);
	v9 =	vmul.bf16 v9, v3;
	v11 =	vld [tilespmem:s9+$0x20]  }
0x36e: {  	v19 =	vld [tilespmem:s9+$0x30];
	v16 =	vbroadcast v16, $0xF;
	v10 =	vmax.bf16 v10, v0  }
0x36f: {  	v18 =	vunpack.i.l.bf16.f32 v6;
	v10 =	vmul.bf16 v10, v2;
	v9 =	vadd.bf16 v9, v8  }
0x370: {  	v6 =	vunpack.i.u.bf16.f32 v6;
	v13 =	vsub.bf16 v13, v15;
	v7 =	vsub.bf16 v7, v12;
	v8 =	vpop (erf)  }
0x371: {  	v9 =	vadd.bf16 v10, v9;
	v12 =	vmul.f32 v8, v18;
	v6 =	vmul.f32 v8, v6  }
0x372: {  	v10 =	vsub.bf16 v14, v11;
	v11 =	vmax.bf16 v13, v0;
	v7 =	vmax.bf16 v7, v0  }
0x373: {  	v15 =	vsub.bf16 v17, v19;
	v11 =	vmul.bf16 v11, v4;
	v7 =	vmul.bf16 v7, v5  }
0x374: {  	s10 =	simm.s32 $0x102A0;
	v13 =	vunpack.i.u.bf16.f32 v9;
	v9 =	vunpack.i.l.bf16.f32 v9;
	v10 =	vmax.bf16 v10, v0;
	v14, _, _ =	vpop (xrf2)  }
0x375: {  	[tilespmem:s10+$0x0] =	vst v12;
	v7 =	vadd.bf16 v7, v11;
	v10 =	vmul.bf16 v10, v3;
	v12 =	vbroadcast v14, $0xF  }
0x376: {  	[tilespmem:s10+$0x10] =	vst v6;
	v6 =	vadd.f32 v9, v13;
	v9 =	vmax.bf16 v15, v0;
	v11 =	vadd.f32 v16, v1  }
0x377: {  	v13 =	vld [tilespmem:s26+$0x50];
	v9 =	vmul.bf16 v9, v2;
	v7 =	vadd.bf16 v10, v7;
	v12 =	vadd.f32 v12, v1  }
0x378: {  	(xrf2) =	vadd.scan.msk.f32 $0xffff, v6;
	v6 =	vld [tilespmem:s30+$0xFFFFFFD0];
	v10 =	vmax.f32 v11, $0.0e+00  }
0x379: {  	v14 =	vld [tilespmem:s30+$0xFFFFFFC0];
	v10 =	vsub.f32 $0.0e+00, v10;
	v7 =	vadd.bf16 v9, v7;
	v12 =	vmax.f32 v12, $0.0e+00  }
0x37a: {  	v9 =	vld [tilespmem:s9+$0xFFFFFF90];
	v12 =	vsub.f32 $0.0e+00, v12  }
0x37b: {  	v11 =	vld [tilespmem:s9+$0xFFFFFF80];
	v10 =	vmul.f32 $1.442695020e+00, v10;
	v15 =	vunpack.i.u.bf16.f32 v7;
	v7 =	vunpack.i.l.bf16.f32 v7  }
0x37c: {  	v16 =	vld [tilespmem:s30+$0xFFFFFFE0];
	v7 =	vadd.f32 v7, v15;
	v12 =	vmul.f32 $1.442695020e+00, v12  }
0x37d: {  	(erf) = vpow2.f32 v10;
	v10 =	vld [tilespmem:s9+$0xFFFFFFA0]  }
0x37e: {  	v15 =	vld [tilespmem:s30+$0xFFFFFFF0];
	(xrf2) =	vadd.scan.msk.f32 $0xffff, v7;
	(erf) = vpow2.f32 v12  }
0x37f: {  	v7 =	vld [tilespmem:s9+$0xFFFFFFB0];
	v6 =	vsub.bf16 v6, v9  }
0x380: {  	s14 =	simm.s32 $0x4FE0;
	v9 =	vsub.bf16 v14, v11  }
0x381: {  	s2 =	simm.s32 $0x8DA0;
	v20 =	vld [tilespmem:s14+$0x20];
	v6 =	vmax.bf16 v6, v0  }
0x382: {  	v17 =	vld [tilespmem:s2+$0x0];
	v9 =	vmax.bf16 v9, v0;
	v10 =	vsub.bf16 v16, v10;
	v16, _, _ =	vpop (xrf2);
	v6 =	vmul.bf16 v6, v5  }
0x383: {  	v11 =	vld [tilespmem:s8+$0x40];
	v12 =	vunpack.i.l.bf16.f32 v13;
	v9 =	vmul.bf16 v9, v4;
	v16 =	vbroadcast v16, $0xF  }
0x384: {  	v18 =	vld [tilespmem:s2+$0x10];
	v13 =	vunpack.i.u.bf16.f32 v13;
	v10 =	vmax.bf16 v10, v0;
	v7 =	vsub.bf16 v15, v7  }
0x385: {  	v14 =	vld [tilespmem:s14+$0x0];
	v9 =	vadd.bf16 v6, v9;
	v10 =	vmul.bf16 v10, v3;
	v16 =	vadd.f32 v16, v1  }
0x386: {  	v19 =	vmul.f32 v8, v12;
	v13 =	vmul.f32 v8, v13;
	v15 =	vld [tilespmem:s14+$0x10];
	v6 =	vpop (erf);
	v7 =	vmax.bf16 v7, v0  }
0x387: {  	v9 =	vadd.bf16 v10, v9;
	v7 =	vmul.bf16 v7, v2;
	v10 =	vld [tilespmem:s2+$0x20];
	v16 =	vmax.f32 v16, $0.0e+00;
	v12 =	vpop (erf)  }
0x388: {  	v21 =	vunpack.i.l.bf16.f32 v11;
	v11 =	vunpack.i.u.bf16.f32 v11;
	v16 =	vsub.f32 $0.0e+00, v16;
	v22, _, _ =	vpop (xrf2)  }
0x389: {  	v23 =	vld [tilespmem:s14+$0x30];
	[tilespmem:s10+$0x20] =	vst v19;
	v7 =	vadd.bf16 v7, v9;
	v19 =	vmul.f32 v12, v21;
	v9 =	vbroadcast v22, $0xF  }
0x38a: {  	s13 =	simm.s32 $0x103A0;
	[tilespmem:s10+$0x30] =	vst v13;
	v13 =	vsub.bf16 v14, v17;
	v21 =	vld [tilespmem:s2+$0x30];
	v11 =	vmul.f32 v12, v11  }
0x38b: {  	v14 =	vsub.bf16 v15, v18;
	v18 =	vld [tilespmem:s26+$0x60];
	v16 =	vmul.f32 $1.442695020e+00, v16;
	[tilespmem:s13+$0x0] =	vst v19;
	v9 =	vadd.f32 v9, v1  }
0x38c: {  	v17 =	vunpack.i.u.bf16.f32 v7;
	[tilespmem:s13+$0x10] =	vst v11;
	v10 =	vsub.bf16 v20, v10;
	v11 =	vmax.bf16 v13, v0;
	v19 =	vld [tilespmem:s2+$0xFFFFFF80]  }
0x38d: {  	v13 =	vmax.bf16 v14, v0;
	(erf) = vpow2.f32 v16;
	v16 =	vld [tilespmem:s14+$0xFFFFFFC0];
	v9 =	vmax.f32 v9, $0.0e+00  }
0x38e: {  	v14 =	vld [tilespmem:s8+$0x50];
	v11 =	vmul.bf16 v11, v4;
	v13 =	vmul.bf16 v13, v5;
	v9 =	vsub.f32 $0.0e+00, v9  }
0x38f: {  	v7 =	vunpack.i.l.bf16.f32 v7;
	v10 =	vmax.bf16 v10, v0;
	v20 =	vsub.bf16 v23, v21  }
0x390: {  	v21 =	vld [tilespmem:s14+$0xFFFFFFD0];
	v11 =	vadd.bf16 v13, v11;
	v10 =	vmul.bf16 v10, v3;
	v9 =	vmul.f32 $1.442695020e+00, v9  }
0x391: {  	v7 =	vadd.f32 v7, v17;
	v13 =	vld [tilespmem:s2+$0xFFFFFF90];
	v20 =	vmax.bf16 v20, v0  }
0x392: {  	v17 =	vld [tilespmem:s14+$0xFFFFFFE0];
	v10 =	vadd.bf16 v10, v11;
	v11 =	vmul.bf16 v20, v2;
	(erf) = vpow2.f32 v9  }
0x393: {  	(xrf2) =	vadd.scan.msk.f32 $0xffff, v7;
	v16 =	vsub.bf16 v16, v19;
	v20 =	vld [tilespmem:s2+$0xFFFFFFA0];
	v7 =	vunpack.i.l.bf16.f32 v14;
	v9 =	vunpack.i.l.bf16.f32 v18  }
0x394: {  	v19 =	vld [tilespmem:s9+$0x40];
	v18 =	vunpack.i.u.bf16.f32 v18;
	v7 =	vmul.f32 v12, v7;
	v10 =	vadd.bf16 v11, v10  }
0x395: {  	v14 =	vunpack.i.u.bf16.f32 v14;
	v9 =	vmul.f32 v9, v8;
	v11 =	vmul.f32 v18, v8;
	v18 =	vld [tilespmem:s14+$0xFFFFFFF0]  }
0x396: {  	v13 =	vsub.bf16 v21, v13;
	v21 =	vld [tilespmem:s2+$0xFFFFFFB0];
	v22 =	vunpack.i.u.bf16.f32 v10;
	v10 =	vunpack.i.l.bf16.f32 v10  }
0x397: {  	[tilespmem:s10+$0x40] =	vst v9;
	v9 =	vmul.f32 v12, v14;
	v10 =	vadd.f32 v10, v22  }
0x398: {  	s16 =	simm.s32 $0x5060;
	v15 =	vld [tilespmem:s26+$0xFFFFFFC0];
	v13 =	vmax.bf16 v13, v0;
	v14 =	vmax.bf16 v16, v0;
	v16 =	vsub.bf16 v17, v20  }
0x399: {  	v26 =	vld [tilespmem:s16+$0x20];
	[tilespmem:s10+$0x50] =	vst v11;
	v11 =	vmul.bf16 v14, v4;
	(xrf2) =	vadd.scan.msk.f32 $0xffff, v10;
	v10 =	vmul.bf16 v13, v5  }
0x39a: {  	[tilespmem:s13+$0x20] =	vst v7;
	v7 =	vpop (erf);
	v23 =	vld [tilespmem:s26+$0x70];
	v16 =	vmax.bf16 v16, v0  }
0x39b: {  	v29 =	vld [tilespmem:s16+$0x10];
	[tilespmem:s13+$0x30] =	vst v9;
	v9 =	vsub.bf16 v18, v21;
	v10 =	vadd.bf16 v10, v11;
	v11 =	vunpack.i.l.bf16.f32 v19;
	v14 =	vpop (erf)  }
0x39c: {  	v22 =	vld [tilespmem:s8+$0xFFFFFFC0];
	v17 =	vunpack.i.u.bf16.f32 v19;
	v16 =	vmul.bf16 v16, v3;
	v11 =	vmul.f32 v14, v11  }
0x39d: {  	s15 =	simm.s32 $0x8EA0;
	s14 =	simm.s32 $0x104A0;
	v20 =	vunpack.i.u.bf16.f32 v15;
	v18 =	vld [tilespmem:s8+$0x60];
	v9 =	vmax.bf16 v9, v0;
	v24 =	vmul.f32 v14, v17  }
0x39e: {  	v42 =	vld [tilespmem:s15+$0xFFFFFF90];
	v15 =	vunpack.i.l.bf16.f32 v15;
	v25, _, _ =	vpop (xrf2);
	v9 =	vmul.bf16 v9, v2;
	v10 =	vadd.bf16 v16, v10;
	[tilespmem:s14+$0x0] =	vst v11  }
0x39f: {  	v16 =	vunpack.i.u.bf16.f32 v23;
	v11 =	vbroadcast v25, $0xF;
	v25 =	vld [tilespmem:s16+$0x0];
	[tilespmem:s14+$0x10] =	vst v24;
	v24 =	vmul.f32 v6, v15  }
0x3a0: {  	v9 =	vadd.bf16 v9, v10;
	v15 =	vmul.f32 v16, v8;
	v16 =	vmul.f32 v6, v20;
	v20 =	vld [tilespmem:s15+$0x0]  }
0x3a1: {  	v19 =	vunpack.i.u.bf16.f32 v22;
	v22 =	vunpack.i.l.bf16.f32 v22;
	v23 =	vunpack.i.l.bf16.f32 v23;
	v10 =	vld [tilespmem:s9+$0x50]  }
0x3a2: {  	v27 =	vunpack.i.l.bf16.f32 v18;
	v11 =	vadd.f32 v11, v1;
	v28 =	vunpack.i.u.bf16.f32 v9;
	[tilespmem:s10+$0xFFFFFF80] =	vst v24;
	v24 =	vld [tilespmem:s15+$0x10]  }
0x3a3: {  	v9 =	vunpack.i.l.bf16.f32 v9;
	[tilespmem:s10+$0xFFFFFF90] =	vst v16;
	v16 =	vunpack.i.u.bf16.f32 v18;
	v18 =	vmul.f32 v27, v12;
	v27 =	vld [tilespmem:s15+$0x20]  }
0x3a4: {  	v41 =	vmul.f32 v16, v12;
	v16 =	vmul.f32 v23, v8;
	v23 =	vld [tilespmem:s15+$0x30];
	v30, _, _ =	vpop (xrf2);
	v11 =	vmax.f32 v11, $0.0e+00  }
0x3a5: {  	v9 =	vadd.f32 v9, v28;
	[tilespmem:s13+$0x40] =	vst v18;
	v18 =	vld [tilespmem:s16+$0x30];
	v40 =	vbroadcast v30, $0xF;
	v11 =	vsub.f32 $0.0e+00, v11  }
0x3a6: {  	v44 =	vld [tilespmem:s15+$0xFFFFFFA0];
	v22 =	vmul.f32 v7, v22  }
0x3a7: {  	v32 =	vld [tilespmem:s2+$0x40];
	(xrf2) =	vadd.scan.msk.f32 $0xffff, v9;
	v20 =	vsub.bf16 v25, v20;
	v9 =	vadd.f32 v40, v1;
	v8 =	vmul.f32 $1.442695020e+00, v11  }
0x3a8: {  	s17 =	simm.s32 $0x50E0;
	v21 =	vld [tilespmem:s2+$0xFFFFFFC0];
	v11 =	vunpack.i.l.bf16.f32 v10;
	v10 =	vunpack.i.u.bf16.f32 v10;
	v24 =	vsub.bf16 v29, v24  }
0x3a9: {  	s28 =	simm.s32 $0x8FA0;
	v55 =	vld [tilespmem:s17+$0x20];
	v26 =	vsub.bf16 v26, v27;
	v11 =	vmul.f32 v14, v11;
	v10 =	vmul.f32 v14, v10  }
0x3aa: {  	v35 =	vld [tilespmem:s28+$0x20];
	v9 =	vmax.f32 v9, $0.0e+00;
	(erf) = vpow2.f32 v8;
	v18 =	vsub.bf16 v18, v23  }
0x3ab: {  	v27 =	vld [tilespmem:s16+$0xFFFFFFD0];
	v9 =	vsub.f32 $0.0e+00, v9;
	[tilespmem:s14+$0x20] =	vst v11;
	v11 =	vmax.bf16 v20, v0;
	v20 =	vmax.bf16 v24, v0  }
0x3ac: {  	v13 =	vld [tilespmem:s9+$0xFFFFFFC0];
	v26 =	vmax.bf16 v26, v0;
	v11 =	vmul.bf16 v11, v4;
	v20 =	vmul.bf16 v20, v5  }
0x3ad: {  	v8 =	vld [tilespmem:s15+$0xFFFFFF80];
	[tilespmem:s14+$0x30] =	vst v10;
	v10 =	vunpack.i.l.bf16.f32 v21;
	v18 =	vmax.bf16 v18, v0;
	v24 =	vmul.f32 $1.442695020e+00, v9  }
0x3ae: {  	v9 =	vunpack.i.u.bf16.f32 v21;
	v21 =	vld [tilespmem:s16+$0xFFFFFFC0];
	v11 =	vadd.bf16 v20, v11;
	v20 =	vmul.bf16 v26, v3  }
0x3af: {  	v19 =	vmul.f32 v7, v19;
	v43 =	vld [tilespmem:s9+$0x60];
	v18 =	vmul.bf16 v18, v2  }
0x3b0: {  	v27 =	vsub.bf16 v27, v42;
	(erf) = vpow2.f32 v24;
	v24 =	vld [tilespmem:s16+$0xFFFFFFE0];
	v11 =	vadd.bf16 v20, v11  }
0x3b1: {  	v48 =	vunpack.i.u.bf16.f32 v32;
	v59 =	vsub.bf16 v55, v35;
	[tilespmem:s13+$0xFFFFFF80] =	vst v22  }
0x3b2: {  	v33 =	vld [tilespmem:s15+$0xFFFFFFB0];
	v17 =	vunpack.i.u.bf16.f32 v13;
	[tilespmem:s13+$0xFFFFFF90] =	vst v19;
	v27 =	vmax.bf16 v27, v0;
	v26, _, _ =	vpop (xrf2);
	v11 =	vadd.bf16 v18, v11  }
0x3b3: {  	v50 =	vld [tilespmem:s8+$0xFFFFFFD0];
	v19 =	vmul.bf16 v27, v5;
	v26 =	vbroadcast v26, $0xF;
	v21 =	vsub.bf16 v21, v8  }
0x3b4: {  	v45 =	vunpack.i.l.bf16.f32 v43;
	v18 =	vld [tilespmem:s16+$0xFFFFFFF0];
	v34 =	vunpack.i.u.bf16.f32 v11;
	v11 =	vunpack.i.l.bf16.f32 v11  }
0x3b5: {  	v21 =	vmax.bf16 v21, v0;
	v24 =	vsub.bf16 v24, v44;
	v46 =	vadd.f32 v11, v34  }
0x3b6: {  	v29 =	vunpack.i.u.bf16.f32 v43;
	v28 =	vmul.f32 v45, v14;
	v21 =	vmul.bf16 v21, v4  }
0x3b7: {  	v52 =	vld [tilespmem:s17+$0x10];
	[tilespmem:s13+$0x50] =	vst v41;
	v22 =	vmul.f32 v29, v14;
	v24 =	vmax.bf16 v24, v0;
	(xrf2) =	vadd.scan.msk.f32 $0xffff, v46  }
0x3b8: {  	v31 =	vld [tilespmem:s26+$0xFFFFFFD0];
	v8 =	vpop (erf);
	[tilespmem:s14+$0x40] =	vst v28;
	v19 =	vadd.bf16 v19, v21;
	v21 =	vmul.bf16 v24, v3;
	v24 =	vadd.f32 v26, v1  }
0x3b9: {  	v25 =	vld [tilespmem:s8+$0x70];
	v60 =	vunpack.i.u.bf16.f32 v50;
	v27 =	vunpack.i.l.bf16.f32 v32;
	[tilespmem:s14+$0x50] =	vst v22;
	v18 =	vsub.bf16 v18, v33;
	v11 =	vpop (erf)  }
0x3ba: {  	v51 =	vld [tilespmem:s9+$0x70];
	v27 =	vmul.f32 v11, v27;
	v19 =	vadd.bf16 v21, v19;
	v21 =	vmax.f32 v24, $0.0e+00  }
0x3bb: {  	v54 =	vld [tilespmem:s28+$0x10];
	[tilespmem:s10+$0x70] =	vst v15;
	v15 =	vunpack.i.l.bf16.f32 v50;
	s16 =	simm.s32 $0x105A0;
	v22 =	vmul.f32 v11, v48;
	v21 =	vsub.f32 $0.0e+00, v21  }
0x3bc: {  	v30 =	vmul.f32 v7, v60;
	v15 =	vmul.f32 v7, v15;
	v26 =	vld [tilespmem:s17+$0x0];
	v18 =	vmax.bf16 v18, v0;
	[tilespmem:s16+$0x0] =	vst v27  }
0x3bd: {  	v13 =	vunpack.i.l.bf16.f32 v13;
	v24 =	vld [tilespmem:s28+$0x0];
	v18 =	vmul.bf16 v18, v2;
	[tilespmem:s16+$0x10] =	vst v22;
	v21 =	vmul.f32 $1.442695020e+00, v21  }
0x3be: {  	v49 =	vunpack.i.l.bf16.f32 v31;
	v23 =	vunpack.i.u.bf16.f32 v25;
	v20 =	vunpack.i.u.bf16.f32 v31;
	v27 =	vld [tilespmem:s2+$0x50]  }
0x3bf: {  	v20 =	vmul.f32 v6, v20;
	v18 =	vadd.bf16 v18, v19;
	v19 =	vunpack.i.u.bf16.f32 v51  }
0x3c0: {  	v28 =	vunpack.i.l.bf16.f32 v51;
	v22 =	vmul.f32 v6, v49;
	v19 =	vmul.f32 v19, v14  }
0x3c1: {  	v57 =	vld [tilespmem:s17+$0x30];
	v56 =	vunpack.i.u.bf16.f32 v18;
	v18 =	vunpack.i.l.bf16.f32 v18;
	(erf) = vpow2.f32 v21;
	v21, _, _ =	vpop (xrf2)  }
0x3c2: {  	[tilespmem:s10+$0xFFFFFFB0] =	vst v20;
	v24 =	vsub.bf16 v26, v24;
	v26 =	vld [tilespmem:s28+$0x30];
	v18 =	vadd.f32 v18, v56;
	v20 =	vbroadcast v21, $0xF  }
0x3c3: {  	v47 =	vld [tilespmem:s15+$0xFFFFFFC0];
	[tilespmem:s10+$0xFFFFFFA0] =	vst v22;
	v22 =	vunpack.i.u.bf16.f32 v27;
	v21 =	vunpack.i.l.bf16.f32 v27;
	v27 =	vsub.bf16 v52, v54  }
0x3c4: {  	v58 =	vld [tilespmem:s17+$0xFFFFFFD0];
	v24 =	vmax.bf16 v24, v0;
	(xrf2) =	vadd.scan.msk.f32 $0xffff, v18;
	v21 =	vmul.f32 v11, v21;
	v18 =	vadd.f32 v20, v1  }
0x3c5: {  	v20 =	vmul.f32 v11, v22;
	v22 =	vmul.f32 v28, v14;
	v14 =	vld [tilespmem:s28+$0xFFFFFF90];
	v27 =	vmax.bf16 v27, v0  }
0x3c6: {  	v25 =	vunpack.i.l.bf16.f32 v25;
	v24 =	vmul.bf16 v24, v4;
	[tilespmem:s16+$0x20] =	vst v21;
	v21 =	vld [tilespmem:s26+$0xFFFFFFE0];
	v27 =	vmul.bf16 v27, v5  }
0x3c7: {  	v23 =	vmul.f32 v23, v12;
	v25 =	vmul.f32 v25, v12;
	v26 =	vsub.bf16 v57, v26;
	[tilespmem:s16+$0x30] =	vst v20;
	v20 =	vld [tilespmem:s28+$0xFFFFFF80]  }
0x3c8: {  	v28 =	vmax.bf16 v59, v0;
	v18 =	vmax.f32 v18, $0.0e+00;
	v24 =	vadd.bf16 v27, v24;
	v27 =	vld [tilespmem:s17+$0xFFFFFFC0]  }
0x3c9: {  	v12 =	vunpack.i.u.bf16.f32 v47;
	v28 =	vmul.bf16 v28, v3;
	v61 =	vld [tilespmem:s2+$0x60];
	v18 =	vsub.f32 $0.0e+00, v18  }
0x3ca: {  	[tilespmem:s10+$0x60] =	vst v16;
	v53 =	vmul.f32 v8, v13;
	v13 =	vunpack.i.l.bf16.f32 v47;
	v26 =	vmax.bf16 v26, v0  }
0x3cb: {  	v62 =	vld [tilespmem:s17+$0xFFFFFFE0];
	[tilespmem:s13+$0xFFFFFFB0] =	vst v30;
	v26 =	vmul.bf16 v26, v2;
	v16 =	vmul.f32 $1.442695020e+00, v18;
	v18 =	vadd.bf16 v28, v24  }
0x3cc: {  	[tilespmem:s13+$0x70] =	vst v23;
	v17 =	vmul.f32 v8, v17;
	v14 =	vsub.bf16 v58, v14;
	v24 =	vld [tilespmem:s28+$0xFFFFFFA0];
	v23 =	vunpack.i.u.bf16.f32 v21  }
0x3cd: {  	[tilespmem:s14+$0x70] =	vst v19;
	(erf) = vpow2.f32 v16;
	v16 =	vld [tilespmem:s17+$0xFFFFFFF0];
	v18 =	vadd.bf16 v26, v18;
	v19 =	vsub.bf16 v27, v20  }
0x3ce: {  	[tilespmem:s13+$0x60] =	vst v25;
	v14 =	vmax.bf16 v14, v0;
	v20 =	vld [tilespmem:s28+$0xFFFFFFB0];
	v25 =	vunpack.i.l.bf16.f32 v61;
	v26 =	vunpack.i.u.bf16.f32 v61  }
0x3cf: {  	[tilespmem:s13+$0xFFFFFFA0] =	vst v15;
	v14 =	vmul.bf16 v14, v5;
	v25 =	vmul.f32 v25, v11;
	v19 =	vmax.bf16 v19, v0  }
0x3d0: {  	[tilespmem:s14+$0xFFFFFF90] =	vst v17;
	v21 =	vunpack.i.l.bf16.f32 v21;
	v17, _, _ =	vpop (xrf2);
	v27 =	vld [tilespmem:s28+$0xFFFFFFC0];
	v26 =	vmul.f32 v26, v11;
	v19 =	vmul.bf16 v19, v4  }
0x3d1: {  	v23 =	vmul.f32 v23, v6;
	v17 =	vbroadcast v17, $0xF;
	v24 =	vsub.bf16 v62, v24;
	[tilespmem:s16+$0x40] =	vst v25;
	v25 =	vld [tilespmem:s15+$0x40]  }
0x3d2: {  	[tilespmem:s16+$0x50] =	vst v26;
	v26 =	vunpack.i.u.bf16.f32 v18;
	v18 =	vunpack.i.l.bf16.f32 v18;
	v15 =	vadd.bf16 v14, v19  }
0x3d3: {  	[tilespmem:s14+$0xFFFFFF80] =	vst v53;
	v24 =	vmax.bf16 v24, v0;
	v63 =	vadd.f32 v18, v26;
	v20 =	vsub.bf16 v16, v20;
	v16 =	vld [tilespmem:s2+$0x70]  }
0x3d4: {  	v21 =	vmul.f32 v21, v6;
	[tilespmem:s10+$0xFFFFFFD0] =	vst v23;
	v19 =	vmul.bf16 v24, v3;
	v24 =	vadd.f32 v17, v1  }
0x3d5: {  	v14 =	vpop (erf);
	v18 =	vunpack.i.u.bf16.f32 v27;
	v17 =	vunpack.i.l.bf16.f32 v27;
	(xrf2) =	vadd.scan.msk.f32 $0xffff, v63;
	v23 =	vmax.bf16 v20, v0  }
0x3d6: {  	[tilespmem:s14+$0x60] =	vst v22;
	v20 =	vld [tilespmem:s9+$0xFFFFFFD0];
	v27 =	vadd.bf16 v19, v15;
	v23 =	vmul.bf16 v23, v2;
	v19 =	vunpack.i.l.bf16.f32 v25;
	v15 =	vpop (erf)  }
0x3d7: {  	s21 =	simm.s32 $0xA;
	[tilespmem:s10+$0xFFFFFFC0] =	vst v21;
	v21 =	vld [tilespmem:s8+$0xFFFFFFE0];
	v22 =	vmax.f32 v24, $0.0e+00;
	v25 =	vunpack.i.u.bf16.f32 v25;
	v26 =	vmul.f32 v15, v19  }
0x3d8: {  	s22 =	simm.s32 $0x5160;
	s24 =	simm.s32 $0x8FA0;
	s17 =	simm.s32 $0x106A0;
	v19 =	vld [tilespmem:s26+$0xFFFFFFF0];
	v24 =	vadd.bf16 v23, v27;
	v25 =	vmul.f32 v15, v25;
	v23 =	vunpack.i.u.bf16.f32 v16  }
.LBB2_11:
0x3d9: {  	v27 =	vld [tilespmem:s22+$0x20];
	v22 =	vsub.f32 $0.0e+00, v22;
	[tilespmem:s17+$0x0] =	vst v26;
	v26 =	vmul.f32 v14, v10;
	v23 =	vmul.f32 v23, v11;
	v10 =	vmovc v13  }
0x3da: {  	v28 =	vld [tilespmem:s22+$0x0];
	v29 =	vunpack.i.u.bf16.f32 v24;
	v24 =	vunpack.i.l.bf16.f32 v24;
	[tilespmem:s17+$0x10] =	vst v25;
	v25 =	vmul.f32 v14, v9;
	v9 =	vmovc v12;
	v12 =	vmovc v18  }
0x3db: {  	s28 =	sadd.s32 $0x100, s28;
	v13 =	vmovc v17;
	v18 =	vadd.f32 v24, v29;
	v22 =	vmul.f32 $1.442695020e+00, v22;
	v24 =	vld [tilespmem:s15+$0x50];
	[tilespmem:s16+$0x70] =	vst v23;
	v23 =	vunpack.i.u.bf16.f32 v20  }
0x3dc: {  	v20 =	vunpack.i.l.bf16.f32 v20;
	v17 =	vld [tilespmem:s28+$0x0];
	[tilespmem:s16+$0xFFFFFF80] =	vst v26;
	v23 =	vmul.f32 v8, v23;
	v26 =	vunpack.i.u.bf16.f32 v21  }
0x3dd: {  	v29 =	vld [tilespmem:s22+$0x10];
	(xrf2) =	vadd.scan.msk.f32 $0xffff, v18;
	(erf) = vpow2.f32 v22;
	[tilespmem:s16+$0xFFFFFF90] =	vst v25;
	v18 =	vmul.f32 v8, v20  }
0x3de: {  	v21 =	vunpack.i.l.bf16.f32 v21;
	v22 =	vmul.f32 v26, v7;
	v20 =	vld [tilespmem:s28+$0x10];
	[tilespmem:s14+$0xFFFFFFB0] =	vst v23;
	v23 =	vunpack.i.u.bf16.f32 v19  }
0x3df: {  	v16 =	vunpack.i.l.bf16.f32 v16;
	v19 =	vunpack.i.l.bf16.f32 v19;
	v25 =	vld [tilespmem:s28+$0x20];
	v26, _, _ =	vpop (xrf2);
	[tilespmem:s14+$0xFFFFFFA0] =	vst v18;
	v18 =	vmul.f32 v21, v7  }
0x3e0: {  	v19 =	vmul.f32 v19, v6;
	v21 =	vld [tilespmem:s28+$0xFFFFFF80];
	v26 =	vbroadcast v26, $0xF;
	v30 =	vunpack.i.l.bf16.f32 v24;
	[tilespmem:s13+$0xFFFFFFD0] =	vst v22  }
0x3e1: {  	s21 =	sadd.s32 $0x2, s21;
	v24 =	vunpack.i.u.bf16.f32 v24;
	v22 =	vld [tilespmem:s22+$0x30];
	v30 =	vmul.f32 v15, v30;
	[tilespmem:s13+$0xFFFFFFC0] =	vst v18;
	v18 =	vmul.f32 v23, v6;
	v6 =	vmovc v7  }
0x3e2: {  	p0 =	slt.u32 s21, $0x4E;
	v16 =	vmul.f32 v16, v11;
	v24 =	vmul.f32 v15, v24;
	v23 =	vld [tilespmem:s28+$0x30];
	v26 =	vadd.f32 v26, v1;
	[tilespmem:s10+$0xFFFFFFE0] =	vst v19  }
0x3e3: {  	v17 =	vsub.bf16 v28, v17;
	v7 =	vmovc v8;
	v8 =	vmov v14;
	v19 =	vld [tilespmem:s22+$0xFFFFFFD0];
	v20 =	vsub.bf16 v29, v20;
	[tilespmem:s17+$0x20] =	vst v30  }
0x3e4: {  	v11 =	vmov v15;
	v28 =	vld [tilespmem:s28+$0xFFFFFF90];
	v25 =	vsub.bf16 v27, v25;
	v26 =	vmax.f32 v26, $0.0e+00;
	[tilespmem:s17+$0x30] =	vst v24  }
0x3e5: {  	v15 =	vmax.bf16 v17, v0;
	v17 =	vmax.bf16 v20, v0;
	v20 =	vsub.f32 $0.0e+00, v26;
	v24 =	vld [tilespmem:s15+$0x60];
	[tilespmem:s10+$0xFFFFFFF0] =	vst v18;
	s10 =	smov.u32 s13;
	s13 =	smov.u32 s14;
	s14 =	smov.u32 s16  }
0x3e6: {  	v15 =	vmul.bf16 v15, v4;
	s16 =	smov.u32 s17;
	v18 =	vld [tilespmem:s22+$0xFFFFFFC0];
	v17 =	vmul.bf16 v17, v5;
	v14 =	vpop (erf);
	[tilespmem:s14+$0x60] =	vst v16  }
0x3e7: {  	v25 =	vmax.bf16 v25, v0;
	v16 =	vld [tilespmem:s22+$0xFFFFFFE0];
	v22 =	vsub.bf16 v22, v23;
	v20 =	vmul.f32 $1.442695020e+00, v20;
	v23, _, _ =	vpop (xrf2)  }
0x3e8: {  	v26 =	vld [tilespmem:s28+$0xFFFFFFA0];
	v15 =	vadd.bf16 v17, v15;
	v17 =	vmul.bf16 v25, v3;
	v23 =	vbroadcast v23, $0xF  }
0x3e9: {  	v19 =	vsub.bf16 v19, v28;
	v25 =	vld [tilespmem:s22+$0xFFFFFFF0];
	v22 =	vmax.bf16 v22, v0;
	(erf) = vpow2.f32 v20  }
0x3ea: {  	v27 =	vld [tilespmem:s28+$0xFFFFFFB0];
	v15 =	vadd.bf16 v17, v15;
	v17 =	vmul.bf16 v22, v2;
	v20 =	vunpack.i.l.bf16.f32 v24  }
0x3eb: {  	v18 =	vsub.bf16 v18, v21;
	v22 =	vld [tilespmem:s28+$0xFFFFFFC0];
	v21 =	vunpack.i.u.bf16.f32 v24;
	v24 =	vmul.f32 v20, v11  }
0x3ec: {  	v19 =	vmax.bf16 v19, v0;
	v15 =	vadd.bf16 v17, v15;
	v17 =	vmul.f32 v21, v11;
	v20 =	vld [tilespmem:s2+$0xFFFFFFD0]  }
0x3ed: {  	v19 =	vmul.bf16 v19, v5;
	v18 =	vmax.bf16 v18, v0;
	v16 =	vsub.bf16 v16, v26;
	v26 =	vld [tilespmem:s24+$0x40];
	[tilespmem:s17+$0x40] =	vst v24  }
0x3ee: {  	v18 =	vmul.bf16 v18, v4;
	v24 =	vunpack.i.u.bf16.f32 v15;
	v15 =	vunpack.i.l.bf16.f32 v15;
	[tilespmem:s17+$0x50] =	vst v17;
	v21 =	vld [tilespmem:s9+$0xFFFFFFE0]  }
0x3ef: {  	v17 =	vmax.bf16 v16, v0;
	v25 =	vsub.bf16 v25, v27;
	v28 =	vadd.f32 v15, v24;
	v16 =	vld [tilespmem:s15+$0x70]  }
.Ltmp5:
0x3f0: {  	v23 =	vadd.f32 v23, v1;
	v24 =	vadd.bf16 v19, v18;
	v27 =	vmul.bf16 v17, v3;
	v19 =	vld [tilespmem:s8+$0xFFFFFFF0];
	s8 =	smov.u32 s9;
	s9 =	smov.u32 s2;
	(pc) =	sbr.rel @p0 .LBB2_11-.Ltmp5, $4  }
0x3f1: {  	v18 =	vunpack.i.u.bf16.f32 v22;
	v17 =	vunpack.i.l.bf16.f32 v22;
	s2 =	smov.u32 s15;
	s15 =	smov.u32 s24;
	s24 =	smov.u32 s28;
	v25 =	vmax.bf16 v25, v0;
	(xrf2) =	vadd.scan.msk.f32 $0xffff, v28  }
0x3f2: {  	v24 =	vadd.bf16 v27, v24;
	v25 =	vmul.bf16 v25, v2;
	v27 =	vunpack.i.l.bf16.f32 v26;
	v15 =	vpop (erf)  }
0x3f3: {  	v22 =	vmax.f32 v23, $0.0e+00;
	v23 =	vunpack.i.u.bf16.f32 v26;
	v26 =	vmul.f32 v15, v27  }
0x3f4: {  	s22 =	sadd.s32 $0x80, s22;
	s17 =	sadd.s32 $0x100, s17;
	v24 =	vadd.bf16 v25, v24;
	v25 =	vmul.f32 v15, v23;
	v23 =	vunpack.i.u.bf16.f32 v16  }
0x3f5: {  	_ = 	snop  }
0x3f6: {  	v27 =	vunpack.i.u.bf16.f32 v24;
	v24 =	vunpack.i.l.bf16.f32 v24  }
0x3f7: {  	[tilespmem:s17+$0x0] =	vst v26;
	v24 =	vadd.f32 v24, v27  }
0x3f8: {  	[tilespmem:s17+$0x10] =	vst v25  }
0x3f9: {  	v25 =	vld [tilespmem:s15+$0x50];
	(xrf2) =	vadd.scan.msk.f32 $0xffff, v24;
	_ =	sdelay $0x2  }
0x3fa: {  	v24, _, _ =	vpop (xrf2)  }
0x3fb: {  	v24 =	vbroadcast v24, $0xF  }
0x3fc: {  	v26 =	vunpack.i.l.bf16.f32 v25  }
0x3fd: {  	v22 =	vsub.f32 $0.0e+00, v22;
	v26 =	vmul.f32 v15, v26;
	v24 =	vadd.f32 v24, v1  }
0x3fe: {  	v25 =	vunpack.i.u.bf16.f32 v25  }
0x3ff: {  	v22 =	vmul.f32 $1.442695020e+00, v22;
	v25 =	vmul.f32 v15, v25;
	v24 =	vmax.f32 v24, $0.0e+00  }
0x400: {  	[tilespmem:s17+$0x20] =	vst v26;
	v24 =	vsub.f32 $0.0e+00, v24  }
0x401: {  	(erf) = vpow2.f32 v22;
	[tilespmem:s17+$0x30] =	vst v25;
	v26, _, _ =	vpop (xrf2)  }
0x402: {  	v25 =	vld [tilespmem:s15+$0x60];
	v24 =	vmul.f32 $1.442695020e+00, v24;
	v22 =	vbroadcast v26, $0xF  }
0x403: {  	v23 =	vmul.f32 v23, v11  }
0x404: {  	v10 =	vmul.f32 v14, v10;
	(erf) = vpow2.f32 v24;
	v22 =	vadd.f32 v22, v1  }
0x405: {  	v9 =	vmul.f32 v14, v9;
	v16 =	vunpack.i.l.bf16.f32 v16;
	[tilespmem:s16+$0x70] =	vst v23;
	v23 =	vunpack.i.u.bf16.f32 v20  }
0x406: {  	v11 =	vmul.f32 v16, v11;
	[tilespmem:s16+$0xFFFFFF80] =	vst v10;
	v10 =	vmul.f32 v8, v23;
	v22 =	vmax.f32 v22, $0.0e+00  }
0x407: {  	[tilespmem:s16+$0xFFFFFF90] =	vst v9;
	v23 =	vunpack.i.l.bf16.f32 v25;
	v9 =	vunpack.i.u.bf16.f32 v25;
	v22 =	vsub.f32 $0.0e+00, v22  }
0x408: {  	[tilespmem:s16+$0x60] =	vst v11;
	v24 =	vld [tilespmem:s24+$0x40];
	v23 =	vmul.f32 v23, v15;
	v9 =	vmul.f32 v9, v15  }
0x409: {  	v20 =	vunpack.i.l.bf16.f32 v20;
	[tilespmem:s14+$0xFFFFFFB0] =	vst v10;
	v22 =	vmul.f32 $1.442695020e+00, v22  }
0x40a: {  	v20 =	vmul.f32 v8, v20;
	v10 =	vunpack.i.u.bf16.f32 v21;
	[tilespmem:s17+$0x40] =	vst v23  }
0x40b: {  	v21 =	vunpack.i.l.bf16.f32 v21;
	v10 =	vmul.f32 v10, v7;
	[tilespmem:s17+$0x50] =	vst v9  }
0x40c: {  	[tilespmem:s14+$0xFFFFFFA0] =	vst v20;
	v20 =	vmul.f32 v21, v7;
	v21 =	vunpack.i.l.bf16.f32 v19;
	v23 =	vld [tilespmem:s15+$0x70];
	v9 =	vpop (erf);
	(erf) = vpow2.f32 v22  }
0x40d: {  	[tilespmem:s13+$0xFFFFFFD0] =	vst v10;
	v10 =	vmul.f32 v21, v6;
	v21 =	vunpack.i.l.bf16.f32 v24;
	v22 =	vpop (erf)  }
0x40e: {  	[tilespmem:s13+$0xFFFFFFC0] =	vst v20;
	v20 =	vunpack.i.u.bf16.f32 v24;
	v21 =	vmul.f32 v22, v21  }
0x40f: {  	s21 =	sadd.s32 $0x100, s17;
	v19 =	vunpack.i.u.bf16.f32 v19;
	[tilespmem:s10+$0xFFFFFFE0] =	vst v10;
	v10 =	vld [tilespmem:s2+$0xFFFFFFD0];
	v20 =	vmul.f32 v22, v20  }
0x410: {  	v6 =	vmul.f32 v19, v6;
	[tilespmem:s21+$0x0] =	vst v21  }
0x411: {  	v11 =	vmul.f32 v9, v13;
	v16 =	vunpack.i.u.bf16.f32 v23;
	[tilespmem:s21+$0x10] =	vst v20  }
0x412: {  	[tilespmem:s10+$0xFFFFFFF0] =	vst v6;
	v6 =	vmul.f32 v16, v15;
	v16 =	vld [tilespmem:s24+$0x50];
	_ =	sdelay $0x1  }
0x413: {  	v12 =	vmul.f32 v9, v12;
	[tilespmem:s17+$0x70] =	vst v6;
	v6 =	vunpack.i.u.bf16.f32 v10  }
0x414: {  	v13 =	vld [tilespmem:s9+$0xFFFFFFE0];
	[tilespmem:s17+$0xFFFFFF80] =	vst v11;
	v6 =	vmul.f32 v14, v6;
	v11 =	vpop (erf)  }
0x415: {  	[tilespmem:s17+$0xFFFFFF90] =	vst v12;
	v12 =	vmul.f32 v11, v17  }
0x416: {  	[tilespmem:s16+$0xFFFFFFB0] =	vst v6;
	v17 =	vld [tilespmem:s8+$0xFFFFFFF0];
	v18 =	vmul.f32 v11, v18;
	v6 =	vunpack.i.l.bf16.f32 v16  }
0x417: {  	v19 =	vld [tilespmem:s15+$0xFFFFFFD0];
	v16 =	vunpack.i.u.bf16.f32 v16;
	v6 =	vmul.f32 v22, v6;
	[tilespmem:s21+$0xFFFFFF80] =	vst v12  }
0x418: {  	v10 =	vunpack.i.l.bf16.f32 v10;
	v12 =	vmul.f32 v22, v16;
	[tilespmem:s21+$0xFFFFFF90] =	vst v18  }
0x419: {  	v10 =	vmul.f32 v14, v10;
	v16 =	vunpack.i.u.bf16.f32 v13;
	[tilespmem:s21+$0x20] =	vst v6;
	v6 =	vld [tilespmem:s24+$0xFFFFFFD0]  }
0x41a: {  	v13 =	vunpack.i.l.bf16.f32 v13;
	v16 =	vmul.f32 v16, v8;
	[tilespmem:s21+$0x30] =	vst v12  }
0x41b: {  	[tilespmem:s16+$0xFFFFFFA0] =	vst v10;
	v10 =	vmul.f32 v13, v8;
	v12 =	vunpack.i.l.bf16.f32 v17;
	v13 =	vld [tilespmem:s24+$0x60]  }
0x41c: {  	[tilespmem:s14+$0xFFFFFFD0] =	vst v16;
	v16 =	vunpack.i.u.bf16.f32 v19;
	v12 =	vmul.f32 v12, v7  }
0x41d: {  	[tilespmem:s14+$0xFFFFFFC0] =	vst v10;
	v10 =	vunpack.i.l.bf16.f32 v19;
	v16 =	vmul.f32 v9, v16  }
0x41e: {  	v10 =	vmul.f32 v9, v10;
	[tilespmem:s13+$0xFFFFFFE0] =	vst v12;
	v12 =	vunpack.i.u.bf16.f32 v6  }
0x41f: {  	v18 =	vld [tilespmem:s2+$0xFFFFFFE0];
	[tilespmem:s17+$0xFFFFFFB0] =	vst v16;
	v6 =	vunpack.i.l.bf16.f32 v6;
	v12 =	vmul.f32 v11, v12  }
0x420: {  	[tilespmem:s17+$0xFFFFFFA0] =	vst v10;
	v16 =	vunpack.i.l.bf16.f32 v13;
	v6 =	vmul.f32 v11, v6  }
0x421: {  	v10 =	vunpack.i.u.bf16.f32 v13;
	v13 =	vmul.f32 v16, v22;
	v16 =	vld [tilespmem:s15+$0xFFFFFFE0];
	[tilespmem:s21+$0xFFFFFFB0] =	vst v12  }
0x422: {  	v10 =	vmul.f32 v10, v22;
	v12 =	vunpack.i.u.bf16.f32 v17;
	[tilespmem:s21+$0xFFFFFFA0] =	vst v6  }
0x423: {  	v6 =	vunpack.i.l.bf16.f32 v23;
	v7 =	vmul.f32 v12, v7;
	[tilespmem:s21+$0x40] =	vst v13;
	v12 =	vld [tilespmem:s24+$0xFFFFFFE0]  }
0x424: {  	v6 =	vmul.f32 v6, v15;
	[tilespmem:s21+$0x50] =	vst v10;
	v10 =	vunpack.i.u.bf16.f32 v18  }
0x425: {  	v13 =	vunpack.i.l.bf16.f32 v18;
	v10 =	vmul.f32 v10, v14;
	[tilespmem:s13+$0xFFFFFFF0] =	vst v7;
	v7 =	vld [tilespmem:s24+$0x70]  }
0x426: {  	v13 =	vmul.f32 v13, v14;
	[tilespmem:s17+$0x60] =	vst v6;
	v15 =	vunpack.i.u.bf16.f32 v16  }
0x427: {  	v6 =	vld [tilespmem:s9+$0xFFFFFFF0];
	[tilespmem:s16+$0xFFFFFFD0] =	vst v10;
	v10 =	vunpack.i.l.bf16.f32 v16;
	v15 =	vmul.f32 v15, v9  }
0x428: {  	[tilespmem:s16+$0xFFFFFFC0] =	vst v13;
	v10 =	vmul.f32 v10, v9;
	v13 =	vunpack.i.u.bf16.f32 v12  }
0x429: {  	v16 =	vld [tilespmem:s2+$0xFFFFFFF0];
	v12 =	vunpack.i.l.bf16.f32 v12;
	[tilespmem:s17+$0xFFFFFFD0] =	vst v15;
	v13 =	vmul.f32 v13, v11  }
0x42a: {  	[tilespmem:s17+$0xFFFFFFC0] =	vst v10;
	v10 =	vmul.f32 v12, v11;
	v15 =	vunpack.i.u.bf16.f32 v7  }
0x42b: {  	v17 =	vld [tilespmem:s15+$0xFFFFFFF0];
	v7 =	vunpack.i.l.bf16.f32 v7;
	v12 =	vmul.f32 v15, v22;
	[tilespmem:s21+$0xFFFFFFD0] =	vst v13  }
0x42c: {  	v15 =	vunpack.i.l.bf16.f32 v6;
	v6 =	vunpack.i.u.bf16.f32 v6;
	[tilespmem:s21+$0xFFFFFFC0] =	vst v10;
	v7 =	vmul.f32 v7, v22  }
0x42d: {  	v13 =	vmul.f32 v15, v8;
	v6 =	vmul.f32 v6, v8;
	v8 =	vld [tilespmem:s24+$0xFFFFFFF0];
	[tilespmem:s21+$0x70] =	vst v12  }
0x42e: {  	v10 =	vunpack.i.l.bf16.f32 v16;
	[tilespmem:s21+$0x60] =	vst v7  }
0x42f: {  	v10 =	vmul.f32 v10, v14;
	[tilespmem:s14+$0xFFFFFFF0] =	vst v6;
	v6 =	vunpack.i.u.bf16.f32 v16  }
0x430: {  	[tilespmem:s14+$0xFFFFFFE0] =	vst v13;
	v6 =	vmul.f32 v6, v14;
	v7 =	vunpack.i.l.bf16.f32 v17  }
0x431: {  	[tilespmem:s16+$0xFFFFFFE0] =	vst v10;
	v10 =	vunpack.i.u.bf16.f32 v17;
	v7 =	vmul.f32 v7, v9  }
0x432: {  	[tilespmem:s16+$0xFFFFFFF0] =	vst v6;
	v6 =	vmul.f32 v10, v9;
	v9 =	vunpack.i.l.bf16.f32 v8  }
0x433: {  	[tilespmem:s17+$0xFFFFFFE0] =	vst v7;
	v7 =	vunpack.i.u.bf16.f32 v8;
	v8 =	vmul.f32 v9, v11  }
0x434: {  	[tilespmem:s17+$0xFFFFFFF0] =	vst v6;
	v6 =	vmul.f32 v7, v11  }
0x435: {  	[tilespmem:s21+$0xFFFFFFE0] =	vst v8  }
0x436: {  	[tilespmem:s21+$0xFFFFFFF0] =	vst v6  }
0x437: {  	s15 =	rddreg [dreg:$0x6]  }
0x438: {  	[hbm4b:s15+s4] =	stream.linear.scatter [tilespmem:s0], [sflag:$0x4], $0x2800, $0x38;
	[tilespmem:$0x17A70] =	vst v63  }
0x439: {  	_ =	swait.ge [sflag:s1], $0x1400  }
0x43a: {  	[sflag:s1] =	ssyncset.done $0x0  }
0x43b: {  	[sflag:s1] =	ssyncadd.s32 $0xFFFFEC00  }
0x43c: {  	_ =	swait.ge [sflag:s1], $0x2800  }
0x43d: {  	[sflag:s1] =	ssyncset.done $0x0  }
0x43e: {  	s16 =	simm.s32 $0x5;
	[sflag:s1] =	ssyncadd.s32 $0xFFFFD800  }
0x43f: {  	_ =	swait.ge [sflag:s16], $0x2800  }
0x440: {  	[sflag:s16] =	ssyncset.done $0x0  }
0x441: {  	s15 =	simm.s32 $0xB310;
	[sflag:s16] =	ssyncadd.s32 $0xFFFFD800  }
0x442: {  	v6 =	vld [tilespmem:s15+$0xFFFFFF90]  }
0x443: {  	s17 =	simm.s32 $0x6290;
	v7 =	vld [tilespmem:s15+$0xFFFFFF40]  }
0x444: {  	v8 =	vld [tilespmem:s17+$0xFFFFFFA0]  }
0x445: {  	v9 =	vld [tilespmem:s17+$0xFFFFFFB0]  }
0x446: {  	v10 =	vld [tilespmem:s15+$0xFFFFFF10]  }
0x447: {  	v11 =	vld [tilespmem:s15+$0xFFFFFFB0]  }
0x448: {  	v12 =	vld [tilespmem:s15+$0xFFFFFF20]  }
0x449: {  	v13 =	vld [tilespmem:s17+$0xFFFFFFF0]  }
0x44a: {  	v14 =	vld [tilespmem:s15+$0xFFFFFF30]  }
0x44b: {  	v15 =	vld [tilespmem:s17+$0xFFFFFFC0]  }
0x44c: {  	v16 =	vld [tilespmem:s17+$0xFFFFFFD0]  }
0x44d: {  	v17 =	vld [tilespmem:s15+$0xFFFFFFA0]  }
0x44e: {  	v18 =	vld [tilespmem:s17+$0xFFFFFFE0]  }
0x44f: {  	v19 =	vld [tilespmem:s17+$0xFFFFFF90]  }
0x450: {  	v20 =	vld [tilespmem:s17+$0x0]  }
0x451: {  	s13 =	simm.s32 $0xB410;
	v21 =	vld [tilespmem:s15+$0xFFFFFFC0]  }
0x452: {  	v22 =	vld [tilespmem:s13+$0xFFFFFF90]  }
0x453: {  	s21 =	simm.s32 $0x6310;
	v23 =	vld [tilespmem:s13+$0xFFFFFF40];
	v8 =	vsub.bf16 v8, v12  }
0x454: {  	v12 =	vld [tilespmem:s21+$0xFFFFFFD0];
	v6 =	vsub.bf16 v16, v6;
	v16 =	vsub.bf16 v18, v17  }
0x455: {  	v17 =	vld [tilespmem:s13+$0xFFFFFFA0];
	v11 =	vsub.bf16 v13, v11;
	v9 =	vsub.bf16 v9, v14  }
0x456: {  	v13 =	vld [tilespmem:s21+$0xFFFFFFE0];
	v7 =	vsub.bf16 v15, v7;
	v10 =	vsub.bf16 v19, v10  }
0x457: {  	v27 =	vld [tilespmem:s13+$0xFFFFFFB0];
	v19 =	vsub.bf16 v20, v21;
	v6 =	vmax.bf16 v6, v0;
	v16 =	vmax.bf16 v16, v0  }
0x458: {  	v18 =	vld [tilespmem:s21+$0xFFFFFFF0];
	v8 =	vmax.bf16 v8, v0;
	v6 =	vmul.bf16 v6, v4;
	v14 =	vmul.bf16 v16, v5  }
0x459: {  	v15 =	vld [tilespmem:s21+$0x0];
	v11 =	vmax.bf16 v11, v0;
	v9 =	vmax.bf16 v9, v0;
	v10 =	vmax.bf16 v10, v0  }
0x45a: {  	v7 =	vmax.bf16 v7, v0;
	v11 =	vmul.bf16 v11, v3;
	v6 =	vadd.bf16 v14, v6;
	v14 =	vld [tilespmem:s13+$0xFFFFFFC0]  }
0x45b: {  	v24 =	vld [tilespmem:s21+$0xFFFFFFA0];
	v10 =	vmul.bf16 v10, v4;
	v12 =	vsub.bf16 v12, v22;
	v13 =	vsub.bf16 v13, v17  }
0x45c: {  	v25 =	vld [tilespmem:s21+$0xFFFFFFB0];
	v8 =	vmul.bf16 v8, v5;
	v9 =	vmul.bf16 v9, v3;
	v17 =	vmax.bf16 v19, v0  }
0x45d: {  	v26 =	vld [tilespmem:s13+$0xFFFFFF10];
	v18 =	vsub.bf16 v18, v27;
	v12 =	vmax.bf16 v12, v0;
	v13 =	vmax.bf16 v13, v0  }
0x45e: {  	s10 =	simm.s32 $0xB510;
	v20 =	vld [tilespmem:s13+$0xFFFFFF30];
	v8 =	vadd.bf16 v8, v10;
	v12 =	vmul.bf16 v12, v4;
	v13 =	vmul.bf16 v13, v5  }
0x45f: {  	v21 =	vld [tilespmem:s10+$0xFFFFFF90];
	v17 =	vmul.bf16 v17, v2;
	v18 =	vmax.bf16 v18, v0;
	v14 =	vsub.bf16 v15, v14  }
0x460: {  	v16 =	vld [tilespmem:s13+$0xFFFFFF20];
	v6 =	vadd.bf16 v11, v6;
	v12 =	vadd.bf16 v13, v12;
	v13 =	vmul.bf16 v18, v3  }
0x461: {  	v7 =	vmul.bf16 v7, v2;
	v11 =	vld [tilespmem:s21+$0xFFFFFF90];
	v8 =	vadd.bf16 v9, v8;
	v14 =	vmax.bf16 v14, v0  }
0x462: {  	v19 =	vld [tilespmem:s21+$0xFFFFFFC0];
	v6 =	vadd.bf16 v17, v6;
	v10 =	vadd.bf16 v13, v12;
	v12 =	vmul.bf16 v14, v2  }
0x463: {  	s22 =	simm.s32 $0x6390;
	v7 =	vadd.bf16 v7, v8;
	v8 =	vld [tilespmem:s10+$0xFFFFFFA0]  }
0x464: {  	v17 =	vld [tilespmem:s22+$0xFFFFFFE0];
	v9 =	vadd.bf16 v12, v10;
	v12 =	vunpack.i.u.bf16.f32 v6;
	v6 =	vunpack.i.l.bf16.f32 v6  }
0x465: {  	v10 =	vld [tilespmem:s22+$0xFFFFFFD0];
	v6 =	vadd.f32 v6, v12  }
0x466: {  	v11 =	vsub.bf16 v11, v26;
	v14 =	vld [tilespmem:s10+$0xFFFFFFB0];
	v12 =	vunpack.i.u.bf16.f32 v9;
	v9 =	vunpack.i.l.bf16.f32 v9  }
0x467: {  	v9 =	vadd.f32 v9, v12;
	v12 =	vunpack.i.u.bf16.f32 v7;
	v7 =	vunpack.i.l.bf16.f32 v7;
	(xrf2) =	vadd.scan.msk.f32 $0xffff, v6;
	v6 =	vld [tilespmem:s22+$0xFFFFFFF0]  }
0x468: {  	v7 =	vadd.f32 v7, v12;
	v12 =	vsub.bf16 v24, v16;
	v16 =	vld [tilespmem:s10+$0xFFFFFFC0]  }
0x469: {  	s9 =	simm.s32 $0xB610;
	(xrf2) =	vadd.scan.msk.f32 $0xffff, v9;
	v9 =	vld [tilespmem:s22+$0x0]  }
0x46a: {  	v28 =	vld [tilespmem:s9+$0xFFFFFF20];
	v8 =	vsub.bf16 v17, v8;
	v11 =	vmax.bf16 v11, v0;
	v10 =	vsub.bf16 v10, v21  }
0x46b: {  	v22 =	vld [tilespmem:s22+$0xFFFFFFB0];
	v20 =	vsub.bf16 v25, v20;
	v17 =	vsub.bf16 v19, v23;
	v11 =	vmul.bf16 v11, v4;
	(xrf2) =	vadd.scan.msk.f32 $0xffff, v7  }
0x46c: {  	v15 =	vld [tilespmem:s10+$0xFFFFFF40];
	v8 =	vmax.bf16 v8, v0;
	v10 =	vmax.bf16 v10, v0;
	v6 =	vsub.bf16 v6, v14  }
0x46d: {  	v19 =	vld [tilespmem:s22+$0xFFFFFFC0];
	v8 =	vmul.bf16 v8, v5;
	v12 =	vmax.bf16 v12, v0;
	v10 =	vmul.bf16 v10, v4  }
0x46e: {  	v27 =	vld [tilespmem:s10+$0xFFFFFF20];
	v12 =	vmul.bf16 v12, v5;
	v6 =	vmax.bf16 v6, v0;
	v9 =	vsub.bf16 v9, v16  }
0x46f: {  	v18 =	vld [tilespmem:s22+$0xFFFFFFA0];
	v8 =	vadd.bf16 v8, v10;
	v6 =	vmul.bf16 v6, v3  }
0x470: {  	s23 =	simm.s32 $0x6410;
	v20 =	vmax.bf16 v20, v0;
	v13 =	vld [tilespmem:s10+$0xFFFFFF10];
	v11 =	vadd.bf16 v12, v11;
	v9 =	vmax.bf16 v9, v0  }
0x471: {  	v23 =	vld [tilespmem:s23+$0xFFFFFFA0];
	v12 =	vmul.bf16 v20, v3;
	v6 =	vadd.bf16 v6, v8;
	v8 =	vmul.bf16 v9, v2  }
0x472: {  	v17 =	vmax.bf16 v17, v0;
	v15 =	vsub.bf16 v19, v15;
	v19 =	vld [tilespmem:s23+$0xFFFFFFF0]  }
0x473: {  	v17 =	vmul.bf16 v17, v2;
	v7 =	vld [tilespmem:s10+$0xFFFFFF30];
	v11 =	vadd.bf16 v12, v11;
	v24, _, _ =	vpop (xrf2)  }
0x474: {  	v16 =	vld [tilespmem:s9+$0xFFFFFF90];
	v25, _, _ =	vpop (xrf2);
	v6 =	vadd.bf16 v8, v6  }
0x475: {  	v12 =	vsub.bf16 v18, v27;
	v27 =	vld [tilespmem:s23+$0xFFFFFFD0];
	v11 =	vadd.bf16 v17, v11;
	v8, _, _ =	vpop (xrf2)  }
0x476: {  	v17 =	vld [tilespmem:s9+$0xFFFFFFA0];
	v18 =	vunpack.i.u.bf16.f32 v6;
	v6 =	vunpack.i.l.bf16.f32 v6;
	v8 =	vbroadcast v8, $0xF  }
0x477: {  	v6 =	vadd.f32 v6, v18;
	v18 =	vld [tilespmem:s23+$0xFFFFFFE0]  }
0x478: {  	v14 =	vld [tilespmem:s22+$0xFFFFFF90];
	v8 =	vadd.f32 v8, v1  }
0x479: {  	v20 =	vld [tilespmem:s9+$0xFFFFFFB0];
	v29 =	vunpack.i.u.bf16.f32 v11;
	v11 =	vunpack.i.l.bf16.f32 v11  }
0x47a: {  	v30 =	vld [tilespmem:s9+$0xFFFFFF30];
	v23 =	vsub.bf16 v23, v28;
	v11 =	vadd.f32 v11, v29;
	v8 =	vmax.f32 v8, $0.0e+00  }
0x47b: {  	v26 =	vld [tilespmem:s9+$0xFFFFFF10];
	v16 =	vsub.bf16 v27, v16;
	v8 =	vsub.f32 $0.0e+00, v8  }
0x47c: {  	v7 =	vsub.bf16 v22, v7;
	v29 =	vld [tilespmem:s9+$0xFFFFFFC0];
	(xrf2) =	vadd.scan.msk.f32 $0xffff, v6;
	v17 =	vsub.bf16 v18, v17  }
0x47d: {  	v13 =	vsub.bf16 v14, v13;
	v16 =	vmax.bf16 v16, v0;
	v6 =	vld [tilespmem:s23+$0x0];
	(xrf2) =	vadd.scan.msk.f32 $0xffff, v11;
	v22 =	vmul.f32 $1.442695020e+00, v8  }
0x47e: {  	v10 =	vld [tilespmem:s9+$0xFFFFFF40];
	v16 =	vmul.bf16 v16, v4;
	v18 =	vsub.bf16 v19, v20;
	v17 =	vmax.bf16 v17, v0  }
0x47f: {  	v9 =	vld [tilespmem:s23+$0xFFFFFFB0];
	v12 =	vmax.bf16 v12, v0;
	v17 =	vmul.bf16 v17, v5;
	(erf) = vpow2.f32 v22  }
0x480: {  	v14 =	vld [tilespmem:s23+$0xFFFFFF90];
	v12 =	vmul.bf16 v12, v5;
	v13 =	vmax.bf16 v13, v0;
	v18 =	vmax.bf16 v18, v0  }
0x481: {  	s8 =	simm.s32 $0xB710;
	v13 =	vmul.bf16 v13, v4;
	v11 =	vld [tilespmem:s23+$0xFFFFFFC0];
	v16 =	vadd.bf16 v17, v16;
	v17 =	vmul.bf16 v18, v3  }
0x482: {  	v31 =	vld [tilespmem:s8+$0xFFFFFF30];
	v15 =	vmax.bf16 v15, v0;
	v7 =	vmax.bf16 v7, v0;
	v6 =	vsub.bf16 v6, v29  }
0x483: {  	s24 =	simm.s32 $0x6490;
	v21 =	vld [tilespmem:s15+$0xFFFFFF50];
	v12 =	vadd.bf16 v12, v13;
	v13 =	vmul.bf16 v7, v3;
	v16 =	vadd.bf16 v17, v16  }
0x484: {  	v32 =	vld [tilespmem:s24+$0xFFFFFFC0];
	v23 =	vmax.bf16 v23, v0;
	v15 =	vmul.bf16 v15, v2;
	v6 =	vmax.bf16 v6, v0  }
0x485: {  	v34 =	vld [tilespmem:s24+$0x0];
	v14 =	vsub.bf16 v14, v26;
	v12 =	vadd.bf16 v13, v12;
	v6 =	vmul.bf16 v6, v2  }
0x486: {  	v28 =	vld [tilespmem:s8+$0xFFFFFFB0];
	v23 =	vmul.bf16 v23, v5;
	v9 =	vsub.bf16 v9, v30;
	v10 =	vsub.bf16 v11, v10;
	v11, _, _ =	vpop (xrf2)  }
0x487: {  	v30 =	vld [tilespmem:s24+$0xFFFFFFF0];
	v14 =	vmax.bf16 v14, v0;
	v12 =	vadd.bf16 v15, v12;
	v6 =	vadd.bf16 v6, v16;
	v16, _, _ =	vpop (xrf2)  }
0x488: {  	v26 =	vld [tilespmem:s8+$0xFFFFFFA0];
	v20 =	vunpack.i.u.bf16.f32 v21;
	v21 =	vunpack.i.l.bf16.f32 v21;
	v16 =	vbroadcast v16, $0xF;
	v7 =	vpop (erf)  }
0x489: {  	v8 =	vbroadcast v25, $0xF;
	v25 =	vld [tilespmem:s8+$0xFFFFFF40];
	v13 =	vmax.bf16 v10, v0;
	v10 =	vmul.f32 v7, v21  }
0x48a: {  	v29 =	vld [tilespmem:s8+$0xFFFFFF20];
	v21 =	vunpack.i.u.bf16.f32 v6;
	v6 =	vunpack.i.l.bf16.f32 v6;
	v16 =	vadd.f32 v16, v1  }
0x48b: {  	s26 =	simm.s32 $0x12B10;
	v24 =	vbroadcast v24, $0xF;
	v14 =	vmul.bf16 v14, v4;
	v22 =	vld [tilespmem:s8+$0xFFFFFF90];
	v6 =	vadd.f32 v6, v21  }
0x48c: {  	v18 =	vld [tilespmem:s24+$0xFFFFFFA0];
	[tilespmem:s26+$0xFFFFFF10] =	vst v10;
	v10 =	vmax.f32 v16, $0.0e+00;
	v16 =	vunpack.i.u.bf16.f32 v12;
	v12 =	vunpack.i.l.bf16.f32 v12  }
0x48d: {  	v24 =	vadd.f32 v24, v1;
	v9 =	vmax.bf16 v9, v0;
	v21 =	vld [tilespmem:s24+$0xFFFFFFD0];
	v12 =	vadd.f32 v12, v16  }
0x48e: {  	v9 =	vmul.bf16 v9, v3;
	v14 =	vadd.bf16 v23, v14;
	(xrf2) =	vadd.scan.msk.f32 $0xffff, v6;
	v6 =	vsub.f32 $0.0e+00, v10;
	v10 =	vld [tilespmem:s24+$0xFFFFFFE0]  }
0x48f: {  	s2 =	simm.s32 $0xB810;
	v24 =	vmax.f32 v24, $0.0e+00;
	v19 =	vld [tilespmem:s13+$0xFFFFFF50];
	v15 =	vmul.f32 v7, v20;
	(xrf2) =	vadd.scan.msk.f32 $0xffff, v12  }
0x490: {  	s29 =	simm.s32 $0x6510;
	v58 =	vld [tilespmem:s2+$0xFFFFFFB0];
	v24 =	vsub.f32 $0.0e+00, v24;
	v9 =	vadd.bf16 v9, v14  }
0x491: {  	v23 =	vld [tilespmem:s29+$0xFFFFFFF0];
	v8 =	vadd.f32 v8, v1;
	[tilespmem:s26+$0xFFFFFF20] =	vst v15;
	v15 =	vsub.bf16 v18, v29;
	v6 =	vmul.f32 $1.442695020e+00, v6  }
0x492: {  	v24 =	vmul.f32 $1.442695020e+00, v24;
	v18 =	vsub.bf16 v30, v28;
	v28 =	vld [tilespmem:s8+$0xFFFFFFC0];
	v21 =	vsub.bf16 v21, v22  }
0x493: {  	v60 =	vld [tilespmem:s2+$0xFFFFFF30];
	(erf) = vpow2.f32 v6;
	v6 =	vsub.bf16 v32, v25;
	v10 =	vsub.bf16 v10, v26  }
0x494: {  	v27 =	vld [tilespmem:s24+$0xFFFFFFB0];
	v33 =	vunpack.i.u.bf16.f32 v19;
	v13 =	vmul.bf16 v13, v2;
	v20 =	vmax.bf16 v15, v0  }
0x495: {  	v17 =	vld [tilespmem:s8+$0xFFFFFF10];
	v15 =	vmax.bf16 v6, v0;
	v6 =	vmax.bf16 v21, v0;
	v10 =	vmax.bf16 v10, v0  }
0x496: {  	v23 =	vsub.bf16 v23, v58;
	v25 =	vld [tilespmem:s24+$0xFFFFFF90];
	v6 =	vmul.bf16 v6, v4;
	v10 =	vmul.bf16 v10, v5  }
0x497: {  	v61 =	vld [tilespmem:s29+$0xFFFFFFC0];
	v11 =	vbroadcast v11, $0xF;
	v22 =	vmax.bf16 v18, v0;
	v26 =	vsub.bf16 v34, v28  }
0x498: {  	v9 =	vadd.bf16 v13, v9;
	v29 =	vld [tilespmem:s2+$0xFFFFFF40];
	v22 =	vmul.bf16 v22, v3;
	v28, _, _ =	vpop (xrf2);
	v6 =	vadd.bf16 v10, v6  }
0x499: {  	v16 =	vld [tilespmem:s15+$0xFFFFFF60];
	v12 =	vunpack.i.l.bf16.f32 v19;
	v19 =	vsub.bf16 v27, v31;
	v26 =	vmax.bf16 v26, v0;
	v31, _, _ =	vpop (xrf2)  }
0x49a: {  	v27 =	vld [tilespmem:s10+$0xFFFFFF50];
	v26 =	vmul.bf16 v26, v2;
	v22 =	vadd.bf16 v22, v6;
	v31 =	vbroadcast v31, $0xF  }
0x49b: {  	v23 =	vmax.bf16 v23, v0;
	v11 =	vadd.f32 v11, v1;
	v21 =	vld [tilespmem:s15+$0xFFFFFFD0];
	v17 =	vsub.bf16 v25, v17  }
0x49c: {  	(erf) = vpow2.f32 v24;
	v25 =	vld [tilespmem:s2+$0xFFFFFF90];
	v6 =	vpop (erf);
	v22 =	vadd.bf16 v26, v22;
	v31 =	vadd.f32 v31, v1  }
0x49d: {  	v10 =	vbroadcast v28, $0xF;
	v28 =	vld [tilespmem:s29+$0xFFFFFFA0];
	v35 =	vmax.bf16 v17, v0;
	v12 =	vmul.f32 v6, v12  }
0x49e: {  	s17 =	simm.s32 $0x12C10;
	v17 =	vld [tilespmem:s2+$0xFFFFFFA0];
	v59 =	vunpack.i.u.bf16.f32 v22;
	v22 =	vunpack.i.l.bf16.f32 v22;
	v14 =	vmax.f32 v31, $0.0e+00  }
0x49f: {  	v26 =	vld [tilespmem:s2+$0xFFFFFF20];
	v24 =	vmul.f32 v6, v33;
	[tilespmem:s17+$0xFFFFFF10] =	vst v12;
	v12 =	vadd.f32 v22, v59;
	v14 =	vsub.f32 $0.0e+00, v14  }
0x4a0: {  	v20 =	vmul.bf16 v20, v5;
	v19 =	vmax.bf16 v19, v0;
	v18 =	vunpack.i.u.bf16.f32 v16;
	v31 =	vld [tilespmem:s29+$0xFFFFFFD0]  }
0x4a1: {  	v16 =	vunpack.i.l.bf16.f32 v16;
	[tilespmem:s17+$0xFFFFFF20] =	vst v24;
	v24 =	vld [tilespmem:s29+$0xFFFFFFE0];
	(xrf2) =	vadd.scan.msk.f32 $0xffff, v12;
	v12 =	vmul.f32 $1.442695020e+00, v14  }
0x4a2: {  	v30 =	vld [tilespmem:s29+$0xFFFFFFB0];
	v19 =	vmul.bf16 v19, v3;
	v18 =	vmul.f32 v7, v18;
	v36 =	vunpack.i.u.bf16.f32 v27  }
0x4a3: {  	v27 =	vunpack.i.l.bf16.f32 v27;
	v37 =	vld [tilespmem:s13+$0xFFFFFF60];
	v14 =	vunpack.i.u.bf16.f32 v9;
	v9 =	vunpack.i.l.bf16.f32 v9  }
0x4a4: {  	v13 =	vsub.bf16 v28, v26;
	v26 =	vld [tilespmem:s29+$0x0];
	v9 =	vadd.f32 v9, v14;
	(erf) = vpow2.f32 v12  }
0x4a5: {  	v22 =	vmul.f32 v7, v16;
	v16 =	vunpack.i.u.bf16.f32 v21;
	v21 =	vunpack.i.l.bf16.f32 v21;
	v28 =	vld [tilespmem:s2+$0xFFFFFFC0];
	v12 =	vpop (erf)  }
0x4a6: {  	v62 =	vld [tilespmem:s2+$0xFFFFFF10];
	v14 =	vsub.bf16 v31, v25;
	v17 =	vsub.bf16 v24, v17;
	(xrf2) =	vadd.scan.msk.f32 $0xffff, v9;
	v21 =	vmul.f32 v12, v21  }
0x4a7: {  	s30 =	simm.s32 $0x6590;
	v35 =	vmul.bf16 v35, v4;
	v24 =	vld [tilespmem:s29+$0xFFFFFF90];
	v9 =	vsub.bf16 v61, v29;
	v29 =	vmul.f32 v12, v16  }
0x4a8: {  	v45 =	vld [tilespmem:s30+$0xFFFFFFA0];
	v25 =	vsub.bf16 v30, v60;
	v14 =	vmax.bf16 v14, v0;
	v16 =	vmax.bf16 v17, v0;
	[tilespmem:s26+$0xFFFFFF90] =	vst v21  }
0x4a9: {  	v46 =	vld [tilespmem:s30+$0xFFFFFFB0];
	v17 =	vunpack.i.u.bf16.f32 v37;
	v30 =	vmul.bf16 v14, v4;
	v21 =	vmul.bf16 v16, v5;
	[tilespmem:s26+$0xFFFFFFA0] =	vst v29  }
0x4aa: {  	s14 =	simm.s32 $0xB910;
	v14 =	vmax.bf16 v9, v0;
	v9 =	vsub.bf16 v26, v28;
	v26 =	vmul.f32 v6, v17;
	v28 =	vld [tilespmem:s15+$0xFFFFFFE0]  }
0x4ab: {  	v48 =	vld [tilespmem:s14+$0xFFFFFF20];
	v16 =	vmax.bf16 v25, v0;
	v17 =	vadd.bf16 v21, v30;
	v21 =	vmul.bf16 v23, v3  }
0x4ac: {  	v49 =	vld [tilespmem:s30+$0xFFFFFFF0];
	v24 =	vsub.bf16 v24, v62;
	v29 =	vmax.f32 v8, $0.0e+00;
	v31 =	vmax.bf16 v9, v0;
	v23, _, _ =	vpop (xrf2)  }
0x4ad: {  	[tilespmem:s26+$0xFFFFFF40] =	vst v18;
	v18 =	vld [tilespmem:s14+$0xFFFFFF30];
	v9 =	vbroadcast v23, $0xF;
	v23 =	vmul.bf16 v31, v2;
	v8 =	vpop (erf);
	v21 =	vadd.bf16 v21, v17  }
0x4ae: {  	[tilespmem:s26+$0xFFFFFF30] =	vst v22;
	v22 =	vld [tilespmem:s30+$0xFFFFFFC0];
	v17 =	vmax.bf16 v24, v0;
	v24 =	vmul.f32 v8, v27;
	v44 =	vmul.f32 v8, v36  }
0x4af: {  	s28 =	simm.s32 $0x12D10;
	v25 =	vld [tilespmem:s13+$0xFFFFFFD0];
	v21 =	vadd.bf16 v23, v21;
	v23 =	vunpack.i.u.bf16.f32 v28;
	v28 =	vunpack.i.l.bf16.f32 v28  }
0x4b0: {  	v15 =	vmul.bf16 v15, v2;
	v20 =	vadd.bf16 v20, v35;
	v30 =	vld [tilespmem:s9+$0xFFFFFF50];
	v47, _, _ =	vpop (xrf2);
	[tilespmem:s28+$0xFFFFFF10] =	vst v24;
	v28 =	vmul.f32 v12, v28  }
0x4b1: {  	v31 =	vunpack.i.l.bf16.f32 v37;
	v27 =	vld [tilespmem:s14+$0xFFFFFF40];
	v37 =	vbroadcast v47, $0xF;
	[tilespmem:s28+$0xFFFFFF20] =	vst v44;
	v23 =	vmul.f32 v12, v23  }
0x4b2: {  	v19 =	vadd.bf16 v19, v20;
	v29 =	vsub.f32 $0.0e+00, v29;
	v24 =	vld [tilespmem:s14+$0xFFFFFFB0];
	v38 =	vunpack.i.u.bf16.f32 v21;
	[tilespmem:s26+$0xFFFFFFB0] =	vst v28  }
0x4b3: {  	v21 =	vunpack.i.l.bf16.f32 v21;
	v37 =	vadd.f32 v37, v1;
	v28 =	vmul.f32 v6, v31;
	v31 =	vld [tilespmem:s10+$0xFFFFFF60];
	[tilespmem:s26+$0xFFFFFFC0] =	vst v23  }
0x4b4: {  	v56 =	vsub.bf16 v46, v18;
	v29 =	vmul.f32 $1.442695020e+00, v29;
	v21 =	vadd.f32 v21, v38;
	v50 =	vld [tilespmem:s15+$0xFFFFFFF0]  }
0x4b5: {  	v63 =	vld [tilespmem:s14+$0xFFFFFF90];
	v15 =	vadd.bf16 v15, v19;
	v51 =	vunpack.i.u.bf16.f32 v25;
	v20 =	vmax.f32 v37, $0.0e+00  }
0x4b6: {  	(erf) = vpow2.f32 v29;
	v29 =	vld [tilespmem:s15+$0xFFFFFF70];
	v22 =	vsub.bf16 v22, v27;
	(xrf2) =	vadd.scan.msk.f32 $0xffff, v21;
	v20 =	vsub.f32 $0.0e+00, v20  }
0x4b7: {  	v39 =	vunpack.i.l.bf16.f32 v30;
	v23 =	vunpack.i.u.bf16.f32 v30;
	v21 =	vld [tilespmem:s30+$0xFFFFFFD0];
	v24 =	vsub.bf16 v49, v24  }
0x4b8: {  	v18 =	vmax.bf16 v22, v0;
	v19 =	vmul.f32 $1.442695020e+00, v20;
	v20 =	vsub.bf16 v45, v48  }
0x4b9: {  	v52 =	vld [tilespmem:s14+$0xFFFFFF10];
	v40 =	vmax.bf16 v24, v0;
	v27 =	vunpack.i.u.bf16.f32 v31;
	v54 =	vunpack.i.l.bf16.f32 v50  }
0x4ba: {  	v55 =	vld [tilespmem:s14+$0xFFFFFFA0];
	(erf) = vpow2.f32 v19;
	v19 =	vmax.bf16 v20, v0;
	v20 =	vmul.f32 v54, v12  }
0x4bb: {  	[tilespmem:s17+$0xFFFFFF40] =	vst v26;
	v24 =	vld [tilespmem:s30+$0xFFFFFFE0];
	v53 =	vunpack.i.u.bf16.f32 v50;
	v59 =	vmul.f32 v8, v27;
	v27 =	vunpack.i.u.bf16.f32 v29  }
0x4bc: {  	v57 =	vld [tilespmem:s30+$0xFFFFFF90];
	v34 =	vmul.f32 v53, v12;
	v22 =	vsub.bf16 v21, v63;
	[tilespmem:s26+$0xFFFFFFD0] =	vst v20;
	v20 =	vunpack.i.l.bf16.f32 v29  }
0x4bd: {  	v58 =	vld [tilespmem:s30+$0x0];
	v30 =	vunpack.i.u.bf16.f32 v15;
	v15 =	vunpack.i.l.bf16.f32 v15;
	[tilespmem:s17+$0xFFFFFF30] =	vst v28;
	v27 =	vmul.f32 v27, v7  }
0x4be: {  	v25 =	vunpack.i.l.bf16.f32 v25;
	v26 =	vadd.f32 v15, v30;
	[tilespmem:s26+$0xFFFFFFE0] =	vst v34;
	v15 =	vmax.bf16 v22, v0;
	v22 =	vld [tilespmem:s14+$0xFFFFFFC0]  }
0x4bf: {  	v28 =	vmax.f32 v11, $0.0e+00;
	[tilespmem:s26+$0xFFFFFF60] =	vst v27;
	v41 =	vmul.f32 v20, v7;
	v60 =	vld [tilespmem:s15+$0x0];
	v61 =	vmul.bf16 v15, v4;
	v20 =	vpop (erf)  }
0x4c0: {  	v15 =	vsub.bf16 v24, v55;
	v24, _, _ =	vpop (xrf2);
	(xrf2) =	vadd.scan.msk.f32 $0xffff, v26;
	v25 =	vmul.f32 v20, v25;
	v11 =	vmul.f32 v20, v51  }
0x4c1: {  	v13 =	vmax.bf16 v13, v0;
	v30 =	vsub.bf16 v57, v52;
	v35 =	vmul.bf16 v40, v3;
	[tilespmem:s26+$0xFFFFFF50] =	vst v41  }
0x4c2: {  	v21 =	vmax.bf16 v56, v0;
	v62 =	vmax.bf16 v15, v0;
	v15 =	vbroadcast v24, $0xF;
	v24 =	vld [tilespmem:s10+$0xFFFFFFD0];
	[tilespmem:s17+$0xFFFFFF90] =	vst v25  }
0x4c3: {  	v29 =	vunpack.i.l.bf16.f32 v31;
	v31 =	vmul.bf16 v62, v5;
	v27 =	vld [tilespmem:s15+$0xFFFFFF80];
	v33 =	vsub.bf16 v58, v22;
	[tilespmem:s17+$0xFFFFFFA0] =	vst v11  }
0x4c4: {  	s16 =	simm.s32 $0x12F10;
	s21 =	simm.s32 $0xC;
	s22 =	simm.s32 $0xBA10;
	v25 =	vmax.bf16 v30, v0;
	v63 =	vunpack.i.u.bf16.f32 v60;
	v32 =	vunpack.i.l.bf16.f32 v60;
	v30 =	vld [tilespmem:s13+$0xFFFFFFE0];
	v11 =	vpop (erf)  }
0x4c5: {  	s23 =	simm.s32 $0x6610;
	s24 =	simm.s32 $0x12E10;
	[tilespmem:s28+$0xFFFFFF40] =	vst v59;
	s15 =	simm.s32 $0x13010;
	v22 =	vld [tilespmem:s8+$0xFFFFFF50];
	v34 =	vadd.bf16 v31, v61;
	v26 =	vmul.f32 v63, v12;
	v31 =	vmul.f32 v11, v39  }
.LBB2_13:
0x4c6: {  	v36 =	vld [tilespmem:s22+$0xFFFFFF90];
	s21 =	sadd.s32 $0x2, s21;
	v33 =	vmax.bf16 v33, v0;
	v23 =	vmul.f32 v11, v23;
	v32 =	vmul.f32 v32, v12;
	v12 =	vmovc v20  }
0x4c7: {  	v29 =	vmul.f32 v8, v29;
	v20 =	vld [tilespmem:s22+$0xFFFFFF40];
	p0 =	slt.u32 s21, $0x4E;
	v34 =	vadd.bf16 v35, v34;
	v33 =	vmul.bf16 v33, v2;
	[tilespmem:s24+$0xFFFFFF10] =	vst v31  }
0x4c8: {  	v35 =	vmul.bf16 v17, v4;
	v17 =	vmovc v25;
	v31 =	vld [tilespmem:s23+$0xFFFFFFA0];
	v37 =	vunpack.i.u.bf16.f32 v27;
	v27 =	vunpack.i.l.bf16.f32 v27;
	[tilespmem:s26+$0xFFFFFFF0] =	vst v32  }
0x4c9: {  	v25 =	vld [tilespmem:s23+$0xFFFFFFB0];
	v32 =	vadd.bf16 v33, v34;
	[tilespmem:s24+$0xFFFFFF20] =	vst v23;
	v23 =	vunpack.i.u.bf16.f32 v30;
	v33 =	vmul.f32 v37, v7  }
0x4ca: {  	v37 =	vmul.bf16 v13, v5;
	v30 =	vunpack.i.l.bf16.f32 v30;
	v27 =	vmul.f32 v27, v7;
	v34 =	vld [tilespmem:s22+$0xFFFFFF10];
	v13, _, _ =	vpop (xrf2);
	[tilespmem:s26+$0x0] =	vst v26  }
0x4cb: {  	v28 =	vsub.f32 $0.0e+00, v28;
	v7 =	vmovc v6;
	v30 =	vmul.f32 v12, v30;
	v26 =	vld [tilespmem:s22+$0xFFFFFFB0];
	v38 =	vbroadcast v13, $0xF;
	[tilespmem:s26+$0xFFFFFF80] =	vst v33;
	v13 =	vmovc v19  }
0x4cc: {  	v23 =	vmul.f32 v12, v23;
	v33 =	vadd.bf16 v37, v35;
	v35 =	vmul.bf16 v16, v3;
	v19 =	vld [tilespmem:s22+$0xFFFFFF20];
	[tilespmem:s26+$0xFFFFFF70] =	vst v27;
	s26 =	smov.u32 s17;
	s17 =	smov.u32 s28;
	s28 =	smov.u32 s24  }
0x4cd: {  	v6 =	vmovc v8;
	v37 =	vunpack.i.u.bf16.f32 v32;
	v32 =	vunpack.i.l.bf16.f32 v32;
	v16 =	vmovc v21;
	s24 =	smov.u32 s16;
	s16 =	smov.u32 s15;
	v27 =	vld [tilespmem:s23+$0xFFFFFFF0];
	v38 =	vadd.f32 v38, v1;
	[tilespmem:s26+$0xFFFFFFB0] =	vst v30  }
0x4ce: {  	v28 =	vmul.f32 $1.442695020e+00, v28;
	v21 =	vadd.f32 v32, v37;
	v30 =	vmul.bf16 v14, v2;
	v14 =	vmovc v18;
	v32 =	vld [tilespmem:s9+$0xFFFFFF60];
	[tilespmem:s26+$0xFFFFFFC0] =	vst v23  }
0x4cf: {  	v8 =	vmov v11;
	v18 =	vadd.bf16 v35, v33;
	v23 =	vmax.f32 v38, $0.0e+00;
	[tilespmem:s17+$0xFFFFFF30] =	vst v29;
	v29 =	vld [tilespmem:s13+$0xFFFFFFF0]  }
0x4d0: {  	v33 =	vunpack.i.u.bf16.f32 v24;
	v11 =	vld [tilespmem:s22+$0xFFFFFF30];
	(xrf2) =	vadd.scan.msk.f32 $0xffff, v21;
	v21 =	vsub.f32 $0.0e+00, v23;
	(erf) = vpow2.f32 v28  }
0x4d1: {  	v24 =	vunpack.i.l.bf16.f32 v24;
	v18 =	vadd.bf16 v30, v18;
	v23 =	vunpack.i.u.bf16.f32 v22;
	v28 =	vld [tilespmem:s23+$0xFFFFFFC0]  }
0x4d2: {  	v37 =	vunpack.i.l.bf16.f32 v22;
	v22 =	vadd.f32 v10, v1;
	v10 =	vmovc v9;
	v9 =	vmovc v15;
	v21 =	vmul.f32 $1.442695020e+00, v21;
	v30 =	vld [tilespmem:s13+$0xFFFFFF70]  }
0x4d3: {  	v15 =	vsub.bf16 v31, v19;
	v26 =	vsub.bf16 v27, v26;
	v27 =	vunpack.i.u.bf16.f32 v18;
	v31 =	vld [tilespmem:s23+$0xFFFFFFD0]  }
0x4d4: {  	(erf) = vpow2.f32 v21;
	v21 =	vunpack.i.u.bf16.f32 v29;
	v29 =	vunpack.i.l.bf16.f32 v29  }
0x4d5: {  	v19 =	vmax.bf16 v15, v0;
	v35 =	vmax.bf16 v26, v0;
	v15 =	vld [tilespmem:s22+$0xFFFFFFA0];
	v26 =	vmul.f32 v29, v12  }
0x4d6: {  	v29 =	vunpack.i.u.bf16.f32 v32;
	v21 =	vmul.f32 v21, v12;
	v40 =	vsub.bf16 v28, v20;
	v28 =	vld [tilespmem:s23+$0xFFFFFFE0]  }
0x4d7: {  	v11 =	vsub.bf16 v25, v11;
	v25 =	vunpack.i.l.bf16.f32 v18;
	v38 =	vld [tilespmem:s23+$0xFFFFFF90];
	v39 =	vunpack.i.l.bf16.f32 v30;
	[tilespmem:s26+$0xFFFFFFD0] =	vst v26  }
0x4d8: {  	v18 =	vmax.bf16 v40, v0;
	v26 =	vsub.bf16 v31, v36;
	v31 =	vld [tilespmem:s23+$0x0];
	v36 =	vmul.f32 v39, v7;
	[tilespmem:s26+$0xFFFFFFE0] =	vst v21  }
0x4d9: {  	v21 =	vmax.bf16 v11, v0;
	v11 =	vadd.f32 v25, v27;
	v39 =	vmul.f32 v8, v29;
	v20 =	vpop (erf);
	v40 =	vld [tilespmem:s13+$0x0]  }
0x4da: {  	v29 =	vunpack.i.u.bf16.f32 v30;
	v25 =	vmax.bf16 v26, v0;
	v26 =	vld [tilespmem:s22+$0xFFFFFFC0];
	v27, _, _ =	vpop (xrf2);
	v24 =	vmul.f32 v20, v24;
	[tilespmem:s26+$0xFFFFFF50] =	vst v36  }
0x4db: {  	v36 =	vmul.bf16 v25, v4;
	v15 =	vsub.bf16 v28, v15;
	(xrf2) =	vadd.scan.msk.f32 $0xffff, v11;
	v25 =	vmul.f32 v29, v7  }
.Ltmp6:
0x4dc: {  	v28 =	vmax.f32 v22, $0.0e+00;
	v22 =	vmul.f32 v20, v33;
	v30 =	vsub.bf16 v38, v34;
	[tilespmem:s17+$0xFFFFFF90] =	vst v24;
	(pc) =	sbr.rel @p0 .LBB2_13-.Ltmp6, $4  }
0x4dd: {  	v29 =	vunpack.i.l.bf16.f32 v32;
	v33 =	vmax.bf16 v15, v0;
	v15 =	vbroadcast v27, $0xF;
	v11 =	vpop (erf);
	v24 =	vld [tilespmem:s9+$0xFFFFFFD0];
	[tilespmem:s26+$0xFFFFFF60] =	vst v25  }
0x4de: {  	v25 =	vmax.bf16 v30, v0;
	v34 =	vmul.bf16 v33, v5;
	[tilespmem:s17+$0xFFFFFFA0] =	vst v22;
	v27 =	vld [tilespmem:s13+$0xFFFFFF80];
	v22 =	vunpack.i.u.bf16.f32 v40;
	s13 =	smov.u32 s10;
	s10 =	smov.u32 s9;
	s9 =	smov.u32 s8  }
0x4df: {  	s15 =	sadd.s32 $0x100, s15;
	v32 =	vunpack.i.l.bf16.f32 v40;
	s8 =	smov.u32 s2;
	s2 =	smov.u32 s14;
	v33 =	vsub.bf16 v31, v26;
	[tilespmem:s28+$0xFFFFFF40] =	vst v39;
	v30 =	vld [tilespmem:s13+$0xFFFFFFE0];
	v26 =	vmul.f32 v22, v12  }
0x4e0: {  	v35 =	vmul.bf16 v35, v3;
	s23 =	sadd.s32 $0x80, s23;
	s14 =	smov.u32 s22;
	s22 =	sadd.s32 $0x100, s22;
	v31 =	vmul.f32 v11, v37;
	v34 =	vadd.bf16 v34, v36;
	v22 =	vld [tilespmem:s8+$0xFFFFFF50]  }
0x4e1: {  	v17 =	vmul.bf16 v17, v4;
	v13 =	vmul.bf16 v13, v5  }
0x4e2: {  	v23 =	vmul.f32 v11, v23;
	v16 =	vmul.bf16 v16, v3  }
0x4e3: {  	v28 =	vsub.f32 $0.0e+00, v28;
	v12 =	vmul.f32 v32, v12;
	v60 =	vmul.f32 v8, v29  }
0x4e4: {  	v14 =	vmul.bf16 v14, v2;
	v43 =	vmul.bf16 v25, v4  }
0x4e5: {  	v33 =	vmax.bf16 v33, v0;
	v44 =	vmul.bf16 v19, v5;
	v28 =	vmul.f32 $1.442695020e+00, v28  }
0x4e6: {  	v3 =	vmul.bf16 v21, v3;
	v34 =	vadd.bf16 v35, v34;
	v59 =	vmul.bf16 v33, v2  }
0x4e7: {  	v36 =	vunpack.i.l.bf16.f32 v24;
	v13 =	vadd.bf16 v13, v17;
	(erf) = vpow2.f32 v28  }
0x4e8: {  	v38 =	vunpack.i.u.bf16.f32 v24;
	v2 =	vmul.bf16 v18, v2;
	v42 =	vunpack.i.u.bf16.f32 v27  }
0x4e9: {  	v45 =	vunpack.i.l.bf16.f32 v27;
	v4 =	vadd.bf16 v44, v43;
	v61, _, _ =	vpop (xrf2);
	v13 =	vadd.bf16 v16, v13  }
0x4ea: {  	v63 =	vunpack.i.l.bf16.f32 v30;
	v28 =	vadd.bf16 v59, v34;
	v29 =	vbroadcast v61, $0xF  }
0x4eb: {  	v62 =	vunpack.i.u.bf16.f32 v30;
	v30 =	vmul.f32 v20, v63;
	v13 =	vadd.bf16 v14, v13  }
0x4ec: {  	[tilespmem:s26+$0x0] =	vst v26;
	v32 =	vunpack.i.u.bf16.f32 v28;
	v28 =	vunpack.i.l.bf16.f32 v28;
	v29 =	vadd.f32 v29, v1  }
0x4ed: {  	v47 =	vld [tilespmem:s13+$0xFFFFFF70];
	[tilespmem:s24+$0xFFFFFF10] =	vst v31;
	v14 =	vadd.f32 v28, v32;
	v33 =	vunpack.i.u.bf16.f32 v13;
	v13 =	vunpack.i.l.bf16.f32 v13  }
0x4ee: {  	[tilespmem:s26+$0xFFFFFFF0] =	vst v12;
	v34 =	vadd.f32 v10, v1;
	v29 =	vmax.f32 v29, $0.0e+00;
	v13 =	vadd.f32 v13, v33  }
0x4ef: {  	[tilespmem:s24+$0xFFFFFF20] =	vst v23;
	v16 =	vmul.f32 v20, v62;
	(xrf2) =	vadd.scan.msk.f32 $0xffff, v14;
	v35 =	vsub.f32 $0.0e+00, v29  }
0x4f0: {  	v3 =	vadd.bf16 v3, v4;
	[tilespmem:s17+$0xFFFFFFB0] =	vst v30;
	v39 =	vmax.f32 v34, $0.0e+00;
	(xrf2) =	vadd.scan.msk.f32 $0xffff, v13;
	v10 =	vpop (erf)  }
0x4f1: {  	v5 =	vld [tilespmem:s9+$0xFFFFFF60];
	[tilespmem:s17+$0xFFFFFFC0] =	vst v16;
	v13 =	vsub.f32 $0.0e+00, v39;
	v40 =	vmul.f32 $1.442695020e+00, v35;
	v16 =	vmul.f32 v10, v36  }
0x4f2: {  	[tilespmem:s28+$0xFFFFFF30] =	vst v60;
	v46 =	vmul.f32 v42, v7;
	v53 =	vunpack.i.l.bf16.f32 v47;
	v37 =	vld [tilespmem:s13+$0xFFFFFFF0];
	v41 =	vmul.f32 v10, v38  }
0x4f3: {  	v2 =	vadd.bf16 v2, v3;
	v13 =	vmul.f32 $1.442695020e+00, v13;
	(erf) = vpow2.f32 v40;
	[tilespmem:s28+$0xFFFFFF90] =	vst v16  }
0x4f4: {  	v49 =	vmul.f32 v45, v7;
	v54 =	vunpack.i.u.bf16.f32 v47;
	v55 =	vmul.f32 v53, v6;
	[tilespmem:s28+$0xFFFFFFA0] =	vst v41  }
0x4f5: {  	[tilespmem:s26+$0xFFFFFF80] =	vst v46;
	v60 =	vunpack.i.u.bf16.f32 v2;
	v2 =	vunpack.i.l.bf16.f32 v2;
	(erf) = vpow2.f32 v13;
	v48 =	vld [tilespmem:s10+$0xFFFFFFE0]  }
0x4f6: {  	[tilespmem:s26+$0xFFFFFF70] =	vst v49;
	v56 =	vmul.f32 v54, v6;
	v24 =	vadd.f32 v2, v60;
	v2 =	vunpack.i.u.bf16.f32 v5  }
0x4f7: {  	[tilespmem:s17+$0xFFFFFF50] =	vst v55;
	v27 =	vmul.f32 v11, v2;
	v51 =	vunpack.i.l.bf16.f32 v37  }
0x4f8: {  	v9 =	vadd.f32 v9, v1;
	[tilespmem:s17+$0xFFFFFF60] =	vst v56;
	v50 =	vunpack.i.u.bf16.f32 v37;
	v52 =	vmul.f32 v51, v20  }
0x4f9: {  	v57 =	vld [tilespmem:s9+$0xFFFFFFD0];
	v5 =	vunpack.i.l.bf16.f32 v5;
	[tilespmem:s24+$0xFFFFFF40] =	vst v27;
	v7 =	vmul.f32 v50, v20;
	v3, _, _ =	vpop (xrf2)  }
0x4fa: {  	v9 =	vmax.f32 v9, $0.0e+00;
	v5 =	vmul.f32 v11, v5;
	[tilespmem:s17+$0xFFFFFFD0] =	vst v52;
	v59, _, _ =	vpop (xrf2);
	v12 =	vunpack.i.l.bf16.f32 v48  }
0x4fb: {  	v28 =	vld [tilespmem:s13+$0xFFFFFF80];
	[tilespmem:s17+$0xFFFFFFE0] =	vst v7;
	v58 =	vunpack.i.u.bf16.f32 v48;
	v62 =	vbroadcast v59, $0xF;
	v63 =	vmul.f32 v10, v12  }
0x4fc: {  	v25 =	vunpack.i.l.bf16.f32 v22;
	[tilespmem:s24+$0xFFFFFF30] =	vst v5;
	v61 =	vld [tilespmem:s13+$0x0];
	(xrf2) =	vadd.scan.msk.f32 $0xffff, v24;
	v26 =	vmul.f32 v10, v58;
	v2 =	vpop (erf)  }
0x4fd: {  	v37 =	vunpack.i.u.bf16.f32 v22;
	v29 =	vadd.f32 v62, v1;
	v30 =	vmul.f32 v2, v25;
	[tilespmem:s28+$0xFFFFFFB0] =	vst v63  }
0x4fe: {  	v9 =	vsub.f32 $0.0e+00, v9;
	v31 =	vunpack.i.l.bf16.f32 v57;
	v38 =	vld [tilespmem:s10+$0xFFFFFF70];
	v4 =	vpop (erf);
	v39 =	vmul.f32 v2, v37;
	[tilespmem:s28+$0xFFFFFFC0] =	vst v26  }
0x4ff: {  	v14 =	vunpack.i.u.bf16.f32 v57;
	v12 =	vmul.f32 v4, v31;
	v32 =	vmax.f32 v29, $0.0e+00;
	v33 =	vld [tilespmem:s10+$0xFFFFFFF0];
	[tilespmem:s16+$0xFFFFFF10] =	vst v30  }
0x500: {  	v54 =	vunpack.i.l.bf16.f32 v28;
	v36 =	vmul.f32 v4, v14;
	[tilespmem:s16+$0xFFFFFF20] =	vst v39;
	v35 =	vsub.f32 $0.0e+00, v32  }
0x501: {  	v9 =	vmul.f32 $1.442695020e+00, v9;
	v55 =	vmul.f32 v54, v6;
	v34 =	vunpack.i.l.bf16.f32 v61;
	[tilespmem:s24+$0xFFFFFF90] =	vst v12  }
0x502: {  	v18 =	vunpack.i.u.bf16.f32 v61;
	v17 =	vmul.f32 v34, v20;
	[tilespmem:s24+$0xFFFFFFA0] =	vst v36;
	v47 =	vld [tilespmem:s8+$0xFFFFFF60];
	v7 =	vmul.f32 $1.442695020e+00, v35  }
0x503: {  	[tilespmem:s17+$0xFFFFFF70] =	vst v55;
	v46 =	vunpack.i.l.bf16.f32 v38;
	v44 =	vbroadcast v3, $0xF;
	v41 =	vmul.f32 v18, v20;
	v42 =	vld [tilespmem:s9+$0xFFFFFFE0]  }
0x504: {  	v48 =	vmul.f32 v46, v8;
	[tilespmem:s17+$0xFFFFFFF0] =	vst v17;
	(erf) = vpow2.f32 v7;
	v3 =	vunpack.i.u.bf16.f32 v33  }
0x505: {  	v40 =	vunpack.i.u.bf16.f32 v28;
	[tilespmem:s17+$0x0] =	vst v41;
	v43 =	vunpack.i.l.bf16.f32 v33;
	v3 =	vmul.f32 v3, v10  }
0x506: {  	v45 =	vld [tilespmem:s2+$0xFFFFFF50];
	v49 =	vunpack.i.u.bf16.f32 v38;
	[tilespmem:s28+$0xFFFFFF50] =	vst v48;
	v14 =	vmul.f32 v40, v6;
	v50, _, _ =	vpop (xrf2);
	v7 =	vmul.f32 v43, v10  }
0x507: {  	v31 =	vld [tilespmem:s9+$0xFFFFFF70];
	v18 =	vbroadcast v50, $0xF;
	[tilespmem:s28+$0xFFFFFFE0] =	vst v3;
	v3 =	vmul.f32 v49, v8  }
0x508: {  	(erf) = vpow2.f32 v9;
	v59 =	vunpack.i.u.bf16.f32 v47;
	v53 =	vunpack.i.u.bf16.f32 v42;
	[tilespmem:s28+$0xFFFFFFD0] =	vst v7  }
0x509: {  	v22 =	vld [tilespmem:s8+$0xFFFFFFD0];
	v51 =	vunpack.i.l.bf16.f32 v42;
	v61 =	vmul.f32 v2, v59;
	[tilespmem:s28+$0xFFFFFF60] =	vst v3;
	v3 =	vmul.f32 v4, v53  }
0x50a: {  	[tilespmem:s17+$0xFFFFFF80] =	vst v14;
	v57 =	vadd.f32 v18, v1;
	v14 =	vmul.f32 v4, v51;
	v52 =	vld [tilespmem:s10+$0x0]  }
0x50b: {  	v60 =	vunpack.i.l.bf16.f32 v45;
	v26 =	vadd.f32 v15, v1;
	v27 =	vunpack.i.l.bf16.f32 v47;
	[tilespmem:s16+$0xFFFFFF40] =	vst v61  }
0x50c: {  	v40 =	vmul.f32 v2, v27;
	v42 =	vunpack.i.u.bf16.f32 v31;
	v62 =	vmax.f32 v57, $0.0e+00;
	[tilespmem:s24+$0xFFFFFFB0] =	vst v14  }
0x50d: {  	v58 =	vunpack.i.u.bf16.f32 v45;
	v45 =	vmul.f32 v42, v11;
	v14 =	vsub.f32 $0.0e+00, v62;
	v56 =	vld [tilespmem:s10+$0xFFFFFF80];
	[tilespmem:s24+$0xFFFFFFC0] =	vst v3;
	v3 =	vpop (erf)  }
0x50e: {  	v30 =	vmax.f32 v26, $0.0e+00;
	v35 =	vunpack.i.u.bf16.f32 v22;
	[tilespmem:s16+$0xFFFFFF30] =	vst v40;
	v63 =	vld [tilespmem:s9+$0xFFFFFFF0];
	v6 =	vmul.f32 v3, v60  }
0x50f: {  	[tilespmem:s24+$0xFFFFFF60] =	vst v45;
	v25 =	vmul.f32 $1.442695020e+00, v14;
	v21 =	vunpack.i.l.bf16.f32 v52;
	v9 =	vmul.f32 v3, v58  }
0x510: {  	v1 =	vadd.f32 v44, v1;
	v23 =	vunpack.i.u.bf16.f32 v52;
	v5 =	vmul.f32 v21, v10;
	[tilespmem:s15+$0xFFFFFF10] =	vst v6  }
0x511: {  	v41 =	vunpack.i.l.bf16.f32 v31;
	(erf) = vpow2.f32 v25;
	v10 =	vmul.f32 v23, v10;
	v14 =	vpop (erf);
	[tilespmem:s15+$0xFFFFFF20] =	vst v9  }
0x512: {  	v1 =	vmax.f32 v1, $0.0e+00;
	v24 =	vunpack.i.u.bf16.f32 v56;
	v38 =	vmul.f32 v14, v35;
	[tilespmem:s28+$0xFFFFFFF0] =	vst v5;
	v34 =	vld [tilespmem:s2+$0xFFFFFF60]  }
0x513: {  	v28 =	vmul.f32 v24, v8;
	[tilespmem:s28+$0x0] =	vst v10;
	v9 =	vsub.f32 $0.0e+00, v30;
	v29 =	vunpack.i.l.bf16.f32 v63  }
0x514: {  	v1 =	vsub.f32 $0.0e+00, v1;
	v32 =	vunpack.i.u.bf16.f32 v63;
	[tilespmem:s16+$0xFFFFFFA0] =	vst v38;
	v6 =	vmul.f32 v29, v4  }
0x515: {  	v37 =	vld [tilespmem:s14+$0xFFFFFF50];
	v33 =	vunpack.i.l.bf16.f32 v22;
	[tilespmem:s28+$0xFFFFFF80] =	vst v28;
	v13 =	vmul.f32 v32, v4;
	v36 =	vmul.f32 $1.442695020e+00, v9  }
0x516: {  	v44 =	vmul.f32 $1.442695020e+00, v1;
	v7 =	vunpack.i.l.bf16.f32 v56;
	v5 =	vmul.f32 v14, v33;
	[tilespmem:s24+$0xFFFFFFD0] =	vst v6  }
0x517: {  	v7 =	vmul.f32 v7, v8;
	[tilespmem:s24+$0xFFFFFFE0] =	vst v13;
	(erf) = vpow2.f32 v36;
	v13 =	vld [tilespmem:s8+$0xFFFFFF70];
	v1 =	vunpack.i.u.bf16.f32 v34  }
0x518: {  	[tilespmem:s16+$0xFFFFFF90] =	vst v5;
	v6 =	vmul.f32 v41, v11;
	v39 =	vld [tilespmem:s9+$0x0]  }
0x519: {  	[tilespmem:s28+$0xFFFFFF70] =	vst v7;
	v43 =	vld [tilespmem:s8+$0xFFFFFFE0];
	v12 =	vunpack.i.l.bf16.f32 v34;
	v47 =	vmul.f32 v3, v1  }
0x51a: {  	v46 =	vunpack.i.l.bf16.f32 v37;
	[tilespmem:s24+$0xFFFFFF50] =	vst v6;
	v16 =	vmul.f32 v3, v12;
	v1 =	vpop (erf);
	(erf) = vpow2.f32 v44  }
0x51b: {  	v48 =	vld [tilespmem:s2+$0xFFFFFFD0];
	v9 =	vunpack.i.u.bf16.f32 v37;
	[tilespmem:s15+$0xFFFFFF40] =	vst v47;
	v7 =	vmul.f32 v1, v46  }
0x51c: {  	s22 =	sadd.s32 $0x100, s15;
	[tilespmem:s15+$0xFFFFFF30] =	vst v16;
	v24 =	vunpack.i.l.bf16.f32 v13;
	v9 =	vmul.f32 v1, v9  }
0x51d: {  	v49 =	vunpack.i.l.bf16.f32 v39;
	v25 =	vmul.f32 v24, v2;
	[tilespmem:s22+$0xFFFFFF10] =	vst v7  }
0x51e: {  	v53 =	vld [tilespmem:s14+$0xFFFFFFD0];
	v51 =	vunpack.i.l.bf16.f32 v43;
	v5 =	vmul.f32 v49, v4;
	[tilespmem:s22+$0xFFFFFF20] =	vst v9  }
0x51f: {  	v52 =	vunpack.i.u.bf16.f32 v43;
	v7 =	vmul.f32 v14, v51;
	[tilespmem:s16+$0xFFFFFF50] =	vst v25  }
0x520: {  	v54 =	vunpack.i.l.bf16.f32 v48;
	v50 =	vld [tilespmem:s9+$0xFFFFFF80];
	[tilespmem:s24+$0xFFFFFFF0] =	vst v5;
	v5 =	vmul.f32 v14, v52;
	v15 =	vpop (erf)  }
0x521: {  	v6 =	vunpack.i.u.bf16.f32 v48;
	[tilespmem:s16+$0xFFFFFFB0] =	vst v7;
	v55 =	vmul.f32 v15, v54  }
0x522: {  	v8 =	vunpack.i.u.bf16.f32 v39;
	v56 =	vmul.f32 v15, v6;
	[tilespmem:s16+$0xFFFFFFC0] =	vst v5  }
0x523: {  	v59 =	vunpack.i.l.bf16.f32 v53;
	v4 =	vmul.f32 v8, v4;
	v58 =	vld [tilespmem:s8+$0xFFFFFFF0];
	[tilespmem:s15+$0xFFFFFF90] =	vst v55;
	v7 =	vpop (erf)  }
0x524: {  	v61 =	vunpack.i.u.bf16.f32 v53;
	[tilespmem:s15+$0xFFFFFFA0] =	vst v56;
	v5 =	vmul.f32 v7, v59  }
0x525: {  	v62 =	vunpack.i.l.bf16.f32 v50;
	[tilespmem:s24+$0x0] =	vst v4;
	v60 =	vld [tilespmem:s2+$0xFFFFFFE0];
	v63 =	vmul.f32 v7, v61  }
0x526: {  	v57 =	vunpack.i.u.bf16.f32 v50;
	v10 =	vmul.f32 v62, v11;
	[tilespmem:s22+$0xFFFFFF90] =	vst v5  }
0x527: {  	v33 =	vld [tilespmem:s2+$0xFFFFFF70];
	v6 =	vmul.f32 v57, v11;
	v11 =	vunpack.i.u.bf16.f32 v13;
	[tilespmem:s22+$0xFFFFFFA0] =	vst v63  }
0x528: {  	[tilespmem:s24+$0xFFFFFF70] =	vst v10;
	v27 =	vmul.f32 v11, v2;
	v17 =	vunpack.i.l.bf16.f32 v58;
	v20 =	vld [tilespmem:s14+$0xFFFFFFE0]  }
0x529: {  	[tilespmem:s24+$0xFFFFFF80] =	vst v6;
	v18 =	vunpack.i.u.bf16.f32 v58;
	v19 =	vmul.f32 v17, v14  }
0x52a: {  	v23 =	vld [tilespmem:s14+$0xFFFFFF60];
	[tilespmem:s16+$0xFFFFFF60] =	vst v27;
	v21 =	vmul.f32 v18, v14;
	v22 =	vunpack.i.l.bf16.f32 v60  }
0x52b: {  	v4 =	vunpack.i.u.bf16.f32 v60;
	v6 =	vmul.f32 v15, v22;
	[tilespmem:s16+$0xFFFFFFD0] =	vst v19  }
0x52c: {  	v41 =	vunpack.i.l.bf16.f32 v33;
	v4 =	vmul.f32 v15, v4;
	[tilespmem:s16+$0xFFFFFFE0] =	vst v21  }
0x52d: {  	v43 =	vmul.f32 v41, v3;
	v26 =	vld [tilespmem:s8+$0x0];
	[tilespmem:s15+$0xFFFFFFB0] =	vst v6;
	v28 =	vunpack.i.l.bf16.f32 v20  }
0x52e: {  	[tilespmem:s15+$0xFFFFFFC0] =	vst v4;
	v9 =	vunpack.i.u.bf16.f32 v20;
	v4 =	vmul.f32 v7, v28  }
0x52f: {  	v30 =	vunpack.i.u.bf16.f32 v23;
	[tilespmem:s15+$0xFFFFFF50] =	vst v43;
	v29 =	vld [tilespmem:s2+$0xFFFFFFF0];
	v31 =	vmul.f32 v7, v9  }
0x530: {  	v10 =	vunpack.i.l.bf16.f32 v23;
	v32 =	vmul.f32 v1, v30;
	[tilespmem:s22+$0xFFFFFFB0] =	vst v4  }
0x531: {  	v44 =	vunpack.i.u.bf16.f32 v33;
	v10 =	vmul.f32 v1, v10;
	[tilespmem:s22+$0xFFFFFFC0] =	vst v31  }
0x532: {  	v45 =	vmul.f32 v44, v3;
	[tilespmem:s22+$0xFFFFFF40] =	vst v32;
	v34 =	vunpack.i.l.bf16.f32 v26;
	v36 =	vld [tilespmem:s14+$0xFFFFFFF0]  }
0x533: {  	[tilespmem:s22+$0xFFFFFF30] =	vst v10;
	v35 =	vunpack.i.u.bf16.f32 v26;
	v4 =	vmul.f32 v34, v14  }
0x534: {  	[tilespmem:s15+$0xFFFFFF60] =	vst v45;
	v40 =	vld [tilespmem:s14+$0xFFFFFF70];
	v6 =	vmul.f32 v35, v14;
	v37 =	vunpack.i.l.bf16.f32 v29  }
0x535: {  	v38 =	vunpack.i.u.bf16.f32 v29;
	v39 =	vmul.f32 v37, v15;
	[tilespmem:s16+$0xFFFFFFF0] =	vst v4  }
0x536: {  	v42 =	vld [tilespmem:s8+$0xFFFFFF80];
	[tilespmem:s16+$0x0] =	vst v6;
	v4 =	vmul.f32 v38, v15  }
0x537: {  	[tilespmem:s15+$0xFFFFFFD0] =	vst v39;
	v46 =	vunpack.i.l.bf16.f32 v36  }
0x538: {  	v51 =	vld [tilespmem:s2+$0xFFFFFF80];
	[tilespmem:s15+$0xFFFFFFE0] =	vst v4;
	v48 =	vunpack.i.u.bf16.f32 v36;
	v6 =	vmul.f32 v46, v7  }
0x539: {  	v50 =	vunpack.i.l.bf16.f32 v40;
	v47 =	vld [tilespmem:s2+$0x0];
	v49 =	vmul.f32 v48, v7  }
0x53a: {  	v52 =	vunpack.i.u.bf16.f32 v40;
	v5 =	vmul.f32 v50, v1;
	[tilespmem:s22+$0xFFFFFFD0] =	vst v6  }
0x53b: {  	v53 =	vunpack.i.u.bf16.f32 v42;
	v54 =	vmul.f32 v52, v1;
	[tilespmem:s22+$0xFFFFFFE0] =	vst v49  }
0x53c: {  	v55 =	vunpack.i.l.bf16.f32 v42;
	v9 =	vmul.f32 v53, v2;
	[tilespmem:s22+$0xFFFFFF50] =	vst v5;
	v56 =	vld [tilespmem:s14+$0x0]  }
0x53d: {  	v60 =	vunpack.i.u.bf16.f32 v51;
	v2 =	vmul.f32 v55, v2;
	[tilespmem:s22+$0xFFFFFF60] =	vst v54  }
0x53e: {  	[tilespmem:s16+$0xFFFFFF80] =	vst v9;
	v59 =	vld [tilespmem:s14+$0xFFFFFF80];
	v4 =	vmul.f32 v60, v3;
	v58 =	vunpack.i.u.bf16.f32 v47  }
0x53f: {  	v8 =	vunpack.i.l.bf16.f32 v51;
	[tilespmem:s16+$0xFFFFFF70] =	vst v2;
	v2 =	vmul.f32 v58, v15  }
0x540: {  	v3 =	vmul.f32 v8, v3;
	[tilespmem:s15+$0xFFFFFF80] =	vst v4;
	v57 =	vunpack.i.l.bf16.f32 v47  }
0x541: {  	v5 =	vmul.f32 v57, v15;
	[tilespmem:s15+$0x0] =	vst v2;
	v2 =	vunpack.i.l.bf16.f32 v56  }
0x542: {  	[tilespmem:s15+$0xFFFFFF70] =	vst v3;
	v61 =	vunpack.i.u.bf16.f32 v56;
	v2 =	vmul.f32 v2, v7  }
0x543: {  	v62 =	vunpack.i.u.bf16.f32 v59;
	[tilespmem:s15+$0xFFFFFFF0] =	vst v5;
	v3 =	vmul.f32 v61, v7  }
0x544: {  	v63 =	vunpack.i.l.bf16.f32 v59;
	[tilespmem:s22+$0xFFFFFFF0] =	vst v2;
	v2 =	vmul.f32 v62, v1  }
0x545: {  	v1 =	vmul.f32 v63, v1;
	[tilespmem:s22+$0x0] =	vst v3  }
0x546: {  	[tilespmem:s22+$0xFFFFFF80] =	vst v2  }
0x547: {  	[tilespmem:s22+$0xFFFFFF70] =	vst v1  }
0x548: {  	s24 =	simm.s32 $0x4;
	s23 =	rddreg [dreg:$0x7]  }
0x549: {  	[hbm4b:s23+s4] =	stream.linear.scatter [tilespmem:s18], [sflag:$0x5], $0x2800, $0x38;
	[tilespmem:$0x17A70] =	vst v63  }
0x54a: {  	_ =	swait.ge [sflag:s24], $0x2800  }
0x54b: {  	[sflag:s24] =	ssyncset.done $0x0  }
0x54c: {  	s26 =	simm.s32 $0x5;
	[sflag:s24] =	ssyncadd.s32 $0xFFFFD800  }
0x54d: {  	_ =	swait.ge [sflag:s26], $0x2800  }
0x54e: {  	[sflag:s26] =	ssyncset.done $0x0  }
0x54f: {  	s28 =	simm.s32 $0x6;
	[sflag:s26] =	ssyncadd.s32 $0xFFFFD800  }
0x550: {  	_ =	swait.ge [sflag:s28], $0x2800  }
0x551: {  	s29 =	rddreg [dreg:$0x9]  }
0x552: {  	s30 =	rddreg [dreg:$0x8];
	s9 =	sadd.s32 $0x1, s29  }
0x553: {  	p0 =	sne.s32 s9, s30  }
.Ltmp7:
0x554: {  	_ = 	snop;
	(pc) =	sbr.rel @p0 .LBB2_1-.Ltmp7, $3  }
0x555: {  	_ =	sdelay $0x1  }
0x556: {  	[sflag:s28] =	ssyncset.done $0x0  }
0x557: {  	[sflag:s28] =	ssyncadd.s32 $0xFFFFD800  }
0x558: {  	_ =	sfence.sel $0x180000  }
0x559: {  	[bflag:$0x0] =	sbarrier.arrive $0xFFFF  }
0x55a: {  	_ =	strace $0x90000047  }
0x55b: {  	s0 =	stileid.u32;
	[bflag:$0x2] =	sbarrier.arrive $0xFFFF  }
0x55c: {  	p0 =	sne.s32 s0, $0x0;
	s0 =	rddreg [dreg:$0x2]  }
0x55d: {  	s0 =	sadd.s32 @!p0 $0x100000, s0  }
0x55e: {  	[sflag:s0] =	ssyncadd.tile.s32 @!p0 $0x1;
	_ =	shalt  }
.Lfunc_end2:
_tile_overlayer_lowered:
.L_overlay_start_2:
0x55f: {  	(tag) =	ssettag $0x2  }
0x560: {  	s0 =	rddreg [dreg:$0x0];
	s2 =	stileid.u32  }
0x561: {  	s1 =	rddreg [dreg:$0x1];
	p0 =	sne.s32 s2, $0x0  }
0x562: {  	s3 =	rddreg [dreg:$0x2];
	[bflag:$0x3] =	sbarrier.arrive $0xFFFF;
	s2 =	simm.s32 @!p0 $0x1C07  }
0x563: {  	[timem:s3], [sflag:s2] =	dma.local @!p0 [hbm:s0], s1  }
0x564: {  	s0 =	simm.s32 @!p0 $0x7  }
0x565: {  	_ =	swait.ge @!p0 [sflag:s0], s1  }
0x566: {  	s1 =	ssub.s32 @!p0 $0x0, s1;
	[sflag:s0] =	ssyncset.done @!p0 $0x0  }
0x567: {  	[sflag:s0] =	ssyncadd.s32 @!p0 s1  }
0x568: {  	[bflag:$0x3] =	sbarrier.arrive $0xFFFF  }
0x569: {  	_ =	shalt  }

</sc_bundles>
